<compile_context>
chip_gen: v7x
topology: tpu7x:2x2x1
jax: 0.10.2.dev20260603
libtpu: 0.0.44.dev20260713+nightly
codegen_flags: <defaults>
</compile_context>

<pallas_src>
import jax
import jax.numpy as jnp
from jax import lax
from jax.experimental import pallas as pl
from jax.experimental.pallas import tpu as pltpu
from jax.experimental.pallas import tpu_sc as plsc

NUM_U = 5000
N = 10000
H = 128
E = 320000
NC = 2
NS = 16
NW = NC * NS
EW = E // NW
K = 128
NCH = 79
EWP = NCH * K
NCHP = 80
NP = 10240
RPT = NP // NS
CW = 128

_MESH = dict(core_axis_name="c", subcore_axis_name="s")


def _worker_prelude(rowidx_v):
    cid = lax.axis_index("c")
    sid = lax.axis_index("s")
    wid = sid * NC + cid
    base = wid * NCHP
    for i in range(NCHP // 16):
        rowidx_v[pl.ds(i * 16, 16)] = base + i * 16 + lax.iota(jnp.int32, 16)
    return cid, sid


def _unpack_chunk(pk_v, schunk, dchunk, slot, j):
    for c in range(K // 16):
        pk = pk_v[j, pl.ds(c * 16, 16)]
        schunk[slot, pl.ds(c * 16, 16)] = lax.shift_right_logical(pk, 16)
        dchunk[slot, pl.ds(c * 16, 16)] = lax.bitwise_and(pk, 0xFFFF)


GS = 1
KG = K // GS


def _issue_gather(x_hbm, schunk, slot, gb, sems):
    for h in range(GS):
        pltpu.async_copy(
            x_hbm.at[schunk.at[slot, pl.ds(h * KG, KG)]],
            gb.at[pl.ds(h * KG, KG)], sems[h])


def _wait_gather(x_hbm, schunk, slot, gb, sems):
    for h in range(GS):
        pltpu.make_async_copy(
            x_hbm.at[schunk.at[slot, pl.ds(h * KG, KG)]],
            gb.at[pl.ds(h * KG, KG)], sems[h]).wait()


def _sc_agg_body(x_hbm, pk_hbm, zrow_hbm, aggp_hbm,
                 rowidx_v, pk_v, schunk, dchunk, gb0, gb1,
                 sem00, sem01, sem02, sem03, sem10, sem11, sem12, sem13,
                 agg_sh):
    sems0 = (sem00, sem01, sem02, sem03)
    sems1 = (sem10, sem11, sem12, sem13)
    cid, sid = _worker_prelude(rowidx_v)
    rb = sid * RPT

    pltpu.async_copy(pk_hbm.at[rowidx_v], pk_v, sem00)
    pltpu.sync_copy(zrow_hbm, agg_sh.at[pl.ds(rb, RPT)])
    pltpu.make_async_copy(pk_hbm.at[rowidx_v], pk_v, sem00).wait()
    plsc.subcore_barrier()

    _unpack_chunk(pk_v, schunk, dchunk, 0, 0)
    _issue_gather(x_hbm, schunk, 0, gb0, sems0)
    _unpack_chunk(pk_v, schunk, dchunk, 1, 1)
    _issue_gather(x_hbm, schunk, 1, gb1, sems1)

    def _unpack_sd(s_slot, d_slot, j):
        for c in range(K // 16):
            pk = pk_v[j, pl.ds(c * 16, 16)]
            schunk[s_slot, pl.ds(c * 16, 16)] = lax.shift_right_logical(pk, 16)
            dchunk[d_slot, pl.ds(c * 16, 16)] = lax.bitwise_and(pk, 0xFFFF)

    def _lane(j_next, gb, s_slot, d_cur, d_next, gsems, ssem):
        _wait_gather(x_hbm, schunk, s_slot, gb, gsems)
        pltpu.async_copy(gb, agg_sh.at[dchunk.at[d_cur]], ssem, add=True)
        _unpack_sd(s_slot, d_next, j_next)
        pltpu.make_async_copy(gb, agg_sh.at[dchunk.at[d_cur]], ssem).wait()
        _issue_gather(x_hbm, schunk, s_slot, gb, gsems)

    def quad(p, carry):
        j0 = 4 * p
        _lane(j0 + 2, gb0, 0, 0, 2, sems0, sem01)
        _lane(j0 + 3, gb1, 1, 1, 3, sems1, sem11)
        _lane(j0 + 4, gb0, 0, 2, 0, sems0, sem01)
        _lane(j0 + 5, gb1, 1, 3, 1, sems1, sem11)
        return carry

    lax.fori_loop(0, (NCH - 3) // 4, quad, 0)
    _lane(NCH - 1, gb0, 0, 0, 2, sems0, sem01)
    _wait_gather(x_hbm, schunk, 1, gb1, sems1)
    pltpu.sync_copy(gb1, agg_sh.at[dchunk.at[1]], add=True)
    _wait_gather(x_hbm, schunk, 0, gb0, sems0)
    pltpu.sync_copy(gb0, agg_sh.at[dchunk.at[2]], add=True)
    plsc.subcore_barrier()

    pltpu.sync_copy(agg_sh.at[pl.ds(rb, RPT)],
                    aggp_hbm.at[cid, pl.ds(rb, RPT)])


_sc_agg = pl.kernel(
    _sc_agg_body,
    out_type=[jax.ShapeDtypeStruct((NC, NP, H), jnp.float32)],
    mesh=plsc.VectorSubcoreMesh(**_MESH),
    scratch_types=[
        pltpu.VMEM((NCHP,), jnp.int32),
        pltpu.VMEM((NCHP, K), jnp.int32),
        pltpu.VMEM((2, K), jnp.int32),
        pltpu.VMEM((4, K), jnp.int32),
        pltpu.VMEM((K, H), jnp.float32),
        pltpu.VMEM((K, H), jnp.float32),
        pltpu.SemaphoreType.DMA,
        pltpu.SemaphoreType.DMA,
        pltpu.SemaphoreType.DMA,
        pltpu.SemaphoreType.DMA,
        pltpu.SemaphoreType.DMA,
        pltpu.SemaphoreType.DMA,
        pltpu.SemaphoreType.DMA,
        pltpu.SemaphoreType.DMA,
        pltpu.VMEM_SHARED((NP, H), jnp.float32),
    ],
)


def _sc_agg_cnt_body(x_hbm, pk_hbm, zrow_hbm, ones_hbm, aggp_hbm, cntp_hbm,
                     rowidx_v, pk_v, schunk, dchunk, gb0, gb1,
                     sem00, sem01, sem02, sem03, sem10, sem11, sem12, sem13,
                     agg_sh):
    sems0 = (sem00, sem01, sem02, sem03)
    sems1 = (sem10, sem11, sem12, sem13)
    cid, sid = _worker_prelude(rowidx_v)
    rb = sid * RPT

    pltpu.async_copy(pk_hbm.at[rowidx_v], pk_v, sem00)
    pltpu.sync_copy(zrow_hbm, agg_sh.at[pl.ds(rb, RPT)])
    pltpu.sync_copy(ones_hbm, gb1)
    pltpu.make_async_copy(pk_hbm.at[rowidx_v], pk_v, sem00).wait()
    plsc.subcore_barrier()

    _unpack_chunk(pk_v, schunk, dchunk, 0, 0)
    _issue_gather(x_hbm, schunk, 0, gb0, sems0)

    def _unpack_dst(slot, j):
        for c in range(K // 16):
            pk = pk_v[j, pl.ds(c * 16, 16)]
            dchunk[slot, pl.ds(c * 16, 16)] = lax.bitwise_and(pk, 0xFFFF)

    _unpack_dst(2, 0)
    pltpu.async_copy(gb1, agg_sh.at[dchunk.at[2]], sem02, add=True)
    _unpack_dst(3, 1)
    pltpu.async_copy(gb1, agg_sh.at[dchunk.at[3]], sem03, add=True)

    def cpair(q, carry):
        j0 = 2 * q
        pltpu.make_async_copy(gb1, agg_sh.at[dchunk.at[2]], sem02).wait()
        _unpack_dst(2, j0)
        pltpu.async_copy(gb1, agg_sh.at[dchunk.at[2]], sem02, add=True)
        pltpu.make_async_copy(gb1, agg_sh.at[dchunk.at[3]], sem03).wait()
        _unpack_dst(3, j0 + 1)
        pltpu.async_copy(gb1, agg_sh.at[dchunk.at[3]], sem03, add=True)
        return carry

    lax.fori_loop(1, (NCH - 1) // 2, cpair, 0)
    pltpu.make_async_copy(gb1, agg_sh.at[dchunk.at[2]], sem02).wait()
    _unpack_dst(2, NCH - 1)
    pltpu.async_copy(gb1, agg_sh.at[dchunk.at[2]], sem02, add=True)
    pltpu.make_async_copy(gb1, agg_sh.at[dchunk.at[3]], sem03).wait()
    pltpu.make_async_copy(gb1, agg_sh.at[dchunk.at[2]], sem02).wait()
    plsc.subcore_barrier()
    pltpu.sync_copy(agg_sh.at[pl.ds(rb, RPT)],
                    cntp_hbm.at[cid, pl.ds(rb, RPT)])
    pltpu.sync_copy(zrow_hbm, agg_sh.at[pl.ds(rb, RPT)])
    plsc.subcore_barrier()

    def pair(p, carry):
        j0 = 2 * p
        _unpack_chunk(pk_v, schunk, dchunk, 1, j0 + 1)
        _issue_gather(x_hbm, schunk, 1, gb1, sems1)
        _wait_gather(x_hbm, schunk, 0, gb0, sems0)
        pltpu.sync_copy(gb0, agg_sh.at[dchunk.at[0]], add=True)
        _unpack_chunk(pk_v, schunk, dchunk, 0, j0 + 2)
        _issue_gather(x_hbm, schunk, 0, gb0, sems0)
        _wait_gather(x_hbm, schunk, 1, gb1, sems1)
        pltpu.sync_copy(gb1, agg_sh.at[dchunk.at[1]], add=True)
        return carry

    lax.fori_loop(0, (NCH - 1) // 2, pair, 0)
    _wait_gather(x_hbm, schunk, 0, gb0, sems0)
    pltpu.sync_copy(gb0, agg_sh.at[dchunk.at[0]], add=True)
    plsc.subcore_barrier()

    pltpu.sync_copy(agg_sh.at[pl.ds(rb, RPT)],
                    aggp_hbm.at[cid, pl.ds(rb, RPT)])


_sc_agg_cnt = pl.kernel(
    _sc_agg_cnt_body,
    out_type=[jax.ShapeDtypeStruct((NC, NP, H), jnp.float32),
              jax.ShapeDtypeStruct((NC, NP, CW), jnp.float32)],
    mesh=plsc.VectorSubcoreMesh(**_MESH),
    scratch_types=[
        pltpu.VMEM((NCHP,), jnp.int32),
        pltpu.VMEM((NCHP, K), jnp.int32),
        pltpu.VMEM((2, K), jnp.int32),
        pltpu.VMEM((4, K), jnp.int32),
        pltpu.VMEM((K, H), jnp.float32),
        pltpu.VMEM((K, H), jnp.float32),
        pltpu.SemaphoreType.DMA,
        pltpu.SemaphoreType.DMA,
        pltpu.SemaphoreType.DMA,
        pltpu.SemaphoreType.DMA,
        pltpu.SemaphoreType.DMA,
        pltpu.SemaphoreType.DMA,
        pltpu.SemaphoreType.DMA,
        pltpu.SemaphoreType.DMA,
        pltpu.VMEM_SHARED((NP, H), jnp.float32),
    ],
)

BR = 1000


def _tc_body(aggp_ref, cntp_ref, x_ref, wl_ref, b_ref, wr_ref, o_ref):
    a = aggp_ref[0] + aggp_ref[1]
    c = jnp.maximum(cntp_ref[0, :, 0] + cntp_ref[1, :, 0], 1.0)
    agg = a / c[:, None]
    h = (jnp.dot(agg, wl_ref[...], preferred_element_type=jnp.float32)
         + b_ref[...]
         + jnp.dot(x_ref[...], wr_ref[...], preferred_element_type=jnp.float32))
    o_ref[...] = jnp.maximum(h, 0.0)


def _tc_layer(aggp, cntp, x, wl_t, b, wr_t):
    return pl.pallas_call(
        _tc_body,
        grid=(N // BR,),
        in_specs=[
            pl.BlockSpec((NC, BR, H), lambda i: (0, i, 0)),
            pl.BlockSpec((NC, BR, CW), lambda i: (0, i, 0)),
            pl.BlockSpec((BR, H), lambda i: (i, 0)),
            pl.BlockSpec((H, H), lambda i: (0, 0)),
            pl.BlockSpec((1, H), lambda i: (0, 0)),
            pl.BlockSpec((H, H), lambda i: (0, 0)),
        ],
        out_specs=pl.BlockSpec((BR, H), lambda i: (i, 0)),
        out_shape=jax.ShapeDtypeStruct((N, H), jnp.float32),
    )(aggp, cntp, x, wl_t, b, wr_t)


def _pack_idx(edge_index):
    src = edge_index[0].reshape(NW, EW)
    dst = edge_index[1].reshape(NW, EW)
    src = jnp.pad(src, ((0, 0), (0, EWP - EW)), constant_values=0)
    dst = jnp.pad(dst, ((0, 0), (0, EWP - EW)), constant_values=N)
    pk = jnp.left_shift(src, 16) | dst
    pk = pk.reshape(NW, NCH, K)
    pk = jnp.pad(pk, ((0, 0), (0, NCHP - NCH), (0, 0)))
    return pk.reshape(NW * NCHP, K)


def kernel(edge_index, user_emb, item_emb, W1_l, b1, W1_r, W2_l, b2, W2_r):
    x = jnp.concatenate([user_emb, item_emb], axis=0)
    pk = _pack_idx(edge_index)
    zrow = jnp.zeros((RPT, H), jnp.float32)
    ones = jnp.ones((K, H), jnp.float32)

    aggp1, cntp = _sc_agg_cnt(x, pk, zrow, ones)
    h1 = _tc_layer(aggp1, cntp, x, W1_l.T, b1.reshape(1, H), W1_r.T)
    (aggp2,) = _sc_agg(h1, pk, zrow)
    h2 = _tc_layer(aggp2, cntp, h1, W2_l.T, b2.reshape(1, H), W2_r.T)
    return h2[:NUM_U], h2[NUM_U:]

# --- scband reference (transcript-rebuilt; emitter-appended) ---
"""Pipeline reference for scband-gnnrecommender-6408091206350 (READ-ONLY COPY).

The authoritative reference and input builder live on the scoring server;
editing this copy changes nothing except your own understanding.
"""

import jax, jax.numpy as jnp
import numpy as np

NUM_USERS = 5000
NUM_ITEMS = 5000
N = NUM_USERS + NUM_ITEMS
H = 128
E = 320000


def setup_inputs(seed: int = 0) -> dict:
    key = jax.random.key(seed)
    ks = jax.random.split(key, 10)
    edge_index = jax.random.randint(ks[0], (2, E), 0, N, dtype=jnp.int32)
    user_emb = jax.random.normal(ks[1], (NUM_USERS, H), dtype=jnp.float32) * 0.1
    item_emb = jax.random.normal(ks[2], (NUM_ITEMS, H), dtype=jnp.float32) * 0.1
    # SAGEConv params: lin_l (applied to aggregated neighbors, has bias), lin_r (root weight, no bias)
    W1_l = jax.random.normal(ks[3], (H, H), dtype=jnp.float32) * (1.0 / np.sqrt(H))
    b1 = jnp.zeros((H,), dtype=jnp.float32)
    W1_r = jax.random.normal(ks[4], (H, H), dtype=jnp.float32) * (1.0 / np.sqrt(H))
    W2_l = jax.random.normal(ks[5], (H, H), dtype=jnp.float32) * (1.0 / np.sqrt(H))
    b2 = jnp.zeros((H,), dtype=jnp.float32)
    W2_r = jax.random.normal(ks[6], (H, H), dtype=jnp.float32) * (1.0 / np.sqrt(H))
    return {
        "edge_index": edge_index,
        "user_emb": user_emb,
        "item_emb": item_emb,
        "W1_l": W1_l,
        "b1": b1,
        "W1_r": W1_r,
        "W2_l": W2_l,
        "b2": b2,
        "W2_r": W2_r,
    }


def _sage_conv(x, edge_index, W_l, b, W_r):
    src = edge_index[0]
    dst = edge_index[1]
    msgs = jnp.take(x, src, axis=0)
    agg = jax.ops.segment_sum(msgs, dst, num_segments=N)
    cnt = jax.ops.segment_sum(jnp.ones((edge_index.shape[1],), dtype=x.dtype), dst, num_segments=N)
    agg = agg / jnp.maximum(cnt, 1.0)[:, None]
    return agg @ W_l.T + b + x @ W_r.T


def reference(edge_index, user_emb, item_emb, W1_l, b1, W1_r, W2_l, b2, W2_r):
    # x = cat(user_embedding.weight, item_embedding.weight)
    x = jnp.concatenate([user_emb, item_emb], axis=0)
    # layer 1: SAGEConv -> relu (dropout is identity in eval mode)
    x = jax.nn.relu(_sage_conv(x, edge_index, W1_l, b1, W1_r))
    # layer 2
    x = jax.nn.relu(_sage_conv(x, edge_index, W2_l, b2, W2_r))
    user_embeddings = x[:NUM_USERS]
    item_embeddings = x[NUM_USERS:]
    return (user_embeddings, item_embeddings)

if __name__ == "__main__":
    import jax
    _d = setup_inputs()
    print(jax.jit(kernel)(*tuple(_d.values())))

</pallas_src>

<mosaic_0001>
#map = affine_map<(d0, d1) -> (0, 0)>
#map1 = affine_map<(d0, d1) -> (0, 0, 0)>
module attributes {stable_mosaic.version = 14 : i64} {
  func.func @_sc_agg_cnt_body(%arg0: i32, %arg1: i32, %arg2: memref<10000x128xf32, #tpu.memory_space<hbm>>, %arg3: memref<2560x128xi32, #tpu.memory_space<hbm>>, %arg4: memref<640x128xf32, #tpu.memory_space<hbm>>, %arg5: memref<128x128xf32, #tpu.memory_space<hbm>>, %arg6: memref<2x10240x128xf32, #tpu.memory_space<hbm>>, %arg7: memref<2x10240x128xf32, #tpu.memory_space<hbm>>, %arg8: memref<80xi32, #tpu.memory_space<vmem>>, %arg9: memref<80x128xi32, #tpu.memory_space<vmem>>, %arg10: memref<2x128xi32, #tpu.memory_space<vmem>>, %arg11: memref<4x128xi32, #tpu.memory_space<vmem>>, %arg12: memref<128x128xf32, #tpu.memory_space<vmem>>, %arg13: memref<128x128xf32, #tpu.memory_space<vmem>>, %arg14: memref<!tpu.dma_semaphore, #tpu.memory_space<semaphore_mem>>, %arg15: memref<!tpu.dma_semaphore, #tpu.memory_space<semaphore_mem>>, %arg16: memref<!tpu.dma_semaphore, #tpu.memory_space<semaphore_mem>>, %arg17: memref<!tpu.dma_semaphore, #tpu.memory_space<semaphore_mem>>, %arg18: memref<!tpu.dma_semaphore, #tpu.memory_space<semaphore_mem>>, %arg19: memref<!tpu.dma_semaphore, #tpu.memory_space<semaphore_mem>>, %arg20: memref<!tpu.dma_semaphore, #tpu.memory_space<semaphore_mem>>, %arg21: memref<!tpu.dma_semaphore, #tpu.memory_space<semaphore_mem>>, %arg22: memref<10240x128xf32, #tpu.memory_space<vmem_shared>>) attributes {dimension_semantics = [#tpu.dimension_semantics<core_parallel>, #tpu.dimension_semantics<subcore_parallel>], iteration_bounds = array<i64: 2, 16>, scalar_prefetch = 0 : i64, scratch_operands = 15 : i64, tpu.core_type = #tpu.core_type<sc_vector_subcore>, window_params = [{transform_indices = #map}, {transform_indices = #map}, {transform_indices = #map}, {transform_indices = #map}, {transform_indices = #map1}, {transform_indices = #map1}]} {
    %mul3A = arith.constant 2 : i32
    %mul3A_0 = arith.muli %arg1, %mul3A : i32
    %add3A = arith.addi %mul3A_0, %arg0 : i32
    %mul3A_1 = arith.constant 80 : i32
    %mul3A_2 = arith.muli %add3A, %mul3A_1 : i32
    %add3A_3 = arith.constant 0 : i32
    %add3A_4 = arith.addi %mul3A_2, %add3A_3 : i32
    %iota3A = tpu.iota {dimensions = array<i32: 0>} : vector<16xi32>
    %add3A_5 = vector.broadcast %add3A_4 : i32 to vector<16xi32>
    %add3A_6 = arith.addi %add3A_5, %iota3A : vector<16xi32>
    %swap3A = arith.constant 0 : index
    %swap3A_7 = tpu.vector_load %arg8[%swap3A] {strides = array<i32>} : memref<80xi32, #tpu.memory_space<vmem>>, vector<16xi32>,
    %swap3A_8 = vector.shape_cast %swap3A_7 : vector<16xi32> to vector<16xi32>
    %swap3A_9 = vector.shape_cast %add3A_6 : vector<16xi32> to vector<16xi32>
    tpu.vector_store %arg8[%swap3A], %swap3A_9 {strides = array<i32>} : memref<80xi32, #tpu.memory_space<vmem>>, vector<16xi32>,
    %add3A_10 = arith.constant 16 : i32
    %add3A_11 = arith.addi %mul3A_2, %add3A_10 : i32
    %iota3A_12 = tpu.iota {dimensions = array<i32: 0>} : vector<16xi32>
    %add3A_13 = vector.broadcast %add3A_11 : i32 to vector<16xi32>
    %add3A_14 = arith.addi %add3A_13, %iota3A_12 : vector<16xi32>
    %swap3A_15 = arith.constant 16 : index
    %swap3A_16 = tpu.vector_load %arg8[%swap3A_15] {strides = array<i32>} : memref<80xi32, #tpu.memory_space<vmem>>, vector<16xi32>,
    %swap3A_17 = vector.shape_cast %swap3A_16 : vector<16xi32> to vector<16xi32>
    %swap3A_18 = vector.shape_cast %add3A_14 : vector<16xi32> to vector<16xi32>
    tpu.vector_store %arg8[%swap3A_15], %swap3A_18 {strides = array<i32>} : memref<80xi32, #tpu.memory_space<vmem>>, vector<16xi32>,
    %add3A_19 = arith.constant 32 : i32
    %add3A_20 = arith.addi %mul3A_2, %add3A_19 : i32
    %iota3A_21 = tpu.iota {dimensions = array<i32: 0>} : vector<16xi32>
    %add3A_22 = vector.broadcast %add3A_20 : i32 to vector<16xi32>
    %add3A_23 = arith.addi %add3A_22, %iota3A_21 : vector<16xi32>
    %swap3A_24 = arith.constant 32 : index
    %swap3A_25 = tpu.vector_load %arg8[%swap3A_24] {strides = array<i32>} : memref<80xi32, #tpu.memory_space<vmem>>, vector<16xi32>,
    %swap3A_26 = vector.shape_cast %swap3A_25 : vector<16xi32> to vector<16xi32>
    %swap3A_27 = vector.shape_cast %add3A_23 : vector<16xi32> to vector<16xi32>
    tpu.vector_store %arg8[%swap3A_24], %swap3A_27 {strides = array<i32>} : memref<80xi32, #tpu.memory_space<vmem>>, vector<16xi32>,
    %add3A_28 = arith.constant 48 : i32
    %add3A_29 = arith.addi %mul3A_2, %add3A_28 : i32
    %iota3A_30 = tpu.iota {dimensions = array<i32: 0>} : vector<16xi32>
    %add3A_31 = vector.broadcast %add3A_29 : i32 to vector<16xi32>
    %add3A_32 = arith.addi %add3A_31, %iota3A_30 : vector<16xi32>
    %swap3A_33 = arith.constant 48 : index
    %swap3A_34 = tpu.vector_load %arg8[%swap3A_33] {strides = array<i32>} : memref<80xi32, #tpu.memory_space<vmem>>, vector<16xi32>,
    %swap3A_35 = vector.shape_cast %swap3A_34 : vector<16xi32> to vector<16xi32>
    %swap3A_36 = vector.shape_cast %add3A_32 : vector<16xi32> to vector<16xi32>
    tpu.vector_store %arg8[%swap3A_33], %swap3A_36 {strides = array<i32>} : memref<80xi32, #tpu.memory_space<vmem>>, vector<16xi32>,
    %add3A_37 = arith.constant 64 : i32
    %add3A_38 = arith.addi %mul3A_2, %add3A_37 : i32
    %iota3A_39 = tpu.iota {dimensions = array<i32: 0>} : vector<16xi32>
    %add3A_40 = vector.broadcast %add3A_38 : i32 to vector<16xi32>
    %add3A_41 = arith.addi %add3A_40, %iota3A_39 : vector<16xi32>
    %swap3A_42 = arith.constant 64 : index
    %swap3A_43 = tpu.vector_load %arg8[%swap3A_42] {strides = array<i32>} : memref<80xi32, #tpu.memory_space<vmem>>, vector<16xi32>,
    %swap3A_44 = vector.shape_cast %swap3A_43 : vector<16xi32> to vector<16xi32>
    %swap3A_45 = vector.shape_cast %add3A_41 : vector<16xi32> to vector<16xi32>
    tpu.vector_store %arg8[%swap3A_42], %swap3A_45 {strides = array<i32>} : memref<80xi32, #tpu.memory_space<vmem>>, vector<16xi32>,
    %mul3A_46 = arith.constant 640 : i32
    %mul3A_47 = arith.muli %arg1, %mul3A_46 : i32
    %dma_start3A = arith.constant 0 : i32
    %dma_start3A_48 = arith.constant 0 : i32
    %dma_start3A_49 = tpu.memref_slice %arg3[%dma_start3A, %dma_start3A_48] : memref<2560x128xi32, #tpu.memory_space<hbm>> -> memref<2560x128xi32, #tpu.memory_space<hbm>>
    tpu.enqueue_indirect_dma source(%dma_start3A_49 : memref<2560x128xi32, #tpu.memory_space<hbm>>) target(%arg9 : memref<80x128xi32, #tpu.memory_space<vmem>>) offsets(%arg8 : memref<80xi32, #tpu.memory_space<vmem>>) semaphore(%arg14 : memref<!tpu.dma_semaphore, #tpu.memory_space<semaphore_mem>>)
    "tpu.region"() ({
      %run_scoped3A_645 = tpu.sem_alloc : memref<!tpu.dma_semaphore, #tpu.memory_space<semaphore_mem>>
      %dma_start3A_646 = arith.constant 0 : i32
      %dma_start3A_647 = tpu.memref_slice %arg22[%mul3A_47, %dma_start3A_646] : memref<10240x128xf32, #tpu.memory_space<vmem_shared>> -> memref<640x128xf32, #tpu.memory_space<vmem_shared>>
      tpu.enqueue_dma source(%arg4 : memref<640x128xf32, #tpu.memory_space<hbm>>) target(%dma_start3A_647 : memref<640x128xf32, #tpu.memory_space<vmem_shared>>) target_semaphore(%run_scoped3A_645 : memref<!tpu.dma_semaphore, #tpu.memory_space<semaphore_mem>>)
      %dma_wait3A_648 = arith.constant 0 : i32
      %dma_wait3A_649 = tpu.memref_slice %arg22[%mul3A_47, %dma_wait3A_648] : memref<10240x128xf32, #tpu.memory_space<vmem_shared>> -> memref<640x128xf32, #tpu.memory_space<vmem_shared>>
      tpu.wait_dma2 semaphore(%run_scoped3A_645 : memref<!tpu.dma_semaphore, #tpu.memory_space<semaphore_mem>>) src(%arg4 : memref<640x128xf32, #tpu.memory_space<hbm>>) dst(%dma_wait3A_649 : memref<640x128xf32, #tpu.memory_space<vmem_shared>>)
      tpu.yield
    }) : () -> ()
    "tpu.region"() ({
      %run_scoped3A_645 = tpu.sem_alloc : memref<!tpu.dma_semaphore, #tpu.memory_space<semaphore_mem>>
      tpu.enqueue_dma source(%arg5 : memref<128x128xf32, #tpu.memory_space<hbm>>) target(%arg13 : memref<128x128xf32, #tpu.memory_space<vmem>>) target_semaphore(%run_scoped3A_645 : memref<!tpu.dma_semaphore, #tpu.memory_space<semaphore_mem>>)
      tpu.wait_dma2 semaphore(%run_scoped3A_645 : memref<!tpu.dma_semaphore, #tpu.memory_space<semaphore_mem>>) src(%arg5 : memref<128x128xf32, #tpu.memory_space<hbm>>) dst(%arg13 : memref<128x128xf32, #tpu.memory_space<vmem>>)
      tpu.yield
    }) : () -> ()
    %dma_wait3A = arith.constant 0 : i32
    %dma_wait3A_50 = arith.constant 0 : i32
    %dma_wait3A_51 = tpu.memref_slice %arg3[%dma_wait3A, %dma_wait3A_50] : memref<2560x128xi32, #tpu.memory_space<hbm>> -> memref<2560x128xi32, #tpu.memory_space<hbm>>
    tpu.wait_indirect_dma semaphore(%arg14 : memref<!tpu.dma_semaphore, #tpu.memory_space<semaphore_mem>>) src(%dma_wait3A_51 : memref<2560x128xi32, #tpu.memory_space<hbm>>) dst(%arg9 : memref<80x128xi32, #tpu.memory_space<vmem>>)
    %barrier3A = arith.constant 0 : index
    tpu.barrier barrier_id(%barrier3A)
    %get3A = arith.constant 0 : i32
    %get3A_52 = arith.index_cast %get3A : i32 to index
    %get3A_53 = arith.constant 0 : index
    %get3A_54 = tpu.vector_load %arg9[%get3A_52, %get3A_53] {strides = array<i32>} : memref<80x128xi32, #tpu.memory_space<vmem>>, vector<1x16xi32>,
    %get3A_55 = vector.shape_cast %get3A_54 : vector<1x16xi32> to vector<16xi32>
    %shift_right_logical3A = arith.constant 16 : i32
    %shift_right_logical3A_56 = vector.broadcast %shift_right_logical3A : i32 to vector<16xi32>
    %shift_right_logical3A_57 = arith.shrui %get3A_55, %shift_right_logical3A_56 : vector<16xi32>
    %swap3A_58 = arith.constant 0 : i32
    %swap3A_59 = arith.index_cast %swap3A_58 : i32 to index
    %swap3A_60 = arith.constant 0 : index
    %swap3A_61 = tpu.vector_load %arg10[%swap3A_59, %swap3A_60] {strides = array<i32>} : memref<2x128xi32, #tpu.memory_space<vmem>>, vector<1x16xi32>,
    %swap3A_62 = vector.shape_cast %swap3A_61 : vector<1x16xi32> to vector<16xi32>
    %swap3A_63 = vector.shape_cast %shift_right_logical3A_57 : vector<16xi32> to vector<1x16xi32>
    tpu.vector_store %arg10[%swap3A_59, %swap3A_60], %swap3A_63 {strides = array<i32>} : memref<2x128xi32, #tpu.memory_space<vmem>>, vector<1x16xi32>,
    %and3A = arith.constant 65535 : i32
    %and3A_64 = vector.broadcast %and3A : i32 to vector<16xi32>
    %and3A_65 = arith.andi %get3A_55, %and3A_64 : vector<16xi32>
    %swap3A_66 = arith.constant 0 : i32
    %swap3A_67 = arith.index_cast %swap3A_66 : i32 to index
    %swap3A_68 = arith.constant 0 : index
    %swap3A_69 = tpu.vector_load %arg11[%swap3A_67, %swap3A_68] {strides = array<i32>} : memref<4x128xi32, #tpu.memory_space<vmem>>, vector<1x16xi32>,
    %swap3A_70 = vector.shape_cast %swap3A_69 : vector<1x16xi32> to vector<16xi32>
    %swap3A_71 = vector.shape_cast %and3A_65 : vector<16xi32> to vector<1x16xi32>
    tpu.vector_store %arg11[%swap3A_67, %swap3A_68], %swap3A_71 {strides = array<i32>} : memref<4x128xi32, #tpu.memory_space<vmem>>, vector<1x16xi32>,
    %get3A_72 = arith.constant 0 : i32
    %get3A_73 = arith.index_cast %get3A_72 : i32 to index
    %get3A_74 = arith.constant 16 : index
    %get3A_75 = tpu.vector_load %arg9[%get3A_73, %get3A_74] {strides = array<i32>} : memref<80x128xi32, #tpu.memory_space<vmem>>, vector<1x16xi32>,
    %get3A_76 = vector.shape_cast %get3A_75 : vector<1x16xi32> to vector<16xi32>
    %shift_right_logical3A_77 = arith.constant 16 : i32
    %shift_right_logical3A_78 = vector.broadcast %shift_right_logical3A_77 : i32 to vector<16xi32>
    %shift_right_logical3A_79 = arith.shrui %get3A_76, %shift_right_logical3A_78 : vector<16xi32>
    %swap3A_80 = arith.constant 0 : i32
    %swap3A_81 = arith.index_cast %swap3A_80 : i32 to index
    %swap3A_82 = arith.constant 16 : index
    %swap3A_83 = tpu.vector_load %arg10[%swap3A_81, %swap3A_82] {strides = array<i32>} : memref<2x128xi32, #tpu.memory_space<vmem>>, vector<1x16xi32>,
    %swap3A_84 = vector.shape_cast %swap3A_83 : vector<1x16xi32> to vector<16xi32>
    %swap3A_85 = vector.shape_cast %shift_right_logical3A_79 : vector<16xi32> to vector<1x16xi32>
    tpu.vector_store %arg10[%swap3A_81, %swap3A_82], %swap3A_85 {strides = array<i32>} : memref<2x128xi32, #tpu.memory_space<vmem>>, vector<1x16xi32>,
    %and3A_86 = arith.constant 65535 : i32
    %and3A_87 = vector.broadcast %and3A_86 : i32 to vector<16xi32>
    %and3A_88 = arith.andi %get3A_76, %and3A_87 : vector<16xi32>
    %swap3A_89 = arith.constant 0 : i32
    %swap3A_90 = arith.index_cast %swap3A_89 : i32 to index
    %swap3A_91 = arith.constant 16 : index
    %swap3A_92 = tpu.vector_load %arg11[%swap3A_90, %swap3A_91] {strides = array<i32>} : memref<4x128xi32, #tpu.memory_space<vmem>>, vector<1x16xi32>,
    %swap3A_93 = vector.shape_cast %swap3A_92 : vector<1x16xi32> to vector<16xi32>
    %swap3A_94 = vector.shape_cast %and3A_88 : vector<16xi32> to vector<1x16xi32>
    tpu.vector_store %arg11[%swap3A_90, %swap3A_91], %swap3A_94 {strides = array<i32>} : memref<4x128xi32, #tpu.memory_space<vmem>>, vector<1x16xi32>,
    %get3A_95 = arith.constant 0 : i32
    %get3A_96 = arith.index_cast %get3A_95 : i32 to index
    %get3A_97 = arith.constant 32 : index
    %get3A_98 = tpu.vector_load %arg9[%get3A_96, %get3A_97] {strides = array<i32>} : memref<80x128xi32, #tpu.memory_space<vmem>>, vector<1x16xi32>,
    %get3A_99 = vector.shape_cast %get3A_98 : vector<1x16xi32> to vector<16xi32>
    %shift_right_logical3A_100 = arith.constant 16 : i32
    %shift_right_logical3A_101 = vector.broadcast %shift_right_logical3A_100 : i32 to vector<16xi32>
    %shift_right_logical3A_102 = arith.shrui %get3A_99, %shift_right_logical3A_101 : vector<16xi32>
    %swap3A_103 = arith.constant 0 : i32
    %swap3A_104 = arith.index_cast %swap3A_103 : i32 to index
    %swap3A_105 = arith.constant 32 : index
    %swap3A_106 = tpu.vector_load %arg10[%swap3A_104, %swap3A_105] {strides = array<i32>} : memref<2x128xi32, #tpu.memory_space<vmem>>, vector<1x16xi32>,
    %swap3A_107 = vector.shape_cast %swap3A_106 : vector<1x16xi32> to vector<16xi32>
    %swap3A_108 = vector.shape_cast %shift_right_logical3A_102 : vector<16xi32> to vector<1x16xi32>
    tpu.vector_store %arg10[%swap3A_104, %swap3A_105], %swap3A_108 {strides = array<i32>} : memref<2x128xi32, #tpu.memory_space<vmem>>, vector<1x16xi32>,
    %and3A_109 = arith.constant 65535 : i32
    %and3A_110 = vector.broadcast %and3A_109 : i32 to vector<16xi32>
    %and3A_111 = arith.andi %get3A_99, %and3A_110 : vector<16xi32>
    %swap3A_112 = arith.constant 0 : i32
    %swap3A_113 = arith.index_cast %swap3A_112 : i32 to index
    %swap3A_114 = arith.constant 32 : index
    %swap3A_115 = tpu.vector_load %arg11[%swap3A_113, %swap3A_114] {strides = array<i32>} : memref<4x128xi32, #tpu.memory_space<vmem>>, vector<1x16xi32>,
    %swap3A_116 = vector.shape_cast %swap3A_115 : vector<1x16xi32> to vector<16xi32>
    %swap3A_117 = vector.shape_cast %and3A_111 : vector<16xi32> to vector<1x16xi32>
    tpu.vector_store %arg11[%swap3A_113, %swap3A_114], %swap3A_117 {strides = array<i32>} : memref<4x128xi32, #tpu.memory_space<vmem>>, vector<1x16xi32>,
    %get3A_118 = arith.constant 0 : i32
    %get3A_119 = arith.index_cast %get3A_118 : i32 to index
    %get3A_120 = arith.constant 48 : index
    %get3A_121 = tpu.vector_load %arg9[%get3A_119, %get3A_120] {strides = array<i32>} : memref<80x128xi32, #tpu.memory_space<vmem>>, vector<1x16xi32>,
    %get3A_122 = vector.shape_cast %get3A_121 : vector<1x16xi32> to vector<16xi32>
    %shift_right_logical3A_123 = arith.constant 16 : i32
    %shift_right_logical3A_124 = vector.broadcast %shift_right_logical3A_123 : i32 to vector<16xi32>
    %shift_right_logical3A_125 = arith.shrui %get3A_122, %shift_right_logical3A_124 : vector<16xi32>
    %swap3A_126 = arith.constant 0 : i32
    %swap3A_127 = arith.index_cast %swap3A_126 : i32 to index
    %swap3A_128 = arith.constant 48 : index
    %swap3A_129 = tpu.vector_load %arg10[%swap3A_127, %swap3A_128] {strides = array<i32>} : memref<2x128xi32, #tpu.memory_space<vmem>>, vector<1x16xi32>,
    %swap3A_130 = vector.shape_cast %swap3A_129 : vector<1x16xi32> to vector<16xi32>
    %swap3A_131 = vector.shape_cast %shift_right_logical3A_125 : vector<16xi32> to vector<1x16xi32>
    tpu.vector_store %arg10[%swap3A_127, %swap3A_128], %swap3A_131 {strides = array<i32>} : memref<2x128xi32, #tpu.memory_space<vmem>>, vector<1x16xi32>,
    %and3A_132 = arith.constant 65535 : i32
    %and3A_133 = vector.broadcast %and3A_132 : i32 to vector<16xi32>
    %and3A_134 = arith.andi %get3A_122, %and3A_133 : vector<16xi32>
    %swap3A_135 = arith.constant 0 : i32
    %swap3A_136 = arith.index_cast %swap3A_135 : i32 to index
    %swap3A_137 = arith.constant 48 : index
    %swap3A_138 = tpu.vector_load %arg11[%swap3A_136, %swap3A_137] {strides = array<i32>} : memref<4x128xi32, #tpu.memory_space<vmem>>, vector<1x16xi32>,
    %swap3A_139 = vector.shape_cast %swap3A_138 : vector<1x16xi32> to vector<16xi32>
    %swap3A_140 = vector.shape_cast %and3A_134 : vector<16xi32> to vector<1x16xi32>
    tpu.vector_store %arg11[%swap3A_136, %swap3A_137], %swap3A_140 {strides = array<i32>} : memref<4x128xi32, #tpu.memory_space<vmem>>, vector<1x16xi32>,
    %get3A_141 = arith.constant 0 : i32
    %get3A_142 = arith.index_cast %get3A_141 : i32 to index
    %get3A_143 = arith.constant 64 : index
    %get3A_144 = tpu.vector_load %arg9[%get3A_142, %get3A_143] {strides = array<i32>} : memref<80x128xi32, #tpu.memory_space<vmem>>, vector<1x16xi32>,
    %get3A_145 = vector.shape_cast %get3A_144 : vector<1x16xi32> to vector<16xi32>
    %shift_right_logical3A_146 = arith.constant 16 : i32
    %shift_right_logical3A_147 = vector.broadcast %shift_right_logical3A_146 : i32 to vector<16xi32>
    %shift_right_logical3A_148 = arith.shrui %get3A_145, %shift_right_logical3A_147 : vector<16xi32>
    %swap3A_149 = arith.constant 0 : i32
    %swap3A_150 = arith.index_cast %swap3A_149 : i32 to index
    %swap3A_151 = arith.constant 64 : index
    %swap3A_152 = tpu.vector_load %arg10[%swap3A_150, %swap3A_151] {strides = array<i32>} : memref<2x128xi32, #tpu.memory_space<vmem>>, vector<1x16xi32>,
    %swap3A_153 = vector.shape_cast %swap3A_152 : vector<1x16xi32> to vector<16xi32>
    %swap3A_154 = vector.shape_cast %shift_right_logical3A_148 : vector<16xi32> to vector<1x16xi32>
    tpu.vector_store %arg10[%swap3A_150, %swap3A_151], %swap3A_154 {strides = array<i32>} : memref<2x128xi32, #tpu.memory_space<vmem>>, vector<1x16xi32>,
    %and3A_155 = arith.constant 65535 : i32
    %and3A_156 = vector.broadcast %and3A_155 : i32 to vector<16xi32>
    %and3A_157 = arith.andi %get3A_145, %and3A_156 : vector<16xi32>
    %swap3A_158 = arith.constant 0 : i32
    %swap3A_159 = arith.index_cast %swap3A_158 : i32 to index
    %swap3A_160 = arith.constant 64 : index
    %swap3A_161 = tpu.vector_load %arg11[%swap3A_159, %swap3A_160] {strides = array<i32>} : memref<4x128xi32, #tpu.memory_space<vmem>>, vector<1x16xi32>,
    %swap3A_162 = vector.shape_cast %swap3A_161 : vector<1x16xi32> to vector<16xi32>
    %swap3A_163 = vector.shape_cast %and3A_157 : vector<16xi32> to vector<1x16xi32>
    tpu.vector_store %arg11[%swap3A_159, %swap3A_160], %swap3A_163 {strides = array<i32>} : memref<4x128xi32, #tpu.memory_space<vmem>>, vector<1x16xi32>,
    %get3A_164 = arith.constant 0 : i32
    %get3A_165 = arith.index_cast %get3A_164 : i32 to index
    %get3A_166 = arith.constant 80 : index
    %get3A_167 = tpu.vector_load %arg9[%get3A_165, %get3A_166] {strides = array<i32>} : memref<80x128xi32, #tpu.memory_space<vmem>>, vector<1x16xi32>,
    %get3A_168 = vector.shape_cast %get3A_167 : vector<1x16xi32> to vector<16xi32>
    %shift_right_logical3A_169 = arith.constant 16 : i32
    %shift_right_logical3A_170 = vector.broadcast %shift_right_logical3A_169 : i32 to vector<16xi32>
    %shift_right_logical3A_171 = arith.shrui %get3A_168, %shift_right_logical3A_170 : vector<16xi32>
    %swap3A_172 = arith.constant 0 : i32
    %swap3A_173 = arith.index_cast %swap3A_172 : i32 to index
    %swap3A_174 = arith.constant 80 : index
    %swap3A_175 = tpu.vector_load %arg10[%swap3A_173, %swap3A_174] {strides = array<i32>} : memref<2x128xi32, #tpu.memory_space<vmem>>, vector<1x16xi32>,
    %swap3A_176 = vector.shape_cast %swap3A_175 : vector<1x16xi32> to vector<16xi32>
    %swap3A_177 = vector.shape_cast %shift_right_logical3A_171 : vector<16xi32> to vector<1x16xi32>
    tpu.vector_store %arg10[%swap3A_173, %swap3A_174], %swap3A_177 {strides = array<i32>} : memref<2x128xi32, #tpu.memory_space<vmem>>, vector<1x16xi32>,
    %and3A_178 = arith.constant 65535 : i32
    %and3A_179 = vector.broadcast %and3A_178 : i32 to vector<16xi32>
    %and3A_180 = arith.andi %get3A_168, %and3A_179 : vector<16xi32>
    %swap3A_181 = arith.constant 0 : i32
    %swap3A_182 = arith.index_cast %swap3A_181 : i32 to index
    %swap3A_183 = arith.constant 80 : index
    %swap3A_184 = tpu.vector_load %arg11[%swap3A_182, %swap3A_183] {strides = array<i32>} : memref<4x128xi32, #tpu.memory_space<vmem>>, vector<1x16xi32>,
    %swap3A_185 = vector.shape_cast %swap3A_184 : vector<1x16xi32> to vector<16xi32>
    %swap3A_186 = vector.shape_cast %and3A_180 : vector<16xi32> to vector<1x16xi32>
    tpu.vector_store %arg11[%swap3A_182, %swap3A_183], %swap3A_186 {strides = array<i32>} : memref<4x128xi32, #tpu.memory_space<vmem>>, vector<1x16xi32>,
    %get3A_187 = arith.constant 0 : i32
    %get3A_188 = arith.index_cast %get3A_187 : i32 to index
    %get3A_189 = arith.constant 96 : index
    %get3A_190 = tpu.vector_load %arg9[%get3A_188, %get3A_189] {strides = array<i32>} : memref<80x128xi32, #tpu.memory_space<vmem>>, vector<1x16xi32>,
    %get3A_191 = vector.shape_cast %get3A_190 : vector<1x16xi32> to vector<16xi32>
    %shift_right_logical3A_192 = arith.constant 16 : i32
    %shift_right_logical3A_193 = vector.broadcast %shift_right_logical3A_192 : i32 to vector<16xi32>
    %shift_right_logical3A_194 = arith.shrui %get3A_191, %shift_right_logical3A_193 : vector<16xi32>
    %swap3A_195 = arith.constant 0 : i32
    %swap3A_196 = arith.index_cast %swap3A_195 : i32 to index
    %swap3A_197 = arith.constant 96 : index
    %swap3A_198 = tpu.vector_load %arg10[%swap3A_196, %swap3A_197] {strides = array<i32>} : memref<2x128xi32, #tpu.memory_space<vmem>>, vector<1x16xi32>,
    %swap3A_199 = vector.shape_cast %swap3A_198 : vector<1x16xi32> to vector<16xi32>
    %swap3A_200 = vector.shape_cast %shift_right_logical3A_194 : vector<16xi32> to vector<1x16xi32>
    tpu.vector_store %arg10[%swap3A_196, %swap3A_197], %swap3A_200 {strides = array<i32>} : memref<2x128xi32, #tpu.memory_space<vmem>>, vector<1x16xi32>,
    %and3A_201 = arith.constant 65535 : i32
    %and3A_202 = vector.broadcast %and3A_201 : i32 to vector<16xi32>
    %and3A_203 = arith.andi %get3A_191, %and3A_202 : vector<16xi32>
    %swap3A_204 = arith.constant 0 : i32
    %swap3A_205 = arith.index_cast %swap3A_204 : i32 to index
    %swap3A_206 = arith.constant 96 : index
    %swap3A_207 = tpu.vector_load %arg11[%swap3A_205, %swap3A_206] {strides = array<i32>} : memref<4x128xi32, #tpu.memory_space<vmem>>, vector<1x16xi32>,
    %swap3A_208 = vector.shape_cast %swap3A_207 : vector<1x16xi32> to vector<16xi32>
    %swap3A_209 = vector.shape_cast %and3A_203 : vector<16xi32> to vector<1x16xi32>
    tpu.vector_store %arg11[%swap3A_205, %swap3A_206], %swap3A_209 {strides = array<i32>} : memref<4x128xi32, #tpu.memory_space<vmem>>, vector<1x16xi32>,
    %get3A_210 = arith.constant 0 : i32
    %get3A_211 = arith.index_cast %get3A_210 : i32 to index
    %get3A_212 = arith.constant 112 : index
    %get3A_213 = tpu.vector_load %arg9[%get3A_211, %get3A_212] {strides = array<i32>} : memref<80x128xi32, #tpu.memory_space<vmem>>, vector<1x16xi32>,
    %get3A_214 = vector.shape_cast %get3A_213 : vector<1x16xi32> to vector<16xi32>
    %shift_right_logical3A_215 = arith.constant 16 : i32
    %shift_right_logical3A_216 = vector.broadcast %shift_right_logical3A_215 : i32 to vector<16xi32>
    %shift_right_logical3A_217 = arith.shrui %get3A_214, %shift_right_logical3A_216 : vector<16xi32>
    %swap3A_218 = arith.constant 0 : i32
    %swap3A_219 = arith.index_cast %swap3A_218 : i32 to index
    %swap3A_220 = arith.constant 112 : index
    %swap3A_221 = tpu.vector_load %arg10[%swap3A_219, %swap3A_220] {strides = array<i32>} : memref<2x128xi32, #tpu.memory_space<vmem>>, vector<1x16xi32>,
    %swap3A_222 = vector.shape_cast %swap3A_221 : vector<1x16xi32> to vector<16xi32>
    %swap3A_223 = vector.shape_cast %shift_right_logical3A_217 : vector<16xi32> to vector<1x16xi32>
    tpu.vector_store %arg10[%swap3A_219, %swap3A_220], %swap3A_223 {strides = array<i32>} : memref<2x128xi32, #tpu.memory_space<vmem>>, vector<1x16xi32>,
    %and3A_224 = arith.constant 65535 : i32
    %and3A_225 = vector.broadcast %and3A_224 : i32 to vector<16xi32>
    %and3A_226 = arith.andi %get3A_214, %and3A_225 : vector<16xi32>
    %swap3A_227 = arith.constant 0 : i32
    %swap3A_228 = arith.index_cast %swap3A_227 : i32 to index
    %swap3A_229 = arith.constant 112 : index
    %swap3A_230 = tpu.vector_load %arg11[%swap3A_228, %swap3A_229] {strides = array<i32>} : memref<4x128xi32, #tpu.memory_space<vmem>>, vector<1x16xi32>,
    %swap3A_231 = vector.shape_cast %swap3A_230 : vector<1x16xi32> to vector<16xi32>
    %swap3A_232 = vector.shape_cast %and3A_226 : vector<16xi32> to vector<1x16xi32>
    tpu.vector_store %arg11[%swap3A_228, %swap3A_229], %swap3A_232 {strides = array<i32>} : memref<4x128xi32, #tpu.memory_space<vmem>>, vector<1x16xi32>,
    %dma_start3A_233 = arith.constant 0 : i32
    %dma_start3A_234 = arith.constant 0 : i32
    %dma_start3A_235 = arith.constant 0 : i32
    %dma_start3A_236 = tpu.memref_slice %arg12[%dma_start3A_234, %dma_start3A_235] : memref<128x128xf32, #tpu.memory_space<vmem>> -> memref<128x128xf32, #tpu.memory_space<vmem>>
    %dma_start3A_237 = arith.constant 0 : i32
    %dma_start3A_238 = tpu.memref_slice %arg10[%dma_start3A_233, %dma_start3A_237] : memref<2x128xi32, #tpu.memory_space<vmem>> -> memref<1x128xi32, #tpu.memory_space<vmem>>
    %dma_start3A_239 = tpu.memref_squeeze %dma_start3A_238 : memref<1x128xi32, #tpu.memory_space<vmem>> -> memref<128xi32, #tpu.memory_space<vmem>>
    %dma_start3A_240 = arith.constant 0 : i32
    %dma_start3A_241 = arith.constant 0 : i32
    %dma_start3A_242 = tpu.memref_slice %arg2[%dma_start3A_240, %dma_start3A_241] : memref<10000x128xf32, #tpu.memory_space<hbm>> -> memref<10000x128xf32, #tpu.memory_space<hbm>>
    tpu.enqueue_indirect_dma source(%dma_start3A_242 : memref<10000x128xf32, #tpu.memory_space<hbm>>) target(%dma_start3A_236 : memref<128x128xf32, #tpu.memory_space<vmem>>) offsets(%dma_start3A_239 : memref<128xi32, #tpu.memory_space<vmem>>) semaphore(%arg14 : memref<!tpu.dma_semaphore, #tpu.memory_space<semaphore_mem>>)
    %get3A_243 = arith.constant 0 : i32
    %get3A_244 = arith.index_cast %get3A_243 : i32 to index
    %get3A_245 = arith.constant 0 : index
    %get3A_246 = tpu.vector_load %arg9[%get3A_244, %get3A_245] {strides = array<i32>} : memref<80x128xi32, #tpu.memory_space<vmem>>, vector<1x16xi32>,
    %get3A_247 = vector.shape_cast %get3A_246 : vector<1x16xi32> to vector<16xi32>
    %and3A_248 = arith.constant 65535 : i32
    %and3A_249 = vector.broadcast %and3A_248 : i32 to vector<16xi32>
    %and3A_250 = arith.andi %get3A_247, %and3A_249 : vector<16xi32>
    %swap3A_251 = arith.constant 2 : i32
    %swap3A_252 = arith.index_cast %swap3A_251 : i32 to index
    %swap3A_253 = arith.constant 0 : index
    %swap3A_254 = tpu.vector_load %arg11[%swap3A_252, %swap3A_253] {strides = array<i32>} : memref<4x128xi32, #tpu.memory_space<vmem>>, vector<1x16xi32>,
    %swap3A_255 = vector.shape_cast %swap3A_254 : vector<1x16xi32> to vector<16xi32>
    %swap3A_256 = vector.shape_cast %and3A_250 : vector<16xi32> to vector<1x16xi32>
    tpu.vector_store %arg11[%swap3A_252, %swap3A_253], %swap3A_256 {strides = array<i32>} : memref<4x128xi32, #tpu.memory_space<vmem>>, vector<1x16xi32>,
    %get3A_257 = arith.constant 0 : i32
    %get3A_258 = arith.index_cast %get3A_257 : i32 to index
    %get3A_259 = arith.constant 16 : index
    %get3A_260 = tpu.vector_load %arg9[%get3A_258, %get3A_259] {strides = array<i32>} : memref<80x128xi32, #tpu.memory_space<vmem>>, vector<1x16xi32>,
    %get3A_261 = vector.shape_cast %get3A_260 : vector<1x16xi32> to vector<16xi32>
    %and3A_262 = arith.constant 65535 : i32
    %and3A_263 = vector.broadcast %and3A_262 : i32 to vector<16xi32>
    %and3A_264 = arith.andi %get3A_261, %and3A_263 : vector<16xi32>
    %swap3A_265 = arith.constant 2 : i32
    %swap3A_266 = arith.index_cast %swap3A_265 : i32 to index
    %swap3A_267 = arith.constant 16 : index
    %swap3A_268 = tpu.vector_load %arg11[%swap3A_266, %swap3A_267] {strides = array<i32>} : memref<4x128xi32, #tpu.memory_space<vmem>>, vector<1x16xi32>,
    %swap3A_269 = vector.shape_cast %swap3A_268 : vector<1x16xi32> to vector<16xi32>
    %swap3A_270 = vector.shape_cast %and3A_264 : vector<16xi32> to vector<1x16xi32>
    tpu.vector_store %arg11[%swap3A_266, %swap3A_267], %swap3A_270 {strides = array<i32>} : memref<4x128xi32, #tpu.memory_space<vmem>>, vector<1x16xi32>,
    %get3A_271 = arith.constant 0 : i32
    %get3A_272 = arith.index_cast %get3A_271 : i32 to index
    %get3A_273 = arith.constant 32 : index
    %get3A_274 = tpu.vector_load %arg9[%get3A_272, %get3A_273] {strides = array<i32>} : memref<80x128xi32, #tpu.memory_space<vmem>>, vector<1x16xi32>,
    %get3A_275 = vector.shape_cast %get3A_274 : vector<1x16xi32> to vector<16xi32>
    %and3A_276 = arith.constant 65535 : i32
    %and3A_277 = vector.broadcast %and3A_276 : i32 to vector<16xi32>
    %and3A_278 = arith.andi %get3A_275, %and3A_277 : vector<16xi32>
    %swap3A_279 = arith.constant 2 : i32
    %swap3A_280 = arith.index_cast %swap3A_279 : i32 to index
    %swap3A_281 = arith.constant 32 : index
    %swap3A_282 = tpu.vector_load %arg11[%swap3A_280, %swap3A_281] {strides = array<i32>} : memref<4x128xi32, #tpu.memory_space<vmem>>, vector<1x16xi32>,
    %swap3A_283 = vector.shape_cast %swap3A_282 : vector<1x16xi32> to vector<16xi32>
    %swap3A_284 = vector.shape_cast %and3A_278 : vector<16xi32> to vector<1x16xi32>
    tpu.vector_store %arg11[%swap3A_280, %swap3A_281], %swap3A_284 {strides = array<i32>} : memref<4x128xi32, #tpu.memory_space<vmem>>, vector<1x16xi32>,
    %get3A_285 = arith.constant 0 : i32
    %get3A_286 = arith.index_cast %get3A_285 : i32 to index
    %get3A_287 = arith.constant 48 : index
    %get3A_288 = tpu.vector_load %arg9[%get3A_286, %get3A_287] {strides = array<i32>} : memref<80x128xi32, #tpu.memory_space<vmem>>, vector<1x16xi32>,
    %get3A_289 = vector.shape_cast %get3A_288 : vector<1x16xi32> to vector<16xi32>
    %and3A_290 = arith.constant 65535 : i32
    %and3A_291 = vector.broadcast %and3A_290 : i32 to vector<16xi32>
    %and3A_292 = arith.andi %get3A_289, %and3A_291 : vector<16xi32>
    %swap3A_293 = arith.constant 2 : i32
    %swap3A_294 = arith.index_cast %swap3A_293 : i32 to index
    %swap3A_295 = arith.constant 48 : index
    %swap3A_296 = tpu.vector_load %arg11[%swap3A_294, %swap3A_295] {strides = array<i32>} : memref<4x128xi32, #tpu.memory_space<vmem>>, vector<1x16xi32>,
    %swap3A_297 = vector.shape_cast %swap3A_296 : vector<1x16xi32> to vector<16xi32>
    %swap3A_298 = vector.shape_cast %and3A_292 : vector<16xi32> to vector<1x16xi32>
    tpu.vector_store %arg11[%swap3A_294, %swap3A_295], %swap3A_298 {strides = array<i32>} : memref<4x128xi32, #tpu.memory_space<vmem>>, vector<1x16xi32>,
    %get3A_299 = arith.constant 0 : i32
    %get3A_300 = arith.index_cast %get3A_299 : i32 to index
    %get3A_301 = arith.constant 64 : index
    %get3A_302 = tpu.vector_load %arg9[%get3A_300, %get3A_301] {strides = array<i32>} : memref<80x128xi32, #tpu.memory_space<vmem>>, vector<1x16xi32>,
    %get3A_303 = vector.shape_cast %get3A_302 : vector<1x16xi32> to vector<16xi32>
    %and3A_304 = arith.constant 65535 : i32
    %and3A_305 = vector.broadcast %and3A_304 : i32 to vector<16xi32>
    %and3A_306 = arith.andi %get3A_303, %and3A_305 : vector<16xi32>
    %swap3A_307 = arith.constant 2 : i32
    %swap3A_308 = arith.index_cast %swap3A_307 : i32 to index
    %swap3A_309 = arith.constant 64 : index
    %swap3A_310 = tpu.vector_load %arg11[%swap3A_308, %swap3A_309] {strides = array<i32>} : memref<4x128xi32, #tpu.memory_space<vmem>>, vector<1x16xi32>,
    %swap3A_311 = vector.shape_cast %swap3A_310 : vector<1x16xi32> to vector<16xi32>
    %swap3A_312 = vector.shape_cast %and3A_306 : vector<16xi32> to vector<1x16xi32>
    tpu.vector_store %arg11[%swap3A_308, %swap3A_309], %swap3A_312 {strides = array<i32>} : memref<4x128xi32, #tpu.memory_space<vmem>>, vector<1x16xi32>,
    %get3A_313 = arith.constant 0 : i32
    %get3A_314 = arith.index_cast %get3A_313 : i32 to index
    %get3A_315 = arith.constant 80 : index
    %get3A_316 = tpu.vector_load %arg9[%get3A_314, %get3A_315] {strides = array<i32>} : memref<80x128xi32, #tpu.memory_space<vmem>>, vector<1x16xi32>,
    %get3A_317 = vector.shape_cast %get3A_316 : vector<1x16xi32> to vector<16xi32>
    %and3A_318 = arith.constant 65535 : i32
    %and3A_319 = vector.broadcast %and3A_318 : i32 to vector<16xi32>
    %and3A_320 = arith.andi %get3A_317, %and3A_319 : vector<16xi32>
    %swap3A_321 = arith.constant 2 : i32
    %swap3A_322 = arith.index_cast %swap3A_321 : i32 to index
    %swap3A_323 = arith.constant 80 : index
    %swap3A_324 = tpu.vector_load %arg11[%swap3A_322, %swap3A_323] {strides = array<i32>} : memref<4x128xi32, #tpu.memory_space<vmem>>, vector<1x16xi32>,
    %swap3A_325 = vector.shape_cast %swap3A_324 : vector<1x16xi32> to vector<16xi32>
    %swap3A_326 = vector.shape_cast %and3A_320 : vector<16xi32> to vector<1x16xi32>
    tpu.vector_store %arg11[%swap3A_322, %swap3A_323], %swap3A_326 {strides = array<i32>} : memref<4x128xi32, #tpu.memory_space<vmem>>, vector<1x16xi32>,
    %get3A_327 = arith.constant 0 : i32
    %get3A_328 = arith.index_cast %get3A_327 : i32 to index
    %get3A_329 = arith.constant 96 : index
    %get3A_330 = tpu.vector_load %arg9[%get3A_328, %get3A_329] {strides = array<i32>} : memref<80x128xi32, #tpu.memory_space<vmem>>, vector<1x16xi32>,
    %get3A_331 = vector.shape_cast %get3A_330 : vector<1x16xi32> to vector<16xi32>
    %and3A_332 = arith.constant 65535 : i32
    %and3A_333 = vector.broadcast %and3A_332 : i32 to vector<16xi32>
    %and3A_334 = arith.andi %get3A_331, %and3A_333 : vector<16xi32>
    %swap3A_335 = arith.constant 2 : i32
    %swap3A_336 = arith.index_cast %swap3A_335 : i32 to index
    %swap3A_337 = arith.constant 96 : index
    %swap3A_338 = tpu.vector_load %arg11[%swap3A_336, %swap3A_337] {strides = array<i32>} : memref<4x128xi32, #tpu.memory_space<vmem>>, vector<1x16xi32>,
    %swap3A_339 = vector.shape_cast %swap3A_338 : vector<1x16xi32> to vector<16xi32>
    %swap3A_340 = vector.shape_cast %and3A_334 : vector<16xi32> to vector<1x16xi32>
    tpu.vector_store %arg11[%swap3A_336, %swap3A_337], %swap3A_340 {strides = array<i32>} : memref<4x128xi32, #tpu.memory_space<vmem>>, vector<1x16xi32>,
    %get3A_341 = arith.constant 0 : i32
    %get3A_342 = arith.index_cast %get3A_341 : i32 to index
    %get3A_343 = arith.constant 112 : index
    %get3A_344 = tpu.vector_load %arg9[%get3A_342, %get3A_343] {strides = array<i32>} : memref<80x128xi32, #tpu.memory_space<vmem>>, vector<1x16xi32>,
    %get3A_345 = vector.shape_cast %get3A_344 : vector<1x16xi32> to vector<16xi32>
    %and3A_346 = arith.constant 65535 : i32
    %and3A_347 = vector.broadcast %and3A_346 : i32 to vector<16xi32>
    %and3A_348 = arith.andi %get3A_345, %and3A_347 : vector<16xi32>
    %swap3A_349 = arith.constant 2 : i32
    %swap3A_350 = arith.index_cast %swap3A_349 : i32 to index
    %swap3A_351 = arith.constant 112 : index
    %swap3A_352 = tpu.vector_load %arg11[%swap3A_350, %swap3A_351] {strides = array<i32>} : memref<4x128xi32, #tpu.memory_space<vmem>>, vector<1x16xi32>,
    %swap3A_353 = vector.shape_cast %swap3A_352 : vector<1x16xi32> to vector<16xi32>
    %swap3A_354 = vector.shape_cast %and3A_348 : vector<16xi32> to vector<1x16xi32>
    tpu.vector_store %arg11[%swap3A_350, %swap3A_351], %swap3A_354 {strides = array<i32>} : memref<4x128xi32, #tpu.memory_space<vmem>>, vector<1x16xi32>,
    %dma_start3A_355 = arith.constant 2 : i32
    %dma_start3A_356 = arith.constant 0 : i32
    %dma_start3A_357 = tpu.memref_slice %arg11[%dma_start3A_355, %dma_start3A_356] : memref<4x128xi32, #tpu.memory_space<vmem>> -> memref<1x128xi32, #tpu.memory_space<vmem>>
    %dma_start3A_358 = tpu.memref_squeeze %dma_start3A_357 : memref<1x128xi32, #tpu.memory_space<vmem>> -> memref<128xi32, #tpu.memory_space<vmem>>
    %dma_start3A_359 = arith.constant 0 : i32
    %dma_start3A_360 = arith.constant 0 : i32
    %dma_start3A_361 = tpu.memref_slice %arg22[%dma_start3A_359, %dma_start3A_360] : memref<10240x128xf32, #tpu.memory_space<vmem_shared>> -> memref<10240x128xf32, #tpu.memory_space<vmem_shared>>
    tpu.enqueue_indirect_dma source(%arg13 : memref<128x128xf32, #tpu.memory_space<vmem>>) target(%dma_start3A_361 : memref<10240x128xf32, #tpu.memory_space<vmem_shared>>) offsets(%dma_start3A_358 : memref<128xi32, #tpu.memory_space<vmem>>) semaphore(%arg16 : memref<!tpu.dma_semaphore, #tpu.memory_space<semaphore_mem>>) {add = true}
    %get3A_362 = arith.constant 1 : i32
    %get3A_363 = arith.index_cast %get3A_362 : i32 to index
    %get3A_364 = arith.constant 0 : index
    %get3A_365 = tpu.vector_load %arg9[%get3A_363, %get3A_364] {strides = array<i32>} : memref<80x128xi32, #tpu.memory_space<vmem>>, vector<1x16xi32>,
    %get3A_366 = vector.shape_cast %get3A_365 : vector<1x16xi32> to vector<16xi32>
    %and3A_367 = arith.constant 65535 : i32
    %and3A_368 = vector.broadcast %and3A_367 : i32 to vector<16xi32>
    %and3A_369 = arith.andi %get3A_366, %and3A_368 : vector<16xi32>
    %swap3A_370 = arith.constant 3 : i32
    %swap3A_371 = arith.index_cast %swap3A_370 : i32 to index
    %swap3A_372 = arith.constant 0 : index
    %swap3A_373 = tpu.vector_load %arg11[%swap3A_371, %swap3A_372] {strides = array<i32>} : memref<4x128xi32, #tpu.memory_space<vmem>>, vector<1x16xi32>,
    %swap3A_374 = vector.shape_cast %swap3A_373 : vector<1x16xi32> to vector<16xi32>
    %swap3A_375 = vector.shape_cast %and3A_369 : vector<16xi32> to vector<1x16xi32>
    tpu.vector_store %arg11[%swap3A_371, %swap3A_372], %swap3A_375 {strides = array<i32>} : memref<4x128xi32, #tpu.memory_space<vmem>>, vector<1x16xi32>,
    %get3A_376 = arith.constant 1 : i32
    %get3A_377 = arith.index_cast %get3A_376 : i32 to index
    %get3A_378 = arith.constant 16 : index
    %get3A_379 = tpu.vector_load %arg9[%get3A_377, %get3A_378] {strides = array<i32>} : memref<80x128xi32, #tpu.memory_space<vmem>>, vector<1x16xi32>,
    %get3A_380 = vector.shape_cast %get3A_379 : vector<1x16xi32> to vector<16xi32>
    %and3A_381 = arith.constant 65535 : i32
    %and3A_382 = vector.broadcast %and3A_381 : i32 to vector<16xi32>
    %and3A_383 = arith.andi %get3A_380, %and3A_382 : vector<16xi32>
    %swap3A_384 = arith.constant 3 : i32
    %swap3A_385 = arith.index_cast %swap3A_384 : i32 to index
    %swap3A_386 = arith.constant 16 : index
    %swap3A_387 = tpu.vector_load %arg11[%swap3A_385, %swap3A_386] {strides = array<i32>} : memref<4x128xi32, #tpu.memory_space<vmem>>, vector<1x16xi32>,
    %swap3A_388 = vector.shape_cast %swap3A_387 : vector<1x16xi32> to vector<16xi32>
    %swap3A_389 = vector.shape_cast %and3A_383 : vector<16xi32> to vector<1x16xi32>
    tpu.vector_store %arg11[%swap3A_385, %swap3A_386], %swap3A_389 {strides = array<i32>} : memref<4x128xi32, #tpu.memory_space<vmem>>, vector<1x16xi32>,
    %get3A_390 = arith.constant 1 : i32
    %get3A_391 = arith.index_cast %get3A_390 : i32 to index
    %get3A_392 = arith.constant 32 : index
    %get3A_393 = tpu.vector_load %arg9[%get3A_391, %get3A_392] {strides = array<i32>} : memref<80x128xi32, #tpu.memory_space<vmem>>, vector<1x16xi32>,
    %get3A_394 = vector.shape_cast %get3A_393 : vector<1x16xi32> to vector<16xi32>
    %and3A_395 = arith.constant 65535 : i32
    %and3A_396 = vector.broadcast %and3A_395 : i32 to vector<16xi32>
    %and3A_397 = arith.andi %get3A_394, %and3A_396 : vector<16xi32>
    %swap3A_398 = arith.constant 3 : i32
    %swap3A_399 = arith.index_cast %swap3A_398 : i32 to index
    %swap3A_400 = arith.constant 32 : index
    %swap3A_401 = tpu.vector_load %arg11[%swap3A_399, %swap3A_400] {strides = array<i32>} : memref<4x128xi32, #tpu.memory_space<vmem>>, vector<1x16xi32>,
    %swap3A_402 = vector.shape_cast %swap3A_401 : vector<1x16xi32> to vector<16xi32>
    %swap3A_403 = vector.shape_cast %and3A_397 : vector<16xi32> to vector<1x16xi32>
    tpu.vector_store %arg11[%swap3A_399, %swap3A_400], %swap3A_403 {strides = array<i32>} : memref<4x128xi32, #tpu.memory_space<vmem>>, vector<1x16xi32>,
    %get3A_404 = arith.constant 1 : i32
    %get3A_405 = arith.index_cast %get3A_404 : i32 to index
    %get3A_406 = arith.constant 48 : index
    %get3A_407 = tpu.vector_load %arg9[%get3A_405, %get3A_406] {strides = array<i32>} : memref<80x128xi32, #tpu.memory_space<vmem>>, vector<1x16xi32>,
    %get3A_408 = vector.shape_cast %get3A_407 : vector<1x16xi32> to vector<16xi32>
    %and3A_409 = arith.constant 65535 : i32
    %and3A_410 = vector.broadcast %and3A_409 : i32 to vector<16xi32>
    %and3A_411 = arith.andi %get3A_408, %and3A_410 : vector<16xi32>
    %swap3A_412 = arith.constant 3 : i32
    %swap3A_413 = arith.index_cast %swap3A_412 : i32 to index
    %swap3A_414 = arith.constant 48 : index
    %swap3A_415 = tpu.vector_load %arg11[%swap3A_413, %swap3A_414] {strides = array<i32>} : memref<4x128xi32, #tpu.memory_space<vmem>>, vector<1x16xi32>,
    %swap3A_416 = vector.shape_cast %swap3A_415 : vector<1x16xi32> to vector<16xi32>
    %swap3A_417 = vector.shape_cast %and3A_411 : vector<16xi32> to vector<1x16xi32>
    tpu.vector_store %arg11[%swap3A_413, %swap3A_414], %swap3A_417 {strides = array<i32>} : memref<4x128xi32, #tpu.memory_space<vmem>>, vector<1x16xi32>,
    %get3A_418 = arith.constant 1 : i32
    %get3A_419 = arith.index_cast %get3A_418 : i32 to index
    %get3A_420 = arith.constant 64 : index
    %get3A_421 = tpu.vector_load %arg9[%get3A_419, %get3A_420] {strides = array<i32>} : memref<80x128xi32, #tpu.memory_space<vmem>>, vector<1x16xi32>,
    %get3A_422 = vector.shape_cast %get3A_421 : vector<1x16xi32> to vector<16xi32>
    %and3A_423 = arith.constant 65535 : i32
    %and3A_424 = vector.broadcast %and3A_423 : i32 to vector<16xi32>
    %and3A_425 = arith.andi %get3A_422, %and3A_424 : vector<16xi32>
    %swap3A_426 = arith.constant 3 : i32
    %swap3A_427 = arith.index_cast %swap3A_426 : i32 to index
    %swap3A_428 = arith.constant 64 : index
    %swap3A_429 = tpu.vector_load %arg11[%swap3A_427, %swap3A_428] {strides = array<i32>} : memref<4x128xi32, #tpu.memory_space<vmem>>, vector<1x16xi32>,
    %swap3A_430 = vector.shape_cast %swap3A_429 : vector<1x16xi32> to vector<16xi32>
    %swap3A_431 = vector.shape_cast %and3A_425 : vector<16xi32> to vector<1x16xi32>
    tpu.vector_store %arg11[%swap3A_427, %swap3A_428], %swap3A_431 {strides = array<i32>} : memref<4x128xi32, #tpu.memory_space<vmem>>, vector<1x16xi32>,
    %get3A_432 = arith.constant 1 : i32
    %get3A_433 = arith.index_cast %get3A_432 : i32 to index
    %get3A_434 = arith.constant 80 : index
    %get3A_435 = tpu.vector_load %arg9[%get3A_433, %get3A_434] {strides = array<i32>} : memref<80x128xi32, #tpu.memory_space<vmem>>, vector<1x16xi32>,
    %get3A_436 = vector.shape_cast %get3A_435 : vector<1x16xi32> to vector<16xi32>
    %and3A_437 = arith.constant 65535 : i32
    %and3A_438 = vector.broadcast %and3A_437 : i32 to vector<16xi32>
    %and3A_439 = arith.andi %get3A_436, %and3A_438 : vector<16xi32>
    %swap3A_440 = arith.constant 3 : i32
    %swap3A_441 = arith.index_cast %swap3A_440 : i32 to index
    %swap3A_442 = arith.constant 80 : index
    %swap3A_443 = tpu.vector_load %arg11[%swap3A_441, %swap3A_442] {strides = array<i32>} : memref<4x128xi32, #tpu.memory_space<vmem>>, vector<1x16xi32>,
    %swap3A_444 = vector.shape_cast %swap3A_443 : vector<1x16xi32> to vector<16xi32>
    %swap3A_445 = vector.shape_cast %and3A_439 : vector<16xi32> to vector<1x16xi32>
    tpu.vector_store %arg11[%swap3A_441, %swap3A_442], %swap3A_445 {strides = array<i32>} : memref<4x128xi32, #tpu.memory_space<vmem>>, vector<1x16xi32>,
    %get3A_446 = arith.constant 1 : i32
    %get3A_447 = arith.index_cast %get3A_446 : i32 to index
    %get3A_448 = arith.constant 96 : index
    %get3A_449 = tpu.vector_load %arg9[%get3A_447, %get3A_448] {strides = array<i32>} : memref<80x128xi32, #tpu.memory_space<vmem>>, vector<1x16xi32>,
    %get3A_450 = vector.shape_cast %get3A_449 : vector<1x16xi32> to vector<16xi32>
    %and3A_451 = arith.constant 65535 : i32
    %and3A_452 = vector.broadcast %and3A_451 : i32 to vector<16xi32>
    %and3A_453 = arith.andi %get3A_450, %and3A_452 : vector<16xi32>
    %swap3A_454 = arith.constant 3 : i32
    %swap3A_455 = arith.index_cast %swap3A_454 : i32 to index
    %swap3A_456 = arith.constant 96 : index
    %swap3A_457 = tpu.vector_load %arg11[%swap3A_455, %swap3A_456] {strides = array<i32>} : memref<4x128xi32, #tpu.memory_space<vmem>>, vector<1x16xi32>,
    %swap3A_458 = vector.shape_cast %swap3A_457 : vector<1x16xi32> to vector<16xi32>
    %swap3A_459 = vector.shape_cast %and3A_453 : vector<16xi32> to vector<1x16xi32>
    tpu.vector_store %arg11[%swap3A_455, %swap3A_456], %swap3A_459 {strides = array<i32>} : memref<4x128xi32, #tpu.memory_space<vmem>>, vector<1x16xi32>,
    %get3A_460 = arith.constant 1 : i32
    %get3A_461 = arith.index_cast %get3A_460 : i32 to index
    %get3A_462 = arith.constant 112 : index
    %get3A_463 = tpu.vector_load %arg9[%get3A_461, %get3A_462] {strides = array<i32>} : memref<80x128xi32, #tpu.memory_space<vmem>>, vector<1x16xi32>,
    %get3A_464 = vector.shape_cast %get3A_463 : vector<1x16xi32> to vector<16xi32>
    %and3A_465 = arith.constant 65535 : i32
    %and3A_466 = vector.broadcast %and3A_465 : i32 to vector<16xi32>
    %and3A_467 = arith.andi %get3A_464, %and3A_466 : vector<16xi32>
    %swap3A_468 = arith.constant 3 : i32
    %swap3A_469 = arith.index_cast %swap3A_468 : i32 to index
    %swap3A_470 = arith.constant 112 : index
    %swap3A_471 = tpu.vector_load %arg11[%swap3A_469, %swap3A_470] {strides = array<i32>} : memref<4x128xi32, #tpu.memory_space<vmem>>, vector<1x16xi32>,
    %swap3A_472 = vector.shape_cast %swap3A_471 : vector<1x16xi32> to vector<16xi32>
    %swap3A_473 = vector.shape_cast %and3A_467 : vector<16xi32> to vector<1x16xi32>
    tpu.vector_store %arg11[%swap3A_469, %swap3A_470], %swap3A_473 {strides = array<i32>} : memref<4x128xi32, #tpu.memory_space<vmem>>, vector<1x16xi32>,
    %dma_start3A_474 = arith.constant 3 : i32
    %dma_start3A_475 = arith.constant 0 : i32
    %dma_start3A_476 = tpu.memref_slice %arg11[%dma_start3A_474, %dma_start3A_475] : memref<4x128xi32, #tpu.memory_space<vmem>> -> memref<1x128xi32, #tpu.memory_space<vmem>>
    %dma_start3A_477 = tpu.memref_squeeze %dma_start3A_476 : memref<1x128xi32, #tpu.memory_space<vmem>> -> memref<128xi32, #tpu.memory_space<vmem>>
    %dma_start3A_478 = arith.constant 0 : i32
    %dma_start3A_479 = arith.constant 0 : i32
    %dma_start3A_480 = tpu.memref_slice %arg22[%dma_start3A_478, %dma_start3A_479] : memref<10240x128xf32, #tpu.memory_space<vmem_shared>> -> memref<10240x128xf32, #tpu.memory_space<vmem_shared>>
    tpu.enqueue_indirect_dma source(%arg13 : memref<128x128xf32, #tpu.memory_space<vmem>>) target(%dma_start3A_480 : memref<10240x128xf32, #tpu.memory_space<vmem_shared>>) offsets(%dma_start3A_477 : memref<128xi32, #tpu.memory_space<vmem>>) semaphore(%arg17 : memref<!tpu.dma_semaphore, #tpu.memory_space<semaphore_mem>>) {add = true}
    %scan3A = arith.constant 0 : i32
    %scan3A_481 = arith.constant 1 : i32
    %scan3A_482 = arith.constant 38 : i32
    %scan3A_483 = arith.addi %scan3A_481, %scan3A_482 : i32
    %scan3A_484 = arith.constant 1 : i32
    scf.for %scan3A_645 = %scan3A_481 to %scan3A_483 step %scan3A_484  : i32 {
      %mul3A_646 = arith.constant 2 : i32
      %mul3A_647 = arith.muli %mul3A_646, %scan3A_645 : i32
      %dma_wait3A_648 = arith.constant 2 : i32
      %dma_wait3A_649 = arith.constant 0 : i32
      %dma_wait3A_650 = tpu.memref_slice %arg11[%dma_wait3A_648, %dma_wait3A_649] : memref<4x128xi32, #tpu.memory_space<vmem>> -> memref<1x128xi32, #tpu.memory_space<vmem>>
      %dma_wait3A_651 = tpu.memref_squeeze %dma_wait3A_650 : memref<1x128xi32, #tpu.memory_space<vmem>> -> memref<128xi32, #tpu.memory_space<vmem>>
      %dma_wait3A_652 = arith.constant 0 : i32
      %dma_wait3A_653 = arith.constant 0 : i32
      %dma_wait3A_654 = tpu.memref_slice %arg22[%dma_wait3A_652, %dma_wait3A_653] : memref<10240x128xf32, #tpu.memory_space<vmem_shared>> -> memref<10240x128xf32, #tpu.memory_space<vmem_shared>>
      tpu.wait_indirect_dma semaphore(%arg16 : memref<!tpu.dma_semaphore, #tpu.memory_space<semaphore_mem>>) src(%arg13 : memref<128x128xf32, #tpu.memory_space<vmem>>) dst(%dma_wait3A_654 : memref<10240x128xf32, #tpu.memory_space<vmem_shared>>)
      %get3A_655 = arith.index_cast %mul3A_647 : i32 to index
      %get3A_656 = arith.constant 0 : index
      %get3A_657 = tpu.vector_load %arg9[%get3A_655, %get3A_656] {strides = array<i32>} : memref<80x128xi32, #tpu.memory_space<vmem>>, vector<1x16xi32>,
      %get3A_658 = vector.shape_cast %get3A_657 : vector<1x16xi32> to vector<16xi32>
      %and3A_659 = arith.constant 65535 : i32
      %and3A_660 = vector.broadcast %and3A_659 : i32 to vector<16xi32>
      %and3A_661 = arith.andi %get3A_658, %and3A_660 : vector<16xi32>
      %swap3A_662 = arith.constant 2 : i32
      %swap3A_663 = arith.index_cast %swap3A_662 : i32 to index
      %swap3A_664 = arith.constant 0 : index
      %swap3A_665 = tpu.vector_load %arg11[%swap3A_663, %swap3A_664] {strides = array<i32>} : memref<4x128xi32, #tpu.memory_space<vmem>>, vector<1x16xi32>,
      %swap3A_666 = vector.shape_cast %swap3A_665 : vector<1x16xi32> to vector<16xi32>
      %swap3A_667 = vector.shape_cast %and3A_661 : vector<16xi32> to vector<1x16xi32>
      tpu.vector_store %arg11[%swap3A_663, %swap3A_664], %swap3A_667 {strides = array<i32>} : memref<4x128xi32, #tpu.memory_space<vmem>>, vector<1x16xi32>,
      %get3A_668 = arith.index_cast %mul3A_647 : i32 to index
      %get3A_669 = arith.constant 16 : index
      %get3A_670 = tpu.vector_load %arg9[%get3A_668, %get3A_669] {strides = array<i32>} : memref<80x128xi32, #tpu.memory_space<vmem>>, vector<1x16xi32>,
      %get3A_671 = vector.shape_cast %get3A_670 : vector<1x16xi32> to vector<16xi32>
      %and3A_672 = arith.constant 65535 : i32
      %and3A_673 = vector.broadcast %and3A_672 : i32 to vector<16xi32>
      %and3A_674 = arith.andi %get3A_671, %and3A_673 : vector<16xi32>
      %swap3A_675 = arith.constant 2 : i32
      %swap3A_676 = arith.index_cast %swap3A_675 : i32 to index
      %swap3A_677 = arith.constant 16 : index
      %swap3A_678 = tpu.vector_load %arg11[%swap3A_676, %swap3A_677] {strides = array<i32>} : memref<4x128xi32, #tpu.memory_space<vmem>>, vector<1x16xi32>,
      %swap3A_679 = vector.shape_cast %swap3A_678 : vector<1x16xi32> to vector<16xi32>
      %swap3A_680 = vector.shape_cast %and3A_674 : vector<16xi32> to vector<1x16xi32>
      tpu.vector_store %arg11[%swap3A_676, %swap3A_677], %swap3A_680 {strides = array<i32>} : memref<4x128xi32, #tpu.memory_space<vmem>>, vector<1x16xi32>,
      %get3A_681 = arith.index_cast %mul3A_647 : i32 to index
      %get3A_682 = arith.constant 32 : index
      %get3A_683 = tpu.vector_load %arg9[%get3A_681, %get3A_682] {strides = array<i32>} : memref<80x128xi32, #tpu.memory_space<vmem>>, vector<1x16xi32>,
      %get3A_684 = vector.shape_cast %get3A_683 : vector<1x16xi32> to vector<16xi32>
      %and3A_685 = arith.constant 65535 : i32
      %and3A_686 = vector.broadcast %and3A_685 : i32 to vector<16xi32>
      %and3A_687 = arith.andi %get3A_684, %and3A_686 : vector<16xi32>
      %swap3A_688 = arith.constant 2 : i32
      %swap3A_689 = arith.index_cast %swap3A_688 : i32 to index
      %swap3A_690 = arith.constant 32 : index
      %swap3A_691 = tpu.vector_load %arg11[%swap3A_689, %swap3A_690] {strides = array<i32>} : memref<4x128xi32, #tpu.memory_space<vmem>>, vector<1x16xi32>,
      %swap3A_692 = vector.shape_cast %swap3A_691 : vector<1x16xi32> to vector<16xi32>
      %swap3A_693 = vector.shape_cast %and3A_687 : vector<16xi32> to vector<1x16xi32>
      tpu.vector_store %arg11[%swap3A_689, %swap3A_690], %swap3A_693 {strides = array<i32>} : memref<4x128xi32, #tpu.memory_space<vmem>>, vector<1x16xi32>,
      %get3A_694 = arith.index_cast %mul3A_647 : i32 to index
      %get3A_695 = arith.constant 48 : index
      %get3A_696 = tpu.vector_load %arg9[%get3A_694, %get3A_695] {strides = array<i32>} : memref<80x128xi32, #tpu.memory_space<vmem>>, vector<1x16xi32>,
      %get3A_697 = vector.shape_cast %get3A_696 : vector<1x16xi32> to vector<16xi32>
      %and3A_698 = arith.constant 65535 : i32
      %and3A_699 = vector.broadcast %and3A_698 : i32 to vector<16xi32>
      %and3A_700 = arith.andi %get3A_697, %and3A_699 : vector<16xi32>
      %swap3A_701 = arith.constant 2 : i32
      %swap3A_702 = arith.index_cast %swap3A_701 : i32 to index
      %swap3A_703 = arith.constant 48 : index
      %swap3A_704 = tpu.vector_load %arg11[%swap3A_702, %swap3A_703] {strides = array<i32>} : memref<4x128xi32, #tpu.memory_space<vmem>>, vector<1x16xi32>,
      %swap3A_705 = vector.shape_cast %swap3A_704 : vector<1x16xi32> to vector<16xi32>
      %swap3A_706 = vector.shape_cast %and3A_700 : vector<16xi32> to vector<1x16xi32>
      tpu.vector_store %arg11[%swap3A_702, %swap3A_703], %swap3A_706 {strides = array<i32>} : memref<4x128xi32, #tpu.memory_space<vmem>>, vector<1x16xi32>,
      %get3A_707 = arith.index_cast %mul3A_647 : i32 to index
      %get3A_708 = arith.constant 64 : index
      %get3A_709 = tpu.vector_load %arg9[%get3A_707, %get3A_708] {strides = array<i32>} : memref<80x128xi32, #tpu.memory_space<vmem>>, vector<1x16xi32>,
      %get3A_710 = vector.shape_cast %get3A_709 : vector<1x16xi32> to vector<16xi32>
      %and3A_711 = arith.constant 65535 : i32
      %and3A_712 = vector.broadcast %and3A_711 : i32 to vector<16xi32>
      %and3A_713 = arith.andi %get3A_710, %and3A_712 : vector<16xi32>
      %swap3A_714 = arith.constant 2 : i32
      %swap3A_715 = arith.index_cast %swap3A_714 : i32 to index
      %swap3A_716 = arith.constant 64 : index
      %swap3A_717 = tpu.vector_load %arg11[%swap3A_715, %swap3A_716] {strides = array<i32>} : memref<4x128xi32, #tpu.memory_space<vmem>>, vector<1x16xi32>,
      %swap3A_718 = vector.shape_cast %swap3A_717 : vector<1x16xi32> to vector<16xi32>
      %swap3A_719 = vector.shape_cast %and3A_713 : vector<16xi32> to vector<1x16xi32>
      tpu.vector_store %arg11[%swap3A_715, %swap3A_716], %swap3A_719 {strides = array<i32>} : memref<4x128xi32, #tpu.memory_space<vmem>>, vector<1x16xi32>,
      %get3A_720 = arith.index_cast %mul3A_647 : i32 to index
      %get3A_721 = arith.constant 80 : index
      %get3A_722 = tpu.vector_load %arg9[%get3A_720, %get3A_721] {strides = array<i32>} : memref<80x128xi32, #tpu.memory_space<vmem>>, vector<1x16xi32>,
      %get3A_723 = vector.shape_cast %get3A_722 : vector<1x16xi32> to vector<16xi32>
      %and3A_724 = arith.constant 65535 : i32
      %and3A_725 = vector.broadcast %and3A_724 : i32 to vector<16xi32>
      %and3A_726 = arith.andi %get3A_723, %and3A_725 : vector<16xi32>
      %swap3A_727 = arith.constant 2 : i32
      %swap3A_728 = arith.index_cast %swap3A_727 : i32 to index
      %swap3A_729 = arith.constant 80 : index
      %swap3A_730 = tpu.vector_load %arg11[%swap3A_728, %swap3A_729] {strides = array<i32>} : memref<4x128xi32, #tpu.memory_space<vmem>>, vector<1x16xi32>,
      %swap3A_731 = vector.shape_cast %swap3A_730 : vector<1x16xi32> to vector<16xi32>
      %swap3A_732 = vector.shape_cast %and3A_726 : vector<16xi32> to vector<1x16xi32>
      tpu.vector_store %arg11[%swap3A_728, %swap3A_729], %swap3A_732 {strides = array<i32>} : memref<4x128xi32, #tpu.memory_space<vmem>>, vector<1x16xi32>,
      %get3A_733 = arith.index_cast %mul3A_647 : i32 to index
      %get3A_734 = arith.constant 96 : index
      %get3A_735 = tpu.vector_load %arg9[%get3A_733, %get3A_734] {strides = array<i32>} : memref<80x128xi32, #tpu.memory_space<vmem>>, vector<1x16xi32>,
      %get3A_736 = vector.shape_cast %get3A_735 : vector<1x16xi32> to vector<16xi32>
      %and3A_737 = arith.constant 65535 : i32
      %and3A_738 = vector.broadcast %and3A_737 : i32 to vector<16xi32>
      %and3A_739 = arith.andi %get3A_736, %and3A_738 : vector<16xi32>
      %swap3A_740 = arith.constant 2 : i32
      %swap3A_741 = arith.index_cast %swap3A_740 : i32 to index
      %swap3A_742 = arith.constant 96 : index
      %swap3A_743 = tpu.vector_load %arg11[%swap3A_741, %swap3A_742] {strides = array<i32>} : memref<4x128xi32, #tpu.memory_space<vmem>>, vector<1x16xi32>,
      %swap3A_744 = vector.shape_cast %swap3A_743 : vector<1x16xi32> to vector<16xi32>
      %swap3A_745 = vector.shape_cast %and3A_739 : vector<16xi32> to vector<1x16xi32>
      tpu.vector_store %arg11[%swap3A_741, %swap3A_742], %swap3A_745 {strides = array<i32>} : memref<4x128xi32, #tpu.memory_space<vmem>>, vector<1x16xi32>,
      %get3A_746 = arith.index_cast %mul3A_647 : i32 to index
      %get3A_747 = arith.constant 112 : index
      %get3A_748 = tpu.vector_load %arg9[%get3A_746, %get3A_747] {strides = array<i32>} : memref<80x128xi32, #tpu.memory_space<vmem>>, vector<1x16xi32>,
      %get3A_749 = vector.shape_cast %get3A_748 : vector<1x16xi32> to vector<16xi32>
      %and3A_750 = arith.constant 65535 : i32
      %and3A_751 = vector.broadcast %and3A_750 : i32 to vector<16xi32>
      %and3A_752 = arith.andi %get3A_749, %and3A_751 : vector<16xi32>
      %swap3A_753 = arith.constant 2 : i32
      %swap3A_754 = arith.index_cast %swap3A_753 : i32 to index
      %swap3A_755 = arith.constant 112 : index
      %swap3A_756 = tpu.vector_load %arg11[%swap3A_754, %swap3A_755] {strides = array<i32>} : memref<4x128xi32, #tpu.memory_space<vmem>>, vector<1x16xi32>,
      %swap3A_757 = vector.shape_cast %swap3A_756 : vector<1x16xi32> to vector<16xi32>
      %swap3A_758 = vector.shape_cast %and3A_752 : vector<16xi32> to vector<1x16xi32>
      tpu.vector_store %arg11[%swap3A_754, %swap3A_755], %swap3A_758 {strides = array<i32>} : memref<4x128xi32, #tpu.memory_space<vmem>>, vector<1x16xi32>,
      %dma_start3A_759 = arith.constant 2 : i32
      %dma_start3A_760 = arith.constant 0 : i32
      %dma_start3A_761 = tpu.memref_slice %arg11[%dma_start3A_759, %dma_start3A_760] : memref<4x128xi32, #tpu.memory_space<vmem>> -> memref<1x128xi32, #tpu.memory_space<vmem>>
      %dma_start3A_762 = tpu.memref_squeeze %dma_start3A_761 : memref<1x128xi32, #tpu.memory_space<vmem>> -> memref<128xi32, #tpu.memory_space<vmem>>
      %dma_start3A_763 = arith.constant 0 : i32
      %dma_start3A_764 = arith.constant 0 : i32
      %dma_start3A_765 = tpu.memref_slice %arg22[%dma_start3A_763, %dma_start3A_764] : memref<10240x128xf32, #tpu.memory_space<vmem_shared>> -> memref<10240x128xf32, #tpu.memory_space<vmem_shared>>
      tpu.enqueue_indirect_dma source(%arg13 : memref<128x128xf32, #tpu.memory_space<vmem>>) target(%dma_start3A_765 : memref<10240x128xf32, #tpu.memory_space<vmem_shared>>) offsets(%dma_start3A_762 : memref<128xi32, #tpu.memory_space<vmem>>) semaphore(%arg16 : memref<!tpu.dma_semaphore, #tpu.memory_space<semaphore_mem>>) {add = true}
      %dma_wait3A_766 = arith.constant 3 : i32
      %dma_wait3A_767 = arith.constant 0 : i32
      %dma_wait3A_768 = tpu.memref_slice %arg11[%dma_wait3A_766, %dma_wait3A_767] : memref<4x128xi32, #tpu.memory_space<vmem>> -> memref<1x128xi32, #tpu.memory_space<vmem>>
      %dma_wait3A_769 = tpu.memref_squeeze %dma_wait3A_768 : memref<1x128xi32, #tpu.memory_space<vmem>> -> memref<128xi32, #tpu.memory_space<vmem>>
      %dma_wait3A_770 = arith.constant 0 : i32
      %dma_wait3A_771 = arith.constant 0 : i32
      %dma_wait3A_772 = tpu.memref_slice %arg22[%dma_wait3A_770, %dma_wait3A_771] : memref<10240x128xf32, #tpu.memory_space<vmem_shared>> -> memref<10240x128xf32, #tpu.memory_space<vmem_shared>>
      tpu.wait_indirect_dma semaphore(%arg17 : memref<!tpu.dma_semaphore, #tpu.memory_space<semaphore_mem>>) src(%arg13 : memref<128x128xf32, #tpu.memory_space<vmem>>) dst(%dma_wait3A_772 : memref<10240x128xf32, #tpu.memory_space<vmem_shared>>)
      %add3A_773 = arith.constant 1 : i32
      %add3A_774 = arith.addi %mul3A_647, %add3A_773 : i32
      %get3A_775 = arith.index_cast %add3A_774 : i32 to index
      %get3A_776 = arith.constant 0 : index
      %get3A_777 = tpu.vector_load %arg9[%get3A_775, %get3A_776] {strides = array<i32>} : memref<80x128xi32, #tpu.memory_space<vmem>>, vector<1x16xi32>,
      %get3A_778 = vector.shape_cast %get3A_777 : vector<1x16xi32> to vector<16xi32>
      %and3A_779 = arith.constant 65535 : i32
      %and3A_780 = vector.broadcast %and3A_779 : i32 to vector<16xi32>
      %and3A_781 = arith.andi %get3A_778, %and3A_780 : vector<16xi32>
      %swap3A_782 = arith.constant 3 : i32
      %swap3A_783 = arith.index_cast %swap3A_782 : i32 to index
      %swap3A_784 = arith.constant 0 : index
      %swap3A_785 = tpu.vector_load %arg11[%swap3A_783, %swap3A_784] {strides = array<i32>} : memref<4x128xi32, #tpu.memory_space<vmem>>, vector<1x16xi32>,
      %swap3A_786 = vector.shape_cast %swap3A_785 : vector<1x16xi32> to vector<16xi32>
      %swap3A_787 = vector.shape_cast %and3A_781 : vector<16xi32> to vector<1x16xi32>
      tpu.vector_store %arg11[%swap3A_783, %swap3A_784], %swap3A_787 {strides = array<i32>} : memref<4x128xi32, #tpu.memory_space<vmem>>, vector<1x16xi32>,
      %get3A_788 = arith.index_cast %add3A_774 : i32 to index
      %get3A_789 = arith.constant 16 : index
      %get3A_790 = tpu.vector_load %arg9[%get3A_788, %get3A_789] {strides = array<i32>} : memref<80x128xi32, #tpu.memory_space<vmem>>, vector<1x16xi32>,
      %get3A_791 = vector.shape_cast %get3A_790 : vector<1x16xi32> to vector<16xi32>
      %and3A_792 = arith.constant 65535 : i32
      %and3A_793 = vector.broadcast %and3A_792 : i32 to vector<16xi32>
      %and3A_794 = arith.andi %get3A_791, %and3A_793 : vector<16xi32>
      %swap3A_795 = arith.constant 3 : i32
      %swap3A_796 = arith.index_cast %swap3A_795 : i32 to index
      %swap3A_797 = arith.constant 16 : index
      %swap3A_798 = tpu.vector_load %arg11[%swap3A_796, %swap3A_797] {strides = array<i32>} : memref<4x128xi32, #tpu.memory_space<vmem>>, vector<1x16xi32>,
      %swap3A_799 = vector.shape_cast %swap3A_798 : vector<1x16xi32> to vector<16xi32>
      %swap3A_800 = vector.shape_cast %and3A_794 : vector<16xi32> to vector<1x16xi32>
      tpu.vector_store %arg11[%swap3A_796, %swap3A_797], %swap3A_800 {strides = array<i32>} : memref<4x128xi32, #tpu.memory_space<vmem>>, vector<1x16xi32>,
      %get3A_801 = arith.index_cast %add3A_774 : i32 to index
      %get3A_802 = arith.constant 32 : index
      %get3A_803 = tpu.vector_load %arg9[%get3A_801, %get3A_802] {strides = array<i32>} : memref<80x128xi32, #tpu.memory_space<vmem>>, vector<1x16xi32>,
      %get3A_804 = vector.shape_cast %get3A_803 : vector<1x16xi32> to vector<16xi32>
      %and3A_805 = arith.constant 65535 : i32
      %and3A_806 = vector.broadcast %and3A_805 : i32 to vector<16xi32>
      %and3A_807 = arith.andi %get3A_804, %and3A_806 : vector<16xi32>
      %swap3A_808 = arith.constant 3 : i32
      %swap3A_809 = arith.index_cast %swap3A_808 : i32 to index
      %swap3A_810 = arith.constant 32 : index
      %swap3A_811 = tpu.vector_load %arg11[%swap3A_809, %swap3A_810] {strides = array<i32>} : memref<4x128xi32, #tpu.memory_space<vmem>>, vector<1x16xi32>,
      %swap3A_812 = vector.shape_cast %swap3A_811 : vector<1x16xi32> to vector<16xi32>
      %swap3A_813 = vector.shape_cast %and3A_807 : vector<16xi32> to vector<1x16xi32>
      tpu.vector_store %arg11[%swap3A_809, %swap3A_810], %swap3A_813 {strides = array<i32>} : memref<4x128xi32, #tpu.memory_space<vmem>>, vector<1x16xi32>,
      %get3A_814 = arith.index_cast %add3A_774 : i32 to index
      %get3A_815 = arith.constant 48 : index
      %get3A_816 = tpu.vector_load %arg9[%get3A_814, %get3A_815] {strides = array<i32>} : memref<80x128xi32, #tpu.memory_space<vmem>>, vector<1x16xi32>,
      %get3A_817 = vector.shape_cast %get3A_816 : vector<1x16xi32> to vector<16xi32>
      %and3A_818 = arith.constant 65535 : i32
      %and3A_819 = vector.broadcast %and3A_818 : i32 to vector<16xi32>
      %and3A_820 = arith.andi %get3A_817, %and3A_819 : vector<16xi32>
      %swap3A_821 = arith.constant 3 : i32
      %swap3A_822 = arith.index_cast %swap3A_821 : i32 to index
      %swap3A_823 = arith.constant 48 : index
      %swap3A_824 = tpu.vector_load %arg11[%swap3A_822, %swap3A_823] {strides = array<i32>} : memref<4x128xi32, #tpu.memory_space<vmem>>, vector<1x16xi32>,
      %swap3A_825 = vector.shape_cast %swap3A_824 : vector<1x16xi32> to vector<16xi32>
      %swap3A_826 = vector.shape_cast %and3A_820 : vector<16xi32> to vector<1x16xi32>
      tpu.vector_store %arg11[%swap3A_822, %swap3A_823], %swap3A_826 {strides = array<i32>} : memref<4x128xi32, #tpu.memory_space<vmem>>, vector<1x16xi32>,
      %get3A_827 = arith.index_cast %add3A_774 : i32 to index
      %get3A_828 = arith.constant 64 : index
      %get3A_829 = tpu.vector_load %arg9[%get3A_827, %get3A_828] {strides = array<i32>} : memref<80x128xi32, #tpu.memory_space<vmem>>, vector<1x16xi32>,
      %get3A_830 = vector.shape_cast %get3A_829 : vector<1x16xi32> to vector<16xi32>
      %and3A_831 = arith.constant 65535 : i32
      %and3A_832 = vector.broadcast %and3A_831 : i32 to vector<16xi32>
      %and3A_833 = arith.andi %get3A_830, %and3A_832 : vector<16xi32>
      %swap3A_834 = arith.constant 3 : i32
      %swap3A_835 = arith.index_cast %swap3A_834 : i32 to index
      %swap3A_836 = arith.constant 64 : index
      %swap3A_837 = tpu.vector_load %arg11[%swap3A_835, %swap3A_836] {strides = array<i32>} : memref<4x128xi32, #tpu.memory_space<vmem>>, vector<1x16xi32>,
      %swap3A_838 = vector.shape_cast %swap3A_837 : vector<1x16xi32> to vector<16xi32>
      %swap3A_839 = vector.shape_cast %and3A_833 : vector<16xi32> to vector<1x16xi32>
      tpu.vector_store %arg11[%swap3A_835, %swap3A_836], %swap3A_839 {strides = array<i32>} : memref<4x128xi32, #tpu.memory_space<vmem>>, vector<1x16xi32>,
      %get3A_840 = arith.index_cast %add3A_774 : i32 to index
      %get3A_841 = arith.constant 80 : index
      %get3A_842 = tpu.vector_load %arg9[%get3A_840, %get3A_841] {strides = array<i32>} : memref<80x128xi32, #tpu.memory_space<vmem>>, vector<1x16xi32>,
      %get3A_843 = vector.shape_cast %get3A_842 : vector<1x16xi32> to vector<16xi32>
      %and3A_844 = arith.constant 65535 : i32
      %and3A_845 = vector.broadcast %and3A_844 : i32 to vector<16xi32>
      %and3A_846 = arith.andi %get3A_843, %and3A_845 : vector<16xi32>
      %swap3A_847 = arith.constant 3 : i32
      %swap3A_848 = arith.index_cast %swap3A_847 : i32 to index
      %swap3A_849 = arith.constant 80 : index
      %swap3A_850 = tpu.vector_load %arg11[%swap3A_848, %swap3A_849] {strides = array<i32>} : memref<4x128xi32, #tpu.memory_space<vmem>>, vector<1x16xi32>,
      %swap3A_851 = vector.shape_cast %swap3A_850 : vector<1x16xi32> to vector<16xi32>
      %swap3A_852 = vector.shape_cast %and3A_846 : vector<16xi32> to vector<1x16xi32>
      tpu.vector_store %arg11[%swap3A_848, %swap3A_849], %swap3A_852 {strides = array<i32>} : memref<4x128xi32, #tpu.memory_space<vmem>>, vector<1x16xi32>,
      %get3A_853 = arith.index_cast %add3A_774 : i32 to index
      %get3A_854 = arith.constant 96 : index
      %get3A_855 = tpu.vector_load %arg9[%get3A_853, %get3A_854] {strides = array<i32>} : memref<80x128xi32, #tpu.memory_space<vmem>>, vector<1x16xi32>,
      %get3A_856 = vector.shape_cast %get3A_855 : vector<1x16xi32> to vector<16xi32>
      %and3A_857 = arith.constant 65535 : i32
      %and3A_858 = vector.broadcast %and3A_857 : i32 to vector<16xi32>
      %and3A_859 = arith.andi %get3A_856, %and3A_858 : vector<16xi32>
      %swap3A_860 = arith.constant 3 : i32
      %swap3A_861 = arith.index_cast %swap3A_860 : i32 to index
      %swap3A_862 = arith.constant 96 : index
      %swap3A_863 = tpu.vector_load %arg11[%swap3A_861, %swap3A_862] {strides = array<i32>} : memref<4x128xi32, #tpu.memory_space<vmem>>, vector<1x16xi32>,
      %swap3A_864 = vector.shape_cast %swap3A_863 : vector<1x16xi32> to vector<16xi32>
      %swap3A_865 = vector.shape_cast %and3A_859 : vector<16xi32> to vector<1x16xi32>
      tpu.vector_store %arg11[%swap3A_861, %swap3A_862], %swap3A_865 {strides = array<i32>} : memref<4x128xi32, #tpu.memory_space<vmem>>, vector<1x16xi32>,
      %get3A_866 = arith.index_cast %add3A_774 : i32 to index
      %get3A_867 = arith.constant 112 : index
      %get3A_868 = tpu.vector_load %arg9[%get3A_866, %get3A_867] {strides = array<i32>} : memref<80x128xi32, #tpu.memory_space<vmem>>, vector<1x16xi32>,
      %get3A_869 = vector.shape_cast %get3A_868 : vector<1x16xi32> to vector<16xi32>
      %and3A_870 = arith.constant 65535 : i32
      %and3A_871 = vector.broadcast %and3A_870 : i32 to vector<16xi32>
      %and3A_872 = arith.andi %get3A_869, %and3A_871 : vector<16xi32>
      %swap3A_873 = arith.constant 3 : i32
      %swap3A_874 = arith.index_cast %swap3A_873 : i32 to index
      %swap3A_875 = arith.constant 112 : index
      %swap3A_876 = tpu.vector_load %arg11[%swap3A_874, %swap3A_875] {strides = array<i32>} : memref<4x128xi32, #tpu.memory_space<vmem>>, vector<1x16xi32>,
      %swap3A_877 = vector.shape_cast %swap3A_876 : vector<1x16xi32> to vector<16xi32>
      %swap3A_878 = vector.shape_cast %and3A_872 : vector<16xi32> to vector<1x16xi32>
      tpu.vector_store %arg11[%swap3A_874, %swap3A_875], %swap3A_878 {strides = array<i32>} : memref<4x128xi32, #tpu.memory_space<vmem>>, vector<1x16xi32>,
      %dma_start3A_879 = arith.constant 3 : i32
      %dma_start3A_880 = arith.constant 0 : i32
      %dma_start3A_881 = tpu.memref_slice %arg11[%dma_start3A_879, %dma_start3A_880] : memref<4x128xi32, #tpu.memory_space<vmem>> -> memref<1x128xi32, #tpu.memory_space<vmem>>
      %dma_start3A_882 = tpu.memref_squeeze %dma_start3A_881 : memref<1x128xi32, #tpu.memory_space<vmem>> -> memref<128xi32, #tpu.memory_space<vmem>>
      %dma_start3A_883 = arith.constant 0 : i32
      %dma_start3A_884 = arith.constant 0 : i32
      %dma_start3A_885 = tpu.memref_slice %arg22[%dma_start3A_883, %dma_start3A_884] : memref<10240x128xf32, #tpu.memory_space<vmem_shared>> -> memref<10240x128xf32, #tpu.memory_space<vmem_shared>>
      tpu.enqueue_indirect_dma source(%arg13 : memref<128x128xf32, #tpu.memory_space<vmem>>) target(%dma_start3A_885 : memref<10240x128xf32, #tpu.memory_space<vmem_shared>>) offsets(%dma_start3A_882 : memref<128xi32, #tpu.memory_space<vmem>>) semaphore(%arg17 : memref<!tpu.dma_semaphore, #tpu.memory_space<semaphore_mem>>) {add = true}
    }
    %scan3A_485 = arith.constant 38 : i32
    %dma_wait3A_486 = arith.constant 2 : i32
    %dma_wait3A_487 = arith.constant 0 : i32
    %dma_wait3A_488 = tpu.memref_slice %arg11[%dma_wait3A_486, %dma_wait3A_487] : memref<4x128xi32, #tpu.memory_space<vmem>> -> memref<1x128xi32, #tpu.memory_space<vmem>>
    %dma_wait3A_489 = tpu.memref_squeeze %dma_wait3A_488 : memref<1x128xi32, #tpu.memory_space<vmem>> -> memref<128xi32, #tpu.memory_space<vmem>>
    %dma_wait3A_490 = arith.constant 0 : i32
    %dma_wait3A_491 = arith.constant 0 : i32
    %dma_wait3A_492 = tpu.memref_slice %arg22[%dma_wait3A_490, %dma_wait3A_491] : memref<10240x128xf32, #tpu.memory_space<vmem_shared>> -> memref<10240x128xf32, #tpu.memory_space<vmem_shared>>
    tpu.wait_indirect_dma semaphore(%arg16 : memref<!tpu.dma_semaphore, #tpu.memory_space<semaphore_mem>>) src(%arg13 : memref<128x128xf32, #tpu.memory_space<vmem>>) dst(%dma_wait3A_492 : memref<10240x128xf32, #tpu.memory_space<vmem_shared>>)
    %get3A_493 = arith.constant 78 : i32
    %get3A_494 = arith.index_cast %get3A_493 : i32 to index
    %get3A_495 = arith.constant 0 : index
    %get3A_496 = tpu.vector_load %arg9[%get3A_494, %get3A_495] {strides = array<i32>} : memref<80x128xi32, #tpu.memory_space<vmem>>, vector<1x16xi32>,
    %get3A_497 = vector.shape_cast %get3A_496 : vector<1x16xi32> to vector<16xi32>
    %and3A_498 = arith.constant 65535 : i32
    %and3A_499 = vector.broadcast %and3A_498 : i32 to vector<16xi32>
    %and3A_500 = arith.andi %get3A_497, %and3A_499 : vector<16xi32>
    %swap3A_501 = arith.constant 2 : i32
    %swap3A_502 = arith.index_cast %swap3A_501 : i32 to index
    %swap3A_503 = arith.constant 0 : index
    %swap3A_504 = tpu.vector_load %arg11[%swap3A_502, %swap3A_503] {strides = array<i32>} : memref<4x128xi32, #tpu.memory_space<vmem>>, vector<1x16xi32>,
    %swap3A_505 = vector.shape_cast %swap3A_504 : vector<1x16xi32> to vector<16xi32>
    %swap3A_506 = vector.shape_cast %and3A_500 : vector<16xi32> to vector<1x16xi32>
    tpu.vector_store %arg11[%swap3A_502, %swap3A_503], %swap3A_506 {strides = array<i32>} : memref<4x128xi32, #tpu.memory_space<vmem>>, vector<1x16xi32>,
    %get3A_507 = arith.constant 78 : i32
    %get3A_508 = arith.index_cast %get3A_507 : i32 to index
    %get3A_509 = arith.constant 16 : index
    %get3A_510 = tpu.vector_load %arg9[%get3A_508, %get3A_509] {strides = array<i32>} : memref<80x128xi32, #tpu.memory_space<vmem>>, vector<1x16xi32>,
    %get3A_511 = vector.shape_cast %get3A_510 : vector<1x16xi32> to vector<16xi32>
    %and3A_512 = arith.constant 65535 : i32
    %and3A_513 = vector.broadcast %and3A_512 : i32 to vector<16xi32>
    %and3A_514 = arith.andi %get3A_511, %and3A_513 : vector<16xi32>
    %swap3A_515 = arith.constant 2 : i32
    %swap3A_516 = arith.index_cast %swap3A_515 : i32 to index
    %swap3A_517 = arith.constant 16 : index
    %swap3A_518 = tpu.vector_load %arg11[%swap3A_516, %swap3A_517] {strides = array<i32>} : memref<4x128xi32, #tpu.memory_space<vmem>>, vector<1x16xi32>,
    %swap3A_519 = vector.shape_cast %swap3A_518 : vector<1x16xi32> to vector<16xi32>
    %swap3A_520 = vector.shape_cast %and3A_514 : vector<16xi32> to vector<1x16xi32>
    tpu.vector_store %arg11[%swap3A_516, %swap3A_517], %swap3A_520 {strides = array<i32>} : memref<4x128xi32, #tpu.memory_space<vmem>>, vector<1x16xi32>,
    %get3A_521 = arith.constant 78 : i32
    %get3A_522 = arith.index_cast %get3A_521 : i32 to index
    %get3A_523 = arith.constant 32 : index
    %get3A_524 = tpu.vector_load %arg9[%get3A_522, %get3A_523] {strides = array<i32>} : memref<80x128xi32, #tpu.memory_space<vmem>>, vector<1x16xi32>,
    %get3A_525 = vector.shape_cast %get3A_524 : vector<1x16xi32> to vector<16xi32>
    %and3A_526 = arith.constant 65535 : i32
    %and3A_527 = vector.broadcast %and3A_526 : i32 to vector<16xi32>
    %and3A_528 = arith.andi %get3A_525, %and3A_527 : vector<16xi32>
    %swap3A_529 = arith.constant 2 : i32
    %swap3A_530 = arith.index_cast %swap3A_529 : i32 to index
    %swap3A_531 = arith.constant 32 : index
    %swap3A_532 = tpu.vector_load %arg11[%swap3A_530, %swap3A_531] {strides = array<i32>} : memref<4x128xi32, #tpu.memory_space<vmem>>, vector<1x16xi32>,
    %swap3A_533 = vector.shape_cast %swap3A_532 : vector<1x16xi32> to vector<16xi32>
    %swap3A_534 = vector.shape_cast %and3A_528 : vector<16xi32> to vector<1x16xi32>
    tpu.vector_store %arg11[%swap3A_530, %swap3A_531], %swap3A_534 {strides = array<i32>} : memref<4x128xi32, #tpu.memory_space<vmem>>, vector<1x16xi32>,
    %get3A_535 = arith.constant 78 : i32
    %get3A_536 = arith.index_cast %get3A_535 : i32 to index
    %get3A_537 = arith.constant 48 : index
    %get3A_538 = tpu.vector_load %arg9[%get3A_536, %get3A_537] {strides = array<i32>} : memref<80x128xi32, #tpu.memory_space<vmem>>, vector<1x16xi32>,
    %get3A_539 = vector.shape_cast %get3A_538 : vector<1x16xi32> to vector<16xi32>
    %and3A_540 = arith.constant 65535 : i32
    %and3A_541 = vector.broadcast %and3A_540 : i32 to vector<16xi32>
    %and3A_542 = arith.andi %get3A_539, %and3A_541 : vector<16xi32>
    %swap3A_543 = arith.constant 2 : i32
    %swap3A_544 = arith.index_cast %swap3A_543 : i32 to index
    %swap3A_545 = arith.constant 48 : index
    %swap3A_546 = tpu.vector_load %arg11[%swap3A_544, %swap3A_545] {strides = array<i32>} : memref<4x128xi32, #tpu.memory_space<vmem>>, vector<1x16xi32>,
    %swap3A_547 = vector.shape_cast %swap3A_546 : vector<1x16xi32> to vector<16xi32>
    %swap3A_548 = vector.shape_cast %and3A_542 : vector<16xi32> to vector<1x16xi32>
    tpu.vector_store %arg11[%swap3A_544, %swap3A_545], %swap3A_548 {strides = array<i32>} : memref<4x128xi32, #tpu.memory_space<vmem>>, vector<1x16xi32>,
    %get3A_549 = arith.constant 78 : i32
    %get3A_550 = arith.index_cast %get3A_549 : i32 to index
    %get3A_551 = arith.constant 64 : index
    %get3A_552 = tpu.vector_load %arg9[%get3A_550, %get3A_551] {strides = array<i32>} : memref<80x128xi32, #tpu.memory_space<vmem>>, vector<1x16xi32>,
    %get3A_553 = vector.shape_cast %get3A_552 : vector<1x16xi32> to vector<16xi32>
    %and3A_554 = arith.constant 65535 : i32
    %and3A_555 = vector.broadcast %and3A_554 : i32 to vector<16xi32>
    %and3A_556 = arith.andi %get3A_553, %and3A_555 : vector<16xi32>
    %swap3A_557 = arith.constant 2 : i32
    %swap3A_558 = arith.index_cast %swap3A_557 : i32 to index
    %swap3A_559 = arith.constant 64 : index
    %swap3A_560 = tpu.vector_load %arg11[%swap3A_558, %swap3A_559] {strides = array<i32>} : memref<4x128xi32, #tpu.memory_space<vmem>>, vector<1x16xi32>,
    %swap3A_561 = vector.shape_cast %swap3A_560 : vector<1x16xi32> to vector<16xi32>
    %swap3A_562 = vector.shape_cast %and3A_556 : vector<16xi32> to vector<1x16xi32>
    tpu.vector_store %arg11[%swap3A_558, %swap3A_559], %swap3A_562 {strides = array<i32>} : memref<4x128xi32, #tpu.memory_space<vmem>>, vector<1x16xi32>,
    %get3A_563 = arith.constant 78 : i32
    %get3A_564 = arith.index_cast %get3A_563 : i32 to index
    %get3A_565 = arith.constant 80 : index
    %get3A_566 = tpu.vector_load %arg9[%get3A_564, %get3A_565] {strides = array<i32>} : memref<80x128xi32, #tpu.memory_space<vmem>>, vector<1x16xi32>,
    %get3A_567 = vector.shape_cast %get3A_566 : vector<1x16xi32> to vector<16xi32>
    %and3A_568 = arith.constant 65535 : i32
    %and3A_569 = vector.broadcast %and3A_568 : i32 to vector<16xi32>
    %and3A_570 = arith.andi %get3A_567, %and3A_569 : vector<16xi32>
    %swap3A_571 = arith.constant 2 : i32
    %swap3A_572 = arith.index_cast %swap3A_571 : i32 to index
    %swap3A_573 = arith.constant 80 : index
    %swap3A_574 = tpu.vector_load %arg11[%swap3A_572, %swap3A_573] {strides = array<i32>} : memref<4x128xi32, #tpu.memory_space<vmem>>, vector<1x16xi32>,
    %swap3A_575 = vector.shape_cast %swap3A_574 : vector<1x16xi32> to vector<16xi32>
    %swap3A_576 = vector.shape_cast %and3A_570 : vector<16xi32> to vector<1x16xi32>
    tpu.vector_store %arg11[%swap3A_572, %swap3A_573], %swap3A_576 {strides = array<i32>} : memref<4x128xi32, #tpu.memory_space<vmem>>, vector<1x16xi32>,
    %get3A_577 = arith.constant 78 : i32
    %get3A_578 = arith.index_cast %get3A_577 : i32 to index
    %get3A_579 = arith.constant 96 : index
    %get3A_580 = tpu.vector_load %arg9[%get3A_578, %get3A_579] {strides = array<i32>} : memref<80x128xi32, #tpu.memory_space<vmem>>, vector<1x16xi32>,
    %get3A_581 = vector.shape_cast %get3A_580 : vector<1x16xi32> to vector<16xi32>
    %and3A_582 = arith.constant 65535 : i32
    %and3A_583 = vector.broadcast %and3A_582 : i32 to vector<16xi32>
    %and3A_584 = arith.andi %get3A_581, %and3A_583 : vector<16xi32>
    %swap3A_585 = arith.constant 2 : i32
    %swap3A_586 = arith.index_cast %swap3A_585 : i32 to index
    %swap3A_587 = arith.constant 96 : index
    %swap3A_588 = tpu.vector_load %arg11[%swap3A_586, %swap3A_587] {strides = array<i32>} : memref<4x128xi32, #tpu.memory_space<vmem>>, vector<1x16xi32>,
    %swap3A_589 = vector.shape_cast %swap3A_588 : vector<1x16xi32> to vector<16xi32>
    %swap3A_590 = vector.shape_cast %and3A_584 : vector<16xi32> to vector<1x16xi32>
    tpu.vector_store %arg11[%swap3A_586, %swap3A_587], %swap3A_590 {strides = array<i32>} : memref<4x128xi32, #tpu.memory_space<vmem>>, vector<1x16xi32>,
    %get3A_591 = arith.constant 78 : i32
    %get3A_592 = arith.index_cast %get3A_591 : i32 to index
    %get3A_593 = arith.constant 112 : index
    %get3A_594 = tpu.vector_load %arg9[%get3A_592, %get3A_593] {strides = array<i32>} : memref<80x128xi32, #tpu.memory_space<vmem>>, vector<1x16xi32>,
    %get3A_595 = vector.shape_cast %get3A_594 : vector<1x16xi32> to vector<16xi32>
    %and3A_596 = arith.constant 65535 : i32
    %and3A_597 = vector.broadcast %and3A_596 : i32 to vector<16xi32>
    %and3A_598 = arith.andi %get3A_595, %and3A_597 : vector<16xi32>
    %swap3A_599 = arith.constant 2 : i32
    %swap3A_600 = arith.index_cast %swap3A_599 : i32 to index
    %swap3A_601 = arith.constant 112 : index
    %swap3A_602 = tpu.vector_load %arg11[%swap3A_600, %swap3A_601] {strides = array<i32>} : memref<4x128xi32, #tpu.memory_space<vmem>>, vector<1x16xi32>,
    %swap3A_603 = vector.shape_cast %swap3A_602 : vector<1x16xi32> to vector<16xi32>
    %swap3A_604 = vector.shape_cast %and3A_598 : vector<16xi32> to vector<1x16xi32>
    tpu.vector_store %arg11[%swap3A_600, %swap3A_601], %swap3A_604 {strides = array<i32>} : memref<4x128xi32, #tpu.memory_space<vmem>>, vector<1x16xi32>,
    %dma_start3A_605 = arith.constant 2 : i32
    %dma_start3A_606 = arith.constant 0 : i32
    %dma_start3A_607 = tpu.memref_slice %arg11[%dma_start3A_605, %dma_start3A_606] : memref<4x128xi32, #tpu.memory_space<vmem>> -> memref<1x128xi32, #tpu.memory_space<vmem>>
    %dma_start3A_608 = tpu.memref_squeeze %dma_start3A_607 : memref<1x128xi32, #tpu.memory_space<vmem>> -> memref<128xi32, #tpu.memory_space<vmem>>
    %dma_start3A_609 = arith.constant 0 : i32
    %dma_start3A_610 = arith.constant 0 : i32
    %dma_start3A_611 = tpu.memref_slice %arg22[%dma_start3A_609, %dma_start3A_610] : memref<10240x128xf32, #tpu.memory_space<vmem_shared>> -> memref<10240x128xf32, #tpu.memory_space<vmem_shared>>
    tpu.enqueue_indirect_dma source(%arg13 : memref<128x128xf32, #tpu.memory_space<vmem>>) target(%dma_start3A_611 : memref<10240x128xf32, #tpu.memory_space<vmem_shared>>) offsets(%dma_start3A_608 : memref<128xi32, #tpu.memory_space<vmem>>) semaphore(%arg16 : memref<!tpu.dma_semaphore, #tpu.memory_space<semaphore_mem>>) {add = true}
    %dma_wait3A_612 = arith.constant 3 : i32
    %dma_wait3A_613 = arith.constant 0 : i32
    %dma_wait3A_614 = tpu.memref_slice %arg11[%dma_wait3A_612, %dma_wait3A_613] : memref<4x128xi32, #tpu.memory_space<vmem>> -> memref<1x128xi32, #tpu.memory_space<vmem>>
    %dma_wait3A_615 = tpu.memref_squeeze %dma_wait3A_614 : memref<1x128xi32, #tpu.memory_space<vmem>> -> memref<128xi32, #tpu.memory_space<vmem>>
    %dma_wait3A_616 = arith.constant 0 : i32
    %dma_wait3A_617 = arith.constant 0 : i32
    %dma_wait3A_618 = tpu.memref_slice %arg22[%dma_wait3A_616, %dma_wait3A_617] : memref<10240x128xf32, #tpu.memory_space<vmem_shared>> -> memref<10240x128xf32, #tpu.memory_space<vmem_shared>>
    tpu.wait_indirect_dma semaphore(%arg17 : memref<!tpu.dma_semaphore, #tpu.memory_space<semaphore_mem>>) src(%arg13 : memref<128x128xf32, #tpu.memory_space<vmem>>) dst(%dma_wait3A_618 : memref<10240x128xf32, #tpu.memory_space<vmem_shared>>)
    %dma_wait3A_619 = arith.constant 2 : i32
    %dma_wait3A_620 = arith.constant 0 : i32
    %dma_wait3A_621 = tpu.memref_slice %arg11[%dma_wait3A_619, %dma_wait3A_620] : memref<4x128xi32, #tpu.memory_space<vmem>> -> memref<1x128xi32, #tpu.memory_space<vmem>>
    %dma_wait3A_622 = tpu.memref_squeeze %dma_wait3A_621 : memref<1x128xi32, #tpu.memory_space<vmem>> -> memref<128xi32, #tpu.memory_space<vmem>>
    %dma_wait3A_623 = arith.constant 0 : i32
    %dma_wait3A_624 = arith.constant 0 : i32
    %dma_wait3A_625 = tpu.memref_slice %arg22[%dma_wait3A_623, %dma_wait3A_624] : memref<10240x128xf32, #tpu.memory_space<vmem_shared>> -> memref<10240x128xf32, #tpu.memory_space<vmem_shared>>
    tpu.wait_indirect_dma semaphore(%arg16 : memref<!tpu.dma_semaphore, #tpu.memory_space<semaphore_mem>>) src(%arg13 : memref<128x128xf32, #tpu.memory_space<vmem>>) dst(%dma_wait3A_625 : memref<10240x128xf32, #tpu.memory_space<vmem_shared>>)
    %barrier3A_626 = arith.constant 0 : index
    tpu.barrier barrier_id(%barrier3A_626)
    "tpu.region"() ({
      %run_scoped3A_645 = tpu.sem_alloc : memref<!tpu.dma_semaphore, #tpu.memory_space<semaphore_mem>>
      %dma_start3A_646 = arith.constant 0 : i32
      %dma_start3A_647 = tpu.memref_slice %arg7[%arg0, %mul3A_47, %dma_start3A_646] : memref<2x10240x128xf32, #tpu.memory_space<hbm>> -> memref<1x640x128xf32, #tpu.memory_space<hbm>>
      %dma_start3A_648 = tpu.memref_squeeze %dma_start3A_647 : memref<1x640x128xf32, #tpu.memory_space<hbm>> -> memref<640x128xf32, #tpu.memory_space<hbm>>
      %dma_start3A_649 = arith.constant 0 : i32
      %dma_start3A_650 = tpu.memref_slice %arg22[%mul3A_47, %dma_start3A_649] : memref<10240x128xf32, #tpu.memory_space<vmem_shared>> -> memref<640x128xf32, #tpu.memory_space<vmem_shared>>
      tpu.enqueue_dma source(%dma_start3A_650 : memref<640x128xf32, #tpu.memory_space<vmem_shared>>) target(%dma_start3A_648 : memref<640x128xf32, #tpu.memory_space<hbm>>) target_semaphore(%run_scoped3A_645 : memref<!tpu.dma_semaphore, #tpu.memory_space<semaphore_mem>>)
      %dma_wait3A_651 = arith.constant 0 : i32
      %dma_wait3A_652 = tpu.memref_slice %arg7[%arg0, %mul3A_47, %dma_wait3A_651] : memref<2x10240x128xf32, #tpu.memory_space<hbm>> -> memref<1x640x128xf32, #tpu.memory_space<hbm>>
      %dma_wait3A_653 = tpu.memref_squeeze %dma_wait3A_652 : memref<1x640x128xf32, #tpu.memory_space<hbm>> -> memref<640x128xf32, #tpu.memory_space<hbm>>
      %dma_wait3A_654 = arith.constant 0 : i32
      %dma_wait3A_655 = tpu.memref_slice %arg22[%mul3A_47, %dma_wait3A_654] : memref<10240x128xf32, #tpu.memory_space<vmem_shared>> -> memref<640x128xf32, #tpu.memory_space<vmem_shared>>
      tpu.wait_dma2 semaphore(%run_scoped3A_645 : memref<!tpu.dma_semaphore, #tpu.memory_space<semaphore_mem>>) src(%dma_wait3A_655 : memref<640x128xf32, #tpu.memory_space<vmem_shared>>) dst(%dma_wait3A_653 : memref<640x128xf32, #tpu.memory_space<hbm>>)
      tpu.yield
    }) : () -> ()
    "tpu.region"() ({
      %run_scoped3A_645 = tpu.sem_alloc : memref<!tpu.dma_semaphore, #tpu.memory_space<semaphore_mem>>
      %dma_start3A_646 = arith.constant 0 : i32
      %dma_start3A_647 = tpu.memref_slice %arg22[%mul3A_47, %dma_start3A_646] : memref<10240x128xf32, #tpu.memory_space<vmem_shared>> -> memref<640x128xf32, #tpu.memory_space<vmem_shared>>
      tpu.enqueue_dma source(%arg4 : memref<640x128xf32, #tpu.memory_space<hbm>>) target(%dma_start3A_647 : memref<640x128xf32, #tpu.memory_space<vmem_shared>>) target_semaphore(%run_scoped3A_645 : memref<!tpu.dma_semaphore, #tpu.memory_space<semaphore_mem>>)
      %dma_wait3A_648 = arith.constant 0 : i32
      %dma_wait3A_649 = tpu.memref_slice %arg22[%mul3A_47, %dma_wait3A_648] : memref<10240x128xf32, #tpu.memory_space<vmem_shared>> -> memref<640x128xf32, #tpu.memory_space<vmem_shared>>
      tpu.wait_dma2 semaphore(%run_scoped3A_645 : memref<!tpu.dma_semaphore, #tpu.memory_space<semaphore_mem>>) src(%arg4 : memref<640x128xf32, #tpu.memory_space<hbm>>) dst(%dma_wait3A_649 : memref<640x128xf32, #tpu.memory_space<vmem_shared>>)
      tpu.yield
    }) : () -> ()
    %barrier3A_627 = arith.constant 0 : index
    tpu.barrier barrier_id(%barrier3A_627)
    %scan3A_628 = arith.constant 0 : i32
    %scan3A_629 = arith.constant 0 : i32
    %scan3A_630 = arith.constant 39 : i32
    %scan3A_631 = arith.addi %scan3A_629, %scan3A_630 : i32
    %scan3A_632 = arith.constant 1 : i32
    scf.for %scan3A_645 = %scan3A_629 to %scan3A_631 step %scan3A_632  : i32 {
      %mul3A_646 = arith.constant 2 : i32
      %mul3A_647 = arith.muli %mul3A_646, %scan3A_645 : i32
      %add3A_648 = arith.constant 1 : i32
      %add3A_649 = arith.addi %mul3A_647, %add3A_648 : i32
      %get3A_650 = arith.index_cast %add3A_649 : i32 to index
      %get3A_651 = arith.constant 0 : index
      %get3A_652 = tpu.vector_load %arg9[%get3A_650, %get3A_651] {strides = array<i32>} : memref<80x128xi32, #tpu.memory_space<vmem>>, vector<1x16xi32>,
      %get3A_653 = vector.shape_cast %get3A_652 : vector<1x16xi32> to vector<16xi32>
      %shift_right_logical3A_654 = arith.constant 16 : i32
      %shift_right_logical3A_655 = vector.broadcast %shift_right_logical3A_654 : i32 to vector<16xi32>
      %shift_right_logical3A_656 = arith.shrui %get3A_653, %shift_right_logical3A_655 : vector<16xi32>
      %swap3A_657 = arith.constant 1 : i32
      %swap3A_658 = arith.index_cast %swap3A_657 : i32 to index
      %swap3A_659 = arith.constant 0 : index
      %swap3A_660 = tpu.vector_load %arg10[%swap3A_658, %swap3A_659] {strides = array<i32>} : memref<2x128xi32, #tpu.memory_space<vmem>>, vector<1x16xi32>,
      %swap3A_661 = vector.shape_cast %swap3A_660 : vector<1x16xi32> to vector<16xi32>
      %swap3A_662 = vector.shape_cast %shift_right_logical3A_656 : vector<16xi32> to vector<1x16xi32>
      tpu.vector_store %arg10[%swap3A_658, %swap3A_659], %swap3A_662 {strides = array<i32>} : memref<2x128xi32, #tpu.memory_space<vmem>>, vector<1x16xi32>,
      %and3A_663 = arith.constant 65535 : i32
      %and3A_664 = vector.broadcast %and3A_663 : i32 to vector<16xi32>
      %and3A_665 = arith.andi %get3A_653, %and3A_664 : vector<16xi32>
      %swap3A_666 = arith.constant 1 : i32
      %swap3A_667 = arith.index_cast %swap3A_666 : i32 to index
      %swap3A_668 = arith.constant 0 : index
      %swap3A_669 = tpu.vector_load %arg11[%swap3A_667, %swap3A_668] {strides = array<i32>} : memref<4x128xi32, #tpu.memory_space<vmem>>, vector<1x16xi32>,
      %swap3A_670 = vector.shape_cast %swap3A_669 : vector<1x16xi32> to vector<16xi32>
      %swap3A_671 = vector.shape_cast %and3A_665 : vector<16xi32> to vector<1x16xi32>
      tpu.vector_store %arg11[%swap3A_667, %swap3A_668], %swap3A_671 {strides = array<i32>} : memref<4x128xi32, #tpu.memory_space<vmem>>, vector<1x16xi32>,
      %get3A_672 = arith.index_cast %add3A_649 : i32 to index
      %get3A_673 = arith.constant 16 : index
      %get3A_674 = tpu.vector_load %arg9[%get3A_672, %get3A_673] {strides = array<i32>} : memref<80x128xi32, #tpu.memory_space<vmem>>, vector<1x16xi32>,
      %get3A_675 = vector.shape_cast %get3A_674 : vector<1x16xi32> to vector<16xi32>
      %shift_right_logical3A_676 = arith.constant 16 : i32
      %shift_right_logical3A_677 = vector.broadcast %shift_right_logical3A_676 : i32 to vector<16xi32>
      %shift_right_logical3A_678 = arith.shrui %get3A_675, %shift_right_logical3A_677 : vector<16xi32>
      %swap3A_679 = arith.constant 1 : i32
      %swap3A_680 = arith.index_cast %swap3A_679 : i32 to index
      %swap3A_681 = arith.constant 16 : index
      %swap3A_682 = tpu.vector_load %arg10[%swap3A_680, %swap3A_681] {strides = array<i32>} : memref<2x128xi32, #tpu.memory_space<vmem>>, vector<1x16xi32>,
      %swap3A_683 = vector.shape_cast %swap3A_682 : vector<1x16xi32> to vector<16xi32>
      %swap3A_684 = vector.shape_cast %shift_right_logical3A_678 : vector<16xi32> to vector<1x16xi32>
      tpu.vector_store %arg10[%swap3A_680, %swap3A_681], %swap3A_684 {strides = array<i32>} : memref<2x128xi32, #tpu.memory_space<vmem>>, vector<1x16xi32>,
      %and3A_685 = arith.constant 65535 : i32
      %and3A_686 = vector.broadcast %and3A_685 : i32 to vector<16xi32>
      %and3A_687 = arith.andi %get3A_675, %and3A_686 : vector<16xi32>
      %swap3A_688 = arith.constant 1 : i32
      %swap3A_689 = arith.index_cast %swap3A_688 : i32 to index
      %swap3A_690 = arith.constant 16 : index
      %swap3A_691 = tpu.vector_load %arg11[%swap3A_689, %swap3A_690] {strides = array<i32>} : memref<4x128xi32, #tpu.memory_space<vmem>>, vector<1x16xi32>,
      %swap3A_692 = vector.shape_cast %swap3A_691 : vector<1x16xi32> to vector<16xi32>
      %swap3A_693 = vector.shape_cast %and3A_687 : vector<16xi32> to vector<1x16xi32>
      tpu.vector_store %arg11[%swap3A_689, %swap3A_690], %swap3A_693 {strides = array<i32>} : memref<4x128xi32, #tpu.memory_space<vmem>>, vector<1x16xi32>,
      %get3A_694 = arith.index_cast %add3A_649 : i32 to index
      %get3A_695 = arith.constant 32 : index
      %get3A_696 = tpu.vector_load %arg9[%get3A_694, %get3A_695] {strides = array<i32>} : memref<80x128xi32, #tpu.memory_space<vmem>>, vector<1x16xi32>,
      %get3A_697 = vector.shape_cast %get3A_696 : vector<1x16xi32> to vector<16xi32>
      %shift_right_logical3A_698 = arith.constant 16 : i32
      %shift_right_logical3A_699 = vector.broadcast %shift_right_logical3A_698 : i32 to vector<16xi32>
      %shift_right_logical3A_700 = arith.shrui %get3A_697, %shift_right_logical3A_699 : vector<16xi32>
      %swap3A_701 = arith.constant 1 : i32
      %swap3A_702 = arith.index_cast %swap3A_701 : i32 to index
      %swap3A_703 = arith.constant 32 : index
      %swap3A_704 = tpu.vector_load %arg10[%swap3A_702, %swap3A_703] {strides = array<i32>} : memref<2x128xi32, #tpu.memory_space<vmem>>, vector<1x16xi32>,
      %swap3A_705 = vector.shape_cast %swap3A_704 : vector<1x16xi32> to vector<16xi32>
      %swap3A_706 = vector.shape_cast %shift_right_logical3A_700 : vector<16xi32> to vector<1x16xi32>
      tpu.vector_store %arg10[%swap3A_702, %swap3A_703], %swap3A_706 {strides = array<i32>} : memref<2x128xi32, #tpu.memory_space<vmem>>, vector<1x16xi32>,
      %and3A_707 = arith.constant 65535 : i32
      %and3A_708 = vector.broadcast %and3A_707 : i32 to vector<16xi32>
      %and3A_709 = arith.andi %get3A_697, %and3A_708 : vector<16xi32>
      %swap3A_710 = arith.constant 1 : i32
      %swap3A_711 = arith.index_cast %swap3A_710 : i32 to index
      %swap3A_712 = arith.constant 32 : index
      %swap3A_713 = tpu.vector_load %arg11[%swap3A_711, %swap3A_712] {strides = array<i32>} : memref<4x128xi32, #tpu.memory_space<vmem>>, vector<1x16xi32>,
      %swap3A_714 = vector.shape_cast %swap3A_713 : vector<1x16xi32> to vector<16xi32>
      %swap3A_715 = vector.shape_cast %and3A_709 : vector<16xi32> to vector<1x16xi32>
      tpu.vector_store %arg11[%swap3A_711, %swap3A_712], %swap3A_715 {strides = array<i32>} : memref<4x128xi32, #tpu.memory_space<vmem>>, vector<1x16xi32>,
      %get3A_716 = arith.index_cast %add3A_649 : i32 to index
      %get3A_717 = arith.constant 48 : index
      %get3A_718 = tpu.vector_load %arg9[%get3A_716, %get3A_717] {strides = array<i32>} : memref<80x128xi32, #tpu.memory_space<vmem>>, vector<1x16xi32>,
      %get3A_719 = vector.shape_cast %get3A_718 : vector<1x16xi32> to vector<16xi32>
      %shift_right_logical3A_720 = arith.constant 16 : i32
      %shift_right_logical3A_721 = vector.broadcast %shift_right_logical3A_720 : i32 to vector<16xi32>
      %shift_right_logical3A_722 = arith.shrui %get3A_719, %shift_right_logical3A_721 : vector<16xi32>
      %swap3A_723 = arith.constant 1 : i32
      %swap3A_724 = arith.index_cast %swap3A_723 : i32 to index
      %swap3A_725 = arith.constant 48 : index
      %swap3A_726 = tpu.vector_load %arg10[%swap3A_724, %swap3A_725] {strides = array<i32>} : memref<2x128xi32, #tpu.memory_space<vmem>>, vector<1x16xi32>,
      %swap3A_727 = vector.shape_cast %swap3A_726 : vector<1x16xi32> to vector<16xi32>
      %swap3A_728 = vector.shape_cast %shift_right_logical3A_722 : vector<16xi32> to vector<1x16xi32>
      tpu.vector_store %arg10[%swap3A_724, %swap3A_725], %swap3A_728 {strides = array<i32>} : memref<2x128xi32, #tpu.memory_space<vmem>>, vector<1x16xi32>,
      %and3A_729 = arith.constant 65535 : i32
      %and3A_730 = vector.broadcast %and3A_729 : i32 to vector<16xi32>
      %and3A_731 = arith.andi %get3A_719, %and3A_730 : vector<16xi32>
      %swap3A_732 = arith.constant 1 : i32
      %swap3A_733 = arith.index_cast %swap3A_732 : i32 to index
      %swap3A_734 = arith.constant 48 : index
      %swap3A_735 = tpu.vector_load %arg11[%swap3A_733, %swap3A_734] {strides = array<i32>} : memref<4x128xi32, #tpu.memory_space<vmem>>, vector<1x16xi32>,
      %swap3A_736 = vector.shape_cast %swap3A_735 : vector<1x16xi32> to vector<16xi32>
      %swap3A_737 = vector.shape_cast %and3A_731 : vector<16xi32> to vector<1x16xi32>
      tpu.vector_store %arg11[%swap3A_733, %swap3A_734], %swap3A_737 {strides = array<i32>} : memref<4x128xi32, #tpu.memory_space<vmem>>, vector<1x16xi32>,
      %get3A_738 = arith.index_cast %add3A_649 : i32 to index
      %get3A_739 = arith.constant 64 : index
      %get3A_740 = tpu.vector_load %arg9[%get3A_738, %get3A_739] {strides = array<i32>} : memref<80x128xi32, #tpu.memory_space<vmem>>, vector<1x16xi32>,
      %get3A_741 = vector.shape_cast %get3A_740 : vector<1x16xi32> to vector<16xi32>
      %shift_right_logical3A_742 = arith.constant 16 : i32
      %shift_right_logical3A_743 = vector.broadcast %shift_right_logical3A_742 : i32 to vector<16xi32>
      %shift_right_logical3A_744 = arith.shrui %get3A_741, %shift_right_logical3A_743 : vector<16xi32>
      %swap3A_745 = arith.constant 1 : i32
      %swap3A_746 = arith.index_cast %swap3A_745 : i32 to index
      %swap3A_747 = arith.constant 64 : index
      %swap3A_748 = tpu.vector_load %arg10[%swap3A_746, %swap3A_747] {strides = array<i32>} : memref<2x128xi32, #tpu.memory_space<vmem>>, vector<1x16xi32>,
      %swap3A_749 = vector.shape_cast %swap3A_748 : vector<1x16xi32> to vector<16xi32>
      %swap3A_750 = vector.shape_cast %shift_right_logical3A_744 : vector<16xi32> to vector<1x16xi32>
      tpu.vector_store %arg10[%swap3A_746, %swap3A_747], %swap3A_750 {strides = array<i32>} : memref<2x128xi32, #tpu.memory_space<vmem>>, vector<1x16xi32>,
      %and3A_751 = arith.constant 65535 : i32
      %and3A_752 = vector.broadcast %and3A_751 : i32 to vector<16xi32>
      %and3A_753 = arith.andi %get3A_741, %and3A_752 : vector<16xi32>
      %swap3A_754 = arith.constant 1 : i32
      %swap3A_755 = arith.index_cast %swap3A_754 : i32 to index
      %swap3A_756 = arith.constant 64 : index
      %swap3A_757 = tpu.vector_load %arg11[%swap3A_755, %swap3A_756] {strides = array<i32>} : memref<4x128xi32, #tpu.memory_space<vmem>>, vector<1x16xi32>,
      %swap3A_758 = vector.shape_cast %swap3A_757 : vector<1x16xi32> to vector<16xi32>
      %swap3A_759 = vector.shape_cast %and3A_753 : vector<16xi32> to vector<1x16xi32>
      tpu.vector_store %arg11[%swap3A_755, %swap3A_756], %swap3A_759 {strides = array<i32>} : memref<4x128xi32, #tpu.memory_space<vmem>>, vector<1x16xi32>,
      %get3A_760 = arith.index_cast %add3A_649 : i32 to index
      %get3A_761 = arith.constant 80 : index
      %get3A_762 = tpu.vector_load %arg9[%get3A_760, %get3A_761] {strides = array<i32>} : memref<80x128xi32, #tpu.memory_space<vmem>>, vector<1x16xi32>,
      %get3A_763 = vector.shape_cast %get3A_762 : vector<1x16xi32> to vector<16xi32>
      %shift_right_logical3A_764 = arith.constant 16 : i32
      %shift_right_logical3A_765 = vector.broadcast %shift_right_logical3A_764 : i32 to vector<16xi32>
      %shift_right_logical3A_766 = arith.shrui %get3A_763, %shift_right_logical3A_765 : vector<16xi32>
      %swap3A_767 = arith.constant 1 : i32
      %swap3A_768 = arith.index_cast %swap3A_767 : i32 to index
      %swap3A_769 = arith.constant 80 : index
      %swap3A_770 = tpu.vector_load %arg10[%swap3A_768, %swap3A_769] {strides = array<i32>} : memref<2x128xi32, #tpu.memory_space<vmem>>, vector<1x16xi32>,
      %swap3A_771 = vector.shape_cast %swap3A_770 : vector<1x16xi32> to vector<16xi32>
      %swap3A_772 = vector.shape_cast %shift_right_logical3A_766 : vector<16xi32> to vector<1x16xi32>
      tpu.vector_store %arg10[%swap3A_768, %swap3A_769], %swap3A_772 {strides = array<i32>} : memref<2x128xi32, #tpu.memory_space<vmem>>, vector<1x16xi32>,
      %and3A_773 = arith.constant 65535 : i32
      %and3A_774 = vector.broadcast %and3A_773 : i32 to vector<16xi32>
      %and3A_775 = arith.andi %get3A_763, %and3A_774 : vector<16xi32>
      %swap3A_776 = arith.constant 1 : i32
      %swap3A_777 = arith.index_cast %swap3A_776 : i32 to index
      %swap3A_778 = arith.constant 80 : index
      %swap3A_779 = tpu.vector_load %arg11[%swap3A_777, %swap3A_778] {strides = array<i32>} : memref<4x128xi32, #tpu.memory_space<vmem>>, vector<1x16xi32>,
      %swap3A_780 = vector.shape_cast %swap3A_779 : vector<1x16xi32> to vector<16xi32>
      %swap3A_781 = vector.shape_cast %and3A_775 : vector<16xi32> to vector<1x16xi32>
      tpu.vector_store %arg11[%swap3A_777, %swap3A_778], %swap3A_781 {strides = array<i32>} : memref<4x128xi32, #tpu.memory_space<vmem>>, vector<1x16xi32>,
      %get3A_782 = arith.index_cast %add3A_649 : i32 to index
      %get3A_783 = arith.constant 96 : index
      %get3A_784 = tpu.vector_load %arg9[%get3A_782, %get3A_783] {strides = array<i32>} : memref<80x128xi32, #tpu.memory_space<vmem>>, vector<1x16xi32>,
      %get3A_785 = vector.shape_cast %get3A_784 : vector<1x16xi32> to vector<16xi32>
      %shift_right_logical3A_786 = arith.constant 16 : i32
      %shift_right_logical3A_787 = vector.broadcast %shift_right_logical3A_786 : i32 to vector<16xi32>
      %shift_right_logical3A_788 = arith.shrui %get3A_785, %shift_right_logical3A_787 : vector<16xi32>
      %swap3A_789 = arith.constant 1 : i32
      %swap3A_790 = arith.index_cast %swap3A_789 : i32 to index
      %swap3A_791 = arith.constant 96 : index
      %swap3A_792 = tpu.vector_load %arg10[%swap3A_790, %swap3A_791] {strides = array<i32>} : memref<2x128xi32, #tpu.memory_space<vmem>>, vector<1x16xi32>,
      %swap3A_793 = vector.shape_cast %swap3A_792 : vector<1x16xi32> to vector<16xi32>
      %swap3A_794 = vector.shape_cast %shift_right_logical3A_788 : vector<16xi32> to vector<1x16xi32>
      tpu.vector_store %arg10[%swap3A_790, %swap3A_791], %swap3A_794 {strides = array<i32>} : memref<2x128xi32, #tpu.memory_space<vmem>>, vector<1x16xi32>,
      %and3A_795 = arith.constant 65535 : i32
      %and3A_796 = vector.broadcast %and3A_795 : i32 to vector<16xi32>
      %and3A_797 = arith.andi %get3A_785, %and3A_796 : vector<16xi32>
      %swap3A_798 = arith.constant 1 : i32
      %swap3A_799 = arith.index_cast %swap3A_798 : i32 to index
      %swap3A_800 = arith.constant 96 : index
      %swap3A_801 = tpu.vector_load %arg11[%swap3A_799, %swap3A_800] {strides = array<i32>} : memref<4x128xi32, #tpu.memory_space<vmem>>, vector<1x16xi32>,
      %swap3A_802 = vector.shape_cast %swap3A_801 : vector<1x16xi32> to vector<16xi32>
      %swap3A_803 = vector.shape_cast %and3A_797 : vector<16xi32> to vector<1x16xi32>
      tpu.vector_store %arg11[%swap3A_799, %swap3A_800], %swap3A_803 {strides = array<i32>} : memref<4x128xi32, #tpu.memory_space<vmem>>, vector<1x16xi32>,
      %get3A_804 = arith.index_cast %add3A_649 : i32 to index
      %get3A_805 = arith.constant 112 : index
      %get3A_806 = tpu.vector_load %arg9[%get3A_804, %get3A_805] {strides = array<i32>} : memref<80x128xi32, #tpu.memory_space<vmem>>, vector<1x16xi32>,
      %get3A_807 = vector.shape_cast %get3A_806 : vector<1x16xi32> to vector<16xi32>
      %shift_right_logical3A_808 = arith.constant 16 : i32
      %shift_right_logical3A_809 = vector.broadcast %shift_right_logical3A_808 : i32 to vector<16xi32>
      %shift_right_logical3A_810 = arith.shrui %get3A_807, %shift_right_logical3A_809 : vector<16xi32>
      %swap3A_811 = arith.constant 1 : i32
      %swap3A_812 = arith.index_cast %swap3A_811 : i32 to index
      %swap3A_813 = arith.constant 112 : index
      %swap3A_814 = tpu.vector_load %arg10[%swap3A_812, %swap3A_813] {strides = array<i32>} : memref<2x128xi32, #tpu.memory_space<vmem>>, vector<1x16xi32>,
      %swap3A_815 = vector.shape_cast %swap3A_814 : vector<1x16xi32> to vector<16xi32>
      %swap3A_816 = vector.shape_cast %shift_right_logical3A_810 : vector<16xi32> to vector<1x16xi32>
      tpu.vector_store %arg10[%swap3A_812, %swap3A_813], %swap3A_816 {strides = array<i32>} : memref<2x128xi32, #tpu.memory_space<vmem>>, vector<1x16xi32>,
      %and3A_817 = arith.constant 65535 : i32
      %and3A_818 = vector.broadcast %and3A_817 : i32 to vector<16xi32>
      %and3A_819 = arith.andi %get3A_807, %and3A_818 : vector<16xi32>
      %swap3A_820 = arith.constant 1 : i32
      %swap3A_821 = arith.index_cast %swap3A_820 : i32 to index
      %swap3A_822 = arith.constant 112 : index
      %swap3A_823 = tpu.vector_load %arg11[%swap3A_821, %swap3A_822] {strides = array<i32>} : memref<4x128xi32, #tpu.memory_space<vmem>>, vector<1x16xi32>,
      %swap3A_824 = vector.shape_cast %swap3A_823 : vector<1x16xi32> to vector<16xi32>
      %swap3A_825 = vector.shape_cast %and3A_819 : vector<16xi32> to vector<1x16xi32>
      tpu.vector_store %arg11[%swap3A_821, %swap3A_822], %swap3A_825 {strides = array<i32>} : memref<4x128xi32, #tpu.memory_space<vmem>>, vector<1x16xi32>,
      %dma_start3A_826 = arith.constant 1 : i32
      %dma_start3A_827 = arith.constant 0 : i32
      %dma_start3A_828 = arith.constant 0 : i32
      %dma_start3A_829 = tpu.memref_slice %arg13[%dma_start3A_827, %dma_start3A_828] : memref<128x128xf32, #tpu.memory_space<vmem>> -> memref<128x128xf32, #tpu.memory_space<vmem>>
      %dma_start3A_830 = arith.constant 0 : i32
      %dma_start3A_831 = tpu.memref_slice %arg10[%dma_start3A_826, %dma_start3A_830] : memref<2x128xi32, #tpu.memory_space<vmem>> -> memref<1x128xi32, #tpu.memory_space<vmem>>
      %dma_start3A_832 = tpu.memref_squeeze %dma_start3A_831 : memref<1x128xi32, #tpu.memory_space<vmem>> -> memref<128xi32, #tpu.memory_space<vmem>>
      %dma_start3A_833 = arith.constant 0 : i32
      %dma_start3A_834 = arith.constant 0 : i32
      %dma_start3A_835 = tpu.memref_slice %arg2[%dma_start3A_833, %dma_start3A_834] : memref<10000x128xf32, #tpu.memory_space<hbm>> -> memref<10000x128xf32, #tpu.memory_space<hbm>>
      tpu.enqueue_indirect_dma source(%dma_start3A_835 : memref<10000x128xf32, #tpu.memory_space<hbm>>) target(%dma_start3A_829 : memref<128x128xf32, #tpu.memory_space<vmem>>) offsets(%dma_start3A_832 : memref<128xi32, #tpu.memory_space<vmem>>) semaphore(%arg18 : memref<!tpu.dma_semaphore, #tpu.memory_space<semaphore_mem>>)
      %dma_wait3A_836 = arith.constant 0 : i32
      %dma_wait3A_837 = arith.constant 0 : i32
      %dma_wait3A_838 = arith.constant 0 : i32
      %dma_wait3A_839 = tpu.memref_slice %arg12[%dma_wait3A_837, %dma_wait3A_838] : memref<128x128xf32, #tpu.memory_space<vmem>> -> memref<128x128xf32, #tpu.memory_space<vmem>>
      %dma_wait3A_840 = arith.constant 0 : i32
      %dma_wait3A_841 = tpu.memref_slice %arg10[%dma_wait3A_836, %dma_wait3A_840] : memref<2x128xi32, #tpu.memory_space<vmem>> -> memref<1x128xi32, #tpu.memory_space<vmem>>
      %dma_wait3A_842 = tpu.memref_squeeze %dma_wait3A_841 : memref<1x128xi32, #tpu.memory_space<vmem>> -> memref<128xi32, #tpu.memory_space<vmem>>
      %dma_wait3A_843 = arith.constant 0 : i32
      %dma_wait3A_844 = arith.constant 0 : i32
      %dma_wait3A_845 = tpu.memref_slice %arg2[%dma_wait3A_843, %dma_wait3A_844] : memref<10000x128xf32, #tpu.memory_space<hbm>> -> memref<10000x128xf32, #tpu.memory_space<hbm>>
      tpu.wait_indirect_dma semaphore(%arg14 : memref<!tpu.dma_semaphore, #tpu.memory_space<semaphore_mem>>) src(%dma_wait3A_845 : memref<10000x128xf32, #tpu.memory_space<hbm>>) dst(%dma_wait3A_839 : memref<128x128xf32, #tpu.memory_space<vmem>>)
      %run_scoped3A_846 = arith.constant 0 : i32
      "tpu.region"() ({
        %run_scoped3A_1046 = tpu.sem_alloc : memref<!tpu.dma_semaphore, #tpu.memory_space<semaphore_mem>>
        %dma_start3A_1047 = arith.constant 0 : i32
        %dma_start3A_1048 = tpu.memref_slice %arg11[%run_scoped3A_846, %dma_start3A_1047] : memref<4x128xi32, #tpu.memory_space<vmem>> -> memref<1x128xi32, #tpu.memory_space<vmem>>
        %dma_start3A_1049 = tpu.memref_squeeze %dma_start3A_1048 : memref<1x128xi32, #tpu.memory_space<vmem>> -> memref<128xi32, #tpu.memory_space<vmem>>
        %dma_start3A_1050 = arith.constant 0 : i32
        %dma_start3A_1051 = arith.constant 0 : i32
        %dma_start3A_1052 = tpu.memref_slice %arg22[%dma_start3A_1050, %dma_start3A_1051] : memref<10240x128xf32, #tpu.memory_space<vmem_shared>> -> memref<10240x128xf32, #tpu.memory_space<vmem_shared>>
        tpu.enqueue_indirect_dma source(%arg12 : memref<128x128xf32, #tpu.memory_space<vmem>>) target(%dma_start3A_1052 : memref<10240x128xf32, #tpu.memory_space<vmem_shared>>) offsets(%dma_start3A_1049 : memref<128xi32, #tpu.memory_space<vmem>>) semaphore(%run_scoped3A_1046 : memref<!tpu.dma_semaphore, #tpu.memory_space<semaphore_mem>>) {add = true}
        %dma_wait3A_1053 = arith.constant 0 : i32
        %dma_wait3A_1054 = tpu.memref_slice %arg11[%run_scoped3A_846, %dma_wait3A_1053] : memref<4x128xi32, #tpu.memory_space<vmem>> -> memref<1x128xi32, #tpu.memory_space<vmem>>
        %dma_wait3A_1055 = tpu.memref_squeeze %dma_wait3A_1054 : memref<1x128xi32, #tpu.memory_space<vmem>> -> memref<128xi32, #tpu.memory_space<vmem>>
        %dma_wait3A_1056 = arith.constant 0 : i32
        %dma_wait3A_1057 = arith.constant 0 : i32
        %dma_wait3A_1058 = tpu.memref_slice %arg22[%dma_wait3A_1056, %dma_wait3A_1057] : memref<10240x128xf32, #tpu.memory_space<vmem_shared>> -> memref<10240x128xf32, #tpu.memory_space<vmem_shared>>
        tpu.wait_indirect_dma semaphore(%run_scoped3A_1046 : memref<!tpu.dma_semaphore, #tpu.memory_space<semaphore_mem>>) src(%arg12 : memref<128x128xf32, #tpu.memory_space<vmem>>) dst(%dma_wait3A_1058 : memref<10240x128xf32, #tpu.memory_space<vmem_shared>>)
        tpu.yield
      }) : () -> ()
      %add3A_847 = arith.constant 2 : i32
      %add3A_848 = arith.addi %mul3A_647, %add3A_847 : i32
      %get3A_849 = arith.index_cast %add3A_848 : i32 to index
      %get3A_850 = arith.constant 0 : index
      %get3A_851 = tpu.vector_load %arg9[%get3A_849, %get3A_850] {strides = array<i32>} : memref<80x128xi32, #tpu.memory_space<vmem>>, vector<1x16xi32>,
      %get3A_852 = vector.shape_cast %get3A_851 : vector<1x16xi32> to vector<16xi32>
      %shift_right_logical3A_853 = arith.constant 16 : i32
      %shift_right_logical3A_854 = vector.broadcast %shift_right_logical3A_853 : i32 to vector<16xi32>
      %shift_right_logical3A_855 = arith.shrui %get3A_852, %shift_right_logical3A_854 : vector<16xi32>
      %swap3A_856 = arith.constant 0 : i32
      %swap3A_857 = arith.index_cast %swap3A_856 : i32 to index
      %swap3A_858 = arith.constant 0 : index
      %swap3A_859 = tpu.vector_load %arg10[%swap3A_857, %swap3A_858] {strides = array<i32>} : memref<2x128xi32, #tpu.memory_space<vmem>>, vector<1x16xi32>,
      %swap3A_860 = vector.shape_cast %swap3A_859 : vector<1x16xi32> to vector<16xi32>
      %swap3A_861 = vector.shape_cast %shift_right_logical3A_855 : vector<16xi32> to vector<1x16xi32>
      tpu.vector_store %arg10[%swap3A_857, %swap3A_858], %swap3A_861 {strides = array<i32>} : memref<2x128xi32, #tpu.memory_space<vmem>>, vector<1x16xi32>,
      %and3A_862 = arith.constant 65535 : i32
      %and3A_863 = vector.broadcast %and3A_862 : i32 to vector<16xi32>
      %and3A_864 = arith.andi %get3A_852, %and3A_863 : vector<16xi32>
      %swap3A_865 = arith.constant 0 : i32
      %swap3A_866 = arith.index_cast %swap3A_865 : i32 to index
      %swap3A_867 = arith.constant 0 : index
      %swap3A_868 = tpu.vector_load %arg11[%swap3A_866, %swap3A_867] {strides = array<i32>} : memref<4x128xi32, #tpu.memory_space<vmem>>, vector<1x16xi32>,
      %swap3A_869 = vector.shape_cast %swap3A_868 : vector<1x16xi32> to vector<16xi32>
      %swap3A_870 = vector.shape_cast %and3A_864 : vector<16xi32> to vector<1x16xi32>
      tpu.vector_store %arg11[%swap3A_866, %swap3A_867], %swap3A_870 {strides = array<i32>} : memref<4x128xi32, #tpu.memory_space<vmem>>, vector<1x16xi32>,
      %get3A_871 = arith.index_cast %add3A_848 : i32 to index
      %get3A_872 = arith.constant 16 : index
      %get3A_873 = tpu.vector_load %arg9[%get3A_871, %get3A_872] {strides = array<i32>} : memref<80x128xi32, #tpu.memory_space<vmem>>, vector<1x16xi32>,
      %get3A_874 = vector.shape_cast %get3A_873 : vector<1x16xi32> to vector<16xi32>
      %shift_right_logical3A_875 = arith.constant 16 : i32
      %shift_right_logical3A_876 = vector.broadcast %shift_right_logical3A_875 : i32 to vector<16xi32>
      %shift_right_logical3A_877 = arith.shrui %get3A_874, %shift_right_logical3A_876 : vector<16xi32>
      %swap3A_878 = arith.constant 0 : i32
      %swap3A_879 = arith.index_cast %swap3A_878 : i32 to index
      %swap3A_880 = arith.constant 16 : index
      %swap3A_881 = tpu.vector_load %arg10[%swap3A_879, %swap3A_880] {strides = array<i32>} : memref<2x128xi32, #tpu.memory_space<vmem>>, vector<1x16xi32>,
      %swap3A_882 = vector.shape_cast %swap3A_881 : vector<1x16xi32> to vector<16xi32>
      %swap3A_883 = vector.shape_cast %shift_right_logical3A_877 : vector<16xi32> to vector<1x16xi32>
      tpu.vector_store %arg10[%swap3A_879, %swap3A_880], %swap3A_883 {strides = array<i32>} : memref<2x128xi32, #tpu.memory_space<vmem>>, vector<1x16xi32>,
      %and3A_884 = arith.constant 65535 : i32
      %and3A_885 = vector.broadcast %and3A_884 : i32 to vector<16xi32>
      %and3A_886 = arith.andi %get3A_874, %and3A_885 : vector<16xi32>
      %swap3A_887 = arith.constant 0 : i32
      %swap3A_888 = arith.index_cast %swap3A_887 : i32 to index
      %swap3A_889 = arith.constant 16 : index
      %swap3A_890 = tpu.vector_load %arg11[%swap3A_888, %swap3A_889] {strides = array<i32>} : memref<4x128xi32, #tpu.memory_space<vmem>>, vector<1x16xi32>,
      %swap3A_891 = vector.shape_cast %swap3A_890 : vector<1x16xi32> to vector<16xi32>
      %swap3A_892 = vector.shape_cast %and3A_886 : vector<16xi32> to vector<1x16xi32>
      tpu.vector_store %arg11[%swap3A_888, %swap3A_889], %swap3A_892 {strides = array<i32>} : memref<4x128xi32, #tpu.memory_space<vmem>>, vector<1x16xi32>,
      %get3A_893 = arith.index_cast %add3A_848 : i32 to index
      %get3A_894 = arith.constant 32 : index
      %get3A_895 = tpu.vector_load %arg9[%get3A_893, %get3A_894] {strides = array<i32>} : memref<80x128xi32, #tpu.memory_space<vmem>>, vector<1x16xi32>,
      %get3A_896 = vector.shape_cast %get3A_895 : vector<1x16xi32> to vector<16xi32>
      %shift_right_logical3A_897 = arith.constant 16 : i32
      %shift_right_logical3A_898 = vector.broadcast %shift_right_logical3A_897 : i32 to vector<16xi32>
      %shift_right_logical3A_899 = arith.shrui %get3A_896, %shift_right_logical3A_898 : vector<16xi32>
      %swap3A_900 = arith.constant 0 : i32
      %swap3A_901 = arith.index_cast %swap3A_900 : i32 to index
      %swap3A_902 = arith.constant 32 : index
      %swap3A_903 = tpu.vector_load %arg10[%swap3A_901, %swap3A_902] {strides = array<i32>} : memref<2x128xi32, #tpu.memory_space<vmem>>, vector<1x16xi32>,
      %swap3A_904 = vector.shape_cast %swap3A_903 : vector<1x16xi32> to vector<16xi32>
      %swap3A_905 = vector.shape_cast %shift_right_logical3A_899 : vector<16xi32> to vector<1x16xi32>
      tpu.vector_store %arg10[%swap3A_901, %swap3A_902], %swap3A_905 {strides = array<i32>} : memref<2x128xi32, #tpu.memory_space<vmem>>, vector<1x16xi32>,
      %and3A_906 = arith.constant 65535 : i32
      %and3A_907 = vector.broadcast %and3A_906 : i32 to vector<16xi32>
      %and3A_908 = arith.andi %get3A_896, %and3A_907 : vector<16xi32>
      %swap3A_909 = arith.constant 0 : i32
      %swap3A_910 = arith.index_cast %swap3A_909 : i32 to index
      %swap3A_911 = arith.constant 32 : index
      %swap3A_912 = tpu.vector_load %arg11[%swap3A_910, %swap3A_911] {strides = array<i32>} : memref<4x128xi32, #tpu.memory_space<vmem>>, vector<1x16xi32>,
      %swap3A_913 = vector.shape_cast %swap3A_912 : vector<1x16xi32> to vector<16xi32>
      %swap3A_914 = vector.shape_cast %and3A_908 : vector<16xi32> to vector<1x16xi32>
      tpu.vector_store %arg11[%swap3A_910, %swap3A_911], %swap3A_914 {strides = array<i32>} : memref<4x128xi32, #tpu.memory_space<vmem>>, vector<1x16xi32>,
      %get3A_915 = arith.index_cast %add3A_848 : i32 to index
      %get3A_916 = arith.constant 48 : index
      %get3A_917 = tpu.vector_load %arg9[%get3A_915, %get3A_916] {strides = array<i32>} : memref<80x128xi32, #tpu.memory_space<vmem>>, vector<1x16xi32>,
      %get3A_918 = vector.shape_cast %get3A_917 : vector<1x16xi32> to vector<16xi32>
      %shift_right_logical3A_919 = arith.constant 16 : i32
      %shift_right_logical3A_920 = vector.broadcast %shift_right_logical3A_919 : i32 to vector<16xi32>
      %shift_right_logical3A_921 = arith.shrui %get3A_918, %shift_right_logical3A_920 : vector<16xi32>
      %swap3A_922 = arith.constant 0 : i32
      %swap3A_923 = arith.index_cast %swap3A_922 : i32 to index
      %swap3A_924 = arith.constant 48 : index
      %swap3A_925 = tpu.vector_load %arg10[%swap3A_923, %swap3A_924] {strides = array<i32>} : memref<2x128xi32, #tpu.memory_space<vmem>>, vector<1x16xi32>,
      %swap3A_926 = vector.shape_cast %swap3A_925 : vector<1x16xi32> to vector<16xi32>
      %swap3A_927 = vector.shape_cast %shift_right_logical3A_921 : vector<16xi32> to vector<1x16xi32>
      tpu.vector_store %arg10[%swap3A_923, %swap3A_924], %swap3A_927 {strides = array<i32>} : memref<2x128xi32, #tpu.memory_space<vmem>>, vector<1x16xi32>,
      %and3A_928 = arith.constant 65535 : i32
      %and3A_929 = vector.broadcast %and3A_928 : i32 to vector<16xi32>
      %and3A_930 = arith.andi %get3A_918, %and3A_929 : vector<16xi32>
      %swap3A_931 = arith.constant 0 : i32
      %swap3A_932 = arith.index_cast %swap3A_931 : i32 to index
      %swap3A_933 = arith.constant 48 : index
      %swap3A_934 = tpu.vector_load %arg11[%swap3A_932, %swap3A_933] {strides = array<i32>} : memref<4x128xi32, #tpu.memory_space<vmem>>, vector<1x16xi32>,
      %swap3A_935 = vector.shape_cast %swap3A_934 : vector<1x16xi32> to vector<16xi32>
      %swap3A_936 = vector.shape_cast %and3A_930 : vector<16xi32> to vector<1x16xi32>
      tpu.vector_store %arg11[%swap3A_932, %swap3A_933], %swap3A_936 {strides = array<i32>} : memref<4x128xi32, #tpu.memory_space<vmem>>, vector<1x16xi32>,
      %get3A_937 = arith.index_cast %add3A_848 : i32 to index
      %get3A_938 = arith.constant 64 : index
      %get3A_939 = tpu.vector_load %arg9[%get3A_937, %get3A_938] {strides = array<i32>} : memref<80x128xi32, #tpu.memory_space<vmem>>, vector<1x16xi32>,
      %get3A_940 = vector.shape_cast %get3A_939 : vector<1x16xi32> to vector<16xi32>
      %shift_right_logical3A_941 = arith.constant 16 : i32
      %shift_right_logical3A_942 = vector.broadcast %shift_right_logical3A_941 : i32 to vector<16xi32>
      %shift_right_logical3A_943 = arith.shrui %get3A_940, %shift_right_logical3A_942 : vector<16xi32>
      %swap3A_944 = arith.constant 0 : i32
      %swap3A_945 = arith.index_cast %swap3A_944 : i32 to index
      %swap3A_946 = arith.constant 64 : index
      %swap3A_947 = tpu.vector_load %arg10[%swap3A_945, %swap3A_946] {strides = array<i32>} : memref<2x128xi32, #tpu.memory_space<vmem>>, vector<1x16xi32>,
      %swap3A_948 = vector.shape_cast %swap3A_947 : vector<1x16xi32> to vector<16xi32>
      %swap3A_949 = vector.shape_cast %shift_right_logical3A_943 : vector<16xi32> to vector<1x16xi32>
      tpu.vector_store %arg10[%swap3A_945, %swap3A_946], %swap3A_949 {strides = array<i32>} : memref<2x128xi32, #tpu.memory_space<vmem>>, vector<1x16xi32>,
      %and3A_950 = arith.constant 65535 : i32
      %and3A_951 = vector.broadcast %and3A_950 : i32 to vector<16xi32>
      %and3A_952 = arith.andi %get3A_940, %and3A_951 : vector<16xi32>
      %swap3A_953 = arith.constant 0 : i32
      %swap3A_954 = arith.index_cast %swap3A_953 : i32 to index
      %swap3A_955 = arith.constant 64 : index
      %swap3A_956 = tpu.vector_load %arg11[%swap3A_954, %swap3A_955] {strides = array<i32>} : memref<4x128xi32, #tpu.memory_space<vmem>>, vector<1x16xi32>,
      %swap3A_957 = vector.shape_cast %swap3A_956 : vector<1x16xi32> to vector<16xi32>
      %swap3A_958 = vector.shape_cast %and3A_952 : vector<16xi32> to vector<1x16xi32>
      tpu.vector_store %arg11[%swap3A_954, %swap3A_955], %swap3A_958 {strides = array<i32>} : memref<4x128xi32, #tpu.memory_space<vmem>>, vector<1x16xi32>,
      %get3A_959 = arith.index_cast %add3A_848 : i32 to index
      %get3A_960 = arith.constant 80 : index
      %get3A_961 = tpu.vector_load %arg9[%get3A_959, %get3A_960] {strides = array<i32>} : memref<80x128xi32, #tpu.memory_space<vmem>>, vector<1x16xi32>,
      %get3A_962 = vector.shape_cast %get3A_961 : vector<1x16xi32> to vector<16xi32>
      %shift_right_logical3A_963 = arith.constant 16 : i32
      %shift_right_logical3A_964 = vector.broadcast %shift_right_logical3A_963 : i32 to vector<16xi32>
      %shift_right_logical3A_965 = arith.shrui %get3A_962, %shift_right_logical3A_964 : vector<16xi32>
      %swap3A_966 = arith.constant 0 : i32
      %swap3A_967 = arith.index_cast %swap3A_966 : i32 to index
      %swap3A_968 = arith.constant 80 : index
      %swap3A_969 = tpu.vector_load %arg10[%swap3A_967, %swap3A_968] {strides = array<i32>} : memref<2x128xi32, #tpu.memory_space<vmem>>, vector<1x16xi32>,
      %swap3A_970 = vector.shape_cast %swap3A_969 : vector<1x16xi32> to vector<16xi32>
      %swap3A_971 = vector.shape_cast %shift_right_logical3A_965 : vector<16xi32> to vector<1x16xi32>
      tpu.vector_store %arg10[%swap3A_967, %swap3A_968], %swap3A_971 {strides = array<i32>} : memref<2x128xi32, #tpu.memory_space<vmem>>, vector<1x16xi32>,
      %and3A_972 = arith.constant 65535 : i32
      %and3A_973 = vector.broadcast %and3A_972 : i32 to vector<16xi32>
      %and3A_974 = arith.andi %get3A_962, %and3A_973 : vector<16xi32>
      %swap3A_975 = arith.constant 0 : i32
      %swap3A_976 = arith.index_cast %swap3A_975 : i32 to index
      %swap3A_977 = arith.constant 80 : index
      %swap3A_978 = tpu.vector_load %arg11[%swap3A_976, %swap3A_977] {strides = array<i32>} : memref<4x128xi32, #tpu.memory_space<vmem>>, vector<1x16xi32>,
      %swap3A_979 = vector.shape_cast %swap3A_978 : vector<1x16xi32> to vector<16xi32>
      %swap3A_980 = vector.shape_cast %and3A_974 : vector<16xi32> to vector<1x16xi32>
      tpu.vector_store %arg11[%swap3A_976, %swap3A_977], %swap3A_980 {strides = array<i32>} : memref<4x128xi32, #tpu.memory_space<vmem>>, vector<1x16xi32>,
      %get3A_981 = arith.index_cast %add3A_848 : i32 to index
      %get3A_982 = arith.constant 96 : index
      %get3A_983 = tpu.vector_load %arg9[%get3A_981, %get3A_982] {strides = array<i32>} : memref<80x128xi32, #tpu.memory_space<vmem>>, vector<1x16xi32>,
      %get3A_984 = vector.shape_cast %get3A_983 : vector<1x16xi32> to vector<16xi32>
      %shift_right_logical3A_985 = arith.constant 16 : i32
      %shift_right_logical3A_986 = vector.broadcast %shift_right_logical3A_985 : i32 to vector<16xi32>
      %shift_right_logical3A_987 = arith.shrui %get3A_984, %shift_right_logical3A_986 : vector<16xi32>
      %swap3A_988 = arith.constant 0 : i32
      %swap3A_989 = arith.index_cast %swap3A_988 : i32 to index
      %swap3A_990 = arith.constant 96 : index
      %swap3A_991 = tpu.vector_load %arg10[%swap3A_989, %swap3A_990] {strides = array<i32>} : memref<2x128xi32, #tpu.memory_space<vmem>>, vector<1x16xi32>,
      %swap3A_992 = vector.shape_cast %swap3A_991 : vector<1x16xi32> to vector<16xi32>
      %swap3A_993 = vector.shape_cast %shift_right_logical3A_987 : vector<16xi32> to vector<1x16xi32>
      tpu.vector_store %arg10[%swap3A_989, %swap3A_990], %swap3A_993 {strides = array<i32>} : memref<2x128xi32, #tpu.memory_space<vmem>>, vector<1x16xi32>,
      %and3A_994 = arith.constant 65535 : i32
      %and3A_995 = vector.broadcast %and3A_994 : i32 to vector<16xi32>
      %and3A_996 = arith.andi %get3A_984, %and3A_995 : vector<16xi32>
      %swap3A_997 = arith.constant 0 : i32
      %swap3A_998 = arith.index_cast %swap3A_997 : i32 to index
      %swap3A_999 = arith.constant 96 : index
      %swap3A_1000 = tpu.vector_load %arg11[%swap3A_998, %swap3A_999] {strides = array<i32>} : memref<4x128xi32, #tpu.memory_space<vmem>>, vector<1x16xi32>,
      %swap3A_1001 = vector.shape_cast %swap3A_1000 : vector<1x16xi32> to vector<16xi32>
      %swap3A_1002 = vector.shape_cast %and3A_996 : vector<16xi32> to vector<1x16xi32>
      tpu.vector_store %arg11[%swap3A_998, %swap3A_999], %swap3A_1002 {strides = array<i32>} : memref<4x128xi32, #tpu.memory_space<vmem>>, vector<1x16xi32>,
      %get3A_1003 = arith.index_cast %add3A_848 : i32 to index
      %get3A_1004 = arith.constant 112 : index
      %get3A_1005 = tpu.vector_load %arg9[%get3A_1003, %get3A_1004] {strides = array<i32>} : memref<80x128xi32, #tpu.memory_space<vmem>>, vector<1x16xi32>,
      %get3A_1006 = vector.shape_cast %get3A_1005 : vector<1x16xi32> to vector<16xi32>
      %shift_right_logical3A_1007 = arith.constant 16 : i32
      %shift_right_logical3A_1008 = vector.broadcast %shift_right_logical3A_1007 : i32 to vector<16xi32>
      %shift_right_logical3A_1009 = arith.shrui %get3A_1006, %shift_right_logical3A_1008 : vector<16xi32>
      %swap3A_1010 = arith.constant 0 : i32
      %swap3A_1011 = arith.index_cast %swap3A_1010 : i32 to index
      %swap3A_1012 = arith.constant 112 : index
      %swap3A_1013 = tpu.vector_load %arg10[%swap3A_1011, %swap3A_1012] {strides = array<i32>} : memref<2x128xi32, #tpu.memory_space<vmem>>, vector<1x16xi32>,
      %swap3A_1014 = vector.shape_cast %swap3A_1013 : vector<1x16xi32> to vector<16xi32>
      %swap3A_1015 = vector.shape_cast %shift_right_logical3A_1009 : vector<16xi32> to vector<1x16xi32>
      tpu.vector_store %arg10[%swap3A_1011, %swap3A_1012], %swap3A_1015 {strides = array<i32>} : memref<2x128xi32, #tpu.memory_space<vmem>>, vector<1x16xi32>,
      %and3A_1016 = arith.constant 65535 : i32
      %and3A_1017 = vector.broadcast %and3A_1016 : i32 to vector<16xi32>
      %and3A_1018 = arith.andi %get3A_1006, %and3A_1017 : vector<16xi32>
      %swap3A_1019 = arith.constant 0 : i32
      %swap3A_1020 = arith.index_cast %swap3A_1019 : i32 to index
      %swap3A_1021 = arith.constant 112 : index
      %swap3A_1022 = tpu.vector_load %arg11[%swap3A_1020, %swap3A_1021] {strides = array<i32>} : memref<4x128xi32, #tpu.memory_space<vmem>>, vector<1x16xi32>,
      %swap3A_1023 = vector.shape_cast %swap3A_1022 : vector<1x16xi32> to vector<16xi32>
      %swap3A_1024 = vector.shape_cast %and3A_1018 : vector<16xi32> to vector<1x16xi32>
      tpu.vector_store %arg11[%swap3A_1020, %swap3A_1021], %swap3A_1024 {strides = array<i32>} : memref<4x128xi32, #tpu.memory_space<vmem>>, vector<1x16xi32>,
      %dma_start3A_1025 = arith.constant 0 : i32
      %dma_start3A_1026 = arith.constant 0 : i32
      %dma_start3A_1027 = arith.constant 0 : i32
      %dma_start3A_1028 = tpu.memref_slice %arg12[%dma_start3A_1026, %dma_start3A_1027] : memref<128x128xf32, #tpu.memory_space<vmem>> -> memref<128x128xf32, #tpu.memory_space<vmem>>
      %dma_start3A_1029 = arith.constant 0 : i32
      %dma_start3A_1030 = tpu.memref_slice %arg10[%dma_start3A_1025, %dma_start3A_1029] : memref<2x128xi32, #tpu.memory_space<vmem>> -> memref<1x128xi32, #tpu.memory_space<vmem>>
      %dma_start3A_1031 = tpu.memref_squeeze %dma_start3A_1030 : memref<1x128xi32, #tpu.memory_space<vmem>> -> memref<128xi32, #tpu.memory_space<vmem>>
      %dma_start3A_1032 = arith.constant 0 : i32
      %dma_start3A_1033 = arith.constant 0 : i32
      %dma_start3A_1034 = tpu.memref_slice %arg2[%dma_start3A_1032, %dma_start3A_1033] : memref<10000x128xf32, #tpu.memory_space<hbm>> -> memref<10000x128xf32, #tpu.memory_space<hbm>>
      tpu.enqueue_indirect_dma source(%dma_start3A_1034 : memref<10000x128xf32, #tpu.memory_space<hbm>>) target(%dma_start3A_1028 : memref<128x128xf32, #tpu.memory_space<vmem>>) offsets(%dma_start3A_1031 : memref<128xi32, #tpu.memory_space<vmem>>) semaphore(%arg14 : memref<!tpu.dma_semaphore, #tpu.memory_space<semaphore_mem>>)
      %dma_wait3A_1035 = arith.constant 1 : i32
      %dma_wait3A_1036 = arith.constant 0 : i32
      %dma_wait3A_1037 = arith.constant 0 : i32
      %dma_wait3A_1038 = tpu.memref_slice %arg13[%dma_wait3A_1036, %dma_wait3A_1037] : memref<128x128xf32, #tpu.memory_space<vmem>> -> memref<128x128xf32, #tpu.memory_space<vmem>>
      %dma_wait3A_1039 = arith.constant 0 : i32
      %dma_wait3A_1040 = tpu.memref_slice %arg10[%dma_wait3A_1035, %dma_wait3A_1039] : memref<2x128xi32, #tpu.memory_space<vmem>> -> memref<1x128xi32, #tpu.memory_space<vmem>>
      %dma_wait3A_1041 = tpu.memref_squeeze %dma_wait3A_1040 : memref<1x128xi32, #tpu.memory_space<vmem>> -> memref<128xi32, #tpu.memory_space<vmem>>
      %dma_wait3A_1042 = arith.constant 0 : i32
      %dma_wait3A_1043 = arith.constant 0 : i32
      %dma_wait3A_1044 = tpu.memref_slice %arg2[%dma_wait3A_1042, %dma_wait3A_1043] : memref<10000x128xf32, #tpu.memory_space<hbm>> -> memref<10000x128xf32, #tpu.memory_space<hbm>>
      tpu.wait_indirect_dma semaphore(%arg18 : memref<!tpu.dma_semaphore, #tpu.memory_space<semaphore_mem>>) src(%dma_wait3A_1044 : memref<10000x128xf32, #tpu.memory_space<hbm>>) dst(%dma_wait3A_1038 : memref<128x128xf32, #tpu.memory_space<vmem>>)
      %run_scoped3A_1045 = arith.constant 1 : i32
      "tpu.region"() ({
        %run_scoped3A_1046 = tpu.sem_alloc : memref<!tpu.dma_semaphore, #tpu.memory_space<semaphore_mem>>
        %dma_start3A_1047 = arith.constant 0 : i32
        %dma_start3A_1048 = tpu.memref_slice %arg11[%run_scoped3A_1045, %dma_start3A_1047] : memref<4x128xi32, #tpu.memory_space<vmem>> -> memref<1x128xi32, #tpu.memory_space<vmem>>
        %dma_start3A_1049 = tpu.memref_squeeze %dma_start3A_1048 : memref<1x128xi32, #tpu.memory_space<vmem>> -> memref<128xi32, #tpu.memory_space<vmem>>
        %dma_start3A_1050 = arith.constant 0 : i32
        %dma_start3A_1051 = arith.constant 0 : i32
        %dma_start3A_1052 = tpu.memref_slice %arg22[%dma_start3A_1050, %dma_start3A_1051] : memref<10240x128xf32, #tpu.memory_space<vmem_shared>> -> memref<10240x128xf32, #tpu.memory_space<vmem_shared>>
        tpu.enqueue_indirect_dma source(%arg13 : memref<128x128xf32, #tpu.memory_space<vmem>>) target(%dma_start3A_1052 : memref<10240x128xf32, #tpu.memory_space<vmem_shared>>) offsets(%dma_start3A_1049 : memref<128xi32, #tpu.memory_space<vmem>>) semaphore(%run_scoped3A_1046 : memref<!tpu.dma_semaphore, #tpu.memory_space<semaphore_mem>>) {add = true}
        %dma_wait3A_1053 = arith.constant 0 : i32
        %dma_wait3A_1054 = tpu.memref_slice %arg11[%run_scoped3A_1045, %dma_wait3A_1053] : memref<4x128xi32, #tpu.memory_space<vmem>> -> memref<1x128xi32, #tpu.memory_space<vmem>>
        %dma_wait3A_1055 = tpu.memref_squeeze %dma_wait3A_1054 : memref<1x128xi32, #tpu.memory_space<vmem>> -> memref<128xi32, #tpu.memory_space<vmem>>
        %dma_wait3A_1056 = arith.constant 0 : i32
        %dma_wait3A_1057 = arith.constant 0 : i32
        %dma_wait3A_1058 = tpu.memref_slice %arg22[%dma_wait3A_1056, %dma_wait3A_1057] : memref<10240x128xf32, #tpu.memory_space<vmem_shared>> -> memref<10240x128xf32, #tpu.memory_space<vmem_shared>>
        tpu.wait_indirect_dma semaphore(%run_scoped3A_1046 : memref<!tpu.dma_semaphore, #tpu.memory_space<semaphore_mem>>) src(%arg13 : memref<128x128xf32, #tpu.memory_space<vmem>>) dst(%dma_wait3A_1058 : memref<10240x128xf32, #tpu.memory_space<vmem_shared>>)
        tpu.yield
      }) : () -> ()
    }
    %scan3A_633 = arith.constant 39 : i32
    %dma_wait3A_634 = arith.constant 0 : i32
    %dma_wait3A_635 = arith.constant 0 : i32
    %dma_wait3A_636 = arith.constant 0 : i32
    %dma_wait3A_637 = tpu.memref_slice %arg12[%dma_wait3A_635, %dma_wait3A_636] : memref<128x128xf32, #tpu.memory_space<vmem>> -> memref<128x128xf32, #tpu.memory_space<vmem>>
    %dma_wait3A_638 = arith.constant 0 : i32
    %dma_wait3A_639 = tpu.memref_slice %arg10[%dma_wait3A_634, %dma_wait3A_638] : memref<2x128xi32, #tpu.memory_space<vmem>> -> memref<1x128xi32, #tpu.memory_space<vmem>>
    %dma_wait3A_640 = tpu.memref_squeeze %dma_wait3A_639 : memref<1x128xi32, #tpu.memory_space<vmem>> -> memref<128xi32, #tpu.memory_space<vmem>>
    %dma_wait3A_641 = arith.constant 0 : i32
    %dma_wait3A_642 = arith.constant 0 : i32
    %dma_wait3A_643 = tpu.memref_slice %arg2[%dma_wait3A_641, %dma_wait3A_642] : memref<10000x128xf32, #tpu.memory_space<hbm>> -> memref<10000x128xf32, #tpu.memory_space<hbm>>
    tpu.wait_indirect_dma semaphore(%arg14 : memref<!tpu.dma_semaphore, #tpu.memory_space<semaphore_mem>>) src(%dma_wait3A_643 : memref<10000x128xf32, #tpu.memory_space<hbm>>) dst(%dma_wait3A_637 : memref<128x128xf32, #tpu.memory_space<vmem>>)
    %run_scoped3A = arith.constant 0 : i32
    "tpu.region"() ({
      %run_scoped3A_645 = tpu.sem_alloc : memref<!tpu.dma_semaphore, #tpu.memory_space<semaphore_mem>>
      %dma_start3A_646 = arith.constant 0 : i32
      %dma_start3A_647 = tpu.memref_slice %arg11[%run_scoped3A, %dma_start3A_646] : memref<4x128xi32, #tpu.memory_space<vmem>> -> memref<1x128xi32, #tpu.memory_space<vmem>>
      %dma_start3A_648 = tpu.memref_squeeze %dma_start3A_647 : memref<1x128xi32, #tpu.memory_space<vmem>> -> memref<128xi32, #tpu.memory_space<vmem>>
      %dma_start3A_649 = arith.constant 0 : i32
      %dma_start3A_650 = arith.constant 0 : i32
      %dma_start3A_651 = tpu.memref_slice %arg22[%dma_start3A_649, %dma_start3A_650] : memref<10240x128xf32, #tpu.memory_space<vmem_shared>> -> memref<10240x128xf32, #tpu.memory_space<vmem_shared>>
      tpu.enqueue_indirect_dma source(%arg12 : memref<128x128xf32, #tpu.memory_space<vmem>>) target(%dma_start3A_651 : memref<10240x128xf32, #tpu.memory_space<vmem_shared>>) offsets(%dma_start3A_648 : memref<128xi32, #tpu.memory_space<vmem>>) semaphore(%run_scoped3A_645 : memref<!tpu.dma_semaphore, #tpu.memory_space<semaphore_mem>>) {add = true}
      %dma_wait3A_652 = arith.constant 0 : i32
      %dma_wait3A_653 = tpu.memref_slice %arg11[%run_scoped3A, %dma_wait3A_652] : memref<4x128xi32, #tpu.memory_space<vmem>> -> memref<1x128xi32, #tpu.memory_space<vmem>>
      %dma_wait3A_654 = tpu.memref_squeeze %dma_wait3A_653 : memref<1x128xi32, #tpu.memory_space<vmem>> -> memref<128xi32, #tpu.memory_space<vmem>>
      %dma_wait3A_655 = arith.constant 0 : i32
      %dma_wait3A_656 = arith.constant 0 : i32
      %dma_wait3A_657 = tpu.memref_slice %arg22[%dma_wait3A_655, %dma_wait3A_656] : memref<10240x128xf32, #tpu.memory_space<vmem_shared>> -> memref<10240x128xf32, #tpu.memory_space<vmem_shared>>
      tpu.wait_indirect_dma semaphore(%run_scoped3A_645 : memref<!tpu.dma_semaphore, #tpu.memory_space<semaphore_mem>>) src(%arg12 : memref<128x128xf32, #tpu.memory_space<vmem>>) dst(%dma_wait3A_657 : memref<10240x128xf32, #tpu.memory_space<vmem_shared>>)
      tpu.yield
    }) : () -> ()
    %barrier3A_644 = arith.constant 0 : index
    tpu.barrier barrier_id(%barrier3A_644)
    "tpu.region"() ({
      %run_scoped3A_645 = tpu.sem_alloc : memref<!tpu.dma_semaphore, #tpu.memory_space<semaphore_mem>>
      %dma_start3A_646 = arith.constant 0 : i32
      %dma_start3A_647 = tpu.memref_slice %arg6[%arg0, %mul3A_47, %dma_start3A_646] : memref<2x10240x128xf32, #tpu.memory_space<hbm>> -> memref<1x640x128xf32, #tpu.memory_space<hbm>>
      %dma_start3A_648 = tpu.memref_squeeze %dma_start3A_647 : memref<1x640x128xf32, #tpu.memory_space<hbm>> -> memref<640x128xf32, #tpu.memory_space<hbm>>
      %dma_start3A_649 = arith.constant 0 : i32
      %dma_start3A_650 = tpu.memref_slice %arg22[%mul3A_47, %dma_start3A_649] : memref<10240x128xf32, #tpu.memory_space<vmem_shared>> -> memref<640x128xf32, #tpu.memory_space<vmem_shared>>
      tpu.enqueue_dma source(%dma_start3A_650 : memref<640x128xf32, #tpu.memory_space<vmem_shared>>) target(%dma_start3A_648 : memref<640x128xf32, #tpu.memory_space<hbm>>) target_semaphore(%run_scoped3A_645 : memref<!tpu.dma_semaphore, #tpu.memory_space<semaphore_mem>>)
      %dma_wait3A_651 = arith.constant 0 : i32
      %dma_wait3A_652 = tpu.memref_slice %arg6[%arg0, %mul3A_47, %dma_wait3A_651] : memref<2x10240x128xf32, #tpu.memory_space<hbm>> -> memref<1x640x128xf32, #tpu.memory_space<hbm>>
      %dma_wait3A_653 = tpu.memref_squeeze %dma_wait3A_652 : memref<1x640x128xf32, #tpu.memory_space<hbm>> -> memref<640x128xf32, #tpu.memory_space<hbm>>
      %dma_wait3A_654 = arith.constant 0 : i32
      %dma_wait3A_655 = tpu.memref_slice %arg22[%mul3A_47, %dma_wait3A_654] : memref<10240x128xf32, #tpu.memory_space<vmem_shared>> -> memref<640x128xf32, #tpu.memory_space<vmem_shared>>
      tpu.wait_dma2 semaphore(%run_scoped3A_645 : memref<!tpu.dma_semaphore, #tpu.memory_space<semaphore_mem>>) src(%dma_wait3A_655 : memref<640x128xf32, #tpu.memory_space<vmem_shared>>) dst(%dma_wait3A_653 : memref<640x128xf32, #tpu.memory_space<hbm>>)
      tpu.yield
    }) : () -> ()
    return
  }
}

#map = affine_map<(d0, d1) -> (0, 0)>
#map1 = affine_map<(d0, d1) -> (0, 0, 0)>
module attributes {stable_mosaic.version = 14 : i64} {
  func.func @_sc_agg_body(%arg0: i32, %arg1: i32, %arg2: memref<10000x128xf32, #tpu.memory_space<hbm>>, %arg3: memref<2560x128xi32, #tpu.memory_space<hbm>>, %arg4: memref<640x128xf32, #tpu.memory_space<hbm>>, %arg5: memref<2x10240x128xf32, #tpu.memory_space<hbm>>, %arg6: memref<80xi32, #tpu.memory_space<vmem>>, %arg7: memref<80x128xi32, #tpu.memory_space<vmem>>, %arg8: memref<2x128xi32, #tpu.memory_space<vmem>>, %arg9: memref<4x128xi32, #tpu.memory_space<vmem>>, %arg10: memref<128x128xf32, #tpu.memory_space<vmem>>, %arg11: memref<128x128xf32, #tpu.memory_space<vmem>>, %arg12: memref<!tpu.dma_semaphore, #tpu.memory_space<semaphore_mem>>, %arg13: memref<!tpu.dma_semaphore, #tpu.memory_space<semaphore_mem>>, %arg14: memref<!tpu.dma_semaphore, #tpu.memory_space<semaphore_mem>>, %arg15: memref<!tpu.dma_semaphore, #tpu.memory_space<semaphore_mem>>, %arg16: memref<!tpu.dma_semaphore, #tpu.memory_space<semaphore_mem>>, %arg17: memref<!tpu.dma_semaphore, #tpu.memory_space<semaphore_mem>>, %arg18: memref<!tpu.dma_semaphore, #tpu.memory_space<semaphore_mem>>, %arg19: memref<!tpu.dma_semaphore, #tpu.memory_space<semaphore_mem>>, %arg20: memref<10240x128xf32, #tpu.memory_space<vmem_shared>>) attributes {dimension_semantics = [#tpu.dimension_semantics<core_parallel>, #tpu.dimension_semantics<subcore_parallel>], iteration_bounds = array<i64: 2, 16>, scalar_prefetch = 0 : i64, scratch_operands = 15 : i64, tpu.core_type = #tpu.core_type<sc_vector_subcore>, window_params = [{transform_indices = #map}, {transform_indices = #map}, {transform_indices = #map}, {transform_indices = #map1}]} {
    %mul3A = arith.constant 2 : i32
    %mul3A_0 = arith.muli %arg1, %mul3A : i32
    %add3A = arith.addi %mul3A_0, %arg0 : i32
    %mul3A_1 = arith.constant 80 : i32
    %mul3A_2 = arith.muli %add3A, %mul3A_1 : i32
    %add3A_3 = arith.constant 0 : i32
    %add3A_4 = arith.addi %mul3A_2, %add3A_3 : i32
    %iota3A = tpu.iota {dimensions = array<i32: 0>} : vector<16xi32>
    %add3A_5 = vector.broadcast %add3A_4 : i32 to vector<16xi32>
    %add3A_6 = arith.addi %add3A_5, %iota3A : vector<16xi32>
    %swap3A = arith.constant 0 : index
    %swap3A_7 = tpu.vector_load %arg6[%swap3A] {strides = array<i32>} : memref<80xi32, #tpu.memory_space<vmem>>, vector<16xi32>,
    %swap3A_8 = vector.shape_cast %swap3A_7 : vector<16xi32> to vector<16xi32>
    %swap3A_9 = vector.shape_cast %add3A_6 : vector<16xi32> to vector<16xi32>
    tpu.vector_store %arg6[%swap3A], %swap3A_9 {strides = array<i32>} : memref<80xi32, #tpu.memory_space<vmem>>, vector<16xi32>,
    %add3A_10 = arith.constant 16 : i32
    %add3A_11 = arith.addi %mul3A_2, %add3A_10 : i32
    %iota3A_12 = tpu.iota {dimensions = array<i32: 0>} : vector<16xi32>
    %add3A_13 = vector.broadcast %add3A_11 : i32 to vector<16xi32>
    %add3A_14 = arith.addi %add3A_13, %iota3A_12 : vector<16xi32>
    %swap3A_15 = arith.constant 16 : index
    %swap3A_16 = tpu.vector_load %arg6[%swap3A_15] {strides = array<i32>} : memref<80xi32, #tpu.memory_space<vmem>>, vector<16xi32>,
    %swap3A_17 = vector.shape_cast %swap3A_16 : vector<16xi32> to vector<16xi32>
    %swap3A_18 = vector.shape_cast %add3A_14 : vector<16xi32> to vector<16xi32>
    tpu.vector_store %arg6[%swap3A_15], %swap3A_18 {strides = array<i32>} : memref<80xi32, #tpu.memory_space<vmem>>, vector<16xi32>,
    %add3A_19 = arith.constant 32 : i32
    %add3A_20 = arith.addi %mul3A_2, %add3A_19 : i32
    %iota3A_21 = tpu.iota {dimensions = array<i32: 0>} : vector<16xi32>
    %add3A_22 = vector.broadcast %add3A_20 : i32 to vector<16xi32>
    %add3A_23 = arith.addi %add3A_22, %iota3A_21 : vector<16xi32>
    %swap3A_24 = arith.constant 32 : index
    %swap3A_25 = tpu.vector_load %arg6[%swap3A_24] {strides = array<i32>} : memref<80xi32, #tpu.memory_space<vmem>>, vector<16xi32>,
    %swap3A_26 = vector.shape_cast %swap3A_25 : vector<16xi32> to vector<16xi32>
    %swap3A_27 = vector.shape_cast %add3A_23 : vector<16xi32> to vector<16xi32>
    tpu.vector_store %arg6[%swap3A_24], %swap3A_27 {strides = array<i32>} : memref<80xi32, #tpu.memory_space<vmem>>, vector<16xi32>,
    %add3A_28 = arith.constant 48 : i32
    %add3A_29 = arith.addi %mul3A_2, %add3A_28 : i32
    %iota3A_30 = tpu.iota {dimensions = array<i32: 0>} : vector<16xi32>
    %add3A_31 = vector.broadcast %add3A_29 : i32 to vector<16xi32>
    %add3A_32 = arith.addi %add3A_31, %iota3A_30 : vector<16xi32>
    %swap3A_33 = arith.constant 48 : index
    %swap3A_34 = tpu.vector_load %arg6[%swap3A_33] {strides = array<i32>} : memref<80xi32, #tpu.memory_space<vmem>>, vector<16xi32>,
    %swap3A_35 = vector.shape_cast %swap3A_34 : vector<16xi32> to vector<16xi32>
    %swap3A_36 = vector.shape_cast %add3A_32 : vector<16xi32> to vector<16xi32>
    tpu.vector_store %arg6[%swap3A_33], %swap3A_36 {strides = array<i32>} : memref<80xi32, #tpu.memory_space<vmem>>, vector<16xi32>,
    %add3A_37 = arith.constant 64 : i32
    %add3A_38 = arith.addi %mul3A_2, %add3A_37 : i32
    %iota3A_39 = tpu.iota {dimensions = array<i32: 0>} : vector<16xi32>
    %add3A_40 = vector.broadcast %add3A_38 : i32 to vector<16xi32>
    %add3A_41 = arith.addi %add3A_40, %iota3A_39 : vector<16xi32>
    %swap3A_42 = arith.constant 64 : index
    %swap3A_43 = tpu.vector_load %arg6[%swap3A_42] {strides = array<i32>} : memref<80xi32, #tpu.memory_space<vmem>>, vector<16xi32>,
    %swap3A_44 = vector.shape_cast %swap3A_43 : vector<16xi32> to vector<16xi32>
    %swap3A_45 = vector.shape_cast %add3A_41 : vector<16xi32> to vector<16xi32>
    tpu.vector_store %arg6[%swap3A_42], %swap3A_45 {strides = array<i32>} : memref<80xi32, #tpu.memory_space<vmem>>, vector<16xi32>,
    %mul3A_46 = arith.constant 640 : i32
    %mul3A_47 = arith.muli %arg1, %mul3A_46 : i32
    %dma_start3A = arith.constant 0 : i32
    %dma_start3A_48 = arith.constant 0 : i32
    %dma_start3A_49 = tpu.memref_slice %arg3[%dma_start3A, %dma_start3A_48] : memref<2560x128xi32, #tpu.memory_space<hbm>> -> memref<2560x128xi32, #tpu.memory_space<hbm>>
    tpu.enqueue_indirect_dma source(%dma_start3A_49 : memref<2560x128xi32, #tpu.memory_space<hbm>>) target(%arg7 : memref<80x128xi32, #tpu.memory_space<vmem>>) offsets(%arg6 : memref<80xi32, #tpu.memory_space<vmem>>) semaphore(%arg12 : memref<!tpu.dma_semaphore, #tpu.memory_space<semaphore_mem>>)
    "tpu.region"() ({
      %run_scoped3A_682 = tpu.sem_alloc : memref<!tpu.dma_semaphore, #tpu.memory_space<semaphore_mem>>
      %dma_start3A_683 = arith.constant 0 : i32
      %dma_start3A_684 = tpu.memref_slice %arg20[%mul3A_47, %dma_start3A_683] : memref<10240x128xf32, #tpu.memory_space<vmem_shared>> -> memref<640x128xf32, #tpu.memory_space<vmem_shared>>
      tpu.enqueue_dma source(%arg4 : memref<640x128xf32, #tpu.memory_space<hbm>>) target(%dma_start3A_684 : memref<640x128xf32, #tpu.memory_space<vmem_shared>>) target_semaphore(%run_scoped3A_682 : memref<!tpu.dma_semaphore, #tpu.memory_space<semaphore_mem>>)
      %dma_wait3A_685 = arith.constant 0 : i32
      %dma_wait3A_686 = tpu.memref_slice %arg20[%mul3A_47, %dma_wait3A_685] : memref<10240x128xf32, #tpu.memory_space<vmem_shared>> -> memref<640x128xf32, #tpu.memory_space<vmem_shared>>
      tpu.wait_dma2 semaphore(%run_scoped3A_682 : memref<!tpu.dma_semaphore, #tpu.memory_space<semaphore_mem>>) src(%arg4 : memref<640x128xf32, #tpu.memory_space<hbm>>) dst(%dma_wait3A_686 : memref<640x128xf32, #tpu.memory_space<vmem_shared>>)
      tpu.yield
    }) : () -> ()
    %dma_wait3A = arith.constant 0 : i32
    %dma_wait3A_50 = arith.constant 0 : i32
    %dma_wait3A_51 = tpu.memref_slice %arg3[%dma_wait3A, %dma_wait3A_50] : memref<2560x128xi32, #tpu.memory_space<hbm>> -> memref<2560x128xi32, #tpu.memory_space<hbm>>
    tpu.wait_indirect_dma semaphore(%arg12 : memref<!tpu.dma_semaphore, #tpu.memory_space<semaphore_mem>>) src(%dma_wait3A_51 : memref<2560x128xi32, #tpu.memory_space<hbm>>) dst(%arg7 : memref<80x128xi32, #tpu.memory_space<vmem>>)
    %barrier3A = arith.constant 0 : index
    tpu.barrier barrier_id(%barrier3A)
    %get3A = arith.constant 0 : i32
    %get3A_52 = arith.index_cast %get3A : i32 to index
    %get3A_53 = arith.constant 0 : index
    %get3A_54 = tpu.vector_load %arg7[%get3A_52, %get3A_53] {strides = array<i32>} : memref<80x128xi32, #tpu.memory_space<vmem>>, vector<1x16xi32>,
    %get3A_55 = vector.shape_cast %get3A_54 : vector<1x16xi32> to vector<16xi32>
    %shift_right_logical3A = arith.constant 16 : i32
    %shift_right_logical3A_56 = vector.broadcast %shift_right_logical3A : i32 to vector<16xi32>
    %shift_right_logical3A_57 = arith.shrui %get3A_55, %shift_right_logical3A_56 : vector<16xi32>
    %swap3A_58 = arith.constant 0 : i32
    %swap3A_59 = arith.index_cast %swap3A_58 : i32 to index
    %swap3A_60 = arith.constant 0 : index
    %swap3A_61 = tpu.vector_load %arg8[%swap3A_59, %swap3A_60] {strides = array<i32>} : memref<2x128xi32, #tpu.memory_space<vmem>>, vector<1x16xi32>,
    %swap3A_62 = vector.shape_cast %swap3A_61 : vector<1x16xi32> to vector<16xi32>
    %swap3A_63 = vector.shape_cast %shift_right_logical3A_57 : vector<16xi32> to vector<1x16xi32>
    tpu.vector_store %arg8[%swap3A_59, %swap3A_60], %swap3A_63 {strides = array<i32>} : memref<2x128xi32, #tpu.memory_space<vmem>>, vector<1x16xi32>,
    %and3A = arith.constant 65535 : i32
    %and3A_64 = vector.broadcast %and3A : i32 to vector<16xi32>
    %and3A_65 = arith.andi %get3A_55, %and3A_64 : vector<16xi32>
    %swap3A_66 = arith.constant 0 : i32
    %swap3A_67 = arith.index_cast %swap3A_66 : i32 to index
    %swap3A_68 = arith.constant 0 : index
    %swap3A_69 = tpu.vector_load %arg9[%swap3A_67, %swap3A_68] {strides = array<i32>} : memref<4x128xi32, #tpu.memory_space<vmem>>, vector<1x16xi32>,
    %swap3A_70 = vector.shape_cast %swap3A_69 : vector<1x16xi32> to vector<16xi32>
    %swap3A_71 = vector.shape_cast %and3A_65 : vector<16xi32> to vector<1x16xi32>
    tpu.vector_store %arg9[%swap3A_67, %swap3A_68], %swap3A_71 {strides = array<i32>} : memref<4x128xi32, #tpu.memory_space<vmem>>, vector<1x16xi32>,
    %get3A_72 = arith.constant 0 : i32
    %get3A_73 = arith.index_cast %get3A_72 : i32 to index
    %get3A_74 = arith.constant 16 : index
    %get3A_75 = tpu.vector_load %arg7[%get3A_73, %get3A_74] {strides = array<i32>} : memref<80x128xi32, #tpu.memory_space<vmem>>, vector<1x16xi32>,
    %get3A_76 = vector.shape_cast %get3A_75 : vector<1x16xi32> to vector<16xi32>
    %shift_right_logical3A_77 = arith.constant 16 : i32
    %shift_right_logical3A_78 = vector.broadcast %shift_right_logical3A_77 : i32 to vector<16xi32>
    %shift_right_logical3A_79 = arith.shrui %get3A_76, %shift_right_logical3A_78 : vector<16xi32>
    %swap3A_80 = arith.constant 0 : i32
    %swap3A_81 = arith.index_cast %swap3A_80 : i32 to index
    %swap3A_82 = arith.constant 16 : index
    %swap3A_83 = tpu.vector_load %arg8[%swap3A_81, %swap3A_82] {strides = array<i32>} : memref<2x128xi32, #tpu.memory_space<vmem>>, vector<1x16xi32>,
    %swap3A_84 = vector.shape_cast %swap3A_83 : vector<1x16xi32> to vector<16xi32>
    %swap3A_85 = vector.shape_cast %shift_right_logical3A_79 : vector<16xi32> to vector<1x16xi32>
    tpu.vector_store %arg8[%swap3A_81, %swap3A_82], %swap3A_85 {strides = array<i32>} : memref<2x128xi32, #tpu.memory_space<vmem>>, vector<1x16xi32>,
    %and3A_86 = arith.constant 65535 : i32
    %and3A_87 = vector.broadcast %and3A_86 : i32 to vector<16xi32>
    %and3A_88 = arith.andi %get3A_76, %and3A_87 : vector<16xi32>
    %swap3A_89 = arith.constant 0 : i32
    %swap3A_90 = arith.index_cast %swap3A_89 : i32 to index
    %swap3A_91 = arith.constant 16 : index
    %swap3A_92 = tpu.vector_load %arg9[%swap3A_90, %swap3A_91] {strides = array<i32>} : memref<4x128xi32, #tpu.memory_space<vmem>>, vector<1x16xi32>,
    %swap3A_93 = vector.shape_cast %swap3A_92 : vector<1x16xi32> to vector<16xi32>
    %swap3A_94 = vector.shape_cast %and3A_88 : vector<16xi32> to vector<1x16xi32>
    tpu.vector_store %arg9[%swap3A_90, %swap3A_91], %swap3A_94 {strides = array<i32>} : memref<4x128xi32, #tpu.memory_space<vmem>>, vector<1x16xi32>,
    %get3A_95 = arith.constant 0 : i32
    %get3A_96 = arith.index_cast %get3A_95 : i32 to index
    %get3A_97 = arith.constant 32 : index
    %get3A_98 = tpu.vector_load %arg7[%get3A_96, %get3A_97] {strides = array<i32>} : memref<80x128xi32, #tpu.memory_space<vmem>>, vector<1x16xi32>,
    %get3A_99 = vector.shape_cast %get3A_98 : vector<1x16xi32> to vector<16xi32>
    %shift_right_logical3A_100 = arith.constant 16 : i32
    %shift_right_logical3A_101 = vector.broadcast %shift_right_logical3A_100 : i32 to vector<16xi32>
    %shift_right_logical3A_102 = arith.shrui %get3A_99, %shift_right_logical3A_101 : vector<16xi32>
    %swap3A_103 = arith.constant 0 : i32
    %swap3A_104 = arith.index_cast %swap3A_103 : i32 to index
    %swap3A_105 = arith.constant 32 : index
    %swap3A_106 = tpu.vector_load %arg8[%swap3A_104, %swap3A_105] {strides = array<i32>} : memref<2x128xi32, #tpu.memory_space<vmem>>, vector<1x16xi32>,
    %swap3A_107 = vector.shape_cast %swap3A_106 : vector<1x16xi32> to vector<16xi32>
    %swap3A_108 = vector.shape_cast %shift_right_logical3A_102 : vector<16xi32> to vector<1x16xi32>
    tpu.vector_store %arg8[%swap3A_104, %swap3A_105], %swap3A_108 {strides = array<i32>} : memref<2x128xi32, #tpu.memory_space<vmem>>, vector<1x16xi32>,
    %and3A_109 = arith.constant 65535 : i32
    %and3A_110 = vector.broadcast %and3A_109 : i32 to vector<16xi32>
    %and3A_111 = arith.andi %get3A_99, %and3A_110 : vector<16xi32>
    %swap3A_112 = arith.constant 0 : i32
    %swap3A_113 = arith.index_cast %swap3A_112 : i32 to index
    %swap3A_114 = arith.constant 32 : index
    %swap3A_115 = tpu.vector_load %arg9[%swap3A_113, %swap3A_114] {strides = array<i32>} : memref<4x128xi32, #tpu.memory_space<vmem>>, vector<1x16xi32>,
    %swap3A_116 = vector.shape_cast %swap3A_115 : vector<1x16xi32> to vector<16xi32>
    %swap3A_117 = vector.shape_cast %and3A_111 : vector<16xi32> to vector<1x16xi32>
    tpu.vector_store %arg9[%swap3A_113, %swap3A_114], %swap3A_117 {strides = array<i32>} : memref<4x128xi32, #tpu.memory_space<vmem>>, vector<1x16xi32>,
    %get3A_118 = arith.constant 0 : i32
    %get3A_119 = arith.index_cast %get3A_118 : i32 to index
    %get3A_120 = arith.constant 48 : index
    %get3A_121 = tpu.vector_load %arg7[%get3A_119, %get3A_120] {strides = array<i32>} : memref<80x128xi32, #tpu.memory_space<vmem>>, vector<1x16xi32>,
    %get3A_122 = vector.shape_cast %get3A_121 : vector<1x16xi32> to vector<16xi32>
    %shift_right_logical3A_123 = arith.constant 16 : i32
    %shift_right_logical3A_124 = vector.broadcast %shift_right_logical3A_123 : i32 to vector<16xi32>
    %shift_right_logical3A_125 = arith.shrui %get3A_122, %shift_right_logical3A_124 : vector<16xi32>
    %swap3A_126 = arith.constant 0 : i32
    %swap3A_127 = arith.index_cast %swap3A_126 : i32 to index
    %swap3A_128 = arith.constant 48 : index
    %swap3A_129 = tpu.vector_load %arg8[%swap3A_127, %swap3A_128] {strides = array<i32>} : memref<2x128xi32, #tpu.memory_space<vmem>>, vector<1x16xi32>,
    %swap3A_130 = vector.shape_cast %swap3A_129 : vector<1x16xi32> to vector<16xi32>
    %swap3A_131 = vector.shape_cast %shift_right_logical3A_125 : vector<16xi32> to vector<1x16xi32>
    tpu.vector_store %arg8[%swap3A_127, %swap3A_128], %swap3A_131 {strides = array<i32>} : memref<2x128xi32, #tpu.memory_space<vmem>>, vector<1x16xi32>,
    %and3A_132 = arith.constant 65535 : i32
    %and3A_133 = vector.broadcast %and3A_132 : i32 to vector<16xi32>
    %and3A_134 = arith.andi %get3A_122, %and3A_133 : vector<16xi32>
    %swap3A_135 = arith.constant 0 : i32
    %swap3A_136 = arith.index_cast %swap3A_135 : i32 to index
    %swap3A_137 = arith.constant 48 : index
    %swap3A_138 = tpu.vector_load %arg9[%swap3A_136, %swap3A_137] {strides = array<i32>} : memref<4x128xi32, #tpu.memory_space<vmem>>, vector<1x16xi32>,
    %swap3A_139 = vector.shape_cast %swap3A_138 : vector<1x16xi32> to vector<16xi32>
    %swap3A_140 = vector.shape_cast %and3A_134 : vector<16xi32> to vector<1x16xi32>
    tpu.vector_store %arg9[%swap3A_136, %swap3A_137], %swap3A_140 {strides = array<i32>} : memref<4x128xi32, #tpu.memory_space<vmem>>, vector<1x16xi32>,
    %get3A_141 = arith.constant 0 : i32
    %get3A_142 = arith.index_cast %get3A_141 : i32 to index
    %get3A_143 = arith.constant 64 : index
    %get3A_144 = tpu.vector_load %arg7[%get3A_142, %get3A_143] {strides = array<i32>} : memref<80x128xi32, #tpu.memory_space<vmem>>, vector<1x16xi32>,
    %get3A_145 = vector.shape_cast %get3A_144 : vector<1x16xi32> to vector<16xi32>
    %shift_right_logical3A_146 = arith.constant 16 : i32
    %shift_right_logical3A_147 = vector.broadcast %shift_right_logical3A_146 : i32 to vector<16xi32>
    %shift_right_logical3A_148 = arith.shrui %get3A_145, %shift_right_logical3A_147 : vector<16xi32>
    %swap3A_149 = arith.constant 0 : i32
    %swap3A_150 = arith.index_cast %swap3A_149 : i32 to index
    %swap3A_151 = arith.constant 64 : index
    %swap3A_152 = tpu.vector_load %arg8[%swap3A_150, %swap3A_151] {strides = array<i32>} : memref<2x128xi32, #tpu.memory_space<vmem>>, vector<1x16xi32>,
    %swap3A_153 = vector.shape_cast %swap3A_152 : vector<1x16xi32> to vector<16xi32>
    %swap3A_154 = vector.shape_cast %shift_right_logical3A_148 : vector<16xi32> to vector<1x16xi32>
    tpu.vector_store %arg8[%swap3A_150, %swap3A_151], %swap3A_154 {strides = array<i32>} : memref<2x128xi32, #tpu.memory_space<vmem>>, vector<1x16xi32>,
    %and3A_155 = arith.constant 65535 : i32
    %and3A_156 = vector.broadcast %and3A_155 : i32 to vector<16xi32>
    %and3A_157 = arith.andi %get3A_145, %and3A_156 : vector<16xi32>
    %swap3A_158 = arith.constant 0 : i32
    %swap3A_159 = arith.index_cast %swap3A_158 : i32 to index
    %swap3A_160 = arith.constant 64 : index
    %swap3A_161 = tpu.vector_load %arg9[%swap3A_159, %swap3A_160] {strides = array<i32>} : memref<4x128xi32, #tpu.memory_space<vmem>>, vector<1x16xi32>,
    %swap3A_162 = vector.shape_cast %swap3A_161 : vector<1x16xi32> to vector<16xi32>
    %swap3A_163 = vector.shape_cast %and3A_157 : vector<16xi32> to vector<1x16xi32>
    tpu.vector_store %arg9[%swap3A_159, %swap3A_160], %swap3A_163 {strides = array<i32>} : memref<4x128xi32, #tpu.memory_space<vmem>>, vector<1x16xi32>,
    %get3A_164 = arith.constant 0 : i32
    %get3A_165 = arith.index_cast %get3A_164 : i32 to index
    %get3A_166 = arith.constant 80 : index
    %get3A_167 = tpu.vector_load %arg7[%get3A_165, %get3A_166] {strides = array<i32>} : memref<80x128xi32, #tpu.memory_space<vmem>>, vector<1x16xi32>,
    %get3A_168 = vector.shape_cast %get3A_167 : vector<1x16xi32> to vector<16xi32>
    %shift_right_logical3A_169 = arith.constant 16 : i32
    %shift_right_logical3A_170 = vector.broadcast %shift_right_logical3A_169 : i32 to vector<16xi32>
    %shift_right_logical3A_171 = arith.shrui %get3A_168, %shift_right_logical3A_170 : vector<16xi32>
    %swap3A_172 = arith.constant 0 : i32
    %swap3A_173 = arith.index_cast %swap3A_172 : i32 to index
    %swap3A_174 = arith.constant 80 : index
    %swap3A_175 = tpu.vector_load %arg8[%swap3A_173, %swap3A_174] {strides = array<i32>} : memref<2x128xi32, #tpu.memory_space<vmem>>, vector<1x16xi32>,
    %swap3A_176 = vector.shape_cast %swap3A_175 : vector<1x16xi32> to vector<16xi32>
    %swap3A_177 = vector.shape_cast %shift_right_logical3A_171 : vector<16xi32> to vector<1x16xi32>
    tpu.vector_store %arg8[%swap3A_173, %swap3A_174], %swap3A_177 {strides = array<i32>} : memref<2x128xi32, #tpu.memory_space<vmem>>, vector<1x16xi32>,
    %and3A_178 = arith.constant 65535 : i32
    %and3A_179 = vector.broadcast %and3A_178 : i32 to vector<16xi32>
    %and3A_180 = arith.andi %get3A_168, %and3A_179 : vector<16xi32>
    %swap3A_181 = arith.constant 0 : i32
    %swap3A_182 = arith.index_cast %swap3A_181 : i32 to index
    %swap3A_183 = arith.constant 80 : index
    %swap3A_184 = tpu.vector_load %arg9[%swap3A_182, %swap3A_183] {strides = array<i32>} : memref<4x128xi32, #tpu.memory_space<vmem>>, vector<1x16xi32>,
    %swap3A_185 = vector.shape_cast %swap3A_184 : vector<1x16xi32> to vector<16xi32>
    %swap3A_186 = vector.shape_cast %and3A_180 : vector<16xi32> to vector<1x16xi32>
    tpu.vector_store %arg9[%swap3A_182, %swap3A_183], %swap3A_186 {strides = array<i32>} : memref<4x128xi32, #tpu.memory_space<vmem>>, vector<1x16xi32>,
    %get3A_187 = arith.constant 0 : i32
    %get3A_188 = arith.index_cast %get3A_187 : i32 to index
    %get3A_189 = arith.constant 96 : index
    %get3A_190 = tpu.vector_load %arg7[%get3A_188, %get3A_189] {strides = array<i32>} : memref<80x128xi32, #tpu.memory_space<vmem>>, vector<1x16xi32>,
    %get3A_191 = vector.shape_cast %get3A_190 : vector<1x16xi32> to vector<16xi32>
    %shift_right_logical3A_192 = arith.constant 16 : i32
    %shift_right_logical3A_193 = vector.broadcast %shift_right_logical3A_192 : i32 to vector<16xi32>
    %shift_right_logical3A_194 = arith.shrui %get3A_191, %shift_right_logical3A_193 : vector<16xi32>
    %swap3A_195 = arith.constant 0 : i32
    %swap3A_196 = arith.index_cast %swap3A_195 : i32 to index
    %swap3A_197 = arith.constant 96 : index
    %swap3A_198 = tpu.vector_load %arg8[%swap3A_196, %swap3A_197] {strides = array<i32>} : memref<2x128xi32, #tpu.memory_space<vmem>>, vector<1x16xi32>,
    %swap3A_199 = vector.shape_cast %swap3A_198 : vector<1x16xi32> to vector<16xi32>
    %swap3A_200 = vector.shape_cast %shift_right_logical3A_194 : vector<16xi32> to vector<1x16xi32>
    tpu.vector_store %arg8[%swap3A_196, %swap3A_197], %swap3A_200 {strides = array<i32>} : memref<2x128xi32, #tpu.memory_space<vmem>>, vector<1x16xi32>,
    %and3A_201 = arith.constant 65535 : i32
    %and3A_202 = vector.broadcast %and3A_201 : i32 to vector<16xi32>
    %and3A_203 = arith.andi %get3A_191, %and3A_202 : vector<16xi32>
    %swap3A_204 = arith.constant 0 : i32
    %swap3A_205 = arith.index_cast %swap3A_204 : i32 to index
    %swap3A_206 = arith.constant 96 : index
    %swap3A_207 = tpu.vector_load %arg9[%swap3A_205, %swap3A_206] {strides = array<i32>} : memref<4x128xi32, #tpu.memory_space<vmem>>, vector<1x16xi32>,
    %swap3A_208 = vector.shape_cast %swap3A_207 : vector<1x16xi32> to vector<16xi32>
    %swap3A_209 = vector.shape_cast %and3A_203 : vector<16xi32> to vector<1x16xi32>
    tpu.vector_store %arg9[%swap3A_205, %swap3A_206], %swap3A_209 {strides = array<i32>} : memref<4x128xi32, #tpu.memory_space<vmem>>, vector<1x16xi32>,
    %get3A_210 = arith.constant 0 : i32
    %get3A_211 = arith.index_cast %get3A_210 : i32 to index
    %get3A_212 = arith.constant 112 : index
    %get3A_213 = tpu.vector_load %arg7[%get3A_211, %get3A_212] {strides = array<i32>} : memref<80x128xi32, #tpu.memory_space<vmem>>, vector<1x16xi32>,
    %get3A_214 = vector.shape_cast %get3A_213 : vector<1x16xi32> to vector<16xi32>
    %shift_right_logical3A_215 = arith.constant 16 : i32
    %shift_right_logical3A_216 = vector.broadcast %shift_right_logical3A_215 : i32 to vector<16xi32>
    %shift_right_logical3A_217 = arith.shrui %get3A_214, %shift_right_logical3A_216 : vector<16xi32>
    %swap3A_218 = arith.constant 0 : i32
    %swap3A_219 = arith.index_cast %swap3A_218 : i32 to index
    %swap3A_220 = arith.constant 112 : index
    %swap3A_221 = tpu.vector_load %arg8[%swap3A_219, %swap3A_220] {strides = array<i32>} : memref<2x128xi32, #tpu.memory_space<vmem>>, vector<1x16xi32>,
    %swap3A_222 = vector.shape_cast %swap3A_221 : vector<1x16xi32> to vector<16xi32>
    %swap3A_223 = vector.shape_cast %shift_right_logical3A_217 : vector<16xi32> to vector<1x16xi32>
    tpu.vector_store %arg8[%swap3A_219, %swap3A_220], %swap3A_223 {strides = array<i32>} : memref<2x128xi32, #tpu.memory_space<vmem>>, vector<1x16xi32>,
    %and3A_224 = arith.constant 65535 : i32
    %and3A_225 = vector.broadcast %and3A_224 : i32 to vector<16xi32>
    %and3A_226 = arith.andi %get3A_214, %and3A_225 : vector<16xi32>
    %swap3A_227 = arith.constant 0 : i32
    %swap3A_228 = arith.index_cast %swap3A_227 : i32 to index
    %swap3A_229 = arith.constant 112 : index
    %swap3A_230 = tpu.vector_load %arg9[%swap3A_228, %swap3A_229] {strides = array<i32>} : memref<4x128xi32, #tpu.memory_space<vmem>>, vector<1x16xi32>,
    %swap3A_231 = vector.shape_cast %swap3A_230 : vector<1x16xi32> to vector<16xi32>
    %swap3A_232 = vector.shape_cast %and3A_226 : vector<16xi32> to vector<1x16xi32>
    tpu.vector_store %arg9[%swap3A_228, %swap3A_229], %swap3A_232 {strides = array<i32>} : memref<4x128xi32, #tpu.memory_space<vmem>>, vector<1x16xi32>,
    %dma_start3A_233 = arith.constant 0 : i32
    %dma_start3A_234 = arith.constant 0 : i32
    %dma_start3A_235 = arith.constant 0 : i32
    %dma_start3A_236 = tpu.memref_slice %arg10[%dma_start3A_234, %dma_start3A_235] : memref<128x128xf32, #tpu.memory_space<vmem>> -> memref<128x128xf32, #tpu.memory_space<vmem>>
    %dma_start3A_237 = arith.constant 0 : i32
    %dma_start3A_238 = tpu.memref_slice %arg8[%dma_start3A_233, %dma_start3A_237] : memref<2x128xi32, #tpu.memory_space<vmem>> -> memref<1x128xi32, #tpu.memory_space<vmem>>
    %dma_start3A_239 = tpu.memref_squeeze %dma_start3A_238 : memref<1x128xi32, #tpu.memory_space<vmem>> -> memref<128xi32, #tpu.memory_space<vmem>>
    %dma_start3A_240 = arith.constant 0 : i32
    %dma_start3A_241 = arith.constant 0 : i32
    %dma_start3A_242 = tpu.memref_slice %arg2[%dma_start3A_240, %dma_start3A_241] : memref<10000x128xf32, #tpu.memory_space<hbm>> -> memref<10000x128xf32, #tpu.memory_space<hbm>>
    tpu.enqueue_indirect_dma source(%dma_start3A_242 : memref<10000x128xf32, #tpu.memory_space<hbm>>) target(%dma_start3A_236 : memref<128x128xf32, #tpu.memory_space<vmem>>) offsets(%dma_start3A_239 : memref<128xi32, #tpu.memory_space<vmem>>) semaphore(%arg12 : memref<!tpu.dma_semaphore, #tpu.memory_space<semaphore_mem>>)
    %get3A_243 = arith.constant 1 : i32
    %get3A_244 = arith.index_cast %get3A_243 : i32 to index
    %get3A_245 = arith.constant 0 : index
    %get3A_246 = tpu.vector_load %arg7[%get3A_244, %get3A_245] {strides = array<i32>} : memref<80x128xi32, #tpu.memory_space<vmem>>, vector<1x16xi32>,
    %get3A_247 = vector.shape_cast %get3A_246 : vector<1x16xi32> to vector<16xi32>
    %shift_right_logical3A_248 = arith.constant 16 : i32
    %shift_right_logical3A_249 = vector.broadcast %shift_right_logical3A_248 : i32 to vector<16xi32>
    %shift_right_logical3A_250 = arith.shrui %get3A_247, %shift_right_logical3A_249 : vector<16xi32>
    %swap3A_251 = arith.constant 1 : i32
    %swap3A_252 = arith.index_cast %swap3A_251 : i32 to index
    %swap3A_253 = arith.constant 0 : index
    %swap3A_254 = tpu.vector_load %arg8[%swap3A_252, %swap3A_253] {strides = array<i32>} : memref<2x128xi32, #tpu.memory_space<vmem>>, vector<1x16xi32>,
    %swap3A_255 = vector.shape_cast %swap3A_254 : vector<1x16xi32> to vector<16xi32>
    %swap3A_256 = vector.shape_cast %shift_right_logical3A_250 : vector<16xi32> to vector<1x16xi32>
    tpu.vector_store %arg8[%swap3A_252, %swap3A_253], %swap3A_256 {strides = array<i32>} : memref<2x128xi32, #tpu.memory_space<vmem>>, vector<1x16xi32>,
    %and3A_257 = arith.constant 65535 : i32
    %and3A_258 = vector.broadcast %and3A_257 : i32 to vector<16xi32>
    %and3A_259 = arith.andi %get3A_247, %and3A_258 : vector<16xi32>
    %swap3A_260 = arith.constant 1 : i32
    %swap3A_261 = arith.index_cast %swap3A_260 : i32 to index
    %swap3A_262 = arith.constant 0 : index
    %swap3A_263 = tpu.vector_load %arg9[%swap3A_261, %swap3A_262] {strides = array<i32>} : memref<4x128xi32, #tpu.memory_space<vmem>>, vector<1x16xi32>,
    %swap3A_264 = vector.shape_cast %swap3A_263 : vector<1x16xi32> to vector<16xi32>
    %swap3A_265 = vector.shape_cast %and3A_259 : vector<16xi32> to vector<1x16xi32>
    tpu.vector_store %arg9[%swap3A_261, %swap3A_262], %swap3A_265 {strides = array<i32>} : memref<4x128xi32, #tpu.memory_space<vmem>>, vector<1x16xi32>,
    %get3A_266 = arith.constant 1 : i32
    %get3A_267 = arith.index_cast %get3A_266 : i32 to index
    %get3A_268 = arith.constant 16 : index
    %get3A_269 = tpu.vector_load %arg7[%get3A_267, %get3A_268] {strides = array<i32>} : memref<80x128xi32, #tpu.memory_space<vmem>>, vector<1x16xi32>,
    %get3A_270 = vector.shape_cast %get3A_269 : vector<1x16xi32> to vector<16xi32>
    %shift_right_logical3A_271 = arith.constant 16 : i32
    %shift_right_logical3A_272 = vector.broadcast %shift_right_logical3A_271 : i32 to vector<16xi32>
    %shift_right_logical3A_273 = arith.shrui %get3A_270, %shift_right_logical3A_272 : vector<16xi32>
    %swap3A_274 = arith.constant 1 : i32
    %swap3A_275 = arith.index_cast %swap3A_274 : i32 to index
    %swap3A_276 = arith.constant 16 : index
    %swap3A_277 = tpu.vector_load %arg8[%swap3A_275, %swap3A_276] {strides = array<i32>} : memref<2x128xi32, #tpu.memory_space<vmem>>, vector<1x16xi32>,
    %swap3A_278 = vector.shape_cast %swap3A_277 : vector<1x16xi32> to vector<16xi32>
    %swap3A_279 = vector.shape_cast %shift_right_logical3A_273 : vector<16xi32> to vector<1x16xi32>
    tpu.vector_store %arg8[%swap3A_275, %swap3A_276], %swap3A_279 {strides = array<i32>} : memref<2x128xi32, #tpu.memory_space<vmem>>, vector<1x16xi32>,
    %and3A_280 = arith.constant 65535 : i32
    %and3A_281 = vector.broadcast %and3A_280 : i32 to vector<16xi32>
    %and3A_282 = arith.andi %get3A_270, %and3A_281 : vector<16xi32>
    %swap3A_283 = arith.constant 1 : i32
    %swap3A_284 = arith.index_cast %swap3A_283 : i32 to index
    %swap3A_285 = arith.constant 16 : index
    %swap3A_286 = tpu.vector_load %arg9[%swap3A_284, %swap3A_285] {strides = array<i32>} : memref<4x128xi32, #tpu.memory_space<vmem>>, vector<1x16xi32>,
    %swap3A_287 = vector.shape_cast %swap3A_286 : vector<1x16xi32> to vector<16xi32>
    %swap3A_288 = vector.shape_cast %and3A_282 : vector<16xi32> to vector<1x16xi32>
    tpu.vector_store %arg9[%swap3A_284, %swap3A_285], %swap3A_288 {strides = array<i32>} : memref<4x128xi32, #tpu.memory_space<vmem>>, vector<1x16xi32>,
    %get3A_289 = arith.constant 1 : i32
    %get3A_290 = arith.index_cast %get3A_289 : i32 to index
    %get3A_291 = arith.constant 32 : index
    %get3A_292 = tpu.vector_load %arg7[%get3A_290, %get3A_291] {strides = array<i32>} : memref<80x128xi32, #tpu.memory_space<vmem>>, vector<1x16xi32>,
    %get3A_293 = vector.shape_cast %get3A_292 : vector<1x16xi32> to vector<16xi32>
    %shift_right_logical3A_294 = arith.constant 16 : i32
    %shift_right_logical3A_295 = vector.broadcast %shift_right_logical3A_294 : i32 to vector<16xi32>
    %shift_right_logical3A_296 = arith.shrui %get3A_293, %shift_right_logical3A_295 : vector<16xi32>
    %swap3A_297 = arith.constant 1 : i32
    %swap3A_298 = arith.index_cast %swap3A_297 : i32 to index
    %swap3A_299 = arith.constant 32 : index
    %swap3A_300 = tpu.vector_load %arg8[%swap3A_298, %swap3A_299] {strides = array<i32>} : memref<2x128xi32, #tpu.memory_space<vmem>>, vector<1x16xi32>,
    %swap3A_301 = vector.shape_cast %swap3A_300 : vector<1x16xi32> to vector<16xi32>
    %swap3A_302 = vector.shape_cast %shift_right_logical3A_296 : vector<16xi32> to vector<1x16xi32>
    tpu.vector_store %arg8[%swap3A_298, %swap3A_299], %swap3A_302 {strides = array<i32>} : memref<2x128xi32, #tpu.memory_space<vmem>>, vector<1x16xi32>,
    %and3A_303 = arith.constant 65535 : i32
    %and3A_304 = vector.broadcast %and3A_303 : i32 to vector<16xi32>
    %and3A_305 = arith.andi %get3A_293, %and3A_304 : vector<16xi32>
    %swap3A_306 = arith.constant 1 : i32
    %swap3A_307 = arith.index_cast %swap3A_306 : i32 to index
    %swap3A_308 = arith.constant 32 : index
    %swap3A_309 = tpu.vector_load %arg9[%swap3A_307, %swap3A_308] {strides = array<i32>} : memref<4x128xi32, #tpu.memory_space<vmem>>, vector<1x16xi32>,
    %swap3A_310 = vector.shape_cast %swap3A_309 : vector<1x16xi32> to vector<16xi32>
    %swap3A_311 = vector.shape_cast %and3A_305 : vector<16xi32> to vector<1x16xi32>
    tpu.vector_store %arg9[%swap3A_307, %swap3A_308], %swap3A_311 {strides = array<i32>} : memref<4x128xi32, #tpu.memory_space<vmem>>, vector<1x16xi32>,
    %get3A_312 = arith.constant 1 : i32
    %get3A_313 = arith.index_cast %get3A_312 : i32 to index
    %get3A_314 = arith.constant 48 : index
    %get3A_315 = tpu.vector_load %arg7[%get3A_313, %get3A_314] {strides = array<i32>} : memref<80x128xi32, #tpu.memory_space<vmem>>, vector<1x16xi32>,
    %get3A_316 = vector.shape_cast %get3A_315 : vector<1x16xi32> to vector<16xi32>
    %shift_right_logical3A_317 = arith.constant 16 : i32
    %shift_right_logical3A_318 = vector.broadcast %shift_right_logical3A_317 : i32 to vector<16xi32>
    %shift_right_logical3A_319 = arith.shrui %get3A_316, %shift_right_logical3A_318 : vector<16xi32>
    %swap3A_320 = arith.constant 1 : i32
    %swap3A_321 = arith.index_cast %swap3A_320 : i32 to index
    %swap3A_322 = arith.constant 48 : index
    %swap3A_323 = tpu.vector_load %arg8[%swap3A_321, %swap3A_322] {strides = array<i32>} : memref<2x128xi32, #tpu.memory_space<vmem>>, vector<1x16xi32>,
    %swap3A_324 = vector.shape_cast %swap3A_323 : vector<1x16xi32> to vector<16xi32>
    %swap3A_325 = vector.shape_cast %shift_right_logical3A_319 : vector<16xi32> to vector<1x16xi32>
    tpu.vector_store %arg8[%swap3A_321, %swap3A_322], %swap3A_325 {strides = array<i32>} : memref<2x128xi32, #tpu.memory_space<vmem>>, vector<1x16xi32>,
    %and3A_326 = arith.constant 65535 : i32
    %and3A_327 = vector.broadcast %and3A_326 : i32 to vector<16xi32>
    %and3A_328 = arith.andi %get3A_316, %and3A_327 : vector<16xi32>
    %swap3A_329 = arith.constant 1 : i32
    %swap3A_330 = arith.index_cast %swap3A_329 : i32 to index
    %swap3A_331 = arith.constant 48 : index
    %swap3A_332 = tpu.vector_load %arg9[%swap3A_330, %swap3A_331] {strides = array<i32>} : memref<4x128xi32, #tpu.memory_space<vmem>>, vector<1x16xi32>,
    %swap3A_333 = vector.shape_cast %swap3A_332 : vector<1x16xi32> to vector<16xi32>
    %swap3A_334 = vector.shape_cast %and3A_328 : vector<16xi32> to vector<1x16xi32>
    tpu.vector_store %arg9[%swap3A_330, %swap3A_331], %swap3A_334 {strides = array<i32>} : memref<4x128xi32, #tpu.memory_space<vmem>>, vector<1x16xi32>,
    %get3A_335 = arith.constant 1 : i32
    %get3A_336 = arith.index_cast %get3A_335 : i32 to index
    %get3A_337 = arith.constant 64 : index
    %get3A_338 = tpu.vector_load %arg7[%get3A_336, %get3A_337] {strides = array<i32>} : memref<80x128xi32, #tpu.memory_space<vmem>>, vector<1x16xi32>,
    %get3A_339 = vector.shape_cast %get3A_338 : vector<1x16xi32> to vector<16xi32>
    %shift_right_logical3A_340 = arith.constant 16 : i32
    %shift_right_logical3A_341 = vector.broadcast %shift_right_logical3A_340 : i32 to vector<16xi32>
    %shift_right_logical3A_342 = arith.shrui %get3A_339, %shift_right_logical3A_341 : vector<16xi32>
    %swap3A_343 = arith.constant 1 : i32
    %swap3A_344 = arith.index_cast %swap3A_343 : i32 to index
    %swap3A_345 = arith.constant 64 : index
    %swap3A_346 = tpu.vector_load %arg8[%swap3A_344, %swap3A_345] {strides = array<i32>} : memref<2x128xi32, #tpu.memory_space<vmem>>, vector<1x16xi32>,
    %swap3A_347 = vector.shape_cast %swap3A_346 : vector<1x16xi32> to vector<16xi32>
    %swap3A_348 = vector.shape_cast %shift_right_logical3A_342 : vector<16xi32> to vector<1x16xi32>
    tpu.vector_store %arg8[%swap3A_344, %swap3A_345], %swap3A_348 {strides = array<i32>} : memref<2x128xi32, #tpu.memory_space<vmem>>, vector<1x16xi32>,
    %and3A_349 = arith.constant 65535 : i32
    %and3A_350 = vector.broadcast %and3A_349 : i32 to vector<16xi32>
    %and3A_351 = arith.andi %get3A_339, %and3A_350 : vector<16xi32>
    %swap3A_352 = arith.constant 1 : i32
    %swap3A_353 = arith.index_cast %swap3A_352 : i32 to index
    %swap3A_354 = arith.constant 64 : index
    %swap3A_355 = tpu.vector_load %arg9[%swap3A_353, %swap3A_354] {strides = array<i32>} : memref<4x128xi32, #tpu.memory_space<vmem>>, vector<1x16xi32>,
    %swap3A_356 = vector.shape_cast %swap3A_355 : vector<1x16xi32> to vector<16xi32>
    %swap3A_357 = vector.shape_cast %and3A_351 : vector<16xi32> to vector<1x16xi32>
    tpu.vector_store %arg9[%swap3A_353, %swap3A_354], %swap3A_357 {strides = array<i32>} : memref<4x128xi32, #tpu.memory_space<vmem>>, vector<1x16xi32>,
    %get3A_358 = arith.constant 1 : i32
    %get3A_359 = arith.index_cast %get3A_358 : i32 to index
    %get3A_360 = arith.constant 80 : index
    %get3A_361 = tpu.vector_load %arg7[%get3A_359, %get3A_360] {strides = array<i32>} : memref<80x128xi32, #tpu.memory_space<vmem>>, vector<1x16xi32>,
    %get3A_362 = vector.shape_cast %get3A_361 : vector<1x16xi32> to vector<16xi32>
    %shift_right_logical3A_363 = arith.constant 16 : i32
    %shift_right_logical3A_364 = vector.broadcast %shift_right_logical3A_363 : i32 to vector<16xi32>
    %shift_right_logical3A_365 = arith.shrui %get3A_362, %shift_right_logical3A_364 : vector<16xi32>
    %swap3A_366 = arith.constant 1 : i32
    %swap3A_367 = arith.index_cast %swap3A_366 : i32 to index
    %swap3A_368 = arith.constant 80 : index
    %swap3A_369 = tpu.vector_load %arg8[%swap3A_367, %swap3A_368] {strides = array<i32>} : memref<2x128xi32, #tpu.memory_space<vmem>>, vector<1x16xi32>,
    %swap3A_370 = vector.shape_cast %swap3A_369 : vector<1x16xi32> to vector<16xi32>
    %swap3A_371 = vector.shape_cast %shift_right_logical3A_365 : vector<16xi32> to vector<1x16xi32>
    tpu.vector_store %arg8[%swap3A_367, %swap3A_368], %swap3A_371 {strides = array<i32>} : memref<2x128xi32, #tpu.memory_space<vmem>>, vector<1x16xi32>,
    %and3A_372 = arith.constant 65535 : i32
    %and3A_373 = vector.broadcast %and3A_372 : i32 to vector<16xi32>
    %and3A_374 = arith.andi %get3A_362, %and3A_373 : vector<16xi32>
    %swap3A_375 = arith.constant 1 : i32
    %swap3A_376 = arith.index_cast %swap3A_375 : i32 to index
    %swap3A_377 = arith.constant 80 : index
    %swap3A_378 = tpu.vector_load %arg9[%swap3A_376, %swap3A_377] {strides = array<i32>} : memref<4x128xi32, #tpu.memory_space<vmem>>, vector<1x16xi32>,
    %swap3A_379 = vector.shape_cast %swap3A_378 : vector<1x16xi32> to vector<16xi32>
    %swap3A_380 = vector.shape_cast %and3A_374 : vector<16xi32> to vector<1x16xi32>
    tpu.vector_store %arg9[%swap3A_376, %swap3A_377], %swap3A_380 {strides = array<i32>} : memref<4x128xi32, #tpu.memory_space<vmem>>, vector<1x16xi32>,
    %get3A_381 = arith.constant 1 : i32
    %get3A_382 = arith.index_cast %get3A_381 : i32 to index
    %get3A_383 = arith.constant 96 : index
    %get3A_384 = tpu.vector_load %arg7[%get3A_382, %get3A_383] {strides = array<i32>} : memref<80x128xi32, #tpu.memory_space<vmem>>, vector<1x16xi32>,
    %get3A_385 = vector.shape_cast %get3A_384 : vector<1x16xi32> to vector<16xi32>
    %shift_right_logical3A_386 = arith.constant 16 : i32
    %shift_right_logical3A_387 = vector.broadcast %shift_right_logical3A_386 : i32 to vector<16xi32>
    %shift_right_logical3A_388 = arith.shrui %get3A_385, %shift_right_logical3A_387 : vector<16xi32>
    %swap3A_389 = arith.constant 1 : i32
    %swap3A_390 = arith.index_cast %swap3A_389 : i32 to index
    %swap3A_391 = arith.constant 96 : index
    %swap3A_392 = tpu.vector_load %arg8[%swap3A_390, %swap3A_391] {strides = array<i32>} : memref<2x128xi32, #tpu.memory_space<vmem>>, vector<1x16xi32>,
    %swap3A_393 = vector.shape_cast %swap3A_392 : vector<1x16xi32> to vector<16xi32>
    %swap3A_394 = vector.shape_cast %shift_right_logical3A_388 : vector<16xi32> to vector<1x16xi32>
    tpu.vector_store %arg8[%swap3A_390, %swap3A_391], %swap3A_394 {strides = array<i32>} : memref<2x128xi32, #tpu.memory_space<vmem>>, vector<1x16xi32>,
    %and3A_395 = arith.constant 65535 : i32
    %and3A_396 = vector.broadcast %and3A_395 : i32 to vector<16xi32>
    %and3A_397 = arith.andi %get3A_385, %and3A_396 : vector<16xi32>
    %swap3A_398 = arith.constant 1 : i32
    %swap3A_399 = arith.index_cast %swap3A_398 : i32 to index
    %swap3A_400 = arith.constant 96 : index
    %swap3A_401 = tpu.vector_load %arg9[%swap3A_399, %swap3A_400] {strides = array<i32>} : memref<4x128xi32, #tpu.memory_space<vmem>>, vector<1x16xi32>,
    %swap3A_402 = vector.shape_cast %swap3A_401 : vector<1x16xi32> to vector<16xi32>
    %swap3A_403 = vector.shape_cast %and3A_397 : vector<16xi32> to vector<1x16xi32>
    tpu.vector_store %arg9[%swap3A_399, %swap3A_400], %swap3A_403 {strides = array<i32>} : memref<4x128xi32, #tpu.memory_space<vmem>>, vector<1x16xi32>,
    %get3A_404 = arith.constant 1 : i32
    %get3A_405 = arith.index_cast %get3A_404 : i32 to index
    %get3A_406 = arith.constant 112 : index
    %get3A_407 = tpu.vector_load %arg7[%get3A_405, %get3A_406] {strides = array<i32>} : memref<80x128xi32, #tpu.memory_space<vmem>>, vector<1x16xi32>,
    %get3A_408 = vector.shape_cast %get3A_407 : vector<1x16xi32> to vector<16xi32>
    %shift_right_logical3A_409 = arith.constant 16 : i32
    %shift_right_logical3A_410 = vector.broadcast %shift_right_logical3A_409 : i32 to vector<16xi32>
    %shift_right_logical3A_411 = arith.shrui %get3A_408, %shift_right_logical3A_410 : vector<16xi32>
    %swap3A_412 = arith.constant 1 : i32
    %swap3A_413 = arith.index_cast %swap3A_412 : i32 to index
    %swap3A_414 = arith.constant 112 : index
    %swap3A_415 = tpu.vector_load %arg8[%swap3A_413, %swap3A_414] {strides = array<i32>} : memref<2x128xi32, #tpu.memory_space<vmem>>, vector<1x16xi32>,
    %swap3A_416 = vector.shape_cast %swap3A_415 : vector<1x16xi32> to vector<16xi32>
    %swap3A_417 = vector.shape_cast %shift_right_logical3A_411 : vector<16xi32> to vector<1x16xi32>
    tpu.vector_store %arg8[%swap3A_413, %swap3A_414], %swap3A_417 {strides = array<i32>} : memref<2x128xi32, #tpu.memory_space<vmem>>, vector<1x16xi32>,
    %and3A_418 = arith.constant 65535 : i32
    %and3A_419 = vector.broadcast %and3A_418 : i32 to vector<16xi32>
    %and3A_420 = arith.andi %get3A_408, %and3A_419 : vector<16xi32>
    %swap3A_421 = arith.constant 1 : i32
    %swap3A_422 = arith.index_cast %swap3A_421 : i32 to index
    %swap3A_423 = arith.constant 112 : index
    %swap3A_424 = tpu.vector_load %arg9[%swap3A_422, %swap3A_423] {strides = array<i32>} : memref<4x128xi32, #tpu.memory_space<vmem>>, vector<1x16xi32>,
    %swap3A_425 = vector.shape_cast %swap3A_424 : vector<1x16xi32> to vector<16xi32>
    %swap3A_426 = vector.shape_cast %and3A_420 : vector<16xi32> to vector<1x16xi32>
    tpu.vector_store %arg9[%swap3A_422, %swap3A_423], %swap3A_426 {strides = array<i32>} : memref<4x128xi32, #tpu.memory_space<vmem>>, vector<1x16xi32>,
    %dma_start3A_427 = arith.constant 1 : i32
    %dma_start3A_428 = arith.constant 0 : i32
    %dma_start3A_429 = arith.constant 0 : i32
    %dma_start3A_430 = tpu.memref_slice %arg11[%dma_start3A_428, %dma_start3A_429] : memref<128x128xf32, #tpu.memory_space<vmem>> -> memref<128x128xf32, #tpu.memory_space<vmem>>
    %dma_start3A_431 = arith.constant 0 : i32
    %dma_start3A_432 = tpu.memref_slice %arg8[%dma_start3A_427, %dma_start3A_431] : memref<2x128xi32, #tpu.memory_space<vmem>> -> memref<1x128xi32, #tpu.memory_space<vmem>>
    %dma_start3A_433 = tpu.memref_squeeze %dma_start3A_432 : memref<1x128xi32, #tpu.memory_space<vmem>> -> memref<128xi32, #tpu.memory_space<vmem>>
    %dma_start3A_434 = arith.constant 0 : i32
    %dma_start3A_435 = arith.constant 0 : i32
    %dma_start3A_436 = tpu.memref_slice %arg2[%dma_start3A_434, %dma_start3A_435] : memref<10000x128xf32, #tpu.memory_space<hbm>> -> memref<10000x128xf32, #tpu.memory_space<hbm>>
    tpu.enqueue_indirect_dma source(%dma_start3A_436 : memref<10000x128xf32, #tpu.memory_space<hbm>>) target(%dma_start3A_430 : memref<128x128xf32, #tpu.memory_space<vmem>>) offsets(%dma_start3A_433 : memref<128xi32, #tpu.memory_space<vmem>>) semaphore(%arg16 : memref<!tpu.dma_semaphore, #tpu.memory_space<semaphore_mem>>)
    %scan3A = arith.constant 0 : i32
    %scan3A_437 = arith.constant 0 : i32
    %scan3A_438 = arith.constant 19 : i32
    %scan3A_439 = arith.addi %scan3A_437, %scan3A_438 : i32
    %scan3A_440 = arith.constant 1 : i32
    scf.for %scan3A_682 = %scan3A_437 to %scan3A_439 step %scan3A_440  : i32 {
      %mul3A_683 = arith.constant 4 : i32
      %mul3A_684 = arith.muli %mul3A_683, %scan3A_682 : i32
      %add3A_685 = arith.constant 2 : i32
      %add3A_686 = arith.addi %mul3A_684, %add3A_685 : i32
      %dma_wait3A_687 = arith.constant 0 : i32
      %dma_wait3A_688 = arith.constant 0 : i32
      %dma_wait3A_689 = arith.constant 0 : i32
      %dma_wait3A_690 = tpu.memref_slice %arg10[%dma_wait3A_688, %dma_wait3A_689] : memref<128x128xf32, #tpu.memory_space<vmem>> -> memref<128x128xf32, #tpu.memory_space<vmem>>
      %dma_wait3A_691 = arith.constant 0 : i32
      %dma_wait3A_692 = tpu.memref_slice %arg8[%dma_wait3A_687, %dma_wait3A_691] : memref<2x128xi32, #tpu.memory_space<vmem>> -> memref<1x128xi32, #tpu.memory_space<vmem>>
      %dma_wait3A_693 = tpu.memref_squeeze %dma_wait3A_692 : memref<1x128xi32, #tpu.memory_space<vmem>> -> memref<128xi32, #tpu.memory_space<vmem>>
      %dma_wait3A_694 = arith.constant 0 : i32
      %dma_wait3A_695 = arith.constant 0 : i32
      %dma_wait3A_696 = tpu.memref_slice %arg2[%dma_wait3A_694, %dma_wait3A_695] : memref<10000x128xf32, #tpu.memory_space<hbm>> -> memref<10000x128xf32, #tpu.memory_space<hbm>>
      tpu.wait_indirect_dma semaphore(%arg12 : memref<!tpu.dma_semaphore, #tpu.memory_space<semaphore_mem>>) src(%dma_wait3A_696 : memref<10000x128xf32, #tpu.memory_space<hbm>>) dst(%dma_wait3A_690 : memref<128x128xf32, #tpu.memory_space<vmem>>)
      %dma_start3A_697 = arith.constant 0 : i32
      %dma_start3A_698 = arith.constant 0 : i32
      %dma_start3A_699 = tpu.memref_slice %arg9[%dma_start3A_697, %dma_start3A_698] : memref<4x128xi32, #tpu.memory_space<vmem>> -> memref<1x128xi32, #tpu.memory_space<vmem>>
      %dma_start3A_700 = tpu.memref_squeeze %dma_start3A_699 : memref<1x128xi32, #tpu.memory_space<vmem>> -> memref<128xi32, #tpu.memory_space<vmem>>
      %dma_start3A_701 = arith.constant 0 : i32
      %dma_start3A_702 = arith.constant 0 : i32
      %dma_start3A_703 = tpu.memref_slice %arg20[%dma_start3A_701, %dma_start3A_702] : memref<10240x128xf32, #tpu.memory_space<vmem_shared>> -> memref<10240x128xf32, #tpu.memory_space<vmem_shared>>
      tpu.enqueue_indirect_dma source(%arg10 : memref<128x128xf32, #tpu.memory_space<vmem>>) target(%dma_start3A_703 : memref<10240x128xf32, #tpu.memory_space<vmem_shared>>) offsets(%dma_start3A_700 : memref<128xi32, #tpu.memory_space<vmem>>) semaphore(%arg13 : memref<!tpu.dma_semaphore, #tpu.memory_space<semaphore_mem>>) {add = true}
      %get3A_704 = arith.index_cast %add3A_686 : i32 to index
      %get3A_705 = arith.constant 0 : index
      %get3A_706 = tpu.vector_load %arg7[%get3A_704, %get3A_705] {strides = array<i32>} : memref<80x128xi32, #tpu.memory_space<vmem>>, vector<1x16xi32>,
      %get3A_707 = vector.shape_cast %get3A_706 : vector<1x16xi32> to vector<16xi32>
      %shift_right_logical3A_708 = arith.constant 16 : i32
      %shift_right_logical3A_709 = vector.broadcast %shift_right_logical3A_708 : i32 to vector<16xi32>
      %shift_right_logical3A_710 = arith.shrui %get3A_707, %shift_right_logical3A_709 : vector<16xi32>
      %swap3A_711 = arith.constant 0 : i32
      %swap3A_712 = arith.index_cast %swap3A_711 : i32 to index
      %swap3A_713 = arith.constant 0 : index
      %swap3A_714 = tpu.vector_load %arg8[%swap3A_712, %swap3A_713] {strides = array<i32>} : memref<2x128xi32, #tpu.memory_space<vmem>>, vector<1x16xi32>,
      %swap3A_715 = vector.shape_cast %swap3A_714 : vector<1x16xi32> to vector<16xi32>
      %swap3A_716 = vector.shape_cast %shift_right_logical3A_710 : vector<16xi32> to vector<1x16xi32>
      tpu.vector_store %arg8[%swap3A_712, %swap3A_713], %swap3A_716 {strides = array<i32>} : memref<2x128xi32, #tpu.memory_space<vmem>>, vector<1x16xi32>,
      %and3A_717 = arith.constant 65535 : i32
      %and3A_718 = vector.broadcast %and3A_717 : i32 to vector<16xi32>
      %and3A_719 = arith.andi %get3A_707, %and3A_718 : vector<16xi32>
      %swap3A_720 = arith.constant 2 : i32
      %swap3A_721 = arith.index_cast %swap3A_720 : i32 to index
      %swap3A_722 = arith.constant 0 : index
      %swap3A_723 = tpu.vector_load %arg9[%swap3A_721, %swap3A_722] {strides = array<i32>} : memref<4x128xi32, #tpu.memory_space<vmem>>, vector<1x16xi32>,
      %swap3A_724 = vector.shape_cast %swap3A_723 : vector<1x16xi32> to vector<16xi32>
      %swap3A_725 = vector.shape_cast %and3A_719 : vector<16xi32> to vector<1x16xi32>
      tpu.vector_store %arg9[%swap3A_721, %swap3A_722], %swap3A_725 {strides = array<i32>} : memref<4x128xi32, #tpu.memory_space<vmem>>, vector<1x16xi32>,
      %get3A_726 = arith.index_cast %add3A_686 : i32 to index
      %get3A_727 = arith.constant 16 : index
      %get3A_728 = tpu.vector_load %arg7[%get3A_726, %get3A_727] {strides = array<i32>} : memref<80x128xi32, #tpu.memory_space<vmem>>, vector<1x16xi32>,
      %get3A_729 = vector.shape_cast %get3A_728 : vector<1x16xi32> to vector<16xi32>
      %shift_right_logical3A_730 = arith.constant 16 : i32
      %shift_right_logical3A_731 = vector.broadcast %shift_right_logical3A_730 : i32 to vector<16xi32>
      %shift_right_logical3A_732 = arith.shrui %get3A_729, %shift_right_logical3A_731 : vector<16xi32>
      %swap3A_733 = arith.constant 0 : i32
      %swap3A_734 = arith.index_cast %swap3A_733 : i32 to index
      %swap3A_735 = arith.constant 16 : index
      %swap3A_736 = tpu.vector_load %arg8[%swap3A_734, %swap3A_735] {strides = array<i32>} : memref<2x128xi32, #tpu.memory_space<vmem>>, vector<1x16xi32>,
      %swap3A_737 = vector.shape_cast %swap3A_736 : vector<1x16xi32> to vector<16xi32>
      %swap3A_738 = vector.shape_cast %shift_right_logical3A_732 : vector<16xi32> to vector<1x16xi32>
      tpu.vector_store %arg8[%swap3A_734, %swap3A_735], %swap3A_738 {strides = array<i32>} : memref<2x128xi32, #tpu.memory_space<vmem>>, vector<1x16xi32>,
      %and3A_739 = arith.constant 65535 : i32
      %and3A_740 = vector.broadcast %and3A_739 : i32 to vector<16xi32>
      %and3A_741 = arith.andi %get3A_729, %and3A_740 : vector<16xi32>
      %swap3A_742 = arith.constant 2 : i32
      %swap3A_743 = arith.index_cast %swap3A_742 : i32 to index
      %swap3A_744 = arith.constant 16 : index
      %swap3A_745 = tpu.vector_load %arg9[%swap3A_743, %swap3A_744] {strides = array<i32>} : memref<4x128xi32, #tpu.memory_space<vmem>>, vector<1x16xi32>,
      %swap3A_746 = vector.shape_cast %swap3A_745 : vector<1x16xi32> to vector<16xi32>
      %swap3A_747 = vector.shape_cast %and3A_741 : vector<16xi32> to vector<1x16xi32>
      tpu.vector_store %arg9[%swap3A_743, %swap3A_744], %swap3A_747 {strides = array<i32>} : memref<4x128xi32, #tpu.memory_space<vmem>>, vector<1x16xi32>,
      %get3A_748 = arith.index_cast %add3A_686 : i32 to index
      %get3A_749 = arith.constant 32 : index
      %get3A_750 = tpu.vector_load %arg7[%get3A_748, %get3A_749] {strides = array<i32>} : memref<80x128xi32, #tpu.memory_space<vmem>>, vector<1x16xi32>,
      %get3A_751 = vector.shape_cast %get3A_750 : vector<1x16xi32> to vector<16xi32>
      %shift_right_logical3A_752 = arith.constant 16 : i32
      %shift_right_logical3A_753 = vector.broadcast %shift_right_logical3A_752 : i32 to vector<16xi32>
      %shift_right_logical3A_754 = arith.shrui %get3A_751, %shift_right_logical3A_753 : vector<16xi32>
      %swap3A_755 = arith.constant 0 : i32
      %swap3A_756 = arith.index_cast %swap3A_755 : i32 to index
      %swap3A_757 = arith.constant 32 : index
      %swap3A_758 = tpu.vector_load %arg8[%swap3A_756, %swap3A_757] {strides = array<i32>} : memref<2x128xi32, #tpu.memory_space<vmem>>, vector<1x16xi32>,
      %swap3A_759 = vector.shape_cast %swap3A_758 : vector<1x16xi32> to vector<16xi32>
      %swap3A_760 = vector.shape_cast %shift_right_logical3A_754 : vector<16xi32> to vector<1x16xi32>
      tpu.vector_store %arg8[%swap3A_756, %swap3A_757], %swap3A_760 {strides = array<i32>} : memref<2x128xi32, #tpu.memory_space<vmem>>, vector<1x16xi32>,
      %and3A_761 = arith.constant 65535 : i32
      %and3A_762 = vector.broadcast %and3A_761 : i32 to vector<16xi32>
      %and3A_763 = arith.andi %get3A_751, %and3A_762 : vector<16xi32>
      %swap3A_764 = arith.constant 2 : i32
      %swap3A_765 = arith.index_cast %swap3A_764 : i32 to index
      %swap3A_766 = arith.constant 32 : index
      %swap3A_767 = tpu.vector_load %arg9[%swap3A_765, %swap3A_766] {strides = array<i32>} : memref<4x128xi32, #tpu.memory_space<vmem>>, vector<1x16xi32>,
      %swap3A_768 = vector.shape_cast %swap3A_767 : vector<1x16xi32> to vector<16xi32>
      %swap3A_769 = vector.shape_cast %and3A_763 : vector<16xi32> to vector<1x16xi32>
      tpu.vector_store %arg9[%swap3A_765, %swap3A_766], %swap3A_769 {strides = array<i32>} : memref<4x128xi32, #tpu.memory_space<vmem>>, vector<1x16xi32>,
      %get3A_770 = arith.index_cast %add3A_686 : i32 to index
      %get3A_771 = arith.constant 48 : index
      %get3A_772 = tpu.vector_load %arg7[%get3A_770, %get3A_771] {strides = array<i32>} : memref<80x128xi32, #tpu.memory_space<vmem>>, vector<1x16xi32>,
      %get3A_773 = vector.shape_cast %get3A_772 : vector<1x16xi32> to vector<16xi32>
      %shift_right_logical3A_774 = arith.constant 16 : i32
      %shift_right_logical3A_775 = vector.broadcast %shift_right_logical3A_774 : i32 to vector<16xi32>
      %shift_right_logical3A_776 = arith.shrui %get3A_773, %shift_right_logical3A_775 : vector<16xi32>
      %swap3A_777 = arith.constant 0 : i32
      %swap3A_778 = arith.index_cast %swap3A_777 : i32 to index
      %swap3A_779 = arith.constant 48 : index
      %swap3A_780 = tpu.vector_load %arg8[%swap3A_778, %swap3A_779] {strides = array<i32>} : memref<2x128xi32, #tpu.memory_space<vmem>>, vector<1x16xi32>,
      %swap3A_781 = vector.shape_cast %swap3A_780 : vector<1x16xi32> to vector<16xi32>
      %swap3A_782 = vector.shape_cast %shift_right_logical3A_776 : vector<16xi32> to vector<1x16xi32>
      tpu.vector_store %arg8[%swap3A_778, %swap3A_779], %swap3A_782 {strides = array<i32>} : memref<2x128xi32, #tpu.memory_space<vmem>>, vector<1x16xi32>,
      %and3A_783 = arith.constant 65535 : i32
      %and3A_784 = vector.broadcast %and3A_783 : i32 to vector<16xi32>
      %and3A_785 = arith.andi %get3A_773, %and3A_784 : vector<16xi32>
      %swap3A_786 = arith.constant 2 : i32
      %swap3A_787 = arith.index_cast %swap3A_786 : i32 to index
      %swap3A_788 = arith.constant 48 : index
      %swap3A_789 = tpu.vector_load %arg9[%swap3A_787, %swap3A_788] {strides = array<i32>} : memref<4x128xi32, #tpu.memory_space<vmem>>, vector<1x16xi32>,
      %swap3A_790 = vector.shape_cast %swap3A_789 : vector<1x16xi32> to vector<16xi32>
      %swap3A_791 = vector.shape_cast %and3A_785 : vector<16xi32> to vector<1x16xi32>
      tpu.vector_store %arg9[%swap3A_787, %swap3A_788], %swap3A_791 {strides = array<i32>} : memref<4x128xi32, #tpu.memory_space<vmem>>, vector<1x16xi32>,
      %get3A_792 = arith.index_cast %add3A_686 : i32 to index
      %get3A_793 = arith.constant 64 : index
      %get3A_794 = tpu.vector_load %arg7[%get3A_792, %get3A_793] {strides = array<i32>} : memref<80x128xi32, #tpu.memory_space<vmem>>, vector<1x16xi32>,
      %get3A_795 = vector.shape_cast %get3A_794 : vector<1x16xi32> to vector<16xi32>
      %shift_right_logical3A_796 = arith.constant 16 : i32
      %shift_right_logical3A_797 = vector.broadcast %shift_right_logical3A_796 : i32 to vector<16xi32>
      %shift_right_logical3A_798 = arith.shrui %get3A_795, %shift_right_logical3A_797 : vector<16xi32>
      %swap3A_799 = arith.constant 0 : i32
      %swap3A_800 = arith.index_cast %swap3A_799 : i32 to index
      %swap3A_801 = arith.constant 64 : index
      %swap3A_802 = tpu.vector_load %arg8[%swap3A_800, %swap3A_801] {strides = array<i32>} : memref<2x128xi32, #tpu.memory_space<vmem>>, vector<1x16xi32>,
      %swap3A_803 = vector.shape_cast %swap3A_802 : vector<1x16xi32> to vector<16xi32>
      %swap3A_804 = vector.shape_cast %shift_right_logical3A_798 : vector<16xi32> to vector<1x16xi32>
      tpu.vector_store %arg8[%swap3A_800, %swap3A_801], %swap3A_804 {strides = array<i32>} : memref<2x128xi32, #tpu.memory_space<vmem>>, vector<1x16xi32>,
      %and3A_805 = arith.constant 65535 : i32
      %and3A_806 = vector.broadcast %and3A_805 : i32 to vector<16xi32>
      %and3A_807 = arith.andi %get3A_795, %and3A_806 : vector<16xi32>
      %swap3A_808 = arith.constant 2 : i32
      %swap3A_809 = arith.index_cast %swap3A_808 : i32 to index
      %swap3A_810 = arith.constant 64 : index
      %swap3A_811 = tpu.vector_load %arg9[%swap3A_809, %swap3A_810] {strides = array<i32>} : memref<4x128xi32, #tpu.memory_space<vmem>>, vector<1x16xi32>,
      %swap3A_812 = vector.shape_cast %swap3A_811 : vector<1x16xi32> to vector<16xi32>
      %swap3A_813 = vector.shape_cast %and3A_807 : vector<16xi32> to vector<1x16xi32>
      tpu.vector_store %arg9[%swap3A_809, %swap3A_810], %swap3A_813 {strides = array<i32>} : memref<4x128xi32, #tpu.memory_space<vmem>>, vector<1x16xi32>,
      %get3A_814 = arith.index_cast %add3A_686 : i32 to index
      %get3A_815 = arith.constant 80 : index
      %get3A_816 = tpu.vector_load %arg7[%get3A_814, %get3A_815] {strides = array<i32>} : memref<80x128xi32, #tpu.memory_space<vmem>>, vector<1x16xi32>,
      %get3A_817 = vector.shape_cast %get3A_816 : vector<1x16xi32> to vector<16xi32>
      %shift_right_logical3A_818 = arith.constant 16 : i32
      %shift_right_logical3A_819 = vector.broadcast %shift_right_logical3A_818 : i32 to vector<16xi32>
      %shift_right_logical3A_820 = arith.shrui %get3A_817, %shift_right_logical3A_819 : vector<16xi32>
      %swap3A_821 = arith.constant 0 : i32
      %swap3A_822 = arith.index_cast %swap3A_821 : i32 to index
      %swap3A_823 = arith.constant 80 : index
      %swap3A_824 = tpu.vector_load %arg8[%swap3A_822, %swap3A_823] {strides = array<i32>} : memref<2x128xi32, #tpu.memory_space<vmem>>, vector<1x16xi32>,
      %swap3A_825 = vector.shape_cast %swap3A_824 : vector<1x16xi32> to vector<16xi32>
      %swap3A_826 = vector.shape_cast %shift_right_logical3A_820 : vector<16xi32> to vector<1x16xi32>
      tpu.vector_store %arg8[%swap3A_822, %swap3A_823], %swap3A_826 {strides = array<i32>} : memref<2x128xi32, #tpu.memory_space<vmem>>, vector<1x16xi32>,
      %and3A_827 = arith.constant 65535 : i32
      %and3A_828 = vector.broadcast %and3A_827 : i32 to vector<16xi32>
      %and3A_829 = arith.andi %get3A_817, %and3A_828 : vector<16xi32>
      %swap3A_830 = arith.constant 2 : i32
      %swap3A_831 = arith.index_cast %swap3A_830 : i32 to index
      %swap3A_832 = arith.constant 80 : index
      %swap3A_833 = tpu.vector_load %arg9[%swap3A_831, %swap3A_832] {strides = array<i32>} : memref<4x128xi32, #tpu.memory_space<vmem>>, vector<1x16xi32>,
      %swap3A_834 = vector.shape_cast %swap3A_833 : vector<1x16xi32> to vector<16xi32>
      %swap3A_835 = vector.shape_cast %and3A_829 : vector<16xi32> to vector<1x16xi32>
      tpu.vector_store %arg9[%swap3A_831, %swap3A_832], %swap3A_835 {strides = array<i32>} : memref<4x128xi32, #tpu.memory_space<vmem>>, vector<1x16xi32>,
      %get3A_836 = arith.index_cast %add3A_686 : i32 to index
      %get3A_837 = arith.constant 96 : index
      %get3A_838 = tpu.vector_load %arg7[%get3A_836, %get3A_837] {strides = array<i32>} : memref<80x128xi32, #tpu.memory_space<vmem>>, vector<1x16xi32>,
      %get3A_839 = vector.shape_cast %get3A_838 : vector<1x16xi32> to vector<16xi32>
      %shift_right_logical3A_840 = arith.constant 16 : i32
      %shift_right_logical3A_841 = vector.broadcast %shift_right_logical3A_840 : i32 to vector<16xi32>
      %shift_right_logical3A_842 = arith.shrui %get3A_839, %shift_right_logical3A_841 : vector<16xi32>
      %swap3A_843 = arith.constant 0 : i32
      %swap3A_844 = arith.index_cast %swap3A_843 : i32 to index
      %swap3A_845 = arith.constant 96 : index
      %swap3A_846 = tpu.vector_load %arg8[%swap3A_844, %swap3A_845] {strides = array<i32>} : memref<2x128xi32, #tpu.memory_space<vmem>>, vector<1x16xi32>,
      %swap3A_847 = vector.shape_cast %swap3A_846 : vector<1x16xi32> to vector<16xi32>
      %swap3A_848 = vector.shape_cast %shift_right_logical3A_842 : vector<16xi32> to vector<1x16xi32>
      tpu.vector_store %arg8[%swap3A_844, %swap3A_845], %swap3A_848 {strides = array<i32>} : memref<2x128xi32, #tpu.memory_space<vmem>>, vector<1x16xi32>,
      %and3A_849 = arith.constant 65535 : i32
      %and3A_850 = vector.broadcast %and3A_849 : i32 to vector<16xi32>
      %and3A_851 = arith.andi %get3A_839, %and3A_850 : vector<16xi32>
      %swap3A_852 = arith.constant 2 : i32
      %swap3A_853 = arith.index_cast %swap3A_852 : i32 to index
      %swap3A_854 = arith.constant 96 : index
      %swap3A_855 = tpu.vector_load %arg9[%swap3A_853, %swap3A_854] {strides = array<i32>} : memref<4x128xi32, #tpu.memory_space<vmem>>, vector<1x16xi32>,
      %swap3A_856 = vector.shape_cast %swap3A_855 : vector<1x16xi32> to vector<16xi32>
      %swap3A_857 = vector.shape_cast %and3A_851 : vector<16xi32> to vector<1x16xi32>
      tpu.vector_store %arg9[%swap3A_853, %swap3A_854], %swap3A_857 {strides = array<i32>} : memref<4x128xi32, #tpu.memory_space<vmem>>, vector<1x16xi32>,
      %get3A_858 = arith.index_cast %add3A_686 : i32 to index
      %get3A_859 = arith.constant 112 : index
      %get3A_860 = tpu.vector_load %arg7[%get3A_858, %get3A_859] {strides = array<i32>} : memref<80x128xi32, #tpu.memory_space<vmem>>, vector<1x16xi32>,
      %get3A_861 = vector.shape_cast %get3A_860 : vector<1x16xi32> to vector<16xi32>
      %shift_right_logical3A_862 = arith.constant 16 : i32
      %shift_right_logical3A_863 = vector.broadcast %shift_right_logical3A_862 : i32 to vector<16xi32>
      %shift_right_logical3A_864 = arith.shrui %get3A_861, %shift_right_logical3A_863 : vector<16xi32>
      %swap3A_865 = arith.constant 0 : i32
      %swap3A_866 = arith.index_cast %swap3A_865 : i32 to index
      %swap3A_867 = arith.constant 112 : index
      %swap3A_868 = tpu.vector_load %arg8[%swap3A_866, %swap3A_867] {strides = array<i32>} : memref<2x128xi32, #tpu.memory_space<vmem>>, vector<1x16xi32>,
      %swap3A_869 = vector.shape_cast %swap3A_868 : vector<1x16xi32> to vector<16xi32>
      %swap3A_870 = vector.shape_cast %shift_right_logical3A_864 : vector<16xi32> to vector<1x16xi32>
      tpu.vector_store %arg8[%swap3A_866, %swap3A_867], %swap3A_870 {strides = array<i32>} : memref<2x128xi32, #tpu.memory_space<vmem>>, vector<1x16xi32>,
      %and3A_871 = arith.constant 65535 : i32
      %and3A_872 = vector.broadcast %and3A_871 : i32 to vector<16xi32>
      %and3A_873 = arith.andi %get3A_861, %and3A_872 : vector<16xi32>
      %swap3A_874 = arith.constant 2 : i32
      %swap3A_875 = arith.index_cast %swap3A_874 : i32 to index
      %swap3A_876 = arith.constant 112 : index
      %swap3A_877 = tpu.vector_load %arg9[%swap3A_875, %swap3A_876] {strides = array<i32>} : memref<4x128xi32, #tpu.memory_space<vmem>>, vector<1x16xi32>,
      %swap3A_878 = vector.shape_cast %swap3A_877 : vector<1x16xi32> to vector<16xi32>
      %swap3A_879 = vector.shape_cast %and3A_873 : vector<16xi32> to vector<1x16xi32>
      tpu.vector_store %arg9[%swap3A_875, %swap3A_876], %swap3A_879 {strides = array<i32>} : memref<4x128xi32, #tpu.memory_space<vmem>>, vector<1x16xi32>,
      %dma_wait3A_880 = arith.constant 0 : i32
      %dma_wait3A_881 = arith.constant 0 : i32
      %dma_wait3A_882 = tpu.memref_slice %arg9[%dma_wait3A_880, %dma_wait3A_881] : memref<4x128xi32, #tpu.memory_space<vmem>> -> memref<1x128xi32, #tpu.memory_space<vmem>>
      %dma_wait3A_883 = tpu.memref_squeeze %dma_wait3A_882 : memref<1x128xi32, #tpu.memory_space<vmem>> -> memref<128xi32, #tpu.memory_space<vmem>>
      %dma_wait3A_884 = arith.constant 0 : i32
      %dma_wait3A_885 = arith.constant 0 : i32
      %dma_wait3A_886 = tpu.memref_slice %arg20[%dma_wait3A_884, %dma_wait3A_885] : memref<10240x128xf32, #tpu.memory_space<vmem_shared>> -> memref<10240x128xf32, #tpu.memory_space<vmem_shared>>
      tpu.wait_indirect_dma semaphore(%arg13 : memref<!tpu.dma_semaphore, #tpu.memory_space<semaphore_mem>>) src(%arg10 : memref<128x128xf32, #tpu.memory_space<vmem>>) dst(%dma_wait3A_886 : memref<10240x128xf32, #tpu.memory_space<vmem_shared>>)
      %dma_start3A_887 = arith.constant 0 : i32
      %dma_start3A_888 = arith.constant 0 : i32
      %dma_start3A_889 = arith.constant 0 : i32
      %dma_start3A_890 = tpu.memref_slice %arg10[%dma_start3A_888, %dma_start3A_889] : memref<128x128xf32, #tpu.memory_space<vmem>> -> memref<128x128xf32, #tpu.memory_space<vmem>>
      %dma_start3A_891 = arith.constant 0 : i32
      %dma_start3A_892 = tpu.memref_slice %arg8[%dma_start3A_887, %dma_start3A_891] : memref<2x128xi32, #tpu.memory_space<vmem>> -> memref<1x128xi32, #tpu.memory_space<vmem>>
      %dma_start3A_893 = tpu.memref_squeeze %dma_start3A_892 : memref<1x128xi32, #tpu.memory_space<vmem>> -> memref<128xi32, #tpu.memory_space<vmem>>
      %dma_start3A_894 = arith.constant 0 : i32
      %dma_start3A_895 = arith.constant 0 : i32
      %dma_start3A_896 = tpu.memref_slice %arg2[%dma_start3A_894, %dma_start3A_895] : memref<10000x128xf32, #tpu.memory_space<hbm>> -> memref<10000x128xf32, #tpu.memory_space<hbm>>
      tpu.enqueue_indirect_dma source(%dma_start3A_896 : memref<10000x128xf32, #tpu.memory_space<hbm>>) target(%dma_start3A_890 : memref<128x128xf32, #tpu.memory_space<vmem>>) offsets(%dma_start3A_893 : memref<128xi32, #tpu.memory_space<vmem>>) semaphore(%arg12 : memref<!tpu.dma_semaphore, #tpu.memory_space<semaphore_mem>>)
      %add3A_897 = arith.constant 3 : i32
      %add3A_898 = arith.addi %mul3A_684, %add3A_897 : i32
      %dma_wait3A_899 = arith.constant 1 : i32
      %dma_wait3A_900 = arith.constant 0 : i32
      %dma_wait3A_901 = arith.constant 0 : i32
      %dma_wait3A_902 = tpu.memref_slice %arg11[%dma_wait3A_900, %dma_wait3A_901] : memref<128x128xf32, #tpu.memory_space<vmem>> -> memref<128x128xf32, #tpu.memory_space<vmem>>
      %dma_wait3A_903 = arith.constant 0 : i32
      %dma_wait3A_904 = tpu.memref_slice %arg8[%dma_wait3A_899, %dma_wait3A_903] : memref<2x128xi32, #tpu.memory_space<vmem>> -> memref<1x128xi32, #tpu.memory_space<vmem>>
      %dma_wait3A_905 = tpu.memref_squeeze %dma_wait3A_904 : memref<1x128xi32, #tpu.memory_space<vmem>> -> memref<128xi32, #tpu.memory_space<vmem>>
      %dma_wait3A_906 = arith.constant 0 : i32
      %dma_wait3A_907 = arith.constant 0 : i32
      %dma_wait3A_908 = tpu.memref_slice %arg2[%dma_wait3A_906, %dma_wait3A_907] : memref<10000x128xf32, #tpu.memory_space<hbm>> -> memref<10000x128xf32, #tpu.memory_space<hbm>>
      tpu.wait_indirect_dma semaphore(%arg16 : memref<!tpu.dma_semaphore, #tpu.memory_space<semaphore_mem>>) src(%dma_wait3A_908 : memref<10000x128xf32, #tpu.memory_space<hbm>>) dst(%dma_wait3A_902 : memref<128x128xf32, #tpu.memory_space<vmem>>)
      %dma_start3A_909 = arith.constant 1 : i32
      %dma_start3A_910 = arith.constant 0 : i32
      %dma_start3A_911 = tpu.memref_slice %arg9[%dma_start3A_909, %dma_start3A_910] : memref<4x128xi32, #tpu.memory_space<vmem>> -> memref<1x128xi32, #tpu.memory_space<vmem>>
      %dma_start3A_912 = tpu.memref_squeeze %dma_start3A_911 : memref<1x128xi32, #tpu.memory_space<vmem>> -> memref<128xi32, #tpu.memory_space<vmem>>
      %dma_start3A_913 = arith.constant 0 : i32
      %dma_start3A_914 = arith.constant 0 : i32
      %dma_start3A_915 = tpu.memref_slice %arg20[%dma_start3A_913, %dma_start3A_914] : memref<10240x128xf32, #tpu.memory_space<vmem_shared>> -> memref<10240x128xf32, #tpu.memory_space<vmem_shared>>
      tpu.enqueue_indirect_dma source(%arg11 : memref<128x128xf32, #tpu.memory_space<vmem>>) target(%dma_start3A_915 : memref<10240x128xf32, #tpu.memory_space<vmem_shared>>) offsets(%dma_start3A_912 : memref<128xi32, #tpu.memory_space<vmem>>) semaphore(%arg17 : memref<!tpu.dma_semaphore, #tpu.memory_space<semaphore_mem>>) {add = true}
      %get3A_916 = arith.index_cast %add3A_898 : i32 to index
      %get3A_917 = arith.constant 0 : index
      %get3A_918 = tpu.vector_load %arg7[%get3A_916, %get3A_917] {strides = array<i32>} : memref<80x128xi32, #tpu.memory_space<vmem>>, vector<1x16xi32>,
      %get3A_919 = vector.shape_cast %get3A_918 : vector<1x16xi32> to vector<16xi32>
      %shift_right_logical3A_920 = arith.constant 16 : i32
      %shift_right_logical3A_921 = vector.broadcast %shift_right_logical3A_920 : i32 to vector<16xi32>
      %shift_right_logical3A_922 = arith.shrui %get3A_919, %shift_right_logical3A_921 : vector<16xi32>
      %swap3A_923 = arith.constant 1 : i32
      %swap3A_924 = arith.index_cast %swap3A_923 : i32 to index
      %swap3A_925 = arith.constant 0 : index
      %swap3A_926 = tpu.vector_load %arg8[%swap3A_924, %swap3A_925] {strides = array<i32>} : memref<2x128xi32, #tpu.memory_space<vmem>>, vector<1x16xi32>,
      %swap3A_927 = vector.shape_cast %swap3A_926 : vector<1x16xi32> to vector<16xi32>
      %swap3A_928 = vector.shape_cast %shift_right_logical3A_922 : vector<16xi32> to vector<1x16xi32>
      tpu.vector_store %arg8[%swap3A_924, %swap3A_925], %swap3A_928 {strides = array<i32>} : memref<2x128xi32, #tpu.memory_space<vmem>>, vector<1x16xi32>,
      %and3A_929 = arith.constant 65535 : i32
      %and3A_930 = vector.broadcast %and3A_929 : i32 to vector<16xi32>
      %and3A_931 = arith.andi %get3A_919, %and3A_930 : vector<16xi32>
      %swap3A_932 = arith.constant 3 : i32
      %swap3A_933 = arith.index_cast %swap3A_932 : i32 to index
      %swap3A_934 = arith.constant 0 : index
      %swap3A_935 = tpu.vector_load %arg9[%swap3A_933, %swap3A_934] {strides = array<i32>} : memref<4x128xi32, #tpu.memory_space<vmem>>, vector<1x16xi32>,
      %swap3A_936 = vector.shape_cast %swap3A_935 : vector<1x16xi32> to vector<16xi32>
      %swap3A_937 = vector.shape_cast %and3A_931 : vector<16xi32> to vector<1x16xi32>
      tpu.vector_store %arg9[%swap3A_933, %swap3A_934], %swap3A_937 {strides = array<i32>} : memref<4x128xi32, #tpu.memory_space<vmem>>, vector<1x16xi32>,
      %get3A_938 = arith.index_cast %add3A_898 : i32 to index
      %get3A_939 = arith.constant 16 : index
      %get3A_940 = tpu.vector_load %arg7[%get3A_938, %get3A_939] {strides = array<i32>} : memref<80x128xi32, #tpu.memory_space<vmem>>, vector<1x16xi32>,
      %get3A_941 = vector.shape_cast %get3A_940 : vector<1x16xi32> to vector<16xi32>
      %shift_right_logical3A_942 = arith.constant 16 : i32
      %shift_right_logical3A_943 = vector.broadcast %shift_right_logical3A_942 : i32 to vector<16xi32>
      %shift_right_logical3A_944 = arith.shrui %get3A_941, %shift_right_logical3A_943 : vector<16xi32>
      %swap3A_945 = arith.constant 1 : i32
      %swap3A_946 = arith.index_cast %swap3A_945 : i32 to index
      %swap3A_947 = arith.constant 16 : index
      %swap3A_948 = tpu.vector_load %arg8[%swap3A_946, %swap3A_947] {strides = array<i32>} : memref<2x128xi32, #tpu.memory_space<vmem>>, vector<1x16xi32>,
      %swap3A_949 = vector.shape_cast %swap3A_948 : vector<1x16xi32> to vector<16xi32>
      %swap3A_950 = vector.shape_cast %shift_right_logical3A_944 : vector<16xi32> to vector<1x16xi32>
      tpu.vector_store %arg8[%swap3A_946, %swap3A_947], %swap3A_950 {strides = array<i32>} : memref<2x128xi32, #tpu.memory_space<vmem>>, vector<1x16xi32>,
      %and3A_951 = arith.constant 65535 : i32
      %and3A_952 = vector.broadcast %and3A_951 : i32 to vector<16xi32>
      %and3A_953 = arith.andi %get3A_941, %and3A_952 : vector<16xi32>
      %swap3A_954 = arith.constant 3 : i32
      %swap3A_955 = arith.index_cast %swap3A_954 : i32 to index
      %swap3A_956 = arith.constant 16 : index
      %swap3A_957 = tpu.vector_load %arg9[%swap3A_955, %swap3A_956] {strides = array<i32>} : memref<4x128xi32, #tpu.memory_space<vmem>>, vector<1x16xi32>,
      %swap3A_958 = vector.shape_cast %swap3A_957 : vector<1x16xi32> to vector<16xi32>
      %swap3A_959 = vector.shape_cast %and3A_953 : vector<16xi32> to vector<1x16xi32>
      tpu.vector_store %arg9[%swap3A_955, %swap3A_956], %swap3A_959 {strides = array<i32>} : memref<4x128xi32, #tpu.memory_space<vmem>>, vector<1x16xi32>,
      %get3A_960 = arith.index_cast %add3A_898 : i32 to index
      %get3A_961 = arith.constant 32 : index
      %get3A_962 = tpu.vector_load %arg7[%get3A_960, %get3A_961] {strides = array<i32>} : memref<80x128xi32, #tpu.memory_space<vmem>>, vector<1x16xi32>,
      %get3A_963 = vector.shape_cast %get3A_962 : vector<1x16xi32> to vector<16xi32>
      %shift_right_logical3A_964 = arith.constant 16 : i32
      %shift_right_logical3A_965 = vector.broadcast %shift_right_logical3A_964 : i32 to vector<16xi32>
      %shift_right_logical3A_966 = arith.shrui %get3A_963, %shift_right_logical3A_965 : vector<16xi32>
      %swap3A_967 = arith.constant 1 : i32
      %swap3A_968 = arith.index_cast %swap3A_967 : i32 to index
      %swap3A_969 = arith.constant 32 : index
      %swap3A_970 = tpu.vector_load %arg8[%swap3A_968, %swap3A_969] {strides = array<i32>} : memref<2x128xi32, #tpu.memory_space<vmem>>, vector<1x16xi32>,
      %swap3A_971 = vector.shape_cast %swap3A_970 : vector<1x16xi32> to vector<16xi32>
      %swap3A_972 = vector.shape_cast %shift_right_logical3A_966 : vector<16xi32> to vector<1x16xi32>
      tpu.vector_store %arg8[%swap3A_968, %swap3A_969], %swap3A_972 {strides = array<i32>} : memref<2x128xi32, #tpu.memory_space<vmem>>, vector<1x16xi32>,
      %and3A_973 = arith.constant 65535 : i32
      %and3A_974 = vector.broadcast %and3A_973 : i32 to vector<16xi32>
      %and3A_975 = arith.andi %get3A_963, %and3A_974 : vector<16xi32>
      %swap3A_976 = arith.constant 3 : i32
      %swap3A_977 = arith.index_cast %swap3A_976 : i32 to index
      %swap3A_978 = arith.constant 32 : index
      %swap3A_979 = tpu.vector_load %arg9[%swap3A_977, %swap3A_978] {strides = array<i32>} : memref<4x128xi32, #tpu.memory_space<vmem>>, vector<1x16xi32>,
      %swap3A_980 = vector.shape_cast %swap3A_979 : vector<1x16xi32> to vector<16xi32>
      %swap3A_981 = vector.shape_cast %and3A_975 : vector<16xi32> to vector<1x16xi32>
      tpu.vector_store %arg9[%swap3A_977, %swap3A_978], %swap3A_981 {strides = array<i32>} : memref<4x128xi32, #tpu.memory_space<vmem>>, vector<1x16xi32>,
      %get3A_982 = arith.index_cast %add3A_898 : i32 to index
      %get3A_983 = arith.constant 48 : index
      %get3A_984 = tpu.vector_load %arg7[%get3A_982, %get3A_983] {strides = array<i32>} : memref<80x128xi32, #tpu.memory_space<vmem>>, vector<1x16xi32>,
      %get3A_985 = vector.shape_cast %get3A_984 : vector<1x16xi32> to vector<16xi32>
      %shift_right_logical3A_986 = arith.constant 16 : i32
      %shift_right_logical3A_987 = vector.broadcast %shift_right_logical3A_986 : i32 to vector<16xi32>
      %shift_right_logical3A_988 = arith.shrui %get3A_985, %shift_right_logical3A_987 : vector<16xi32>
      %swap3A_989 = arith.constant 1 : i32
      %swap3A_990 = arith.index_cast %swap3A_989 : i32 to index
      %swap3A_991 = arith.constant 48 : index
      %swap3A_992 = tpu.vector_load %arg8[%swap3A_990, %swap3A_991] {strides = array<i32>} : memref<2x128xi32, #tpu.memory_space<vmem>>, vector<1x16xi32>,
      %swap3A_993 = vector.shape_cast %swap3A_992 : vector<1x16xi32> to vector<16xi32>
      %swap3A_994 = vector.shape_cast %shift_right_logical3A_988 : vector<16xi32> to vector<1x16xi32>
      tpu.vector_store %arg8[%swap3A_990, %swap3A_991], %swap3A_994 {strides = array<i32>} : memref<2x128xi32, #tpu.memory_space<vmem>>, vector<1x16xi32>,
      %and3A_995 = arith.constant 65535 : i32
      %and3A_996 = vector.broadcast %and3A_995 : i32 to vector<16xi32>
      %and3A_997 = arith.andi %get3A_985, %and3A_996 : vector<16xi32>
      %swap3A_998 = arith.constant 3 : i32
      %swap3A_999 = arith.index_cast %swap3A_998 : i32 to index
      %swap3A_1000 = arith.constant 48 : index
      %swap3A_1001 = tpu.vector_load %arg9[%swap3A_999, %swap3A_1000] {strides = array<i32>} : memref<4x128xi32, #tpu.memory_space<vmem>>, vector<1x16xi32>,
      %swap3A_1002 = vector.shape_cast %swap3A_1001 : vector<1x16xi32> to vector<16xi32>
      %swap3A_1003 = vector.shape_cast %and3A_997 : vector<16xi32> to vector<1x16xi32>
      tpu.vector_store %arg9[%swap3A_999, %swap3A_1000], %swap3A_1003 {strides = array<i32>} : memref<4x128xi32, #tpu.memory_space<vmem>>, vector<1x16xi32>,
      %get3A_1004 = arith.index_cast %add3A_898 : i32 to index
      %get3A_1005 = arith.constant 64 : index
      %get3A_1006 = tpu.vector_load %arg7[%get3A_1004, %get3A_1005] {strides = array<i32>} : memref<80x128xi32, #tpu.memory_space<vmem>>, vector<1x16xi32>,
      %get3A_1007 = vector.shape_cast %get3A_1006 : vector<1x16xi32> to vector<16xi32>
      %shift_right_logical3A_1008 = arith.constant 16 : i32
      %shift_right_logical3A_1009 = vector.broadcast %shift_right_logical3A_1008 : i32 to vector<16xi32>
      %shift_right_logical3A_1010 = arith.shrui %get3A_1007, %shift_right_logical3A_1009 : vector<16xi32>
      %swap3A_1011 = arith.constant 1 : i32
      %swap3A_1012 = arith.index_cast %swap3A_1011 : i32 to index
      %swap3A_1013 = arith.constant 64 : index
      %swap3A_1014 = tpu.vector_load %arg8[%swap3A_1012, %swap3A_1013] {strides = array<i32>} : memref<2x128xi32, #tpu.memory_space<vmem>>, vector<1x16xi32>,
      %swap3A_1015 = vector.shape_cast %swap3A_1014 : vector<1x16xi32> to vector<16xi32>
      %swap3A_1016 = vector.shape_cast %shift_right_logical3A_1010 : vector<16xi32> to vector<1x16xi32>
      tpu.vector_store %arg8[%swap3A_1012, %swap3A_1013], %swap3A_1016 {strides = array<i32>} : memref<2x128xi32, #tpu.memory_space<vmem>>, vector<1x16xi32>,
      %and3A_1017 = arith.constant 65535 : i32
      %and3A_1018 = vector.broadcast %and3A_1017 : i32 to vector<16xi32>
      %and3A_1019 = arith.andi %get3A_1007, %and3A_1018 : vector<16xi32>
      %swap3A_1020 = arith.constant 3 : i32
      %swap3A_1021 = arith.index_cast %swap3A_1020 : i32 to index
      %swap3A_1022 = arith.constant 64 : index
      %swap3A_1023 = tpu.vector_load %arg9[%swap3A_1021, %swap3A_1022] {strides = array<i32>} : memref<4x128xi32, #tpu.memory_space<vmem>>, vector<1x16xi32>,
      %swap3A_1024 = vector.shape_cast %swap3A_1023 : vector<1x16xi32> to vector<16xi32>
      %swap3A_1025 = vector.shape_cast %and3A_1019 : vector<16xi32> to vector<1x16xi32>
      tpu.vector_store %arg9[%swap3A_1021, %swap3A_1022], %swap3A_1025 {strides = array<i32>} : memref<4x128xi32, #tpu.memory_space<vmem>>, vector<1x16xi32>,
      %get3A_1026 = arith.index_cast %add3A_898 : i32 to index
      %get3A_1027 = arith.constant 80 : index
      %get3A_1028 = tpu.vector_load %arg7[%get3A_1026, %get3A_1027] {strides = array<i32>} : memref<80x128xi32, #tpu.memory_space<vmem>>, vector<1x16xi32>,
      %get3A_1029 = vector.shape_cast %get3A_1028 : vector<1x16xi32> to vector<16xi32>
      %shift_right_logical3A_1030 = arith.constant 16 : i32
      %shift_right_logical3A_1031 = vector.broadcast %shift_right_logical3A_1030 : i32 to vector<16xi32>
      %shift_right_logical3A_1032 = arith.shrui %get3A_1029, %shift_right_logical3A_1031 : vector<16xi32>
      %swap3A_1033 = arith.constant 1 : i32
      %swap3A_1034 = arith.index_cast %swap3A_1033 : i32 to index
      %swap3A_1035 = arith.constant 80 : index
      %swap3A_1036 = tpu.vector_load %arg8[%swap3A_1034, %swap3A_1035] {strides = array<i32>} : memref<2x128xi32, #tpu.memory_space<vmem>>, vector<1x16xi32>,
      %swap3A_1037 = vector.shape_cast %swap3A_1036 : vector<1x16xi32> to vector<16xi32>
      %swap3A_1038 = vector.shape_cast %shift_right_logical3A_1032 : vector<16xi32> to vector<1x16xi32>
      tpu.vector_store %arg8[%swap3A_1034, %swap3A_1035], %swap3A_1038 {strides = array<i32>} : memref<2x128xi32, #tpu.memory_space<vmem>>, vector<1x16xi32>,
      %and3A_1039 = arith.constant 65535 : i32
      %and3A_1040 = vector.broadcast %and3A_1039 : i32 to vector<16xi32>
      %and3A_1041 = arith.andi %get3A_1029, %and3A_1040 : vector<16xi32>
      %swap3A_1042 = arith.constant 3 : i32
      %swap3A_1043 = arith.index_cast %swap3A_1042 : i32 to index
      %swap3A_1044 = arith.constant 80 : index
      %swap3A_1045 = tpu.vector_load %arg9[%swap3A_1043, %swap3A_1044] {strides = array<i32>} : memref<4x128xi32, #tpu.memory_space<vmem>>, vector<1x16xi32>,
      %swap3A_1046 = vector.shape_cast %swap3A_1045 : vector<1x16xi32> to vector<16xi32>
      %swap3A_1047 = vector.shape_cast %and3A_1041 : vector<16xi32> to vector<1x16xi32>
      tpu.vector_store %arg9[%swap3A_1043, %swap3A_1044], %swap3A_1047 {strides = array<i32>} : memref<4x128xi32, #tpu.memory_space<vmem>>, vector<1x16xi32>,
      %get3A_1048 = arith.index_cast %add3A_898 : i32 to index
      %get3A_1049 = arith.constant 96 : index
      %get3A_1050 = tpu.vector_load %arg7[%get3A_1048, %get3A_1049] {strides = array<i32>} : memref<80x128xi32, #tpu.memory_space<vmem>>, vector<1x16xi32>,
      %get3A_1051 = vector.shape_cast %get3A_1050 : vector<1x16xi32> to vector<16xi32>
      %shift_right_logical3A_1052 = arith.constant 16 : i32
      %shift_right_logical3A_1053 = vector.broadcast %shift_right_logical3A_1052 : i32 to vector<16xi32>
      %shift_right_logical3A_1054 = arith.shrui %get3A_1051, %shift_right_logical3A_1053 : vector<16xi32>
      %swap3A_1055 = arith.constant 1 : i32
      %swap3A_1056 = arith.index_cast %swap3A_1055 : i32 to index
      %swap3A_1057 = arith.constant 96 : index
      %swap3A_1058 = tpu.vector_load %arg8[%swap3A_1056, %swap3A_1057] {strides = array<i32>} : memref<2x128xi32, #tpu.memory_space<vmem>>, vector<1x16xi32>,
      %swap3A_1059 = vector.shape_cast %swap3A_1058 : vector<1x16xi32> to vector<16xi32>
      %swap3A_1060 = vector.shape_cast %shift_right_logical3A_1054 : vector<16xi32> to vector<1x16xi32>
      tpu.vector_store %arg8[%swap3A_1056, %swap3A_1057], %swap3A_1060 {strides = array<i32>} : memref<2x128xi32, #tpu.memory_space<vmem>>, vector<1x16xi32>,
      %and3A_1061 = arith.constant 65535 : i32
      %and3A_1062 = vector.broadcast %and3A_1061 : i32 to vector<16xi32>
      %and3A_1063 = arith.andi %get3A_1051, %and3A_1062 : vector<16xi32>
      %swap3A_1064 = arith.constant 3 : i32
      %swap3A_1065 = arith.index_cast %swap3A_1064 : i32 to index
      %swap3A_1066 = arith.constant 96 : index
      %swap3A_1067 = tpu.vector_load %arg9[%swap3A_1065, %swap3A_1066] {strides = array<i32>} : memref<4x128xi32, #tpu.memory_space<vmem>>, vector<1x16xi32>,
      %swap3A_1068 = vector.shape_cast %swap3A_1067 : vector<1x16xi32> to vector<16xi32>
      %swap3A_1069 = vector.shape_cast %and3A_1063 : vector<16xi32> to vector<1x16xi32>
      tpu.vector_store %arg9[%swap3A_1065, %swap3A_1066], %swap3A_1069 {strides = array<i32>} : memref<4x128xi32, #tpu.memory_space<vmem>>, vector<1x16xi32>,
      %get3A_1070 = arith.index_cast %add3A_898 : i32 to index
      %get3A_1071 = arith.constant 112 : index
      %get3A_1072 = tpu.vector_load %arg7[%get3A_1070, %get3A_1071] {strides = array<i32>} : memref<80x128xi32, #tpu.memory_space<vmem>>, vector<1x16xi32>,
      %get3A_1073 = vector.shape_cast %get3A_1072 : vector<1x16xi32> to vector<16xi32>
      %shift_right_logical3A_1074 = arith.constant 16 : i32
      %shift_right_logical3A_1075 = vector.broadcast %shift_right_logical3A_1074 : i32 to vector<16xi32>
      %shift_right_logical3A_1076 = arith.shrui %get3A_1073, %shift_right_logical3A_1075 : vector<16xi32>
      %swap3A_1077 = arith.constant 1 : i32
      %swap3A_1078 = arith.index_cast %swap3A_1077 : i32 to index
      %swap3A_1079 = arith.constant 112 : index
      %swap3A_1080 = tpu.vector_load %arg8[%swap3A_1078, %swap3A_1079] {strides = array<i32>} : memref<2x128xi32, #tpu.memory_space<vmem>>, vector<1x16xi32>,
      %swap3A_1081 = vector.shape_cast %swap3A_1080 : vector<1x16xi32> to vector<16xi32>
      %swap3A_1082 = vector.shape_cast %shift_right_logical3A_1076 : vector<16xi32> to vector<1x16xi32>
      tpu.vector_store %arg8[%swap3A_1078, %swap3A_1079], %swap3A_1082 {strides = array<i32>} : memref<2x128xi32, #tpu.memory_space<vmem>>, vector<1x16xi32>,
      %and3A_1083 = arith.constant 65535 : i32
      %and3A_1084 = vector.broadcast %and3A_1083 : i32 to vector<16xi32>
      %and3A_1085 = arith.andi %get3A_1073, %and3A_1084 : vector<16xi32>
      %swap3A_1086 = arith.constant 3 : i32
      %swap3A_1087 = arith.index_cast %swap3A_1086 : i32 to index
      %swap3A_1088 = arith.constant 112 : index
      %swap3A_1089 = tpu.vector_load %arg9[%swap3A_1087, %swap3A_1088] {strides = array<i32>} : memref<4x128xi32, #tpu.memory_space<vmem>>, vector<1x16xi32>,
      %swap3A_1090 = vector.shape_cast %swap3A_1089 : vector<1x16xi32> to vector<16xi32>
      %swap3A_1091 = vector.shape_cast %and3A_1085 : vector<16xi32> to vector<1x16xi32>
      tpu.vector_store %arg9[%swap3A_1087, %swap3A_1088], %swap3A_1091 {strides = array<i32>} : memref<4x128xi32, #tpu.memory_space<vmem>>, vector<1x16xi32>,
      %dma_wait3A_1092 = arith.constant 1 : i32
      %dma_wait3A_1093 = arith.constant 0 : i32
      %dma_wait3A_1094 = tpu.memref_slice %arg9[%dma_wait3A_1092, %dma_wait3A_1093] : memref<4x128xi32, #tpu.memory_space<vmem>> -> memref<1x128xi32, #tpu.memory_space<vmem>>
      %dma_wait3A_1095 = tpu.memref_squeeze %dma_wait3A_1094 : memref<1x128xi32, #tpu.memory_space<vmem>> -> memref<128xi32, #tpu.memory_space<vmem>>
      %dma_wait3A_1096 = arith.constant 0 : i32
      %dma_wait3A_1097 = arith.constant 0 : i32
      %dma_wait3A_1098 = tpu.memref_slice %arg20[%dma_wait3A_1096, %dma_wait3A_1097] : memref<10240x128xf32, #tpu.memory_space<vmem_shared>> -> memref<10240x128xf32, #tpu.memory_space<vmem_shared>>
      tpu.wait_indirect_dma semaphore(%arg17 : memref<!tpu.dma_semaphore, #tpu.memory_space<semaphore_mem>>) src(%arg11 : memref<128x128xf32, #tpu.memory_space<vmem>>) dst(%dma_wait3A_1098 : memref<10240x128xf32, #tpu.memory_space<vmem_shared>>)
      %dma_start3A_1099 = arith.constant 1 : i32
      %dma_start3A_1100 = arith.constant 0 : i32
      %dma_start3A_1101 = arith.constant 0 : i32
      %dma_start3A_1102 = tpu.memref_slice %arg11[%dma_start3A_1100, %dma_start3A_1101] : memref<128x128xf32, #tpu.memory_space<vmem>> -> memref<128x128xf32, #tpu.memory_space<vmem>>
      %dma_start3A_1103 = arith.constant 0 : i32
      %dma_start3A_1104 = tpu.memref_slice %arg8[%dma_start3A_1099, %dma_start3A_1103] : memref<2x128xi32, #tpu.memory_space<vmem>> -> memref<1x128xi32, #tpu.memory_space<vmem>>
      %dma_start3A_1105 = tpu.memref_squeeze %dma_start3A_1104 : memref<1x128xi32, #tpu.memory_space<vmem>> -> memref<128xi32, #tpu.memory_space<vmem>>
      %dma_start3A_1106 = arith.constant 0 : i32
      %dma_start3A_1107 = arith.constant 0 : i32
      %dma_start3A_1108 = tpu.memref_slice %arg2[%dma_start3A_1106, %dma_start3A_1107] : memref<10000x128xf32, #tpu.memory_space<hbm>> -> memref<10000x128xf32, #tpu.memory_space<hbm>>
      tpu.enqueue_indirect_dma source(%dma_start3A_1108 : memref<10000x128xf32, #tpu.memory_space<hbm>>) target(%dma_start3A_1102 : memref<128x128xf32, #tpu.memory_space<vmem>>) offsets(%dma_start3A_1105 : memref<128xi32, #tpu.memory_space<vmem>>) semaphore(%arg16 : memref<!tpu.dma_semaphore, #tpu.memory_space<semaphore_mem>>)
      %add3A_1109 = arith.constant 4 : i32
      %add3A_1110 = arith.addi %mul3A_684, %add3A_1109 : i32
      %dma_wait3A_1111 = arith.constant 0 : i32
      %dma_wait3A_1112 = arith.constant 0 : i32
      %dma_wait3A_1113 = arith.constant 0 : i32
      %dma_wait3A_1114 = tpu.memref_slice %arg10[%dma_wait3A_1112, %dma_wait3A_1113] : memref<128x128xf32, #tpu.memory_space<vmem>> -> memref<128x128xf32, #tpu.memory_space<vmem>>
      %dma_wait3A_1115 = arith.constant 0 : i32
      %dma_wait3A_1116 = tpu.memref_slice %arg8[%dma_wait3A_1111, %dma_wait3A_1115] : memref<2x128xi32, #tpu.memory_space<vmem>> -> memref<1x128xi32, #tpu.memory_space<vmem>>
      %dma_wait3A_1117 = tpu.memref_squeeze %dma_wait3A_1116 : memref<1x128xi32, #tpu.memory_space<vmem>> -> memref<128xi32, #tpu.memory_space<vmem>>
      %dma_wait3A_1118 = arith.constant 0 : i32
      %dma_wait3A_1119 = arith.constant 0 : i32
      %dma_wait3A_1120 = tpu.memref_slice %arg2[%dma_wait3A_1118, %dma_wait3A_1119] : memref<10000x128xf32, #tpu.memory_space<hbm>> -> memref<10000x128xf32, #tpu.memory_space<hbm>>
      tpu.wait_indirect_dma semaphore(%arg12 : memref<!tpu.dma_semaphore, #tpu.memory_space<semaphore_mem>>) src(%dma_wait3A_1120 : memref<10000x128xf32, #tpu.memory_space<hbm>>) dst(%dma_wait3A_1114 : memref<128x128xf32, #tpu.memory_space<vmem>>)
      %dma_start3A_1121 = arith.constant 2 : i32
      %dma_start3A_1122 = arith.constant 0 : i32
      %dma_start3A_1123 = tpu.memref_slice %arg9[%dma_start3A_1121, %dma_start3A_1122] : memref<4x128xi32, #tpu.memory_space<vmem>> -> memref<1x128xi32, #tpu.memory_space<vmem>>
      %dma_start3A_1124 = tpu.memref_squeeze %dma_start3A_1123 : memref<1x128xi32, #tpu.memory_space<vmem>> -> memref<128xi32, #tpu.memory_space<vmem>>
      %dma_start3A_1125 = arith.constant 0 : i32
      %dma_start3A_1126 = arith.constant 0 : i32
      %dma_start3A_1127 = tpu.memref_slice %arg20[%dma_start3A_1125, %dma_start3A_1126] : memref<10240x128xf32, #tpu.memory_space<vmem_shared>> -> memref<10240x128xf32, #tpu.memory_space<vmem_shared>>
      tpu.enqueue_indirect_dma source(%arg10 : memref<128x128xf32, #tpu.memory_space<vmem>>) target(%dma_start3A_1127 : memref<10240x128xf32, #tpu.memory_space<vmem_shared>>) offsets(%dma_start3A_1124 : memref<128xi32, #tpu.memory_space<vmem>>) semaphore(%arg13 : memref<!tpu.dma_semaphore, #tpu.memory_space<semaphore_mem>>) {add = true}
      %get3A_1128 = arith.index_cast %add3A_1110 : i32 to index
      %get3A_1129 = arith.constant 0 : index
      %get3A_1130 = tpu.vector_load %arg7[%get3A_1128, %get3A_1129] {strides = array<i32>} : memref<80x128xi32, #tpu.memory_space<vmem>>, vector<1x16xi32>,
      %get3A_1131 = vector.shape_cast %get3A_1130 : vector<1x16xi32> to vector<16xi32>
      %shift_right_logical3A_1132 = arith.constant 16 : i32
      %shift_right_logical3A_1133 = vector.broadcast %shift_right_logical3A_1132 : i32 to vector<16xi32>
      %shift_right_logical3A_1134 = arith.shrui %get3A_1131, %shift_right_logical3A_1133 : vector<16xi32>
      %swap3A_1135 = arith.constant 0 : i32
      %swap3A_1136 = arith.index_cast %swap3A_1135 : i32 to index
      %swap3A_1137 = arith.constant 0 : index
      %swap3A_1138 = tpu.vector_load %arg8[%swap3A_1136, %swap3A_1137] {strides = array<i32>} : memref<2x128xi32, #tpu.memory_space<vmem>>, vector<1x16xi32>,
      %swap3A_1139 = vector.shape_cast %swap3A_1138 : vector<1x16xi32> to vector<16xi32>
      %swap3A_1140 = vector.shape_cast %shift_right_logical3A_1134 : vector<16xi32> to vector<1x16xi32>
      tpu.vector_store %arg8[%swap3A_1136, %swap3A_1137], %swap3A_1140 {strides = array<i32>} : memref<2x128xi32, #tpu.memory_space<vmem>>, vector<1x16xi32>,
      %and3A_1141 = arith.constant 65535 : i32
      %and3A_1142 = vector.broadcast %and3A_1141 : i32 to vector<16xi32>
      %and3A_1143 = arith.andi %get3A_1131, %and3A_1142 : vector<16xi32>
      %swap3A_1144 = arith.constant 0 : i32
      %swap3A_1145 = arith.index_cast %swap3A_1144 : i32 to index
      %swap3A_1146 = arith.constant 0 : index
      %swap3A_1147 = tpu.vector_load %arg9[%swap3A_1145, %swap3A_1146] {strides = array<i32>} : memref<4x128xi32, #tpu.memory_space<vmem>>, vector<1x16xi32>,
      %swap3A_1148 = vector.shape_cast %swap3A_1147 : vector<1x16xi32> to vector<16xi32>
      %swap3A_1149 = vector.shape_cast %and3A_1143 : vector<16xi32> to vector<1x16xi32>
      tpu.vector_store %arg9[%swap3A_1145, %swap3A_1146], %swap3A_1149 {strides = array<i32>} : memref<4x128xi32, #tpu.memory_space<vmem>>, vector<1x16xi32>,
      %get3A_1150 = arith.index_cast %add3A_1110 : i32 to index
      %get3A_1151 = arith.constant 16 : index
      %get3A_1152 = tpu.vector_load %arg7[%get3A_1150, %get3A_1151] {strides = array<i32>} : memref<80x128xi32, #tpu.memory_space<vmem>>, vector<1x16xi32>,
      %get3A_1153 = vector.shape_cast %get3A_1152 : vector<1x16xi32> to vector<16xi32>
      %shift_right_logical3A_1154 = arith.constant 16 : i32
      %shift_right_logical3A_1155 = vector.broadcast %shift_right_logical3A_1154 : i32 to vector<16xi32>
      %shift_right_logical3A_1156 = arith.shrui %get3A_1153, %shift_right_logical3A_1155 : vector<16xi32>
      %swap3A_1157 = arith.constant 0 : i32
      %swap3A_1158 = arith.index_cast %swap3A_1157 : i32 to index
      %swap3A_1159 = arith.constant 16 : index
      %swap3A_1160 = tpu.vector_load %arg8[%swap3A_1158, %swap3A_1159] {strides = array<i32>} : memref<2x128xi32, #tpu.memory_space<vmem>>, vector<1x16xi32>,
      %swap3A_1161 = vector.shape_cast %swap3A_1160 : vector<1x16xi32> to vector<16xi32>
      %swap3A_1162 = vector.shape_cast %shift_right_logical3A_1156 : vector<16xi32> to vector<1x16xi32>
      tpu.vector_store %arg8[%swap3A_1158, %swap3A_1159], %swap3A_1162 {strides = array<i32>} : memref<2x128xi32, #tpu.memory_space<vmem>>, vector<1x16xi32>,
      %and3A_1163 = arith.constant 65535 : i32
      %and3A_1164 = vector.broadcast %and3A_1163 : i32 to vector<16xi32>
      %and3A_1165 = arith.andi %get3A_1153, %and3A_1164 : vector<16xi32>
      %swap3A_1166 = arith.constant 0 : i32
      %swap3A_1167 = arith.index_cast %swap3A_1166 : i32 to index
      %swap3A_1168 = arith.constant 16 : index
      %swap3A_1169 = tpu.vector_load %arg9[%swap3A_1167, %swap3A_1168] {strides = array<i32>} : memref<4x128xi32, #tpu.memory_space<vmem>>, vector<1x16xi32>,
      %swap3A_1170 = vector.shape_cast %swap3A_1169 : vector<1x16xi32> to vector<16xi32>
      %swap3A_1171 = vector.shape_cast %and3A_1165 : vector<16xi32> to vector<1x16xi32>
      tpu.vector_store %arg9[%swap3A_1167, %swap3A_1168], %swap3A_1171 {strides = array<i32>} : memref<4x128xi32, #tpu.memory_space<vmem>>, vector<1x16xi32>,
      %get3A_1172 = arith.index_cast %add3A_1110 : i32 to index
      %get3A_1173 = arith.constant 32 : index
      %get3A_1174 = tpu.vector_load %arg7[%get3A_1172, %get3A_1173] {strides = array<i32>} : memref<80x128xi32, #tpu.memory_space<vmem>>, vector<1x16xi32>,
      %get3A_1175 = vector.shape_cast %get3A_1174 : vector<1x16xi32> to vector<16xi32>
      %shift_right_logical3A_1176 = arith.constant 16 : i32
      %shift_right_logical3A_1177 = vector.broadcast %shift_right_logical3A_1176 : i32 to vector<16xi32>
      %shift_right_logical3A_1178 = arith.shrui %get3A_1175, %shift_right_logical3A_1177 : vector<16xi32>
      %swap3A_1179 = arith.constant 0 : i32
      %swap3A_1180 = arith.index_cast %swap3A_1179 : i32 to index
      %swap3A_1181 = arith.constant 32 : index
      %swap3A_1182 = tpu.vector_load %arg8[%swap3A_1180, %swap3A_1181] {strides = array<i32>} : memref<2x128xi32, #tpu.memory_space<vmem>>, vector<1x16xi32>,
      %swap3A_1183 = vector.shape_cast %swap3A_1182 : vector<1x16xi32> to vector<16xi32>
      %swap3A_1184 = vector.shape_cast %shift_right_logical3A_1178 : vector<16xi32> to vector<1x16xi32>
      tpu.vector_store %arg8[%swap3A_1180, %swap3A_1181], %swap3A_1184 {strides = array<i32>} : memref<2x128xi32, #tpu.memory_space<vmem>>, vector<1x16xi32>,
      %and3A_1185 = arith.constant 65535 : i32
      %and3A_1186 = vector.broadcast %and3A_1185 : i32 to vector<16xi32>
      %and3A_1187 = arith.andi %get3A_1175, %and3A_1186 : vector<16xi32>
      %swap3A_1188 = arith.constant 0 : i32
      %swap3A_1189 = arith.index_cast %swap3A_1188 : i32 to index
      %swap3A_1190 = arith.constant 32 : index
      %swap3A_1191 = tpu.vector_load %arg9[%swap3A_1189, %swap3A_1190] {strides = array<i32>} : memref<4x128xi32, #tpu.memory_space<vmem>>, vector<1x16xi32>,
      %swap3A_1192 = vector.shape_cast %swap3A_1191 : vector<1x16xi32> to vector<16xi32>
      %swap3A_1193 = vector.shape_cast %and3A_1187 : vector<16xi32> to vector<1x16xi32>
      tpu.vector_store %arg9[%swap3A_1189, %swap3A_1190], %swap3A_1193 {strides = array<i32>} : memref<4x128xi32, #tpu.memory_space<vmem>>, vector<1x16xi32>,
      %get3A_1194 = arith.index_cast %add3A_1110 : i32 to index
      %get3A_1195 = arith.constant 48 : index
      %get3A_1196 = tpu.vector_load %arg7[%get3A_1194, %get3A_1195] {strides = array<i32>} : memref<80x128xi32, #tpu.memory_space<vmem>>, vector<1x16xi32>,
      %get3A_1197 = vector.shape_cast %get3A_1196 : vector<1x16xi32> to vector<16xi32>
      %shift_right_logical3A_1198 = arith.constant 16 : i32
      %shift_right_logical3A_1199 = vector.broadcast %shift_right_logical3A_1198 : i32 to vector<16xi32>
      %shift_right_logical3A_1200 = arith.shrui %get3A_1197, %shift_right_logical3A_1199 : vector<16xi32>
      %swap3A_1201 = arith.constant 0 : i32
      %swap3A_1202 = arith.index_cast %swap3A_1201 : i32 to index
      %swap3A_1203 = arith.constant 48 : index
      %swap3A_1204 = tpu.vector_load %arg8[%swap3A_1202, %swap3A_1203] {strides = array<i32>} : memref<2x128xi32, #tpu.memory_space<vmem>>, vector<1x16xi32>,
      %swap3A_1205 = vector.shape_cast %swap3A_1204 : vector<1x16xi32> to vector<16xi32>
      %swap3A_1206 = vector.shape_cast %shift_right_logical3A_1200 : vector<16xi32> to vector<1x16xi32>
      tpu.vector_store %arg8[%swap3A_1202, %swap3A_1203], %swap3A_1206 {strides = array<i32>} : memref<2x128xi32, #tpu.memory_space<vmem>>, vector<1x16xi32>,
      %and3A_1207 = arith.constant 65535 : i32
      %and3A_1208 = vector.broadcast %and3A_1207 : i32 to vector<16xi32>
      %and3A_1209 = arith.andi %get3A_1197, %and3A_1208 : vector<16xi32>
      %swap3A_1210 = arith.constant 0 : i32
      %swap3A_1211 = arith.index_cast %swap3A_1210 : i32 to index
      %swap3A_1212 = arith.constant 48 : index
      %swap3A_1213 = tpu.vector_load %arg9[%swap3A_1211, %swap3A_1212] {strides = array<i32>} : memref<4x128xi32, #tpu.memory_space<vmem>>, vector<1x16xi32>,
      %swap3A_1214 = vector.shape_cast %swap3A_1213 : vector<1x16xi32> to vector<16xi32>
      %swap3A_1215 = vector.shape_cast %and3A_1209 : vector<16xi32> to vector<1x16xi32>
      tpu.vector_store %arg9[%swap3A_1211, %swap3A_1212], %swap3A_1215 {strides = array<i32>} : memref<4x128xi32, #tpu.memory_space<vmem>>, vector<1x16xi32>,
      %get3A_1216 = arith.index_cast %add3A_1110 : i32 to index
      %get3A_1217 = arith.constant 64 : index
      %get3A_1218 = tpu.vector_load %arg7[%get3A_1216, %get3A_1217] {strides = array<i32>} : memref<80x128xi32, #tpu.memory_space<vmem>>, vector<1x16xi32>,
      %get3A_1219 = vector.shape_cast %get3A_1218 : vector<1x16xi32> to vector<16xi32>
      %shift_right_logical3A_1220 = arith.constant 16 : i32
      %shift_right_logical3A_1221 = vector.broadcast %shift_right_logical3A_1220 : i32 to vector<16xi32>
      %shift_right_logical3A_1222 = arith.shrui %get3A_1219, %shift_right_logical3A_1221 : vector<16xi32>
      %swap3A_1223 = arith.constant 0 : i32
      %swap3A_1224 = arith.index_cast %swap3A_1223 : i32 to index
      %swap3A_1225 = arith.constant 64 : index
      %swap3A_1226 = tpu.vector_load %arg8[%swap3A_1224, %swap3A_1225] {strides = array<i32>} : memref<2x128xi32, #tpu.memory_space<vmem>>, vector<1x16xi32>,
      %swap3A_1227 = vector.shape_cast %swap3A_1226 : vector<1x16xi32> to vector<16xi32>
      %swap3A_1228 = vector.shape_cast %shift_right_logical3A_1222 : vector<16xi32> to vector<1x16xi32>
      tpu.vector_store %arg8[%swap3A_1224, %swap3A_1225], %swap3A_1228 {strides = array<i32>} : memref<2x128xi32, #tpu.memory_space<vmem>>, vector<1x16xi32>,
      %and3A_1229 = arith.constant 65535 : i32
      %and3A_1230 = vector.broadcast %and3A_1229 : i32 to vector<16xi32>
      %and3A_1231 = arith.andi %get3A_1219, %and3A_1230 : vector<16xi32>
      %swap3A_1232 = arith.constant 0 : i32
      %swap3A_1233 = arith.index_cast %swap3A_1232 : i32 to index
      %swap3A_1234 = arith.constant 64 : index
      %swap3A_1235 = tpu.vector_load %arg9[%swap3A_1233, %swap3A_1234] {strides = array<i32>} : memref<4x128xi32, #tpu.memory_space<vmem>>, vector<1x16xi32>,
      %swap3A_1236 = vector.shape_cast %swap3A_1235 : vector<1x16xi32> to vector<16xi32>
      %swap3A_1237 = vector.shape_cast %and3A_1231 : vector<16xi32> to vector<1x16xi32>
      tpu.vector_store %arg9[%swap3A_1233, %swap3A_1234], %swap3A_1237 {strides = array<i32>} : memref<4x128xi32, #tpu.memory_space<vmem>>, vector<1x16xi32>,
      %get3A_1238 = arith.index_cast %add3A_1110 : i32 to index
      %get3A_1239 = arith.constant 80 : index
      %get3A_1240 = tpu.vector_load %arg7[%get3A_1238, %get3A_1239] {strides = array<i32>} : memref<80x128xi32, #tpu.memory_space<vmem>>, vector<1x16xi32>,
      %get3A_1241 = vector.shape_cast %get3A_1240 : vector<1x16xi32> to vector<16xi32>
      %shift_right_logical3A_1242 = arith.constant 16 : i32
      %shift_right_logical3A_1243 = vector.broadcast %shift_right_logical3A_1242 : i32 to vector<16xi32>
      %shift_right_logical3A_1244 = arith.shrui %get3A_1241, %shift_right_logical3A_1243 : vector<16xi32>
      %swap3A_1245 = arith.constant 0 : i32
      %swap3A_1246 = arith.index_cast %swap3A_1245 : i32 to index
      %swap3A_1247 = arith.constant 80 : index
      %swap3A_1248 = tpu.vector_load %arg8[%swap3A_1246, %swap3A_1247] {strides = array<i32>} : memref<2x128xi32, #tpu.memory_space<vmem>>, vector<1x16xi32>,
      %swap3A_1249 = vector.shape_cast %swap3A_1248 : vector<1x16xi32> to vector<16xi32>
      %swap3A_1250 = vector.shape_cast %shift_right_logical3A_1244 : vector<16xi32> to vector<1x16xi32>
      tpu.vector_store %arg8[%swap3A_1246, %swap3A_1247], %swap3A_1250 {strides = array<i32>} : memref<2x128xi32, #tpu.memory_space<vmem>>, vector<1x16xi32>,
      %and3A_1251 = arith.constant 65535 : i32
      %and3A_1252 = vector.broadcast %and3A_1251 : i32 to vector<16xi32>
      %and3A_1253 = arith.andi %get3A_1241, %and3A_1252 : vector<16xi32>
      %swap3A_1254 = arith.constant 0 : i32
      %swap3A_1255 = arith.index_cast %swap3A_1254 : i32 to index
      %swap3A_1256 = arith.constant 80 : index
      %swap3A_1257 = tpu.vector_load %arg9[%swap3A_1255, %swap3A_1256] {strides = array<i32>} : memref<4x128xi32, #tpu.memory_space<vmem>>, vector<1x16xi32>,
      %swap3A_1258 = vector.shape_cast %swap3A_1257 : vector<1x16xi32> to vector<16xi32>
      %swap3A_1259 = vector.shape_cast %and3A_1253 : vector<16xi32> to vector<1x16xi32>
      tpu.vector_store %arg9[%swap3A_1255, %swap3A_1256], %swap3A_1259 {strides = array<i32>} : memref<4x128xi32, #tpu.memory_space<vmem>>, vector<1x16xi32>,
      %get3A_1260 = arith.index_cast %add3A_1110 : i32 to index
      %get3A_1261 = arith.constant 96 : index
      %get3A_1262 = tpu.vector_load %arg7[%get3A_1260, %get3A_1261] {strides = array<i32>} : memref<80x128xi32, #tpu.memory_space<vmem>>, vector<1x16xi32>,
      %get3A_1263 = vector.shape_cast %get3A_1262 : vector<1x16xi32> to vector<16xi32>
      %shift_right_logical3A_1264 = arith.constant 16 : i32
      %shift_right_logical3A_1265 = vector.broadcast %shift_right_logical3A_1264 : i32 to vector<16xi32>
      %shift_right_logical3A_1266 = arith.shrui %get3A_1263, %shift_right_logical3A_1265 : vector<16xi32>
      %swap3A_1267 = arith.constant 0 : i32
      %swap3A_1268 = arith.index_cast %swap3A_1267 : i32 to index
      %swap3A_1269 = arith.constant 96 : index
      %swap3A_1270 = tpu.vector_load %arg8[%swap3A_1268, %swap3A_1269] {strides = array<i32>} : memref<2x128xi32, #tpu.memory_space<vmem>>, vector<1x16xi32>,
      %swap3A_1271 = vector.shape_cast %swap3A_1270 : vector<1x16xi32> to vector<16xi32>
      %swap3A_1272 = vector.shape_cast %shift_right_logical3A_1266 : vector<16xi32> to vector<1x16xi32>
      tpu.vector_store %arg8[%swap3A_1268, %swap3A_1269], %swap3A_1272 {strides = array<i32>} : memref<2x128xi32, #tpu.memory_space<vmem>>, vector<1x16xi32>,
      %and3A_1273 = arith.constant 65535 : i32
      %and3A_1274 = vector.broadcast %and3A_1273 : i32 to vector<16xi32>
      %and3A_1275 = arith.andi %get3A_1263, %and3A_1274 : vector<16xi32>
      %swap3A_1276 = arith.constant 0 : i32
      %swap3A_1277 = arith.index_cast %swap3A_1276 : i32 to index
      %swap3A_1278 = arith.constant 96 : index
      %swap3A_1279 = tpu.vector_load %arg9[%swap3A_1277, %swap3A_1278] {strides = array<i32>} : memref<4x128xi32, #tpu.memory_space<vmem>>, vector<1x16xi32>,
      %swap3A_1280 = vector.shape_cast %swap3A_1279 : vector<1x16xi32> to vector<16xi32>
      %swap3A_1281 = vector.shape_cast %and3A_1275 : vector<16xi32> to vector<1x16xi32>
      tpu.vector_store %arg9[%swap3A_1277, %swap3A_1278], %swap3A_1281 {strides = array<i32>} : memref<4x128xi32, #tpu.memory_space<vmem>>, vector<1x16xi32>,
      %get3A_1282 = arith.index_cast %add3A_1110 : i32 to index
      %get3A_1283 = arith.constant 112 : index
      %get3A_1284 = tpu.vector_load %arg7[%get3A_1282, %get3A_1283] {strides = array<i32>} : memref<80x128xi32, #tpu.memory_space<vmem>>, vector<1x16xi32>,
      %get3A_1285 = vector.shape_cast %get3A_1284 : vector<1x16xi32> to vector<16xi32>
      %shift_right_logical3A_1286 = arith.constant 16 : i32
      %shift_right_logical3A_1287 = vector.broadcast %shift_right_logical3A_1286 : i32 to vector<16xi32>
      %shift_right_logical3A_1288 = arith.shrui %get3A_1285, %shift_right_logical3A_1287 : vector<16xi32>
      %swap3A_1289 = arith.constant 0 : i32
      %swap3A_1290 = arith.index_cast %swap3A_1289 : i32 to index
      %swap3A_1291 = arith.constant 112 : index
      %swap3A_1292 = tpu.vector_load %arg8[%swap3A_1290, %swap3A_1291] {strides = array<i32>} : memref<2x128xi32, #tpu.memory_space<vmem>>, vector<1x16xi32>,
      %swap3A_1293 = vector.shape_cast %swap3A_1292 : vector<1x16xi32> to vector<16xi32>
      %swap3A_1294 = vector.shape_cast %shift_right_logical3A_1288 : vector<16xi32> to vector<1x16xi32>
      tpu.vector_store %arg8[%swap3A_1290, %swap3A_1291], %swap3A_1294 {strides = array<i32>} : memref<2x128xi32, #tpu.memory_space<vmem>>, vector<1x16xi32>,
      %and3A_1295 = arith.constant 65535 : i32
      %and3A_1296 = vector.broadcast %and3A_1295 : i32 to vector<16xi32>
      %and3A_1297 = arith.andi %get3A_1285, %and3A_1296 : vector<16xi32>
      %swap3A_1298 = arith.constant 0 : i32
      %swap3A_1299 = arith.index_cast %swap3A_1298 : i32 to index
      %swap3A_1300 = arith.constant 112 : index
      %swap3A_1301 = tpu.vector_load %arg9[%swap3A_1299, %swap3A_1300] {strides = array<i32>} : memref<4x128xi32, #tpu.memory_space<vmem>>, vector<1x16xi32>,
      %swap3A_1302 = vector.shape_cast %swap3A_1301 : vector<1x16xi32> to vector<16xi32>
      %swap3A_1303 = vector.shape_cast %and3A_1297 : vector<16xi32> to vector<1x16xi32>
      tpu.vector_store %arg9[%swap3A_1299, %swap3A_1300], %swap3A_1303 {strides = array<i32>} : memref<4x128xi32, #tpu.memory_space<vmem>>, vector<1x16xi32>,
      %dma_wait3A_1304 = arith.constant 2 : i32
      %dma_wait3A_1305 = arith.constant 0 : i32
      %dma_wait3A_1306 = tpu.memref_slice %arg9[%dma_wait3A_1304, %dma_wait3A_1305] : memref<4x128xi32, #tpu.memory_space<vmem>> -> memref<1x128xi32, #tpu.memory_space<vmem>>
      %dma_wait3A_1307 = tpu.memref_squeeze %dma_wait3A_1306 : memref<1x128xi32, #tpu.memory_space<vmem>> -> memref<128xi32, #tpu.memory_space<vmem>>
      %dma_wait3A_1308 = arith.constant 0 : i32
      %dma_wait3A_1309 = arith.constant 0 : i32
      %dma_wait3A_1310 = tpu.memref_slice %arg20[%dma_wait3A_1308, %dma_wait3A_1309] : memref<10240x128xf32, #tpu.memory_space<vmem_shared>> -> memref<10240x128xf32, #tpu.memory_space<vmem_shared>>
      tpu.wait_indirect_dma semaphore(%arg13 : memref<!tpu.dma_semaphore, #tpu.memory_space<semaphore_mem>>) src(%arg10 : memref<128x128xf32, #tpu.memory_space<vmem>>) dst(%dma_wait3A_1310 : memref<10240x128xf32, #tpu.memory_space<vmem_shared>>)
      %dma_start3A_1311 = arith.constant 0 : i32
      %dma_start3A_1312 = arith.constant 0 : i32
      %dma_start3A_1313 = arith.constant 0 : i32
      %dma_start3A_1314 = tpu.memref_slice %arg10[%dma_start3A_1312, %dma_start3A_1313] : memref<128x128xf32, #tpu.memory_space<vmem>> -> memref<128x128xf32, #tpu.memory_space<vmem>>
      %dma_start3A_1315 = arith.constant 0 : i32
      %dma_start3A_1316 = tpu.memref_slice %arg8[%dma_start3A_1311, %dma_start3A_1315] : memref<2x128xi32, #tpu.memory_space<vmem>> -> memref<1x128xi32, #tpu.memory_space<vmem>>
      %dma_start3A_1317 = tpu.memref_squeeze %dma_start3A_1316 : memref<1x128xi32, #tpu.memory_space<vmem>> -> memref<128xi32, #tpu.memory_space<vmem>>
      %dma_start3A_1318 = arith.constant 0 : i32
      %dma_start3A_1319 = arith.constant 0 : i32
      %dma_start3A_1320 = tpu.memref_slice %arg2[%dma_start3A_1318, %dma_start3A_1319] : memref<10000x128xf32, #tpu.memory_space<hbm>> -> memref<10000x128xf32, #tpu.memory_space<hbm>>
      tpu.enqueue_indirect_dma source(%dma_start3A_1320 : memref<10000x128xf32, #tpu.memory_space<hbm>>) target(%dma_start3A_1314 : memref<128x128xf32, #tpu.memory_space<vmem>>) offsets(%dma_start3A_1317 : memref<128xi32, #tpu.memory_space<vmem>>) semaphore(%arg12 : memref<!tpu.dma_semaphore, #tpu.memory_space<semaphore_mem>>)
      %add3A_1321 = arith.constant 5 : i32
      %add3A_1322 = arith.addi %mul3A_684, %add3A_1321 : i32
      %dma_wait3A_1323 = arith.constant 1 : i32
      %dma_wait3A_1324 = arith.constant 0 : i32
      %dma_wait3A_1325 = arith.constant 0 : i32
      %dma_wait3A_1326 = tpu.memref_slice %arg11[%dma_wait3A_1324, %dma_wait3A_1325] : memref<128x128xf32, #tpu.memory_space<vmem>> -> memref<128x128xf32, #tpu.memory_space<vmem>>
      %dma_wait3A_1327 = arith.constant 0 : i32
      %dma_wait3A_1328 = tpu.memref_slice %arg8[%dma_wait3A_1323, %dma_wait3A_1327] : memref<2x128xi32, #tpu.memory_space<vmem>> -> memref<1x128xi32, #tpu.memory_space<vmem>>
      %dma_wait3A_1329 = tpu.memref_squeeze %dma_wait3A_1328 : memref<1x128xi32, #tpu.memory_space<vmem>> -> memref<128xi32, #tpu.memory_space<vmem>>
      %dma_wait3A_1330 = arith.constant 0 : i32
      %dma_wait3A_1331 = arith.constant 0 : i32
      %dma_wait3A_1332 = tpu.memref_slice %arg2[%dma_wait3A_1330, %dma_wait3A_1331] : memref<10000x128xf32, #tpu.memory_space<hbm>> -> memref<10000x128xf32, #tpu.memory_space<hbm>>
      tpu.wait_indirect_dma semaphore(%arg16 : memref<!tpu.dma_semaphore, #tpu.memory_space<semaphore_mem>>) src(%dma_wait3A_1332 : memref<10000x128xf32, #tpu.memory_space<hbm>>) dst(%dma_wait3A_1326 : memref<128x128xf32, #tpu.memory_space<vmem>>)
      %dma_start3A_1333 = arith.constant 3 : i32
      %dma_start3A_1334 = arith.constant 0 : i32
      %dma_start3A_1335 = tpu.memref_slice %arg9[%dma_start3A_1333, %dma_start3A_1334] : memref<4x128xi32, #tpu.memory_space<vmem>> -> memref<1x128xi32, #tpu.memory_space<vmem>>
      %dma_start3A_1336 = tpu.memref_squeeze %dma_start3A_1335 : memref<1x128xi32, #tpu.memory_space<vmem>> -> memref<128xi32, #tpu.memory_space<vmem>>
      %dma_start3A_1337 = arith.constant 0 : i32
      %dma_start3A_1338 = arith.constant 0 : i32
      %dma_start3A_1339 = tpu.memref_slice %arg20[%dma_start3A_1337, %dma_start3A_1338] : memref<10240x128xf32, #tpu.memory_space<vmem_shared>> -> memref<10240x128xf32, #tpu.memory_space<vmem_shared>>
      tpu.enqueue_indirect_dma source(%arg11 : memref<128x128xf32, #tpu.memory_space<vmem>>) target(%dma_start3A_1339 : memref<10240x128xf32, #tpu.memory_space<vmem_shared>>) offsets(%dma_start3A_1336 : memref<128xi32, #tpu.memory_space<vmem>>) semaphore(%arg17 : memref<!tpu.dma_semaphore, #tpu.memory_space<semaphore_mem>>) {add = true}
      %get3A_1340 = arith.index_cast %add3A_1322 : i32 to index
      %get3A_1341 = arith.constant 0 : index
      %get3A_1342 = tpu.vector_load %arg7[%get3A_1340, %get3A_1341] {strides = array<i32>} : memref<80x128xi32, #tpu.memory_space<vmem>>, vector<1x16xi32>,
      %get3A_1343 = vector.shape_cast %get3A_1342 : vector<1x16xi32> to vector<16xi32>
      %shift_right_logical3A_1344 = arith.constant 16 : i32
      %shift_right_logical3A_1345 = vector.broadcast %shift_right_logical3A_1344 : i32 to vector<16xi32>
      %shift_right_logical3A_1346 = arith.shrui %get3A_1343, %shift_right_logical3A_1345 : vector<16xi32>
      %swap3A_1347 = arith.constant 1 : i32
      %swap3A_1348 = arith.index_cast %swap3A_1347 : i32 to index
      %swap3A_1349 = arith.constant 0 : index
      %swap3A_1350 = tpu.vector_load %arg8[%swap3A_1348, %swap3A_1349] {strides = array<i32>} : memref<2x128xi32, #tpu.memory_space<vmem>>, vector<1x16xi32>,
      %swap3A_1351 = vector.shape_cast %swap3A_1350 : vector<1x16xi32> to vector<16xi32>
      %swap3A_1352 = vector.shape_cast %shift_right_logical3A_1346 : vector<16xi32> to vector<1x16xi32>
      tpu.vector_store %arg8[%swap3A_1348, %swap3A_1349], %swap3A_1352 {strides = array<i32>} : memref<2x128xi32, #tpu.memory_space<vmem>>, vector<1x16xi32>,
      %and3A_1353 = arith.constant 65535 : i32
      %and3A_1354 = vector.broadcast %and3A_1353 : i32 to vector<16xi32>
      %and3A_1355 = arith.andi %get3A_1343, %and3A_1354 : vector<16xi32>
      %swap3A_1356 = arith.constant 1 : i32
      %swap3A_1357 = arith.index_cast %swap3A_1356 : i32 to index
      %swap3A_1358 = arith.constant 0 : index
      %swap3A_1359 = tpu.vector_load %arg9[%swap3A_1357, %swap3A_1358] {strides = array<i32>} : memref<4x128xi32, #tpu.memory_space<vmem>>, vector<1x16xi32>,
      %swap3A_1360 = vector.shape_cast %swap3A_1359 : vector<1x16xi32> to vector<16xi32>
      %swap3A_1361 = vector.shape_cast %and3A_1355 : vector<16xi32> to vector<1x16xi32>
      tpu.vector_store %arg9[%swap3A_1357, %swap3A_1358], %swap3A_1361 {strides = array<i32>} : memref<4x128xi32, #tpu.memory_space<vmem>>, vector<1x16xi32>,
      %get3A_1362 = arith.index_cast %add3A_1322 : i32 to index
      %get3A_1363 = arith.constant 16 : index
      %get3A_1364 = tpu.vector_load %arg7[%get3A_1362, %get3A_1363] {strides = array<i32>} : memref<80x128xi32, #tpu.memory_space<vmem>>, vector<1x16xi32>,
      %get3A_1365 = vector.shape_cast %get3A_1364 : vector<1x16xi32> to vector<16xi32>
      %shift_right_logical3A_1366 = arith.constant 16 : i32
      %shift_right_logical3A_1367 = vector.broadcast %shift_right_logical3A_1366 : i32 to vector<16xi32>
      %shift_right_logical3A_1368 = arith.shrui %get3A_1365, %shift_right_logical3A_1367 : vector<16xi32>
      %swap3A_1369 = arith.constant 1 : i32
      %swap3A_1370 = arith.index_cast %swap3A_1369 : i32 to index
      %swap3A_1371 = arith.constant 16 : index
      %swap3A_1372 = tpu.vector_load %arg8[%swap3A_1370, %swap3A_1371] {strides = array<i32>} : memref<2x128xi32, #tpu.memory_space<vmem>>, vector<1x16xi32>,
      %swap3A_1373 = vector.shape_cast %swap3A_1372 : vector<1x16xi32> to vector<16xi32>
      %swap3A_1374 = vector.shape_cast %shift_right_logical3A_1368 : vector<16xi32> to vector<1x16xi32>
      tpu.vector_store %arg8[%swap3A_1370, %swap3A_1371], %swap3A_1374 {strides = array<i32>} : memref<2x128xi32, #tpu.memory_space<vmem>>, vector<1x16xi32>,
      %and3A_1375 = arith.constant 65535 : i32
      %and3A_1376 = vector.broadcast %and3A_1375 : i32 to vector<16xi32>
      %and3A_1377 = arith.andi %get3A_1365, %and3A_1376 : vector<16xi32>
      %swap3A_1378 = arith.constant 1 : i32
      %swap3A_1379 = arith.index_cast %swap3A_1378 : i32 to index
      %swap3A_1380 = arith.constant 16 : index
      %swap3A_1381 = tpu.vector_load %arg9[%swap3A_1379, %swap3A_1380] {strides = array<i32>} : memref<4x128xi32, #tpu.memory_space<vmem>>, vector<1x16xi32>,
      %swap3A_1382 = vector.shape_cast %swap3A_1381 : vector<1x16xi32> to vector<16xi32>
      %swap3A_1383 = vector.shape_cast %and3A_1377 : vector<16xi32> to vector<1x16xi32>
      tpu.vector_store %arg9[%swap3A_1379, %swap3A_1380], %swap3A_1383 {strides = array<i32>} : memref<4x128xi32, #tpu.memory_space<vmem>>, vector<1x16xi32>,
      %get3A_1384 = arith.index_cast %add3A_1322 : i32 to index
      %get3A_1385 = arith.constant 32 : index
      %get3A_1386 = tpu.vector_load %arg7[%get3A_1384, %get3A_1385] {strides = array<i32>} : memref<80x128xi32, #tpu.memory_space<vmem>>, vector<1x16xi32>,
      %get3A_1387 = vector.shape_cast %get3A_1386 : vector<1x16xi32> to vector<16xi32>
      %shift_right_logical3A_1388 = arith.constant 16 : i32
      %shift_right_logical3A_1389 = vector.broadcast %shift_right_logical3A_1388 : i32 to vector<16xi32>
      %shift_right_logical3A_1390 = arith.shrui %get3A_1387, %shift_right_logical3A_1389 : vector<16xi32>
      %swap3A_1391 = arith.constant 1 : i32
      %swap3A_1392 = arith.index_cast %swap3A_1391 : i32 to index
      %swap3A_1393 = arith.constant 32 : index
      %swap3A_1394 = tpu.vector_load %arg8[%swap3A_1392, %swap3A_1393] {strides = array<i32>} : memref<2x128xi32, #tpu.memory_space<vmem>>, vector<1x16xi32>,
      %swap3A_1395 = vector.shape_cast %swap3A_1394 : vector<1x16xi32> to vector<16xi32>
      %swap3A_1396 = vector.shape_cast %shift_right_logical3A_1390 : vector<16xi32> to vector<1x16xi32>
      tpu.vector_store %arg8[%swap3A_1392, %swap3A_1393], %swap3A_1396 {strides = array<i32>} : memref<2x128xi32, #tpu.memory_space<vmem>>, vector<1x16xi32>,
      %and3A_1397 = arith.constant 65535 : i32
      %and3A_1398 = vector.broadcast %and3A_1397 : i32 to vector<16xi32>
      %and3A_1399 = arith.andi %get3A_1387, %and3A_1398 : vector<16xi32>
      %swap3A_1400 = arith.constant 1 : i32
      %swap3A_1401 = arith.index_cast %swap3A_1400 : i32 to index
      %swap3A_1402 = arith.constant 32 : index
      %swap3A_1403 = tpu.vector_load %arg9[%swap3A_1401, %swap3A_1402] {strides = array<i32>} : memref<4x128xi32, #tpu.memory_space<vmem>>, vector<1x16xi32>,
      %swap3A_1404 = vector.shape_cast %swap3A_1403 : vector<1x16xi32> to vector<16xi32>
      %swap3A_1405 = vector.shape_cast %and3A_1399 : vector<16xi32> to vector<1x16xi32>
      tpu.vector_store %arg9[%swap3A_1401, %swap3A_1402], %swap3A_1405 {strides = array<i32>} : memref<4x128xi32, #tpu.memory_space<vmem>>, vector<1x16xi32>,
      %get3A_1406 = arith.index_cast %add3A_1322 : i32 to index
      %get3A_1407 = arith.constant 48 : index
      %get3A_1408 = tpu.vector_load %arg7[%get3A_1406, %get3A_1407] {strides = array<i32>} : memref<80x128xi32, #tpu.memory_space<vmem>>, vector<1x16xi32>,
      %get3A_1409 = vector.shape_cast %get3A_1408 : vector<1x16xi32> to vector<16xi32>
      %shift_right_logical3A_1410 = arith.constant 16 : i32
      %shift_right_logical3A_1411 = vector.broadcast %shift_right_logical3A_1410 : i32 to vector<16xi32>
      %shift_right_logical3A_1412 = arith.shrui %get3A_1409, %shift_right_logical3A_1411 : vector<16xi32>
      %swap3A_1413 = arith.constant 1 : i32
      %swap3A_1414 = arith.index_cast %swap3A_1413 : i32 to index
      %swap3A_1415 = arith.constant 48 : index
      %swap3A_1416 = tpu.vector_load %arg8[%swap3A_1414, %swap3A_1415] {strides = array<i32>} : memref<2x128xi32, #tpu.memory_space<vmem>>, vector<1x16xi32>,
      %swap3A_1417 = vector.shape_cast %swap3A_1416 : vector<1x16xi32> to vector<16xi32>
      %swap3A_1418 = vector.shape_cast %shift_right_logical3A_1412 : vector<16xi32> to vector<1x16xi32>
      tpu.vector_store %arg8[%swap3A_1414, %swap3A_1415], %swap3A_1418 {strides = array<i32>} : memref<2x128xi32, #tpu.memory_space<vmem>>, vector<1x16xi32>,
      %and3A_1419 = arith.constant 65535 : i32
      %and3A_1420 = vector.broadcast %and3A_1419 : i32 to vector<16xi32>
      %and3A_1421 = arith.andi %get3A_1409, %and3A_1420 : vector<16xi32>
      %swap3A_1422 = arith.constant 1 : i32
      %swap3A_1423 = arith.index_cast %swap3A_1422 : i32 to index
      %swap3A_1424 = arith.constant 48 : index
      %swap3A_1425 = tpu.vector_load %arg9[%swap3A_1423, %swap3A_1424] {strides = array<i32>} : memref<4x128xi32, #tpu.memory_space<vmem>>, vector<1x16xi32>,
      %swap3A_1426 = vector.shape_cast %swap3A_1425 : vector<1x16xi32> to vector<16xi32>
      %swap3A_1427 = vector.shape_cast %and3A_1421 : vector<16xi32> to vector<1x16xi32>
      tpu.vector_store %arg9[%swap3A_1423, %swap3A_1424], %swap3A_1427 {strides = array<i32>} : memref<4x128xi32, #tpu.memory_space<vmem>>, vector<1x16xi32>,
      %get3A_1428 = arith.index_cast %add3A_1322 : i32 to index
      %get3A_1429 = arith.constant 64 : index
      %get3A_1430 = tpu.vector_load %arg7[%get3A_1428, %get3A_1429] {strides = array<i32>} : memref<80x128xi32, #tpu.memory_space<vmem>>, vector<1x16xi32>,
      %get3A_1431 = vector.shape_cast %get3A_1430 : vector<1x16xi32> to vector<16xi32>
      %shift_right_logical3A_1432 = arith.constant 16 : i32
      %shift_right_logical3A_1433 = vector.broadcast %shift_right_logical3A_1432 : i32 to vector<16xi32>
      %shift_right_logical3A_1434 = arith.shrui %get3A_1431, %shift_right_logical3A_1433 : vector<16xi32>
      %swap3A_1435 = arith.constant 1 : i32
      %swap3A_1436 = arith.index_cast %swap3A_1435 : i32 to index
      %swap3A_1437 = arith.constant 64 : index
      %swap3A_1438 = tpu.vector_load %arg8[%swap3A_1436, %swap3A_1437] {strides = array<i32>} : memref<2x128xi32, #tpu.memory_space<vmem>>, vector<1x16xi32>,
      %swap3A_1439 = vector.shape_cast %swap3A_1438 : vector<1x16xi32> to vector<16xi32>
      %swap3A_1440 = vector.shape_cast %shift_right_logical3A_1434 : vector<16xi32> to vector<1x16xi32>
      tpu.vector_store %arg8[%swap3A_1436, %swap3A_1437], %swap3A_1440 {strides = array<i32>} : memref<2x128xi32, #tpu.memory_space<vmem>>, vector<1x16xi32>,
      %and3A_1441 = arith.constant 65535 : i32
      %and3A_1442 = vector.broadcast %and3A_1441 : i32 to vector<16xi32>
      %and3A_1443 = arith.andi %get3A_1431, %and3A_1442 : vector<16xi32>
      %swap3A_1444 = arith.constant 1 : i32
      %swap3A_1445 = arith.index_cast %swap3A_1444 : i32 to index
      %swap3A_1446 = arith.constant 64 : index
      %swap3A_1447 = tpu.vector_load %arg9[%swap3A_1445, %swap3A_1446] {strides = array<i32>} : memref<4x128xi32, #tpu.memory_space<vmem>>, vector<1x16xi32>,
      %swap3A_1448 = vector.shape_cast %swap3A_1447 : vector<1x16xi32> to vector<16xi32>
      %swap3A_1449 = vector.shape_cast %and3A_1443 : vector<16xi32> to vector<1x16xi32>
      tpu.vector_store %arg9[%swap3A_1445, %swap3A_1446], %swap3A_1449 {strides = array<i32>} : memref<4x128xi32, #tpu.memory_space<vmem>>, vector<1x16xi32>,
      %get3A_1450 = arith.index_cast %add3A_1322 : i32 to index
      %get3A_1451 = arith.constant 80 : index
      %get3A_1452 = tpu.vector_load %arg7[%get3A_1450, %get3A_1451] {strides = array<i32>} : memref<80x128xi32, #tpu.memory_space<vmem>>, vector<1x16xi32>,
      %get3A_1453 = vector.shape_cast %get3A_1452 : vector<1x16xi32> to vector<16xi32>
      %shift_right_logical3A_1454 = arith.constant 16 : i32
      %shift_right_logical3A_1455 = vector.broadcast %shift_right_logical3A_1454 : i32 to vector<16xi32>
      %shift_right_logical3A_1456 = arith.shrui %get3A_1453, %shift_right_logical3A_1455 : vector<16xi32>
      %swap3A_1457 = arith.constant 1 : i32
      %swap3A_1458 = arith.index_cast %swap3A_1457 : i32 to index
      %swap3A_1459 = arith.constant 80 : index
      %swap3A_1460 = tpu.vector_load %arg8[%swap3A_1458, %swap3A_1459] {strides = array<i32>} : memref<2x128xi32, #tpu.memory_space<vmem>>, vector<1x16xi32>,
      %swap3A_1461 = vector.shape_cast %swap3A_1460 : vector<1x16xi32> to vector<16xi32>
      %swap3A_1462 = vector.shape_cast %shift_right_logical3A_1456 : vector<16xi32> to vector<1x16xi32>
      tpu.vector_store %arg8[%swap3A_1458, %swap3A_1459], %swap3A_1462 {strides = array<i32>} : memref<2x128xi32, #tpu.memory_space<vmem>>, vector<1x16xi32>,
      %and3A_1463 = arith.constant 65535 : i32
      %and3A_1464 = vector.broadcast %and3A_1463 : i32 to vector<16xi32>
      %and3A_1465 = arith.andi %get3A_1453, %and3A_1464 : vector<16xi32>
      %swap3A_1466 = arith.constant 1 : i32
      %swap3A_1467 = arith.index_cast %swap3A_1466 : i32 to index
      %swap3A_1468 = arith.constant 80 : index
      %swap3A_1469 = tpu.vector_load %arg9[%swap3A_1467, %swap3A_1468] {strides = array<i32>} : memref<4x128xi32, #tpu.memory_space<vmem>>, vector<1x16xi32>,
      %swap3A_1470 = vector.shape_cast %swap3A_1469 : vector<1x16xi32> to vector<16xi32>
      %swap3A_1471 = vector.shape_cast %and3A_1465 : vector<16xi32> to vector<1x16xi32>
      tpu.vector_store %arg9[%swap3A_1467, %swap3A_1468], %swap3A_1471 {strides = array<i32>} : memref<4x128xi32, #tpu.memory_space<vmem>>, vector<1x16xi32>,
      %get3A_1472 = arith.index_cast %add3A_1322 : i32 to index
      %get3A_1473 = arith.constant 96 : index
      %get3A_1474 = tpu.vector_load %arg7[%get3A_1472, %get3A_1473] {strides = array<i32>} : memref<80x128xi32, #tpu.memory_space<vmem>>, vector<1x16xi32>,
      %get3A_1475 = vector.shape_cast %get3A_1474 : vector<1x16xi32> to vector<16xi32>
      %shift_right_logical3A_1476 = arith.constant 16 : i32
      %shift_right_logical3A_1477 = vector.broadcast %shift_right_logical3A_1476 : i32 to vector<16xi32>
      %shift_right_logical3A_1478 = arith.shrui %get3A_1475, %shift_right_logical3A_1477 : vector<16xi32>
      %swap3A_1479 = arith.constant 1 : i32
      %swap3A_1480 = arith.index_cast %swap3A_1479 : i32 to index
      %swap3A_1481 = arith.constant 96 : index
      %swap3A_1482 = tpu.vector_load %arg8[%swap3A_1480, %swap3A_1481] {strides = array<i32>} : memref<2x128xi32, #tpu.memory_space<vmem>>, vector<1x16xi32>,
      %swap3A_1483 = vector.shape_cast %swap3A_1482 : vector<1x16xi32> to vector<16xi32>
      %swap3A_1484 = vector.shape_cast %shift_right_logical3A_1478 : vector<16xi32> to vector<1x16xi32>
      tpu.vector_store %arg8[%swap3A_1480, %swap3A_1481], %swap3A_1484 {strides = array<i32>} : memref<2x128xi32, #tpu.memory_space<vmem>>, vector<1x16xi32>,
      %and3A_1485 = arith.constant 65535 : i32
      %and3A_1486 = vector.broadcast %and3A_1485 : i32 to vector<16xi32>
      %and3A_1487 = arith.andi %get3A_1475, %and3A_1486 : vector<16xi32>
      %swap3A_1488 = arith.constant 1 : i32
      %swap3A_1489 = arith.index_cast %swap3A_1488 : i32 to index
      %swap3A_1490 = arith.constant 96 : index
      %swap3A_1491 = tpu.vector_load %arg9[%swap3A_1489, %swap3A_1490] {strides = array<i32>} : memref<4x128xi32, #tpu.memory_space<vmem>>, vector<1x16xi32>,
      %swap3A_1492 = vector.shape_cast %swap3A_1491 : vector<1x16xi32> to vector<16xi32>
      %swap3A_1493 = vector.shape_cast %and3A_1487 : vector<16xi32> to vector<1x16xi32>
      tpu.vector_store %arg9[%swap3A_1489, %swap3A_1490], %swap3A_1493 {strides = array<i32>} : memref<4x128xi32, #tpu.memory_space<vmem>>, vector<1x16xi32>,
      %get3A_1494 = arith.index_cast %add3A_1322 : i32 to index
      %get3A_1495 = arith.constant 112 : index
      %get3A_1496 = tpu.vector_load %arg7[%get3A_1494, %get3A_1495] {strides = array<i32>} : memref<80x128xi32, #tpu.memory_space<vmem>>, vector<1x16xi32>,
      %get3A_1497 = vector.shape_cast %get3A_1496 : vector<1x16xi32> to vector<16xi32>
      %shift_right_logical3A_1498 = arith.constant 16 : i32
      %shift_right_logical3A_1499 = vector.broadcast %shift_right_logical3A_1498 : i32 to vector<16xi32>
      %shift_right_logical3A_1500 = arith.shrui %get3A_1497, %shift_right_logical3A_1499 : vector<16xi32>
      %swap3A_1501 = arith.constant 1 : i32
      %swap3A_1502 = arith.index_cast %swap3A_1501 : i32 to index
      %swap3A_1503 = arith.constant 112 : index
      %swap3A_1504 = tpu.vector_load %arg8[%swap3A_1502, %swap3A_1503] {strides = array<i32>} : memref<2x128xi32, #tpu.memory_space<vmem>>, vector<1x16xi32>,
      %swap3A_1505 = vector.shape_cast %swap3A_1504 : vector<1x16xi32> to vector<16xi32>
      %swap3A_1506 = vector.shape_cast %shift_right_logical3A_1500 : vector<16xi32> to vector<1x16xi32>
      tpu.vector_store %arg8[%swap3A_1502, %swap3A_1503], %swap3A_1506 {strides = array<i32>} : memref<2x128xi32, #tpu.memory_space<vmem>>, vector<1x16xi32>,
      %and3A_1507 = arith.constant 65535 : i32
      %and3A_1508 = vector.broadcast %and3A_1507 : i32 to vector<16xi32>
      %and3A_1509 = arith.andi %get3A_1497, %and3A_1508 : vector<16xi32>
      %swap3A_1510 = arith.constant 1 : i32
      %swap3A_1511 = arith.index_cast %swap3A_1510 : i32 to index
      %swap3A_1512 = arith.constant 112 : index
      %swap3A_1513 = tpu.vector_load %arg9[%swap3A_1511, %swap3A_1512] {strides = array<i32>} : memref<4x128xi32, #tpu.memory_space<vmem>>, vector<1x16xi32>,
      %swap3A_1514 = vector.shape_cast %swap3A_1513 : vector<1x16xi32> to vector<16xi32>
      %swap3A_1515 = vector.shape_cast %and3A_1509 : vector<16xi32> to vector<1x16xi32>
      tpu.vector_store %arg9[%swap3A_1511, %swap3A_1512], %swap3A_1515 {strides = array<i32>} : memref<4x128xi32, #tpu.memory_space<vmem>>, vector<1x16xi32>,
      %dma_wait3A_1516 = arith.constant 3 : i32
      %dma_wait3A_1517 = arith.constant 0 : i32
      %dma_wait3A_1518 = tpu.memref_slice %arg9[%dma_wait3A_1516, %dma_wait3A_1517] : memref<4x128xi32, #tpu.memory_space<vmem>> -> memref<1x128xi32, #tpu.memory_space<vmem>>
      %dma_wait3A_1519 = tpu.memref_squeeze %dma_wait3A_1518 : memref<1x128xi32, #tpu.memory_space<vmem>> -> memref<128xi32, #tpu.memory_space<vmem>>
      %dma_wait3A_1520 = arith.constant 0 : i32
      %dma_wait3A_1521 = arith.constant 0 : i32
      %dma_wait3A_1522 = tpu.memref_slice %arg20[%dma_wait3A_1520, %dma_wait3A_1521] : memref<10240x128xf32, #tpu.memory_space<vmem_shared>> -> memref<10240x128xf32, #tpu.memory_space<vmem_shared>>
      tpu.wait_indirect_dma semaphore(%arg17 : memref<!tpu.dma_semaphore, #tpu.memory_space<semaphore_mem>>) src(%arg11 : memref<128x128xf32, #tpu.memory_space<vmem>>) dst(%dma_wait3A_1522 : memref<10240x128xf32, #tpu.memory_space<vmem_shared>>)
      %dma_start3A_1523 = arith.constant 1 : i32
      %dma_start3A_1524 = arith.constant 0 : i32
      %dma_start3A_1525 = arith.constant 0 : i32
      %dma_start3A_1526 = tpu.memref_slice %arg11[%dma_start3A_1524, %dma_start3A_1525] : memref<128x128xf32, #tpu.memory_space<vmem>> -> memref<128x128xf32, #tpu.memory_space<vmem>>
      %dma_start3A_1527 = arith.constant 0 : i32
      %dma_start3A_1528 = tpu.memref_slice %arg8[%dma_start3A_1523, %dma_start3A_1527] : memref<2x128xi32, #tpu.memory_space<vmem>> -> memref<1x128xi32, #tpu.memory_space<vmem>>
      %dma_start3A_1529 = tpu.memref_squeeze %dma_start3A_1528 : memref<1x128xi32, #tpu.memory_space<vmem>> -> memref<128xi32, #tpu.memory_space<vmem>>
      %dma_start3A_1530 = arith.constant 0 : i32
      %dma_start3A_1531 = arith.constant 0 : i32
      %dma_start3A_1532 = tpu.memref_slice %arg2[%dma_start3A_1530, %dma_start3A_1531] : memref<10000x128xf32, #tpu.memory_space<hbm>> -> memref<10000x128xf32, #tpu.memory_space<hbm>>
      tpu.enqueue_indirect_dma source(%dma_start3A_1532 : memref<10000x128xf32, #tpu.memory_space<hbm>>) target(%dma_start3A_1526 : memref<128x128xf32, #tpu.memory_space<vmem>>) offsets(%dma_start3A_1529 : memref<128xi32, #tpu.memory_space<vmem>>) semaphore(%arg16 : memref<!tpu.dma_semaphore, #tpu.memory_space<semaphore_mem>>)
    }
    %scan3A_441 = arith.constant 19 : i32
    %dma_wait3A_442 = arith.constant 0 : i32
    %dma_wait3A_443 = arith.constant 0 : i32
    %dma_wait3A_444 = arith.constant 0 : i32
    %dma_wait3A_445 = tpu.memref_slice %arg10[%dma_wait3A_443, %dma_wait3A_444] : memref<128x128xf32, #tpu.memory_space<vmem>> -> memref<128x128xf32, #tpu.memory_space<vmem>>
    %dma_wait3A_446 = arith.constant 0 : i32
    %dma_wait3A_447 = tpu.memref_slice %arg8[%dma_wait3A_442, %dma_wait3A_446] : memref<2x128xi32, #tpu.memory_space<vmem>> -> memref<1x128xi32, #tpu.memory_space<vmem>>
    %dma_wait3A_448 = tpu.memref_squeeze %dma_wait3A_447 : memref<1x128xi32, #tpu.memory_space<vmem>> -> memref<128xi32, #tpu.memory_space<vmem>>
    %dma_wait3A_449 = arith.constant 0 : i32
    %dma_wait3A_450 = arith.constant 0 : i32
    %dma_wait3A_451 = tpu.memref_slice %arg2[%dma_wait3A_449, %dma_wait3A_450] : memref<10000x128xf32, #tpu.memory_space<hbm>> -> memref<10000x128xf32, #tpu.memory_space<hbm>>
    tpu.wait_indirect_dma semaphore(%arg12 : memref<!tpu.dma_semaphore, #tpu.memory_space<semaphore_mem>>) src(%dma_wait3A_451 : memref<10000x128xf32, #tpu.memory_space<hbm>>) dst(%dma_wait3A_445 : memref<128x128xf32, #tpu.memory_space<vmem>>)
    %dma_start3A_452 = arith.constant 0 : i32
    %dma_start3A_453 = arith.constant 0 : i32
    %dma_start3A_454 = tpu.memref_slice %arg9[%dma_start3A_452, %dma_start3A_453] : memref<4x128xi32, #tpu.memory_space<vmem>> -> memref<1x128xi32, #tpu.memory_space<vmem>>
    %dma_start3A_455 = tpu.memref_squeeze %dma_start3A_454 : memref<1x128xi32, #tpu.memory_space<vmem>> -> memref<128xi32, #tpu.memory_space<vmem>>
    %dma_start3A_456 = arith.constant 0 : i32
    %dma_start3A_457 = arith.constant 0 : i32
    %dma_start3A_458 = tpu.memref_slice %arg20[%dma_start3A_456, %dma_start3A_457] : memref<10240x128xf32, #tpu.memory_space<vmem_shared>> -> memref<10240x128xf32, #tpu.memory_space<vmem_shared>>
    tpu.enqueue_indirect_dma source(%arg10 : memref<128x128xf32, #tpu.memory_space<vmem>>) target(%dma_start3A_458 : memref<10240x128xf32, #tpu.memory_space<vmem_shared>>) offsets(%dma_start3A_455 : memref<128xi32, #tpu.memory_space<vmem>>) semaphore(%arg13 : memref<!tpu.dma_semaphore, #tpu.memory_space<semaphore_mem>>) {add = true}
    %get3A_459 = arith.constant 78 : i32
    %get3A_460 = arith.index_cast %get3A_459 : i32 to index
    %get3A_461 = arith.constant 0 : index
    %get3A_462 = tpu.vector_load %arg7[%get3A_460, %get3A_461] {strides = array<i32>} : memref<80x128xi32, #tpu.memory_space<vmem>>, vector<1x16xi32>,
    %get3A_463 = vector.shape_cast %get3A_462 : vector<1x16xi32> to vector<16xi32>
    %shift_right_logical3A_464 = arith.constant 16 : i32
    %shift_right_logical3A_465 = vector.broadcast %shift_right_logical3A_464 : i32 to vector<16xi32>
    %shift_right_logical3A_466 = arith.shrui %get3A_463, %shift_right_logical3A_465 : vector<16xi32>
    %swap3A_467 = arith.constant 0 : i32
    %swap3A_468 = arith.index_cast %swap3A_467 : i32 to index
    %swap3A_469 = arith.constant 0 : index
    %swap3A_470 = tpu.vector_load %arg8[%swap3A_468, %swap3A_469] {strides = array<i32>} : memref<2x128xi32, #tpu.memory_space<vmem>>, vector<1x16xi32>,
    %swap3A_471 = vector.shape_cast %swap3A_470 : vector<1x16xi32> to vector<16xi32>
    %swap3A_472 = vector.shape_cast %shift_right_logical3A_466 : vector<16xi32> to vector<1x16xi32>
    tpu.vector_store %arg8[%swap3A_468, %swap3A_469], %swap3A_472 {strides = array<i32>} : memref<2x128xi32, #tpu.memory_space<vmem>>, vector<1x16xi32>,
    %and3A_473 = arith.constant 65535 : i32
    %and3A_474 = vector.broadcast %and3A_473 : i32 to vector<16xi32>
    %and3A_475 = arith.andi %get3A_463, %and3A_474 : vector<16xi32>
    %swap3A_476 = arith.constant 2 : i32
    %swap3A_477 = arith.index_cast %swap3A_476 : i32 to index
    %swap3A_478 = arith.constant 0 : index
    %swap3A_479 = tpu.vector_load %arg9[%swap3A_477, %swap3A_478] {strides = array<i32>} : memref<4x128xi32, #tpu.memory_space<vmem>>, vector<1x16xi32>,
    %swap3A_480 = vector.shape_cast %swap3A_479 : vector<1x16xi32> to vector<16xi32>
    %swap3A_481 = vector.shape_cast %and3A_475 : vector<16xi32> to vector<1x16xi32>
    tpu.vector_store %arg9[%swap3A_477, %swap3A_478], %swap3A_481 {strides = array<i32>} : memref<4x128xi32, #tpu.memory_space<vmem>>, vector<1x16xi32>,
    %get3A_482 = arith.constant 78 : i32
    %get3A_483 = arith.index_cast %get3A_482 : i32 to index
    %get3A_484 = arith.constant 16 : index
    %get3A_485 = tpu.vector_load %arg7[%get3A_483, %get3A_484] {strides = array<i32>} : memref<80x128xi32, #tpu.memory_space<vmem>>, vector<1x16xi32>,
    %get3A_486 = vector.shape_cast %get3A_485 : vector<1x16xi32> to vector<16xi32>
    %shift_right_logical3A_487 = arith.constant 16 : i32
    %shift_right_logical3A_488 = vector.broadcast %shift_right_logical3A_487 : i32 to vector<16xi32>
    %shift_right_logical3A_489 = arith.shrui %get3A_486, %shift_right_logical3A_488 : vector<16xi32>
    %swap3A_490 = arith.constant 0 : i32
    %swap3A_491 = arith.index_cast %swap3A_490 : i32 to index
    %swap3A_492 = arith.constant 16 : index
    %swap3A_493 = tpu.vector_load %arg8[%swap3A_491, %swap3A_492] {strides = array<i32>} : memref<2x128xi32, #tpu.memory_space<vmem>>, vector<1x16xi32>,
    %swap3A_494 = vector.shape_cast %swap3A_493 : vector<1x16xi32> to vector<16xi32>
    %swap3A_495 = vector.shape_cast %shift_right_logical3A_489 : vector<16xi32> to vector<1x16xi32>
    tpu.vector_store %arg8[%swap3A_491, %swap3A_492], %swap3A_495 {strides = array<i32>} : memref<2x128xi32, #tpu.memory_space<vmem>>, vector<1x16xi32>,
    %and3A_496 = arith.constant 65535 : i32
    %and3A_497 = vector.broadcast %and3A_496 : i32 to vector<16xi32>
    %and3A_498 = arith.andi %get3A_486, %and3A_497 : vector<16xi32>
    %swap3A_499 = arith.constant 2 : i32
    %swap3A_500 = arith.index_cast %swap3A_499 : i32 to index
    %swap3A_501 = arith.constant 16 : index
    %swap3A_502 = tpu.vector_load %arg9[%swap3A_500, %swap3A_501] {strides = array<i32>} : memref<4x128xi32, #tpu.memory_space<vmem>>, vector<1x16xi32>,
    %swap3A_503 = vector.shape_cast %swap3A_502 : vector<1x16xi32> to vector<16xi32>
    %swap3A_504 = vector.shape_cast %and3A_498 : vector<16xi32> to vector<1x16xi32>
    tpu.vector_store %arg9[%swap3A_500, %swap3A_501], %swap3A_504 {strides = array<i32>} : memref<4x128xi32, #tpu.memory_space<vmem>>, vector<1x16xi32>,
    %get3A_505 = arith.constant 78 : i32
    %get3A_506 = arith.index_cast %get3A_505 : i32 to index
    %get3A_507 = arith.constant 32 : index
    %get3A_508 = tpu.vector_load %arg7[%get3A_506, %get3A_507] {strides = array<i32>} : memref<80x128xi32, #tpu.memory_space<vmem>>, vector<1x16xi32>,
    %get3A_509 = vector.shape_cast %get3A_508 : vector<1x16xi32> to vector<16xi32>
    %shift_right_logical3A_510 = arith.constant 16 : i32
    %shift_right_logical3A_511 = vector.broadcast %shift_right_logical3A_510 : i32 to vector<16xi32>
    %shift_right_logical3A_512 = arith.shrui %get3A_509, %shift_right_logical3A_511 : vector<16xi32>
    %swap3A_513 = arith.constant 0 : i32
    %swap3A_514 = arith.index_cast %swap3A_513 : i32 to index
    %swap3A_515 = arith.constant 32 : index
    %swap3A_516 = tpu.vector_load %arg8[%swap3A_514, %swap3A_515] {strides = array<i32>} : memref<2x128xi32, #tpu.memory_space<vmem>>, vector<1x16xi32>,
    %swap3A_517 = vector.shape_cast %swap3A_516 : vector<1x16xi32> to vector<16xi32>
    %swap3A_518 = vector.shape_cast %shift_right_logical3A_512 : vector<16xi32> to vector<1x16xi32>
    tpu.vector_store %arg8[%swap3A_514, %swap3A_515], %swap3A_518 {strides = array<i32>} : memref<2x128xi32, #tpu.memory_space<vmem>>, vector<1x16xi32>,
    %and3A_519 = arith.constant 65535 : i32
    %and3A_520 = vector.broadcast %and3A_519 : i32 to vector<16xi32>
    %and3A_521 = arith.andi %get3A_509, %and3A_520 : vector<16xi32>
    %swap3A_522 = arith.constant 2 : i32
    %swap3A_523 = arith.index_cast %swap3A_522 : i32 to index
    %swap3A_524 = arith.constant 32 : index
    %swap3A_525 = tpu.vector_load %arg9[%swap3A_523, %swap3A_524] {strides = array<i32>} : memref<4x128xi32, #tpu.memory_space<vmem>>, vector<1x16xi32>,
    %swap3A_526 = vector.shape_cast %swap3A_525 : vector<1x16xi32> to vector<16xi32>
    %swap3A_527 = vector.shape_cast %and3A_521 : vector<16xi32> to vector<1x16xi32>
    tpu.vector_store %arg9[%swap3A_523, %swap3A_524], %swap3A_527 {strides = array<i32>} : memref<4x128xi32, #tpu.memory_space<vmem>>, vector<1x16xi32>,
    %get3A_528 = arith.constant 78 : i32
    %get3A_529 = arith.index_cast %get3A_528 : i32 to index
    %get3A_530 = arith.constant 48 : index
    %get3A_531 = tpu.vector_load %arg7[%get3A_529, %get3A_530] {strides = array<i32>} : memref<80x128xi32, #tpu.memory_space<vmem>>, vector<1x16xi32>,
    %get3A_532 = vector.shape_cast %get3A_531 : vector<1x16xi32> to vector<16xi32>
    %shift_right_logical3A_533 = arith.constant 16 : i32
    %shift_right_logical3A_534 = vector.broadcast %shift_right_logical3A_533 : i32 to vector<16xi32>
    %shift_right_logical3A_535 = arith.shrui %get3A_532, %shift_right_logical3A_534 : vector<16xi32>
    %swap3A_536 = arith.constant 0 : i32
    %swap3A_537 = arith.index_cast %swap3A_536 : i32 to index
    %swap3A_538 = arith.constant 48 : index
    %swap3A_539 = tpu.vector_load %arg8[%swap3A_537, %swap3A_538] {strides = array<i32>} : memref<2x128xi32, #tpu.memory_space<vmem>>, vector<1x16xi32>,
    %swap3A_540 = vector.shape_cast %swap3A_539 : vector<1x16xi32> to vector<16xi32>
    %swap3A_541 = vector.shape_cast %shift_right_logical3A_535 : vector<16xi32> to vector<1x16xi32>
    tpu.vector_store %arg8[%swap3A_537, %swap3A_538], %swap3A_541 {strides = array<i32>} : memref<2x128xi32, #tpu.memory_space<vmem>>, vector<1x16xi32>,
    %and3A_542 = arith.constant 65535 : i32
    %and3A_543 = vector.broadcast %and3A_542 : i32 to vector<16xi32>
    %and3A_544 = arith.andi %get3A_532, %and3A_543 : vector<16xi32>
    %swap3A_545 = arith.constant 2 : i32
    %swap3A_546 = arith.index_cast %swap3A_545 : i32 to index
    %swap3A_547 = arith.constant 48 : index
    %swap3A_548 = tpu.vector_load %arg9[%swap3A_546, %swap3A_547] {strides = array<i32>} : memref<4x128xi32, #tpu.memory_space<vmem>>, vector<1x16xi32>,
    %swap3A_549 = vector.shape_cast %swap3A_548 : vector<1x16xi32> to vector<16xi32>
    %swap3A_550 = vector.shape_cast %and3A_544 : vector<16xi32> to vector<1x16xi32>
    tpu.vector_store %arg9[%swap3A_546, %swap3A_547], %swap3A_550 {strides = array<i32>} : memref<4x128xi32, #tpu.memory_space<vmem>>, vector<1x16xi32>,
    %get3A_551 = arith.constant 78 : i32
    %get3A_552 = arith.index_cast %get3A_551 : i32 to index
    %get3A_553 = arith.constant 64 : index
    %get3A_554 = tpu.vector_load %arg7[%get3A_552, %get3A_553] {strides = array<i32>} : memref<80x128xi32, #tpu.memory_space<vmem>>, vector<1x16xi32>,
    %get3A_555 = vector.shape_cast %get3A_554 : vector<1x16xi32> to vector<16xi32>
    %shift_right_logical3A_556 = arith.constant 16 : i32
    %shift_right_logical3A_557 = vector.broadcast %shift_right_logical3A_556 : i32 to vector<16xi32>
    %shift_right_logical3A_558 = arith.shrui %get3A_555, %shift_right_logical3A_557 : vector<16xi32>
    %swap3A_559 = arith.constant 0 : i32
    %swap3A_560 = arith.index_cast %swap3A_559 : i32 to index
    %swap3A_561 = arith.constant 64 : index
    %swap3A_562 = tpu.vector_load %arg8[%swap3A_560, %swap3A_561] {strides = array<i32>} : memref<2x128xi32, #tpu.memory_space<vmem>>, vector<1x16xi32>,
    %swap3A_563 = vector.shape_cast %swap3A_562 : vector<1x16xi32> to vector<16xi32>
    %swap3A_564 = vector.shape_cast %shift_right_logical3A_558 : vector<16xi32> to vector<1x16xi32>
    tpu.vector_store %arg8[%swap3A_560, %swap3A_561], %swap3A_564 {strides = array<i32>} : memref<2x128xi32, #tpu.memory_space<vmem>>, vector<1x16xi32>,
    %and3A_565 = arith.constant 65535 : i32
    %and3A_566 = vector.broadcast %and3A_565 : i32 to vector<16xi32>
    %and3A_567 = arith.andi %get3A_555, %and3A_566 : vector<16xi32>
    %swap3A_568 = arith.constant 2 : i32
    %swap3A_569 = arith.index_cast %swap3A_568 : i32 to index
    %swap3A_570 = arith.constant 64 : index
    %swap3A_571 = tpu.vector_load %arg9[%swap3A_569, %swap3A_570] {strides = array<i32>} : memref<4x128xi32, #tpu.memory_space<vmem>>, vector<1x16xi32>,
    %swap3A_572 = vector.shape_cast %swap3A_571 : vector<1x16xi32> to vector<16xi32>
    %swap3A_573 = vector.shape_cast %and3A_567 : vector<16xi32> to vector<1x16xi32>
    tpu.vector_store %arg9[%swap3A_569, %swap3A_570], %swap3A_573 {strides = array<i32>} : memref<4x128xi32, #tpu.memory_space<vmem>>, vector<1x16xi32>,
    %get3A_574 = arith.constant 78 : i32
    %get3A_575 = arith.index_cast %get3A_574 : i32 to index
    %get3A_576 = arith.constant 80 : index
    %get3A_577 = tpu.vector_load %arg7[%get3A_575, %get3A_576] {strides = array<i32>} : memref<80x128xi32, #tpu.memory_space<vmem>>, vector<1x16xi32>,
    %get3A_578 = vector.shape_cast %get3A_577 : vector<1x16xi32> to vector<16xi32>
    %shift_right_logical3A_579 = arith.constant 16 : i32
    %shift_right_logical3A_580 = vector.broadcast %shift_right_logical3A_579 : i32 to vector<16xi32>
    %shift_right_logical3A_581 = arith.shrui %get3A_578, %shift_right_logical3A_580 : vector<16xi32>
    %swap3A_582 = arith.constant 0 : i32
    %swap3A_583 = arith.index_cast %swap3A_582 : i32 to index
    %swap3A_584 = arith.constant 80 : index
    %swap3A_585 = tpu.vector_load %arg8[%swap3A_583, %swap3A_584] {strides = array<i32>} : memref<2x128xi32, #tpu.memory_space<vmem>>, vector<1x16xi32>,
    %swap3A_586 = vector.shape_cast %swap3A_585 : vector<1x16xi32> to vector<16xi32>
    %swap3A_587 = vector.shape_cast %shift_right_logical3A_581 : vector<16xi32> to vector<1x16xi32>
    tpu.vector_store %arg8[%swap3A_583, %swap3A_584], %swap3A_587 {strides = array<i32>} : memref<2x128xi32, #tpu.memory_space<vmem>>, vector<1x16xi32>,
    %and3A_588 = arith.constant 65535 : i32
    %and3A_589 = vector.broadcast %and3A_588 : i32 to vector<16xi32>
    %and3A_590 = arith.andi %get3A_578, %and3A_589 : vector<16xi32>
    %swap3A_591 = arith.constant 2 : i32
    %swap3A_592 = arith.index_cast %swap3A_591 : i32 to index
    %swap3A_593 = arith.constant 80 : index
    %swap3A_594 = tpu.vector_load %arg9[%swap3A_592, %swap3A_593] {strides = array<i32>} : memref<4x128xi32, #tpu.memory_space<vmem>>, vector<1x16xi32>,
    %swap3A_595 = vector.shape_cast %swap3A_594 : vector<1x16xi32> to vector<16xi32>
    %swap3A_596 = vector.shape_cast %and3A_590 : vector<16xi32> to vector<1x16xi32>
    tpu.vector_store %arg9[%swap3A_592, %swap3A_593], %swap3A_596 {strides = array<i32>} : memref<4x128xi32, #tpu.memory_space<vmem>>, vector<1x16xi32>,
    %get3A_597 = arith.constant 78 : i32
    %get3A_598 = arith.index_cast %get3A_597 : i32 to index
    %get3A_599 = arith.constant 96 : index
    %get3A_600 = tpu.vector_load %arg7[%get3A_598, %get3A_599] {strides = array<i32>} : memref<80x128xi32, #tpu.memory_space<vmem>>, vector<1x16xi32>,
    %get3A_601 = vector.shape_cast %get3A_600 : vector<1x16xi32> to vector<16xi32>
    %shift_right_logical3A_602 = arith.constant 16 : i32
    %shift_right_logical3A_603 = vector.broadcast %shift_right_logical3A_602 : i32 to vector<16xi32>
    %shift_right_logical3A_604 = arith.shrui %get3A_601, %shift_right_logical3A_603 : vector<16xi32>
    %swap3A_605 = arith.constant 0 : i32
    %swap3A_606 = arith.index_cast %swap3A_605 : i32 to index
    %swap3A_607 = arith.constant 96 : index
    %swap3A_608 = tpu.vector_load %arg8[%swap3A_606, %swap3A_607] {strides = array<i32>} : memref<2x128xi32, #tpu.memory_space<vmem>>, vector<1x16xi32>,
    %swap3A_609 = vector.shape_cast %swap3A_608 : vector<1x16xi32> to vector<16xi32>
    %swap3A_610 = vector.shape_cast %shift_right_logical3A_604 : vector<16xi32> to vector<1x16xi32>
    tpu.vector_store %arg8[%swap3A_606, %swap3A_607], %swap3A_610 {strides = array<i32>} : memref<2x128xi32, #tpu.memory_space<vmem>>, vector<1x16xi32>,
    %and3A_611 = arith.constant 65535 : i32
    %and3A_612 = vector.broadcast %and3A_611 : i32 to vector<16xi32>
    %and3A_613 = arith.andi %get3A_601, %and3A_612 : vector<16xi32>
    %swap3A_614 = arith.constant 2 : i32
    %swap3A_615 = arith.index_cast %swap3A_614 : i32 to index
    %swap3A_616 = arith.constant 96 : index
    %swap3A_617 = tpu.vector_load %arg9[%swap3A_615, %swap3A_616] {strides = array<i32>} : memref<4x128xi32, #tpu.memory_space<vmem>>, vector<1x16xi32>,
    %swap3A_618 = vector.shape_cast %swap3A_617 : vector<1x16xi32> to vector<16xi32>
    %swap3A_619 = vector.shape_cast %and3A_613 : vector<16xi32> to vector<1x16xi32>
    tpu.vector_store %arg9[%swap3A_615, %swap3A_616], %swap3A_619 {strides = array<i32>} : memref<4x128xi32, #tpu.memory_space<vmem>>, vector<1x16xi32>,
    %get3A_620 = arith.constant 78 : i32
    %get3A_621 = arith.index_cast %get3A_620 : i32 to index
    %get3A_622 = arith.constant 112 : index
    %get3A_623 = tpu.vector_load %arg7[%get3A_621, %get3A_622] {strides = array<i32>} : memref<80x128xi32, #tpu.memory_space<vmem>>, vector<1x16xi32>,
    %get3A_624 = vector.shape_cast %get3A_623 : vector<1x16xi32> to vector<16xi32>
    %shift_right_logical3A_625 = arith.constant 16 : i32
    %shift_right_logical3A_626 = vector.broadcast %shift_right_logical3A_625 : i32 to vector<16xi32>
    %shift_right_logical3A_627 = arith.shrui %get3A_624, %shift_right_logical3A_626 : vector<16xi32>
    %swap3A_628 = arith.constant 0 : i32
    %swap3A_629 = arith.index_cast %swap3A_628 : i32 to index
    %swap3A_630 = arith.constant 112 : index
    %swap3A_631 = tpu.vector_load %arg8[%swap3A_629, %swap3A_630] {strides = array<i32>} : memref<2x128xi32, #tpu.memory_space<vmem>>, vector<1x16xi32>,
    %swap3A_632 = vector.shape_cast %swap3A_631 : vector<1x16xi32> to vector<16xi32>
    %swap3A_633 = vector.shape_cast %shift_right_logical3A_627 : vector<16xi32> to vector<1x16xi32>
    tpu.vector_store %arg8[%swap3A_629, %swap3A_630], %swap3A_633 {strides = array<i32>} : memref<2x128xi32, #tpu.memory_space<vmem>>, vector<1x16xi32>,
    %and3A_634 = arith.constant 65535 : i32
    %and3A_635 = vector.broadcast %and3A_634 : i32 to vector<16xi32>
    %and3A_636 = arith.andi %get3A_624, %and3A_635 : vector<16xi32>
    %swap3A_637 = arith.constant 2 : i32
    %swap3A_638 = arith.index_cast %swap3A_637 : i32 to index
    %swap3A_639 = arith.constant 112 : index
    %swap3A_640 = tpu.vector_load %arg9[%swap3A_638, %swap3A_639] {strides = array<i32>} : memref<4x128xi32, #tpu.memory_space<vmem>>, vector<1x16xi32>,
    %swap3A_641 = vector.shape_cast %swap3A_640 : vector<1x16xi32> to vector<16xi32>
    %swap3A_642 = vector.shape_cast %and3A_636 : vector<16xi32> to vector<1x16xi32>
    tpu.vector_store %arg9[%swap3A_638, %swap3A_639], %swap3A_642 {strides = array<i32>} : memref<4x128xi32, #tpu.memory_space<vmem>>, vector<1x16xi32>,
    %dma_wait3A_643 = arith.constant 0 : i32
    %dma_wait3A_644 = arith.constant 0 : i32
    %dma_wait3A_645 = tpu.memref_slice %arg9[%dma_wait3A_643, %dma_wait3A_644] : memref<4x128xi32, #tpu.memory_space<vmem>> -> memref<1x128xi32, #tpu.memory_space<vmem>>
    %dma_wait3A_646 = tpu.memref_squeeze %dma_wait3A_645 : memref<1x128xi32, #tpu.memory_space<vmem>> -> memref<128xi32, #tpu.memory_space<vmem>>
    %dma_wait3A_647 = arith.constant 0 : i32
    %dma_wait3A_648 = arith.constant 0 : i32
    %dma_wait3A_649 = tpu.memref_slice %arg20[%dma_wait3A_647, %dma_wait3A_648] : memref<10240x128xf32, #tpu.memory_space<vmem_shared>> -> memref<10240x128xf32, #tpu.memory_space<vmem_shared>>
    tpu.wait_indirect_dma semaphore(%arg13 : memref<!tpu.dma_semaphore, #tpu.memory_space<semaphore_mem>>) src(%arg10 : memref<128x128xf32, #tpu.memory_space<vmem>>) dst(%dma_wait3A_649 : memref<10240x128xf32, #tpu.memory_space<vmem_shared>>)
    %dma_start3A_650 = arith.constant 0 : i32
    %dma_start3A_651 = arith.constant 0 : i32
    %dma_start3A_652 = arith.constant 0 : i32
    %dma_start3A_653 = tpu.memref_slice %arg10[%dma_start3A_651, %dma_start3A_652] : memref<128x128xf32, #tpu.memory_space<vmem>> -> memref<128x128xf32, #tpu.memory_space<vmem>>
    %dma_start3A_654 = arith.constant 0 : i32
    %dma_start3A_655 = tpu.memref_slice %arg8[%dma_start3A_650, %dma_start3A_654] : memref<2x128xi32, #tpu.memory_space<vmem>> -> memref<1x128xi32, #tpu.memory_space<vmem>>
    %dma_start3A_656 = tpu.memref_squeeze %dma_start3A_655 : memref<1x128xi32, #tpu.memory_space<vmem>> -> memref<128xi32, #tpu.memory_space<vmem>>
    %dma_start3A_657 = arith.constant 0 : i32
    %dma_start3A_658 = arith.constant 0 : i32
    %dma_start3A_659 = tpu.memref_slice %arg2[%dma_start3A_657, %dma_start3A_658] : memref<10000x128xf32, #tpu.memory_space<hbm>> -> memref<10000x128xf32, #tpu.memory_space<hbm>>
    tpu.enqueue_indirect_dma source(%dma_start3A_659 : memref<10000x128xf32, #tpu.memory_space<hbm>>) target(%dma_start3A_653 : memref<128x128xf32, #tpu.memory_space<vmem>>) offsets(%dma_start3A_656 : memref<128xi32, #tpu.memory_space<vmem>>) semaphore(%arg12 : memref<!tpu.dma_semaphore, #tpu.memory_space<semaphore_mem>>)
    %dma_wait3A_660 = arith.constant 1 : i32
    %dma_wait3A_661 = arith.constant 0 : i32
    %dma_wait3A_662 = arith.constant 0 : i32
    %dma_wait3A_663 = tpu.memref_slice %arg11[%dma_wait3A_661, %dma_wait3A_662] : memref<128x128xf32, #tpu.memory_space<vmem>> -> memref<128x128xf32, #tpu.memory_space<vmem>>
    %dma_wait3A_664 = arith.constant 0 : i32
    %dma_wait3A_665 = tpu.memref_slice %arg8[%dma_wait3A_660, %dma_wait3A_664] : memref<2x128xi32, #tpu.memory_space<vmem>> -> memref<1x128xi32, #tpu.memory_space<vmem>>
    %dma_wait3A_666 = tpu.memref_squeeze %dma_wait3A_665 : memref<1x128xi32, #tpu.memory_space<vmem>> -> memref<128xi32, #tpu.memory_space<vmem>>
    %dma_wait3A_667 = arith.constant 0 : i32
    %dma_wait3A_668 = arith.constant 0 : i32
    %dma_wait3A_669 = tpu.memref_slice %arg2[%dma_wait3A_667, %dma_wait3A_668] : memref<10000x128xf32, #tpu.memory_space<hbm>> -> memref<10000x128xf32, #tpu.memory_space<hbm>>
    tpu.wait_indirect_dma semaphore(%arg16 : memref<!tpu.dma_semaphore, #tpu.memory_space<semaphore_mem>>) src(%dma_wait3A_669 : memref<10000x128xf32, #tpu.memory_space<hbm>>) dst(%dma_wait3A_663 : memref<128x128xf32, #tpu.memory_space<vmem>>)
    %run_scoped3A = arith.constant 1 : i32
    "tpu.region"() ({
      %run_scoped3A_682 = tpu.sem_alloc : memref<!tpu.dma_semaphore, #tpu.memory_space<semaphore_mem>>
      %dma_start3A_683 = arith.constant 0 : i32
      %dma_start3A_684 = tpu.memref_slice %arg9[%run_scoped3A, %dma_start3A_683] : memref<4x128xi32, #tpu.memory_space<vmem>> -> memref<1x128xi32, #tpu.memory_space<vmem>>
      %dma_start3A_685 = tpu.memref_squeeze %dma_start3A_684 : memref<1x128xi32, #tpu.memory_space<vmem>> -> memref<128xi32, #tpu.memory_space<vmem>>
      %dma_start3A_686 = arith.constant 0 : i32
      %dma_start3A_687 = arith.constant 0 : i32
      %dma_start3A_688 = tpu.memref_slice %arg20[%dma_start3A_686, %dma_start3A_687] : memref<10240x128xf32, #tpu.memory_space<vmem_shared>> -> memref<10240x128xf32, #tpu.memory_space<vmem_shared>>
      tpu.enqueue_indirect_dma source(%arg11 : memref<128x128xf32, #tpu.memory_space<vmem>>) target(%dma_start3A_688 : memref<10240x128xf32, #tpu.memory_space<vmem_shared>>) offsets(%dma_start3A_685 : memref<128xi32, #tpu.memory_space<vmem>>) semaphore(%run_scoped3A_682 : memref<!tpu.dma_semaphore, #tpu.memory_space<semaphore_mem>>) {add = true}
      %dma_wait3A_689 = arith.constant 0 : i32
      %dma_wait3A_690 = tpu.memref_slice %arg9[%run_scoped3A, %dma_wait3A_689] : memref<4x128xi32, #tpu.memory_space<vmem>> -> memref<1x128xi32, #tpu.memory_space<vmem>>
      %dma_wait3A_691 = tpu.memref_squeeze %dma_wait3A_690 : memref<1x128xi32, #tpu.memory_space<vmem>> -> memref<128xi32, #tpu.memory_space<vmem>>
      %dma_wait3A_692 = arith.constant 0 : i32
      %dma_wait3A_693 = arith.constant 0 : i32
      %dma_wait3A_694 = tpu.memref_slice %arg20[%dma_wait3A_692, %dma_wait3A_693] : memref<10240x128xf32, #tpu.memory_space<vmem_shared>> -> memref<10240x128xf32, #tpu.memory_space<vmem_shared>>
      tpu.wait_indirect_dma semaphore(%run_scoped3A_682 : memref<!tpu.dma_semaphore, #tpu.memory_space<semaphore_mem>>) src(%arg11 : memref<128x128xf32, #tpu.memory_space<vmem>>) dst(%dma_wait3A_694 : memref<10240x128xf32, #tpu.memory_space<vmem_shared>>)
      tpu.yield
    }) : () -> ()
    %dma_wait3A_670 = arith.constant 0 : i32
    %dma_wait3A_671 = arith.constant 0 : i32
    %dma_wait3A_672 = arith.constant 0 : i32
    %dma_wait3A_673 = tpu.memref_slice %arg10[%dma_wait3A_671, %dma_wait3A_672] : memref<128x128xf32, #tpu.memory_space<vmem>> -> memref<128x128xf32, #tpu.memory_space<vmem>>
    %dma_wait3A_674 = arith.constant 0 : i32
    %dma_wait3A_675 = tpu.memref_slice %arg8[%dma_wait3A_670, %dma_wait3A_674] : memref<2x128xi32, #tpu.memory_space<vmem>> -> memref<1x128xi32, #tpu.memory_space<vmem>>
    %dma_wait3A_676 = tpu.memref_squeeze %dma_wait3A_675 : memref<1x128xi32, #tpu.memory_space<vmem>> -> memref<128xi32, #tpu.memory_space<vmem>>
    %dma_wait3A_677 = arith.constant 0 : i32
    %dma_wait3A_678 = arith.constant 0 : i32
    %dma_wait3A_679 = tpu.memref_slice %arg2[%dma_wait3A_677, %dma_wait3A_678] : memref<10000x128xf32, #tpu.memory_space<hbm>> -> memref<10000x128xf32, #tpu.memory_space<hbm>>
    tpu.wait_indirect_dma semaphore(%arg12 : memref<!tpu.dma_semaphore, #tpu.memory_space<semaphore_mem>>) src(%dma_wait3A_679 : memref<10000x128xf32, #tpu.memory_space<hbm>>) dst(%dma_wait3A_673 : memref<128x128xf32, #tpu.memory_space<vmem>>)
    %run_scoped3A_680 = arith.constant 2 : i32
    "tpu.region"() ({
      %run_scoped3A_682 = tpu.sem_alloc : memref<!tpu.dma_semaphore, #tpu.memory_space<semaphore_mem>>
      %dma_start3A_683 = arith.constant 0 : i32
      %dma_start3A_684 = tpu.memref_slice %arg9[%run_scoped3A_680, %dma_start3A_683] : memref<4x128xi32, #tpu.memory_space<vmem>> -> memref<1x128xi32, #tpu.memory_space<vmem>>
      %dma_start3A_685 = tpu.memref_squeeze %dma_start3A_684 : memref<1x128xi32, #tpu.memory_space<vmem>> -> memref<128xi32, #tpu.memory_space<vmem>>
      %dma_start3A_686 = arith.constant 0 : i32
      %dma_start3A_687 = arith.constant 0 : i32
      %dma_start3A_688 = tpu.memref_slice %arg20[%dma_start3A_686, %dma_start3A_687] : memref<10240x128xf32, #tpu.memory_space<vmem_shared>> -> memref<10240x128xf32, #tpu.memory_space<vmem_shared>>
      tpu.enqueue_indirect_dma source(%arg10 : memref<128x128xf32, #tpu.memory_space<vmem>>) target(%dma_start3A_688 : memref<10240x128xf32, #tpu.memory_space<vmem_shared>>) offsets(%dma_start3A_685 : memref<128xi32, #tpu.memory_space<vmem>>) semaphore(%run_scoped3A_682 : memref<!tpu.dma_semaphore, #tpu.memory_space<semaphore_mem>>) {add = true}
      %dma_wait3A_689 = arith.constant 0 : i32
      %dma_wait3A_690 = tpu.memref_slice %arg9[%run_scoped3A_680, %dma_wait3A_689] : memref<4x128xi32, #tpu.memory_space<vmem>> -> memref<1x128xi32, #tpu.memory_space<vmem>>
      %dma_wait3A_691 = tpu.memref_squeeze %dma_wait3A_690 : memref<1x128xi32, #tpu.memory_space<vmem>> -> memref<128xi32, #tpu.memory_space<vmem>>
      %dma_wait3A_692 = arith.constant 0 : i32
      %dma_wait3A_693 = arith.constant 0 : i32
      %dma_wait3A_694 = tpu.memref_slice %arg20[%dma_wait3A_692, %dma_wait3A_693] : memref<10240x128xf32, #tpu.memory_space<vmem_shared>> -> memref<10240x128xf32, #tpu.memory_space<vmem_shared>>
      tpu.wait_indirect_dma semaphore(%run_scoped3A_682 : memref<!tpu.dma_semaphore, #tpu.memory_space<semaphore_mem>>) src(%arg10 : memref<128x128xf32, #tpu.memory_space<vmem>>) dst(%dma_wait3A_694 : memref<10240x128xf32, #tpu.memory_space<vmem_shared>>)
      tpu.yield
    }) : () -> ()
    %barrier3A_681 = arith.constant 0 : index
    tpu.barrier barrier_id(%barrier3A_681)
    "tpu.region"() ({
      %run_scoped3A_682 = tpu.sem_alloc : memref<!tpu.dma_semaphore, #tpu.memory_space<semaphore_mem>>
      %dma_start3A_683 = arith.constant 0 : i32
      %dma_start3A_684 = tpu.memref_slice %arg5[%arg0, %mul3A_47, %dma_start3A_683] : memref<2x10240x128xf32, #tpu.memory_space<hbm>> -> memref<1x640x128xf32, #tpu.memory_space<hbm>>
      %dma_start3A_685 = tpu.memref_squeeze %dma_start3A_684 : memref<1x640x128xf32, #tpu.memory_space<hbm>> -> memref<640x128xf32, #tpu.memory_space<hbm>>
      %dma_start3A_686 = arith.constant 0 : i32
      %dma_start3A_687 = tpu.memref_slice %arg20[%mul3A_47, %dma_start3A_686] : memref<10240x128xf32, #tpu.memory_space<vmem_shared>> -> memref<640x128xf32, #tpu.memory_space<vmem_shared>>
      tpu.enqueue_dma source(%dma_start3A_687 : memref<640x128xf32, #tpu.memory_space<vmem_shared>>) target(%dma_start3A_685 : memref<640x128xf32, #tpu.memory_space<hbm>>) target_semaphore(%run_scoped3A_682 : memref<!tpu.dma_semaphore, #tpu.memory_space<semaphore_mem>>)
      %dma_wait3A_688 = arith.constant 0 : i32
      %dma_wait3A_689 = tpu.memref_slice %arg5[%arg0, %mul3A_47, %dma_wait3A_688] : memref<2x10240x128xf32, #tpu.memory_space<hbm>> -> memref<1x640x128xf32, #tpu.memory_space<hbm>>
      %dma_wait3A_690 = tpu.memref_squeeze %dma_wait3A_689 : memref<1x640x128xf32, #tpu.memory_space<hbm>> -> memref<640x128xf32, #tpu.memory_space<hbm>>
      %dma_wait3A_691 = arith.constant 0 : i32
      %dma_wait3A_692 = tpu.memref_slice %arg20[%mul3A_47, %dma_wait3A_691] : memref<10240x128xf32, #tpu.memory_space<vmem_shared>> -> memref<640x128xf32, #tpu.memory_space<vmem_shared>>
      tpu.wait_dma2 semaphore(%run_scoped3A_682 : memref<!tpu.dma_semaphore, #tpu.memory_space<semaphore_mem>>) src(%dma_wait3A_692 : memref<640x128xf32, #tpu.memory_space<vmem_shared>>) dst(%dma_wait3A_690 : memref<640x128xf32, #tpu.memory_space<hbm>>)
      tpu.yield
    }) : () -> ()
    return
  }
}

module attributes {stable_mosaic.version = 14 : i64} {
  func.func @_tc_body(%arg0: i32, %arg1: memref<2x1000x128xf32, #tpu.memory_space<vmem>>, %arg2: memref<2x1000x128xf32, #tpu.memory_space<vmem>>, %arg3: memref<1000x128xf32, #tpu.memory_space<vmem>>, %arg4: memref<128x128xf32, #tpu.memory_space<vmem>>, %arg5: memref<1x128xf32, #tpu.memory_space<vmem>>, %arg6: memref<128x128xf32, #tpu.memory_space<vmem>>, %arg7: memref<1000x128xf32, #tpu.memory_space<vmem>>) attributes {dimension_semantics = [#tpu.dimension_semantics<arbitrary>], iteration_bounds = array<i64: 10>, scalar_prefetch = 0 : i64, scratch_operands = 0 : i64, tpu.core_type = #tpu.core_type<tc>, window_params = [{transform_indices = @transform_0, window_bounds = array<i64: 2, 1000, 128>}, {transform_indices = @transform_1, window_bounds = array<i64: 2, 1000, 128>}, {transform_indices = @transform_2, window_bounds = array<i64: 1000, 128>}, {pipeline_mode = #tpu.pipeline_mode<synchronous>, transform_indices = @transform_3, window_bounds = array<i64: 128, 128>}, {pipeline_mode = #tpu.pipeline_mode<synchronous>, transform_indices = @transform_4, window_bounds = array<i64: 1, 128>}, {pipeline_mode = #tpu.pipeline_mode<synchronous>, transform_indices = @transform_5, window_bounds = array<i64: 128, 128>}, {transform_indices = @transform_6, window_bounds = array<i64: 1000, 128>}]} {
    %get3A = arith.constant 0 : index
    %get3A_0 = arith.constant 0 : index
    %get3A_1 = arith.constant 0 : index
    %get3A_2 = vector.load %arg1[%get3A, %get3A_0, %get3A_1] : memref<2x1000x128xf32, #tpu.memory_space<vmem>>, vector<1x1000x128xf32>
    %get3A_3 = vector.shape_cast %get3A_2 : vector<1x1000x128xf32> to vector<1000x128xf32>
    %get3A_4 = arith.constant 1 : index
    %get3A_5 = arith.constant 0 : index
    %get3A_6 = arith.constant 0 : index
    %get3A_7 = vector.load %arg1[%get3A_4, %get3A_5, %get3A_6] : memref<2x1000x128xf32, #tpu.memory_space<vmem>>, vector<1x1000x128xf32>
    %get3A_8 = vector.shape_cast %get3A_7 : vector<1x1000x128xf32> to vector<1000x128xf32>
    %add3A = arith.addf %get3A_3, %get3A_8 : vector<1000x128xf32>
    %get3A_9 = arith.constant 0 : index
    %get3A_10 = arith.constant 0 : index
    %get3A_11 = arith.constant 0 : index
    %get3A_12 = vector.load %arg2[%get3A_9, %get3A_10, %get3A_11] : memref<2x1000x128xf32, #tpu.memory_space<vmem>>, vector<1x1000x1xf32>
    %get3A_13 = vector.shape_cast %get3A_12 : vector<1x1000x1xf32> to vector<1000xf32>
    %get3A_14 = arith.constant 1 : index
    %get3A_15 = arith.constant 0 : index
    %get3A_16 = arith.constant 0 : index
    %get3A_17 = vector.load %arg2[%get3A_14, %get3A_15, %get3A_16] : memref<2x1000x128xf32, #tpu.memory_space<vmem>>, vector<1x1000x1xf32>
    %get3A_18 = vector.shape_cast %get3A_17 : vector<1x1000x1xf32> to vector<1000xf32>
    %add3A_19 = arith.addf %get3A_13, %get3A_18 : vector<1000xf32>
    %max3A = arith.constant 1.000000e+00 : f32
    %max3A_20 = vector.broadcast %max3A : f32 to vector<1000xf32>
    %max3A_21 = arith.maximumf %add3A_19, %max3A_20 : vector<1000xf32>
    %broadcast_in_dim3A = vector.shape_cast %max3A_21 : vector<1000xf32> to vector<1000x1xf32>
    %div3A = vector.broadcast %broadcast_in_dim3A : vector<1000x1xf32> to vector<1000x128xf32>
    %div3A_22 = arith.divf %add3A, %div3A : vector<1000x128xf32>
    %get3A_23 = arith.constant 0 : index
    %get3A_24 = arith.constant 0 : index
    %get3A_25 = vector.load %arg4[%get3A_23, %get3A_24] : memref<128x128xf32, #tpu.memory_space<vmem>>, vector<128x128xf32>
    %dot_general3A = arith.constant dense<0.000000e+00> : vector<1000x128xf32>
    %dot_general3A_26 = tpu.matmul %div3A_22, %get3A_25, %dot_general3A {dimension_numbers = #tpu.dot_dimension_numbers<[1], [0], [0], [1], [0, 0, 1, 1], [], []>, transpose_lhs_hint = false} : vector<1000x128xf32>, vector<128x128xf32>, vector<1000x128xf32> -> vector<1000x128xf32>
    %get3A_27 = arith.constant 0 : index
    %get3A_28 = arith.constant 0 : index
    %get3A_29 = vector.load %arg5[%get3A_27, %get3A_28] : memref<1x128xf32, #tpu.memory_space<vmem>>, vector<1x128xf32>
    %add3A_30 = vector.broadcast %get3A_29 : vector<1x128xf32> to vector<1000x128xf32>
    %add3A_31 = arith.addf %dot_general3A_26, %add3A_30 : vector<1000x128xf32>
    %get3A_32 = arith.constant 0 : index
    %get3A_33 = arith.constant 0 : index
    %get3A_34 = vector.load %arg3[%get3A_32, %get3A_33] : memref<1000x128xf32, #tpu.memory_space<vmem>>, vector<1000x128xf32>
    %get3A_35 = arith.constant 0 : index
    %get3A_36 = arith.constant 0 : index
    %get3A_37 = vector.load %arg6[%get3A_35, %get3A_36] : memref<128x128xf32, #tpu.memory_space<vmem>>, vector<128x128xf32>
    %dot_general3A_38 = arith.constant dense<0.000000e+00> : vector<1000x128xf32>
    %dot_general3A_39 = tpu.matmul %get3A_34, %get3A_37, %dot_general3A_38 {dimension_numbers = #tpu.dot_dimension_numbers<[1], [0], [0], [1], [0, 0, 1, 1], [], []>, transpose_lhs_hint = false} : vector<1000x128xf32>, vector<128x128xf32>, vector<1000x128xf32> -> vector<1000x128xf32>
    %add3A_40 = arith.addf %add3A_31, %dot_general3A_39 : vector<1000x128xf32>
    %max3A_41 = arith.constant 0.000000e+00 : f32
    %max3A_42 = vector.broadcast %max3A_41 : f32 to vector<1000x128xf32>
    %max3A_43 = arith.maximumf %add3A_40, %max3A_42 : vector<1000x128xf32>
    %swap3A = arith.constant 0 : index
    %swap3A_44 = arith.constant 0 : index
    %swap3A_45 = vector.load %arg7[%swap3A, %swap3A_44] : memref<1000x128xf32, #tpu.memory_space<vmem>>, vector<1000x128xf32>
    tpu.vector_store %arg7[%swap3A, %swap3A_44], %max3A_43 {strides = array<i32>} : memref<1000x128xf32, #tpu.memory_space<vmem>>, vector<1000x128xf32>,
    return
  }
  func.func @transform_0(%arg0: i32) -> (i32, i32, i32) {
    %c0_i32 = arith.constant 0 : i32
    %c0_i32_0 = arith.constant 0 : i32
    %c0_i32_1 = arith.constant 0 : i32
    return %c0_i32, %arg0, %c0_i32_0 : i32, i32, i32
  }
  func.func @transform_1(%arg0: i32) -> (i32, i32, i32) {
    %c0_i32 = arith.constant 0 : i32
    %c0_i32_0 = arith.constant 0 : i32
    %c0_i32_1 = arith.constant 0 : i32
    return %c0_i32, %arg0, %c0_i32_0 : i32, i32, i32
  }
  func.func @transform_2(%arg0: i32) -> (i32, i32) {
    %c0_i32 = arith.constant 0 : i32
    %c0_i32_0 = arith.constant 0 : i32
    return %arg0, %c0_i32 : i32, i32
  }
  func.func @transform_3(%arg0: i32) -> (i32, i32) {
    %c0_i32 = arith.constant 0 : i32
    %c0_i32_0 = arith.constant 0 : i32
    %c0_i32_1 = arith.constant 0 : i32
    return %c0_i32, %c0_i32_0 : i32, i32
  }
  func.func @transform_4(%arg0: i32) -> (i32, i32) {
    %c0_i32 = arith.constant 0 : i32
    %c0_i32_0 = arith.constant 0 : i32
    %c0_i32_1 = arith.constant 0 : i32
    return %c0_i32, %c0_i32_0 : i32, i32
  }
  func.func @transform_5(%arg0: i32) -> (i32, i32) {
    %c0_i32 = arith.constant 0 : i32
    %c0_i32_0 = arith.constant 0 : i32
    %c0_i32_1 = arith.constant 0 : i32
    return %c0_i32, %c0_i32_0 : i32, i32
  }
  func.func @transform_6(%arg0: i32) -> (i32, i32) {
    %c0_i32 = arith.constant 0 : i32
    %c0_i32_0 = arith.constant 0 : i32
    return %arg0, %c0_i32 : i32, i32
  }
}

</mosaic_0001>

<sc_bundles>
// kernel: kernel.6.cloned.1.call-start
scs
__scs_entry_jumppad:
0x0: {  	(pc) =	sbr.rel $0x88, $3  }
0x1: {  	(tag) =	ssettag $0x0;
	lr =	simm.s32 $0x1  }
0x2: {  	[smem:$0x3F98] =	sst lr;
	_ =	strace $0xD0000000  }
0x3: {  	_ = 	snop  }
0x4: {  	_ = 	snop  }
0x5: {  	_ = 	snop  }
0x6: {  	_ = 	snop  }
0x7: {  	_ = 	snop  }
__scs_overlays_trampoline_lowered:
0x8: {  	[smem:$0x3FA7] =	sst s0  }
0x9: {  	[smem:$0x3FA8] =	sst s1  }
0xa: {  	[smem:$0x3FA9] =	sst s2  }
0xb: {  	[smem:$0x3FAA] =	sst s3  }
0xc: {  	[smem:$0x3FAB] =	sst s4  }
0xd: {  	[smem:$0x3FAC] =	sst s5  }
0xe: {  	[smem:$0x3FAD] =	sst s6  }
0xf: {  	[smem:$0x3FAE] =	sst s7  }
0x10: {  	[smem:$0x3FAF] =	sst s8  }
0x11: {  	[smem:$0x3FB0] =	sst s9;
	s0 =	simm.s32 @!p0 $0x0  }
0x12: {  	s1 =	sld [smem:$0x3F96];
	s0 =	simm.s32 @p0 $0x1  }
0x13: {  	[smem:$0x3FB1] =	sst s0;
	s0 =	simm.s32 @!p1 $0x0  }
0x14: {  	s2 =	sld [smem:$0x3F95];
	s0 =	simm.s32 @p1 $0x1  }
0x15: {  	[smem:$0x3FB2] =	sst s0;
	s0 =	simm.s32 @!p2 $0x0  }
0x16: {  	s3 =	sld [smem:$0x3FDB];
	s0 =	simm.s32 @p2 $0x1  }
0x17: {  	s4 =	simm.s32 $0x1BF5;
	[smem:$0x3FB4] =	sst s0  }
0x18: {  	s0 =	sld [smem:$0x3F97];
	_ =	swait.ge [sflag:s4], $0x0  }
0x19: {  	s7 =	sld [smem:$0x3F98]  }
0x1a: {  	s8 =	sadd.s32 $0xFFFFE003, lr  }
0x1b: {  	s9 =	sadd.s32 $0xFFFFFEF7, lr;
	s5 =	simm.s32 $0xFFFFFFFF;
	p2 =	slt.u32 s8, $0xFFFFF086  }
0x1c: {  	p1 =	slt.u32 s9, $0xF7A;
	s5 =	simm.s32 @!p2 $0x0  }
0x1d: {  	s5 =	simm.s32 @p1 $0x1;
	p0 =	seq.s32 s7, s2  }
0x1e: {  	s7 =	smul.u32 @!p0 $0xF7A, s2;
	p2 =	seq.s32 @!p0 s5, $0x0  }
0x1f: {  	s9 =	smul.u32 $0xF7A, s1;
	s8 =	simm.s32 @!p0 $0x1BF5;
	p2 =	por !p2, p0  }
0x20: {  	[sflag:s8] =	ssyncset.s32 @!p0 $0xFFFFF086;
	s6 =	sadd.s32 @!p0 s3, s7;
	s7 =	simm.s32 @!p0 $0x108  }
0x21: {  	s3 =	sadd.s32 s3, s9;
	s6 =	sadd.s32 @!p0 $0x88, s6;
	s7 =	simm.s32 @p2 $0x1082  }
0x22: {  	[simem:s7], [sflag:s8] =	dma.local @!p0 [hbm:s6], $0xF7A  }
0x23: {  	s9 =	sor.u32 $0xD0000000, s2;
	s6 =	simm.s32 $0x108;
	_ =	swait.ge @!p0 [sflag:s8], $0x0  }
0x24: {  	s3 =	sadd.s32 $0x88, s3;
	s6 =	simm.s32 @!p1 $0x1082;
	[sflag:s4] =	ssyncset.s32 $0xFFFFF086  }
0x25: {  	[simem:s6], [sflag:s4] =	dma.local [hbm:s3], $0xF7A  }
0x26: {  	[smem:$0x3F98] =	sst s1;
	(tag) =	ssettag s2;
	_ =	strace s9  }
0x27: {  	s1 =	sld [smem:$0x3FA8]  }
0x28: {  	s2 =	sld [smem:$0x3FA9]  }
0x29: {  	s4 =	sld [smem:$0x3FAB]  }
0x2a: {  	p0 =	seq.s32 s5, $0x0;
	s5 =	sld [smem:$0x3FAC]  }
0x2b: {  	s6 =	sld [smem:$0x3FAD]  }
0x2c: {  	s7 =	sld [smem:$0x3FAE]  }
0x2d: {  	s3 =	simm.s32 $0x108;
	s8 =	sld [smem:$0x3FAF]  }
0x2e: {  	s3 =	simm.s32 @!p0 $0x1082;
	s9 =	sld [smem:$0x3FB0]  }
0x2f: {  	lr =	sadd.s32 s0, s3;
	s0 =	sld [smem:$0x3FA7]  }
0x30: {  	s3 =	sld [smem:$0x3FAA]  }
0x31: {  	[smem:$0x3FB3] =	sst s10  }
0x32: {  	s10 =	sld [smem:$0x3FB1];
	_ =	sdelay $0x3  }
0x33: {  	p0 =	seq.s32 s10, $0x1;
	s10 =	sld [smem:$0x3FB3];
	_ =	sdelay $0x3  }
0x34: {  	[smem:$0x3FB3] =	sst s10  }
0x35: {  	s10 =	sld [smem:$0x3FB2];
	_ =	sdelay $0x3  }
0x36: {  	p1 =	seq.s32 s10, $0x1;
	s10 =	sld [smem:$0x3FB3];
	_ =	sdelay $0x3  }
0x37: {  	[smem:$0x3FB3] =	sst s10  }
0x38: {  	s10 =	sld [smem:$0x3FB4]  }
0x39: {  	_ = 	snop;
	(pc) =	sbr.ind lr, $3  }
0x3a: {  	_ = 	snop  }
0x3b: {  	_ = 	snop  }
0x3c: {  	p2 =	seq.s32 s10, $0x1;
	s10 =	sld [smem:$0x3FB3]  }
0x3d: {  	_ =	shalt  }
0x3e: {  	_ =	shalt  }
0x3f: {  	_ =	shalt  }
0x40: {  	_ =	shalt  }
0x41: {  	_ =	shalt  }
0x42: {  	_ =	shalt  }
0x43: {  	_ =	shalt  }
0x44: {  	_ =	shalt  }
0x45: {  	_ =	shalt  }
0x46: {  	_ =	shalt  }
0x47: {  	_ =	shalt  }
0x48: {  	_ =	shalt  }
0x49: {  	_ =	shalt  }
0x4a: {  	_ =	shalt  }
0x4b: {  	_ =	shalt  }
0x4c: {  	_ =	shalt  }
0x4d: {  	_ =	shalt  }
0x4e: {  	_ =	shalt  }
0x4f: {  	_ =	shalt  }
0x50: {  	_ =	shalt  }
0x51: {  	_ =	shalt  }
0x52: {  	_ =	shalt  }
0x53: {  	_ =	shalt  }
0x54: {  	_ =	shalt  }
0x55: {  	_ =	shalt  }
0x56: {  	_ =	shalt  }
0x57: {  	_ =	shalt  }
0x58: {  	_ =	shalt  }
0x59: {  	_ =	shalt  }
0x5a: {  	_ =	shalt  }
0x5b: {  	_ =	shalt  }
0x5c: {  	_ =	shalt  }
0x5d: {  	_ =	shalt  }
0x5e: {  	_ =	shalt  }
0x5f: {  	_ =	shalt  }
0x60: {  	_ =	shalt  }
0x61: {  	_ =	shalt  }
0x62: {  	_ =	shalt  }
0x63: {  	_ =	shalt  }
0x64: {  	_ =	shalt  }
0x65: {  	_ =	shalt  }
0x66: {  	_ =	shalt  }
0x67: {  	_ =	shalt  }
0x68: {  	_ =	shalt  }
0x69: {  	_ =	shalt  }
0x6a: {  	_ =	shalt  }
0x6b: {  	_ =	shalt  }
0x6c: {  	_ =	shalt  }
0x6d: {  	_ =	shalt  }
0x6e: {  	_ =	shalt  }
0x6f: {  	_ =	shalt  }
0x70: {  	_ =	shalt  }
0x71: {  	_ =	shalt  }
0x72: {  	_ =	shalt  }
0x73: {  	_ =	shalt  }
0x74: {  	_ =	shalt  }
0x75: {  	_ =	shalt  }
0x76: {  	_ =	shalt  }
0x77: {  	_ =	shalt  }
0x78: {  	_ =	shalt  }
0x79: {  	_ =	shalt  }
0x7a: {  	_ =	shalt  }
0x7b: {  	_ =	shalt  }
0x7c: {  	_ =	shalt  }
0x7d: {  	_ =	shalt  }
0x7e: {  	_ =	shalt  }
0x7f: {  	_ =	shalt  }
0x80: {  	_ =	shalt  }
0x81: {  	_ =	shalt  }
0x82: {  	_ =	shalt  }
0x83: {  	_ =	shalt  }
0x84: {  	_ =	shalt  }
0x85: {  	_ =	shalt  }
0x86: {  	_ =	shalt  }
0x87: {  	_ =	shalt  }
.Lfunc_end0:
.L_simem_size_0:
called_computation_lowered:
.L_overlay_start_0:
0x88: {  	s2 =	sld [smem:$0x3FD9]  }
0x89: {  	s3 =	sld [smem:$0x3FFE];
	_ =	sdelay $0x1  }
0x8a: {  	s1 =	srdreg.scid  }
0x8b: {  	s0 =	sand.u32 $0x1, s1  }
0x8c: {  	s14 =	sshll.u32 s0, $0xA;
	s2 =	sadd.s32 s3, s2  }
0x8d: {  	s2 =	sadd.s32 s2, s14  }
0x8e: {  	[smem:$0x3FBF] =	sst s2  }
0x8f: {  	_ = 	snop  }
0x90: {  	s2 =	sld [smem:$0x3FD0];
	_ =	sdelay $0x2  }
0x91: {  	s15 =	simm.s32 $0xA;
	s4 =	simm.s32 $0x10  }
0x92: {  	[smem:s4], [sflag:s15] =	dma.local [hbm:s2], $0x1  }
0x93: {  	_ =	swait.eq [sflag:s15], $0x1  }
0x94: {  	[sflag:s15] =	ssyncset.done $0x0  }
0x95: {  	s16 =	sld [smem:$0x10];
	[sflag:s15] =	ssyncadd.s32 $0xFFFFFFFF  }
0x96: {  	s17 =	sld [smem:$0x11];
	(tm) =	ssettm $0x1  }
0x97: {  	s18 =	sld [smem:$0x3FFB];
	_ =	sdelay $0x3  }
0x98: {  	_ =	strace s18  }
0x99: {  	s4 =	sld [smem:$0x3FFC];
	_ =	sdelay $0x3  }
0x9a: {  	_ =	strace s4  }
0x9b: {  	s4 =	sld [smem:$0x3FFD];
	_ =	sdelay $0x3  }
0x9c: {  	_ =	strace s4  }
0x9d: {  	_ =	strace $0x8FFFFFFF  }
0x9e: {  	s19 =	sld [smem:$0x3FDB];
	_ =	sdelay $0x1  }
0x9f: {  	s5 =	simm.s32 $_scs_section_size  }
0xa0: {  	s6 =	simm.s32 $_size__tile_overlayer_lowered;
	s7 =	simm.s32 $_tile_overlayer_lowered  }
0xa1: {  	s22 =	simm.s32 $0x1BFF;
	s21 =	sshll.u32 s7, $0x1;
	s4 =	sadd.s32 s5, s19  }
0xa2: {  	s8 =	simm.s32 $0x0;
	s20 =	sshll.u32 s6, $0x1;
	s6 =	sadd.s32 s21, s4  }
0xa3: {  	[timem:s8], [sflag:s22] =	dma.local [hbm:s6], s20  }
0xa4: {  	_ =	swait.ge [sflag:s22], s20  }
0xa5: {  	s5 =	ssub.s32 $0x0, s20;
	[sflag:s22] =	ssyncset.done $0x0  }
0xa6: {  	[sflag:s22] =	ssyncadd.s32 s5;
	_ =	sdelay $0x1  }
0xa7: {  	s23 =	simm.s32 $0x1B8B  }
0xa8: {  	_ =	swait.ge [sflag:s23], $0x1  }
0xa9: {  	[sflag:s23] =	ssyncset.done $0x0  }
0xaa: {  	s25 =	simm.s32 $0x1B8E;
	s24 =	sld [smem:$0x3FFE];
	[sflag:s23] =	ssyncadd.s32 $0xFFFFFFFF  }
0xab: {  	s26 =	simm.s32 $execute0_lowered;
	[smem:$0x3FD2] =	sst s25  }
0xac: {  	s6 =	sshll.u32 s26, $0x1;
	_ =	strace $0x80000046;
	[dreg:$0x1] =	wrdreg $0xFFFFFFFF  }
0xad: {  	s28 =	simm.s32 $_size_execute0_lowered;
	s4 =	sadd.s32 s4, s6;
	[dreg:$0x0] =	wrdreg $0x0  }
0xae: {  	s6 =	sshll.u32 s28, $0x1;
	[dreg:$0x2] =	wrdreg s4  }
0xaf: {  	[dreg:$0x3] =	wrdreg s6  }
0xb0: {  	[dreg:$0x4] =	wrdreg $0xC0  }
0xb1: {  	_ =	task [dreg:s8], $0x5FFFF  }
0xb2: {  	[dreg:$0x1] =	wrdreg $0xFFFFFFFF  }
0xb3: {  	[dreg:$0x0] =	wrdreg $0x60  }
0xb4: {  	[dreg:$0x2] =	wrdreg s24  }
0xb5: {  	[dreg:$0x3] =	wrdreg s16  }
0xb6: {  	[dreg:$0x4] =	wrdreg s17  }
0xb7: {  	[dreg:$0x5] =	wrdreg $0xAB800  }
0xb8: {  	[dreg:$0x6] =	wrdreg $0x9  }
0xb9: {  	_ =	task.clear_ibuf [dreg:s8], $0x7FFFF;
	_ =	strace $0x90000046  }
0xba: {  	s29 =	simm.s32 $0x9;
	_ =	strace $0x80000048  }
0xbb: {  	_ =	swait.ge [sflag:s29], $0x1  }
0xbc: {  	[sflag:s29] =	ssyncadd.s32 $0xFFFFFFFF  }
0xbd: {  	_ =	strace $0x90000048  }
0xbe: {  	_ =	sfence  }
0xbf: {  	s30 =	sld [smem:$0x0];
	_ =	sdelay $0x2  }
0xc0: {  	s31 =	sshll.u32 s1, $0xD;
	s1 =	sshrl.u32 s1, $0x2  }
0xc1: {  	s3 =	sand.u32 $0x4000, s31;
	s1 =	sadd.s32 s1, s30  }
0xc2: {  	s0 =	sor.u32 s3, s0;
	s1 =	sshll.u32 s1, $0x11  }
0xc3: {  	s0 =	sor.u32 s1, s0  }
0xc4: {  	s0 =	sadd.s32 $0x8F2B, s0  }
0xc5: {  	[sflag:s0] =	ssyncadd.remote.s32 $0x1  }
0xc6: {  	_ =	sfence.sel $0xFFFF  }
0xc7: {  	[dreg:$0x0] =	wrdreg $0xFFFFFFFF;
	(pc) =	sbr.abs _section_cstart, $3  }
0xc8: {  	[dreg:$0x1] =	wrdreg $0xFFFFFFFF  }
0xc9: {  	_ =	task.clear_ibuf [dreg:s8], $0x2FFFF;
	_ =	strace $0x9FFFFFFF  }
0xca: {  	(tm) =	ssettm $0x7FFFFFFF  }
0xcb: {  	_ =	shalt  }
tec
execute0_lowered:
.L_overlay_start_1:
0x0: {  	(tag) =	ssettag $0x1  }
0x1: {  	s8 =	rddreg [dreg:$0x0]  }
0x2: {  	s1 =	rddreg [dreg:$0x1]  }
0x3: {  	s2 =	rddreg [dreg:$0x2]  }
0x4: {  	s3 =	rddreg [dreg:$0x3]  }
0x5: {  	s5 =	simm.s32 $0x0;
	s4 =	srdreg.scid;
	s13 =	simm.s32 $0x80  }
0x6: {  	s15 =	simm.s32 $0x5;
	s16 =	simm.s32 $0x6B80;
	s17 =	simm.s32 $0x1  }
0x7: {  	s18 =	simm.s32 $0x2880;
	s19 =	simm.s32 $0x2B80;
	s20 =	simm.s32 $0x2A80  }
0x8: {  	s21 =	simm.s32 $0x2B00;
	[smem:$0x7FF] =	sst s5;
	s9 =	sand.u32 $0x1, s4  }
0x9: {  	s22 =	simm.s32 $0x2;
	s4 =	stileid.u32;
	s10 =	smul.u32 $0x140000, s9  }
0xa: {  	s6 =	sadd.s32 $0x2200, s8;
	s7 =	sadd.s32 $0x29400, s8;
	s11 =	smul.u32 $0x14000, s4  }
0xb: {  	_ =	strace $0x80000047;
	s12 =	sshll.u32 s4, $0x1;
	s25 =	smul.u32 $0x50000, s4  }
0xc: {  	s31 =	sshll.u32 s4, $0x6;
	s12 =	sor.u32 s9, s12;
	s9 =	ssub.s32 $0x2, s9  }
0xd: {  	s10 =	sadd.s32 s11, s10;
	s23 =	smul.u32 $0x50, s12;
	s24 =	sshrl.u32 s9, $0x1  }
0xe: {  	s30 =	sshrl.u32 s25, $0x2;
	s12 =	simm.s32 $0x50;
	s25 =	simm.s32 $0x2980  }
0xf: {  	s10 =	sshrl.u32 s10, $0x3;
	s11 =	ssub.s32 s9, s24;
	s14 =	sadd.s32 s30, s3  }
0x10: {  	s10 =	sadd.s32 s10, s8;
	s24 =	sadd.s32 $0x10, s23;
	s26 =	sadd.s32 $0x20, s23  }
0x11: {  	v4 =	vlaneseq.u32;
	s28 =	sadd.s32 $0x30, s23;
	s29 =	sadd.s32 $0x40, s23;
	s8 =	sor.u32 $0x1C05, s31  }
0x12: {  	s11 =	smax.u32 s11, $0x1;
	s14 =	sshrl.u32 s14, $0x3;
	v0 =	vor.u32 s23, v4;
	s23 =	simm.s32 $0x3  }
0x13: {  	s9 =	sadd.s32 $0x79C00, s10;
	s10 =	sadd.s32 $0x29C00, s10;
	v1 =	vor.u32 s24, v4;
	s24 =	simm.s32 $0x2900  }
0x14: {  	v2 =	vor.u32 s26, v4;
	v3 =	vor.u32 s28, v4;
	v4 =	vor.u32 s29, v4;
	s26 =	simm.s32 $0x4;
	s28 =	simm.s32 $0x2A00;
	s29 =	simm.s32 $0x0  }
.LBB2_1:
0x15: {  	[tilespmem:$0x0] =	vst v0  }
0x16: {  	[tilespmem:$0x10] =	vst v1  }
0x17: {  	[tilespmem:$0x20] =	vst v2  }
0x18: {  	[tilespmem:$0x30] =	vst v3  }
0x19: {  	[tilespmem:$0x40] =	vst v4  }
0x1a: {  	[tilespmem:s13], [sflag:$0x1] =	stream.indirect.gather [hbm4b:s1+s12], $0x80, s5, s12, $0xb8;
	[tilespmem:$0x1EB80] =	vst v63  }
0x1b: {  	[spmem:s14], [sflag:s8] =	dma.local [hbm:s2], $0x2800  }
0x1c: {  	_ =	swait.ge [sflag:s15], $0x2800  }
0x1d: {  	[sflag:s15] =	ssyncset.done $0x0  }
0x1e: {  	[sflag:s15] =	ssyncadd.s32 $0xFFFFD800  }
0x1f: {  	[tilespmem:s16], [sflag:$0x5] =	stream.linear.gather [hbm4b:s7+s5], $0x4000, $0x38;
	[tilespmem:$0x1EB80] =	vst v63  }
0x20: {  	_ =	swait.ge [sflag:s15], $0x4000  }
0x21: {  	[sflag:s15] =	ssyncset.done $0x0  }
0x22: {  	[sflag:s15] =	ssyncadd.s32 $0xFFFFC000  }
0x23: {  	_ =	swait.ge [sflag:s17], $0x2800  }
0x24: {  	[sflag:s17] =	ssyncset.done $0x0  }
0x25: {  	[sflag:s17] =	ssyncadd.s32 $0xFFFFD800  }
0x26: {  	[bflag:$0x0] =	sbarrier.arrive $0xFFFF  }
0x27: {  	v5 =	vld [tilespmem:$0x80];
	_ =	sdelay $0x1  }
0x28: {  	v6 =	vld [tilespmem:$0x90];
	_ =	sdelay $0x1  }
0x29: {  	v7 =	vld [tilespmem:$0xA0]  }
0x2a: {  	v8 =	vshrl.u32 v5, $0x10  }
0x2b: {  	v58 =	vld [tilespmem:$0xB0];
	v5 =	vand.u32 $0xFFFF, v5;
	[tilespmem:$0x2880] =	vst v8  }
0x2c: {  	[tilespmem:$0x2980] =	vst v5;
	v5 =	vshrl.u32 v6, $0x10  }
0x2d: {  	[tilespmem:$0x2890] =	vst v5;
	v5 =	vand.u32 $0xFFFF, v6;
	v6 =	vld [tilespmem:$0xC0]  }
0x2e: {  	[tilespmem:$0x2990] =	vst v5;
	v5 =	vshrl.u32 v7, $0x10  }
0x2f: {  	[tilespmem:$0x28A0] =	vst v5;
	v5 =	vand.u32 $0xFFFF, v7;
	v7 =	vld [tilespmem:$0xD0]  }
0x30: {  	[tilespmem:$0x29A0] =	vst v5;
	v5 =	vshrl.u32 v58, $0x10  }
0x31: {  	v59 =	vld [tilespmem:$0xE0];
	[tilespmem:$0x28B0] =	vst v5;
	v5 =	vand.u32 $0xFFFF, v58  }
0x32: {  	[tilespmem:$0x29B0] =	vst v5;
	v5 =	vshrl.u32 v6, $0x10  }
0x33: {  	[tilespmem:$0x28C0] =	vst v5;
	v5 =	vand.u32 $0xFFFF, v6;
	v6 =	vld [tilespmem:$0xF0]  }
0x34: {  	[tilespmem:$0x29C0] =	vst v5;
	v5 =	vshrl.u32 v7, $0x10  }
0x35: {  	[tilespmem:$0x28D0] =	vst v5;
	v5 =	vand.u32 $0xFFFF, v7  }
0x36: {  	[tilespmem:$0x29D0] =	vst v5;
	v5 =	vshrl.u32 v59, $0x10  }
0x37: {  	[tilespmem:$0x28E0] =	vst v5;
	v5 =	vand.u32 $0xFFFF, v59  }
0x38: {  	[tilespmem:$0x29E0] =	vst v5;
	v5 =	vshrl.u32 v6, $0x10  }
0x39: {  	[tilespmem:$0x28F0] =	vst v5;
	v5 =	vand.u32 $0xFFFF, v6  }
0x3a: {  	[tilespmem:$0x29F0] =	vst v5  }
0x3b: {  	[tilespmem:s19], [sflag:$0x1] =	stream.indirect.gather [hbm4b:s6+s13], $0x80, s18, s13, $0xb8;
	[tilespmem:$0x1EB80] =	vst v63  }
0x3c: {  	v5 =	vld [tilespmem:$0x80]  }
0x3d: {  	v6 =	vld [tilespmem:$0x90]  }
0x3e: {  	v7 =	vld [tilespmem:$0xA0]  }
0x3f: {  	v60 =	vld [tilespmem:$0xB0]  }
0x40: {  	v9 =	vld [tilespmem:$0xC0]  }
0x41: {  	v10 =	vld [tilespmem:$0xD0];
	v5 =	vand.u32 $0xFFFF, v5  }
0x42: {  	[tilespmem:$0x2A80] =	vst v5;
	v5 =	vand.u32 $0xFFFF, v6;
	v6 =	vld [tilespmem:$0xE0]  }
0x43: {  	[tilespmem:$0x2A90] =	vst v5;
	v5 =	vand.u32 $0xFFFF, v7;
	v7 =	vld [tilespmem:$0xF0]  }
0x44: {  	[tilespmem:$0x2AA0] =	vst v5;
	v5 =	vand.u32 $0xFFFF, v60  }
0x45: {  	[tilespmem:$0x2AB0] =	vst v5;
	v5 =	vand.u32 $0xFFFF, v9  }
0x46: {  	[tilespmem:$0x2AC0] =	vst v5;
	v5 =	vand.u32 $0xFFFF, v10  }
0x47: {  	[tilespmem:$0x2AD0] =	vst v5;
	v5 =	vand.u32 $0xFFFF, v6  }
0x48: {  	[tilespmem:$0x2AE0] =	vst v5;
	v5 =	vand.u32 $0xFFFF, v7  }
0x49: {  	[tilespmem:$0x2AF0] =	vst v5  }
0x4a: {  	[spmem:s3] =	stream.indirect.scatter.add.f32 [tilespmem:s16], [sflag:$0x2], $0x80, s20, s13, $0xb8;
	[tilespmem:$0x1EB80] =	vst v63  }
0x4b: {  	v5 =	vld [tilespmem:$0x100]  }
0x4c: {  	v6 =	vld [tilespmem:$0x110]  }
0x4d: {  	v7 =	vld [tilespmem:$0x120]  }
0x4e: {  	v61 =	vld [tilespmem:$0x130]  }
0x4f: {  	v62 =	vld [tilespmem:$0x140]  }
0x50: {  	v63 =	vld [tilespmem:$0x150];
	v5 =	vand.u32 $0xFFFF, v5  }
0x51: {  	[tilespmem:$0x2B00] =	vst v5;
	v5 =	vand.u32 $0xFFFF, v6;
	v6 =	vld [tilespmem:$0x160]  }
0x52: {  	[tilespmem:$0x2B10] =	vst v5;
	v5 =	vand.u32 $0xFFFF, v7;
	v7 =	vld [tilespmem:$0x170]  }
0x53: {  	[tilespmem:$0x2B20] =	vst v5;
	v5 =	vand.u32 $0xFFFF, v61  }
0x54: {  	[tilespmem:$0x2B30] =	vst v5;
	v5 =	vand.u32 $0xFFFF, v62  }
0x55: {  	[tilespmem:$0x2B40] =	vst v5;
	v5 =	vand.u32 $0xFFFF, v63  }
0x56: {  	[tilespmem:$0x2B50] =	vst v5;
	v5 =	vand.u32 $0xFFFF, v6  }
0x57: {  	[tilespmem:$0x2B60] =	vst v5;
	v5 =	vand.u32 $0xFFFF, v7  }
0x58: {  	[tilespmem:$0x2B70] =	vst v5  }
0x59: {  	[spmem:s3] =	stream.indirect.scatter.add.f32 [tilespmem:s16], [sflag:$0x3], $0x80, s21, s13, $0xb8;
	[tilespmem:$0x1EB80] =	vst v63  }
0x5a: {  	_ =	swait.ge [sflag:s22], $0x4000  }
0x5b: {  	[sflag:s22] =	ssyncset.done $0x0  }
0x5c: {  	s30 =	simm.s32 $0x1F0;
	[sflag:s22] =	ssyncadd.s32 $0xFFFFC000  }
0x5d: {  	v5 =	vld [tilespmem:s30+$0xFFFFFF90];
	_ =	sdelay $0x4  }
0x5e: {  	v5 =	vand.u32 $0xFFFF, v5  }
0x5f: {  	[tilespmem:$0x2A80] =	vst v5  }
0x60: {  	v5 =	vld [tilespmem:s30+$0xFFFFFFA0];
	_ =	sdelay $0x4  }
0x61: {  	v5 =	vand.u32 $0xFFFF, v5  }
0x62: {  	[tilespmem:$0x2A90] =	vst v5  }
0x63: {  	v5 =	vld [tilespmem:s30+$0xFFFFFFB0];
	_ =	sdelay $0x4  }
0x64: {  	v5 =	vand.u32 $0xFFFF, v5  }
0x65: {  	[tilespmem:$0x2AA0] =	vst v5  }
0x66: {  	v5 =	vld [tilespmem:s30+$0xFFFFFFC0];
	_ =	sdelay $0x4  }
0x67: {  	v5 =	vand.u32 $0xFFFF, v5  }
0x68: {  	[tilespmem:$0x2AB0] =	vst v5  }
0x69: {  	v5 =	vld [tilespmem:s30+$0xFFFFFFD0];
	_ =	sdelay $0x4  }
0x6a: {  	v5 =	vand.u32 $0xFFFF, v5  }
0x6b: {  	[tilespmem:$0x2AC0] =	vst v5  }
0x6c: {  	v5 =	vld [tilespmem:s30+$0xFFFFFFE0];
	_ =	sdelay $0x4  }
0x6d: {  	v5 =	vand.u32 $0xFFFF, v5  }
0x6e: {  	[tilespmem:$0x2AD0] =	vst v5  }
0x6f: {  	v5 =	vld [tilespmem:s30+$0xFFFFFFF0];
	_ =	sdelay $0x4  }
0x70: {  	v5 =	vand.u32 $0xFFFF, v5  }
0x71: {  	[tilespmem:$0x2AE0] =	vst v5  }
0x72: {  	v5 =	vld [tilespmem:s30+$0x0];
	_ =	sdelay $0x4  }
0x73: {  	v5 =	vand.u32 $0xFFFF, v5  }
0x74: {  	[tilespmem:$0x2AF0] =	vst v5  }
0x75: {  	[spmem:s3] =	stream.indirect.scatter.add.f32 [tilespmem:s16], [sflag:$0x2], $0x80, s20, s13, $0xb8;
	[tilespmem:$0x1EB80] =	vst v63  }
0x76: {  	_ =	swait.ge [sflag:s23], $0x4000  }
0x77: {  	[sflag:s23] =	ssyncset.done $0x0  }
0x78: {  	[sflag:s23] =	ssyncadd.s32 $0xFFFFC000  }
0x79: {  	v5 =	vld [tilespmem:s30+$0x10];
	_ =	sdelay $0x4  }
0x7a: {  	v5 =	vand.u32 $0xFFFF, v5  }
0x7b: {  	[tilespmem:$0x2B00] =	vst v5  }
0x7c: {  	v5 =	vld [tilespmem:s30+$0x20];
	_ =	sdelay $0x4  }
0x7d: {  	v5 =	vand.u32 $0xFFFF, v5  }
0x7e: {  	[tilespmem:$0x2B10] =	vst v5  }
0x7f: {  	v5 =	vld [tilespmem:s30+$0x30];
	_ =	sdelay $0x4  }
0x80: {  	v5 =	vand.u32 $0xFFFF, v5  }
0x81: {  	[tilespmem:$0x2B20] =	vst v5  }
0x82: {  	v5 =	vld [tilespmem:s30+$0x40];
	_ =	sdelay $0x4  }
0x83: {  	v5 =	vand.u32 $0xFFFF, v5  }
0x84: {  	[tilespmem:$0x2B30] =	vst v5  }
0x85: {  	v5 =	vld [tilespmem:s30+$0x50];
	_ =	sdelay $0x4  }
0x86: {  	v5 =	vand.u32 $0xFFFF, v5  }
0x87: {  	[tilespmem:$0x2B40] =	vst v5  }
0x88: {  	v5 =	vld [tilespmem:s30+$0x60];
	_ =	sdelay $0x4  }
0x89: {  	v5 =	vand.u32 $0xFFFF, v5  }
0x8a: {  	[tilespmem:$0x2B50] =	vst v5  }
0x8b: {  	v5 =	vld [tilespmem:s30+$0x70];
	_ =	sdelay $0x4  }
0x8c: {  	v5 =	vand.u32 $0xFFFF, v5  }
0x8d: {  	[tilespmem:$0x2B60] =	vst v5  }
0x8e: {  	v5 =	vld [tilespmem:s30+$0x80];
	_ =	sdelay $0x4  }
0x8f: {  	v5 =	vand.u32 $0xFFFF, v5  }
0x90: {  	s30 =	simm.s32 $0xBC0;
	[tilespmem:$0x2B70] =	vst v5  }
.LBB2_2:
0x91: {  	[spmem:s3] =	stream.indirect.scatter.add.f32 [tilespmem:s16], [sflag:$0x3], $0x80, s21, s13, $0xb8;
	[tilespmem:$0x1EB80] =	vst v63  }
0x92: {  	s31 =	smov.u32 s30  }
0x93: {  	p0 =	sne.s32 s30, $0x9BC0;
	s30 =	sadd.s32 $0x400, s30;
	_ =	swait.ge [sflag:s22], $0x4000  }
0x94: {  	[sflag:s22] =	ssyncset.done $0x0  }
0x95: {  	s31 =	sshra.s32 s31, $0x2;
	[sflag:s22] =	ssyncadd.s32 $0xFFFFC000  }
0x96: {  	v5 =	vld [tilespmem:s31+$0xFFFFFF90];
	_ =	sdelay $0x4  }
0x97: {  	v5 =	vand.u32 $0xFFFF, v5  }
0x98: {  	[tilespmem:$0x2A80] =	vst v5  }
0x99: {  	v5 =	vld [tilespmem:s31+$0xFFFFFFA0];
	_ =	sdelay $0x4  }
0x9a: {  	v5 =	vand.u32 $0xFFFF, v5  }
0x9b: {  	[tilespmem:$0x2A90] =	vst v5  }
0x9c: {  	v5 =	vld [tilespmem:s31+$0xFFFFFFB0];
	_ =	sdelay $0x4  }
0x9d: {  	v5 =	vand.u32 $0xFFFF, v5  }
0x9e: {  	[tilespmem:$0x2AA0] =	vst v5  }
0x9f: {  	v5 =	vld [tilespmem:s31+$0xFFFFFFC0];
	_ =	sdelay $0x4  }
0xa0: {  	v5 =	vand.u32 $0xFFFF, v5  }
0xa1: {  	[tilespmem:$0x2AB0] =	vst v5  }
0xa2: {  	v5 =	vld [tilespmem:s31+$0xFFFFFFD0];
	_ =	sdelay $0x4  }
0xa3: {  	v5 =	vand.u32 $0xFFFF, v5  }
0xa4: {  	[tilespmem:$0x2AC0] =	vst v5  }
0xa5: {  	v5 =	vld [tilespmem:s31+$0xFFFFFFE0];
	_ =	sdelay $0x4  }
0xa6: {  	v5 =	vand.u32 $0xFFFF, v5  }
0xa7: {  	[tilespmem:$0x2AD0] =	vst v5  }
0xa8: {  	v5 =	vld [tilespmem:s31+$0xFFFFFFF0];
	_ =	sdelay $0x4  }
0xa9: {  	v5 =	vand.u32 $0xFFFF, v5  }
0xaa: {  	[tilespmem:$0x2AE0] =	vst v5  }
0xab: {  	v5 =	vld [tilespmem:s31+$0x0];
	_ =	sdelay $0x4  }
0xac: {  	v5 =	vand.u32 $0xFFFF, v5  }
0xad: {  	[tilespmem:$0x2AF0] =	vst v5  }
0xae: {  	[spmem:s3] =	stream.indirect.scatter.add.f32 [tilespmem:s16], [sflag:$0x2], $0x80, s20, s13, $0xb8;
	[tilespmem:$0x1EB80] =	vst v63  }
0xaf: {  	_ =	swait.ge [sflag:s23], $0x4000  }
0xb0: {  	[sflag:s23] =	ssyncset.done $0x0  }
0xb1: {  	[sflag:s23] =	ssyncadd.s32 $0xFFFFC000  }
0xb2: {  	v5 =	vld [tilespmem:s31+$0x10];
	_ =	sdelay $0x4  }
0xb3: {  	v5 =	vand.u32 $0xFFFF, v5  }
0xb4: {  	[tilespmem:$0x2B00] =	vst v5  }
0xb5: {  	v5 =	vld [tilespmem:s31+$0x20];
	_ =	sdelay $0x4  }
0xb6: {  	v5 =	vand.u32 $0xFFFF, v5  }
0xb7: {  	[tilespmem:$0x2B10] =	vst v5  }
0xb8: {  	v5 =	vld [tilespmem:s31+$0x30];
	_ =	sdelay $0x4  }
0xb9: {  	v5 =	vand.u32 $0xFFFF, v5  }
0xba: {  	[tilespmem:$0x2B20] =	vst v5  }
0xbb: {  	v5 =	vld [tilespmem:s31+$0x40];
	_ =	sdelay $0x4  }
0xbc: {  	v5 =	vand.u32 $0xFFFF, v5  }
0xbd: {  	[tilespmem:$0x2B30] =	vst v5  }
0xbe: {  	v5 =	vld [tilespmem:s31+$0x50];
	_ =	sdelay $0x4  }
0xbf: {  	v5 =	vand.u32 $0xFFFF, v5  }
0xc0: {  	[tilespmem:$0x2B40] =	vst v5  }
0xc1: {  	v5 =	vld [tilespmem:s31+$0x60];
	_ =	sdelay $0x4  }
0xc2: {  	v5 =	vand.u32 $0xFFFF, v5  }
0xc3: {  	[tilespmem:$0x2B50] =	vst v5  }
0xc4: {  	v5 =	vld [tilespmem:s31+$0x70];
	_ =	sdelay $0x4  }
0xc5: {  	v5 =	vand.u32 $0xFFFF, v5  }
0xc6: {  	[tilespmem:$0x2B60] =	vst v5  }
0xc7: {  	v5 =	vld [tilespmem:s31+$0x80];
	_ =	sdelay $0x1  }
.Ltmp0:
0xc8: {  	(pc) =	sbr.rel @p0 .LBB2_2-.Ltmp0, $3  }
0xc9: {  	_ =	sdelay $0x1  }
0xca: {  	v5 =	vand.u32 $0xFFFF, v5  }
0xcb: {  	[tilespmem:$0x2B70] =	vst v5  }
0xcc: {  	[spmem:s3] =	stream.indirect.scatter.add.f32 [tilespmem:s16], [sflag:$0x3], $0x80, s21, s13, $0xb8;
	[tilespmem:$0x1EB80] =	vst v63  }
0xcd: {  	_ =	swait.ge [sflag:s22], $0x4000  }
0xce: {  	[sflag:s22] =	ssyncset.done $0x0  }
0xcf: {  	[sflag:s22] =	ssyncadd.s32 $0xFFFFC000  }
0xd0: {  	v5 =	vld [tilespmem:$0x2780]  }
0xd1: {  	v6 =	vld [tilespmem:$0x2790]  }
0xd2: {  	v7 =	vld [tilespmem:$0x27A0]  }
0xd3: {  	v8 =	vld [tilespmem:$0x27B0]  }
0xd4: {  	v9 =	vld [tilespmem:$0x27C0]  }
0xd5: {  	v10 =	vld [tilespmem:$0x27D0];
	v5 =	vand.u32 $0xFFFF, v5  }
0xd6: {  	[tilespmem:$0x2A80] =	vst v5;
	v5 =	vand.u32 $0xFFFF, v6;
	v6 =	vld [tilespmem:$0x27E0]  }
0xd7: {  	[tilespmem:$0x2A90] =	vst v5;
	v5 =	vand.u32 $0xFFFF, v7;
	v7 =	vld [tilespmem:$0x27F0]  }
0xd8: {  	[tilespmem:$0x2AA0] =	vst v5;
	v5 =	vand.u32 $0xFFFF, v8  }
0xd9: {  	[tilespmem:$0x2AB0] =	vst v5;
	v5 =	vand.u32 $0xFFFF, v9  }
0xda: {  	[tilespmem:$0x2AC0] =	vst v5;
	v5 =	vand.u32 $0xFFFF, v10  }
0xdb: {  	[tilespmem:$0x2AD0] =	vst v5;
	v5 =	vand.u32 $0xFFFF, v6  }
0xdc: {  	[tilespmem:$0x2AE0] =	vst v5;
	v5 =	vand.u32 $0xFFFF, v7  }
0xdd: {  	[tilespmem:$0x2AF0] =	vst v5  }
0xde: {  	[spmem:s3] =	stream.indirect.scatter.add.f32 [tilespmem:s16], [sflag:$0x2], $0x80, s20, s13, $0xb8;
	[tilespmem:$0x1EB80] =	vst v63  }
0xdf: {  	_ =	swait.ge [sflag:s23], $0x4000  }
0xe0: {  	[sflag:s23] =	ssyncset.done $0x0  }
0xe1: {  	[sflag:s23] =	ssyncadd.s32 $0xFFFFC000  }
0xe2: {  	_ =	swait.ge [sflag:s22], $0x4000  }
0xe3: {  	[sflag:s22] =	ssyncset.done $0x0  }
0xe4: {  	[sflag:s22] =	ssyncadd.s32 $0xFFFFC000  }
0xe5: {  	[bflag:$0x0] =	sbarrier.arrive $0xFFFF  }
0xe6: {  	[hbm:s9], [sflag:s8] =	dma.local [spmem:s14], $0x2800  }
0xe7: {  	_ =	swait.ge [sflag:s15], $0x2800  }
0xe8: {  	[sflag:s15] =	ssyncset.done $0x0  }
0xe9: {  	[sflag:s15] =	ssyncadd.s32 $0xFFFFD800  }
0xea: {  	[spmem:s14], [sflag:s8] =	dma.local [hbm:s2], $0x2800  }
0xeb: {  	_ =	swait.ge [sflag:s15], $0x2800  }
0xec: {  	[sflag:s15] =	ssyncset.done $0x0  }
0xed: {  	[sflag:s15] =	ssyncadd.s32 $0xFFFFD800  }
0xee: {  	s30 =	simm.s32 $0x0;
	[bflag:$0x0] =	sbarrier.arrive $0xFFFF  }
0xef: {  	v5 =	vld [tilespmem:s30+$0x100];
	_ =	sdelay $0x4  }
0xf0: {  	v6 =	vshrl.u32 v5, $0x10  }
0xf1: {  	v5 =	vand.u32 $0xFFFF, v5;
	[tilespmem:$0x2900] =	vst v6  }
0xf2: {  	[tilespmem:$0x2A00] =	vst v5  }
0xf3: {  	v5 =	vld [tilespmem:s30+$0x110];
	_ =	sdelay $0x4  }
0xf4: {  	v6 =	vshrl.u32 v5, $0x10  }
0xf5: {  	v5 =	vand.u32 $0xFFFF, v5;
	[tilespmem:$0x2910] =	vst v6  }
0xf6: {  	[tilespmem:$0x2A10] =	vst v5  }
0xf7: {  	v5 =	vld [tilespmem:s30+$0x120];
	_ =	sdelay $0x4  }
0xf8: {  	v6 =	vshrl.u32 v5, $0x10  }
0xf9: {  	v5 =	vand.u32 $0xFFFF, v5;
	[tilespmem:$0x2920] =	vst v6  }
0xfa: {  	[tilespmem:$0x2A20] =	vst v5  }
0xfb: {  	v5 =	vld [tilespmem:s30+$0x130];
	_ =	sdelay $0x4  }
0xfc: {  	v6 =	vshrl.u32 v5, $0x10  }
0xfd: {  	v5 =	vand.u32 $0xFFFF, v5;
	[tilespmem:$0x2930] =	vst v6  }
0xfe: {  	[tilespmem:$0x2A30] =	vst v5  }
0xff: {  	v5 =	vld [tilespmem:s30+$0x140];
	_ =	sdelay $0x4  }
0x100: {  	v6 =	vshrl.u32 v5, $0x10  }
0x101: {  	v5 =	vand.u32 $0xFFFF, v5;
	[tilespmem:$0x2940] =	vst v6  }
0x102: {  	[tilespmem:$0x2A40] =	vst v5  }
0x103: {  	v5 =	vld [tilespmem:s30+$0x150];
	_ =	sdelay $0x4  }
0x104: {  	v6 =	vshrl.u32 v5, $0x10  }
0x105: {  	v5 =	vand.u32 $0xFFFF, v5;
	[tilespmem:$0x2950] =	vst v6  }
0x106: {  	[tilespmem:$0x2A50] =	vst v5  }
0x107: {  	v5 =	vld [tilespmem:s30+$0x160];
	_ =	sdelay $0x4  }
0x108: {  	v6 =	vshrl.u32 v5, $0x10  }
0x109: {  	v5 =	vand.u32 $0xFFFF, v5;
	[tilespmem:$0x2960] =	vst v6  }
0x10a: {  	[tilespmem:$0x2A60] =	vst v5  }
0x10b: {  	v5 =	vld [tilespmem:s30+$0x170];
	_ =	sdelay $0x4  }
0x10c: {  	v6 =	vshrl.u32 v5, $0x10  }
0x10d: {  	v5 =	vand.u32 $0xFFFF, v5;
	[tilespmem:$0x2970] =	vst v6  }
0x10e: {  	[tilespmem:$0x2A70] =	vst v5  }
0x10f: {  	[tilespmem:s16], [sflag:$0x4] =	stream.indirect.gather [hbm4b:s6+s13], $0x80, s24, s13, $0xb8;
	[tilespmem:$0x1EB80] =	vst v63  }
0x110: {  	_ =	swait.ge [sflag:s17], $0x4000  }
0x111: {  	[sflag:s17] =	ssyncset.done $0x0  }
0x112: {  	[sflag:s17] =	ssyncadd.s32 $0xFFFFC000  }
0x113: {  	[spmem:s3] =	stream.indirect.scatter.add.f32 [tilespmem:s19], [sflag:$0x5], $0x80, s25, s13, $0xb8;
	[tilespmem:$0x1EB80] =	vst v63  }
0x114: {  	_ =	swait.ge [sflag:s15], $0x4000  }
0x115: {  	[sflag:s15] =	ssyncset.done $0x0  }
0x116: {  	[sflag:s15] =	ssyncadd.s32 $0xFFFFC000  }
0x117: {  	v5 =	vld [tilespmem:s30+$0x180];
	_ =	sdelay $0x4  }
0x118: {  	v6 =	vshrl.u32 v5, $0x10  }
0x119: {  	v5 =	vand.u32 $0xFFFF, v5;
	[tilespmem:$0x2880] =	vst v6  }
0x11a: {  	[tilespmem:$0x2980] =	vst v5  }
0x11b: {  	v5 =	vld [tilespmem:s30+$0x190];
	_ =	sdelay $0x4  }
0x11c: {  	v6 =	vshrl.u32 v5, $0x10  }
0x11d: {  	v5 =	vand.u32 $0xFFFF, v5;
	[tilespmem:$0x2890] =	vst v6  }
0x11e: {  	[tilespmem:$0x2990] =	vst v5  }
0x11f: {  	v5 =	vld [tilespmem:s30+$0x1A0];
	_ =	sdelay $0x4  }
0x120: {  	v6 =	vshrl.u32 v5, $0x10  }
0x121: {  	v5 =	vand.u32 $0xFFFF, v5;
	[tilespmem:$0x28A0] =	vst v6  }
0x122: {  	[tilespmem:$0x29A0] =	vst v5  }
0x123: {  	v5 =	vld [tilespmem:s30+$0x1B0];
	_ =	sdelay $0x4  }
0x124: {  	v6 =	vshrl.u32 v5, $0x10  }
0x125: {  	v5 =	vand.u32 $0xFFFF, v5;
	[tilespmem:$0x28B0] =	vst v6  }
0x126: {  	[tilespmem:$0x29B0] =	vst v5  }
0x127: {  	v5 =	vld [tilespmem:s30+$0x1C0];
	_ =	sdelay $0x4  }
0x128: {  	v6 =	vshrl.u32 v5, $0x10  }
0x129: {  	v5 =	vand.u32 $0xFFFF, v5;
	[tilespmem:$0x28C0] =	vst v6  }
0x12a: {  	[tilespmem:$0x29C0] =	vst v5  }
0x12b: {  	v5 =	vld [tilespmem:s30+$0x1D0];
	_ =	sdelay $0x4  }
0x12c: {  	v6 =	vshrl.u32 v5, $0x10  }
0x12d: {  	v5 =	vand.u32 $0xFFFF, v5;
	[tilespmem:$0x28D0] =	vst v6  }
0x12e: {  	[tilespmem:$0x29D0] =	vst v5  }
0x12f: {  	v5 =	vld [tilespmem:s30+$0x1E0];
	_ =	sdelay $0x4  }
0x130: {  	v6 =	vshrl.u32 v5, $0x10  }
0x131: {  	s31 =	simm.s32 $0x400;
	v5 =	vand.u32 $0xFFFF, v5;
	[tilespmem:$0x28E0] =	vst v6  }
.LBB2_4:
0x132: {  	p0 =	sne.s32 s31, $0x9800;
	[tilespmem:$0x29E0] =	vst v5;
	s0 =	smov.u32 s31;
	s31 =	sadd.s32 $0x400, s31  }
0x133: {  	v5 =	vld [tilespmem:s30+$0x1F0];
	_ =	sdelay $0x4  }
0x134: {  	v6 =	vshrl.u32 v5, $0x10;
	v5 =	vand.u32 $0xFFFF, v5  }
0x135: {  	[tilespmem:$0x28F0] =	vst v6  }
0x136: {  	[tilespmem:$0x29F0] =	vst v5  }
0x137: {  	[tilespmem:s19], [sflag:$0x1] =	stream.indirect.gather [hbm4b:s6+s13], $0x80, s18, s13, $0xb8;
	[tilespmem:$0x1EB80] =	vst v63  }
0x138: {  	_ =	swait.ge [sflag:s26], $0x4000  }
0x139: {  	[sflag:s26] =	ssyncset.done $0x0  }
0x13a: {  	[sflag:s26] =	ssyncadd.s32 $0xFFFFC000  }
0x13b: {  	[spmem:s3] =	stream.indirect.scatter.add.f32 [tilespmem:s16], [sflag:$0x5], $0x80, s28, s13, $0xb8;
	[tilespmem:$0x1EB80] =	vst v63  }
0x13c: {  	_ =	swait.ge [sflag:s15], $0x4000  }
0x13d: {  	[sflag:s15] =	ssyncset.done $0x0  }
0x13e: {  	s30 =	sshra.s32 s0, $0x2;
	[sflag:s15] =	ssyncadd.s32 $0xFFFFC000  }
0x13f: {  	v5 =	vld [tilespmem:s30+$0x100];
	_ =	sdelay $0x4  }
0x140: {  	v6 =	vshrl.u32 v5, $0x10;
	v5 =	vand.u32 $0xFFFF, v5  }
0x141: {  	[tilespmem:$0x2900] =	vst v6  }
0x142: {  	[tilespmem:$0x2A00] =	vst v5  }
0x143: {  	v5 =	vld [tilespmem:s30+$0x110];
	_ =	sdelay $0x4  }
0x144: {  	v6 =	vshrl.u32 v5, $0x10;
	v5 =	vand.u32 $0xFFFF, v5  }
0x145: {  	[tilespmem:$0x2910] =	vst v6  }
0x146: {  	[tilespmem:$0x2A10] =	vst v5  }
0x147: {  	v5 =	vld [tilespmem:s30+$0x120];
	_ =	sdelay $0x4  }
0x148: {  	v6 =	vshrl.u32 v5, $0x10;
	v5 =	vand.u32 $0xFFFF, v5  }
0x149: {  	[tilespmem:$0x2920] =	vst v6  }
0x14a: {  	[tilespmem:$0x2A20] =	vst v5  }
0x14b: {  	v5 =	vld [tilespmem:s30+$0x130];
	_ =	sdelay $0x4  }
0x14c: {  	v6 =	vshrl.u32 v5, $0x10;
	v5 =	vand.u32 $0xFFFF, v5  }
0x14d: {  	[tilespmem:$0x2930] =	vst v6  }
0x14e: {  	[tilespmem:$0x2A30] =	vst v5  }
0x14f: {  	v5 =	vld [tilespmem:s30+$0x140];
	_ =	sdelay $0x4  }
0x150: {  	v6 =	vshrl.u32 v5, $0x10;
	v5 =	vand.u32 $0xFFFF, v5  }
0x151: {  	[tilespmem:$0x2940] =	vst v6  }
0x152: {  	[tilespmem:$0x2A40] =	vst v5  }
0x153: {  	v5 =	vld [tilespmem:s30+$0x150];
	_ =	sdelay $0x4  }
0x154: {  	v6 =	vshrl.u32 v5, $0x10;
	v5 =	vand.u32 $0xFFFF, v5  }
0x155: {  	[tilespmem:$0x2950] =	vst v6  }
0x156: {  	[tilespmem:$0x2A50] =	vst v5  }
0x157: {  	v5 =	vld [tilespmem:s30+$0x160];
	_ =	sdelay $0x4  }
0x158: {  	v6 =	vshrl.u32 v5, $0x10;
	v5 =	vand.u32 $0xFFFF, v5  }
0x159: {  	[tilespmem:$0x2960] =	vst v6  }
0x15a: {  	[tilespmem:$0x2A60] =	vst v5  }
0x15b: {  	v5 =	vld [tilespmem:s30+$0x170];
	_ =	sdelay $0x4  }
0x15c: {  	v6 =	vshrl.u32 v5, $0x10;
	v5 =	vand.u32 $0xFFFF, v5  }
0x15d: {  	[tilespmem:$0x2970] =	vst v6  }
0x15e: {  	[tilespmem:$0x2A70] =	vst v5  }
0x15f: {  	[tilespmem:s16], [sflag:$0x4] =	stream.indirect.gather [hbm4b:s6+s13], $0x80, s24, s13, $0xb8;
	[tilespmem:$0x1EB80] =	vst v63  }
0x160: {  	_ =	swait.ge [sflag:s17], $0x4000  }
0x161: {  	[sflag:s17] =	ssyncset.done $0x0  }
0x162: {  	[sflag:s17] =	ssyncadd.s32 $0xFFFFC000  }
0x163: {  	[spmem:s3] =	stream.indirect.scatter.add.f32 [tilespmem:s19], [sflag:$0x5], $0x80, s25, s13, $0xb8;
	[tilespmem:$0x1EB80] =	vst v63  }
0x164: {  	_ =	swait.ge [sflag:s15], $0x4000  }
0x165: {  	[sflag:s15] =	ssyncset.done $0x0  }
0x166: {  	[sflag:s15] =	ssyncadd.s32 $0xFFFFC000  }
0x167: {  	v5 =	vld [tilespmem:s30+$0x180];
	_ =	sdelay $0x4  }
0x168: {  	v6 =	vshrl.u32 v5, $0x10;
	v5 =	vand.u32 $0xFFFF, v5  }
0x169: {  	[tilespmem:$0x2880] =	vst v6  }
0x16a: {  	[tilespmem:$0x2980] =	vst v5  }
0x16b: {  	v5 =	vld [tilespmem:s30+$0x190];
	_ =	sdelay $0x4  }
0x16c: {  	v6 =	vshrl.u32 v5, $0x10;
	v5 =	vand.u32 $0xFFFF, v5  }
0x16d: {  	[tilespmem:$0x2890] =	vst v6  }
0x16e: {  	[tilespmem:$0x2990] =	vst v5  }
0x16f: {  	v5 =	vld [tilespmem:s30+$0x1A0];
	_ =	sdelay $0x4  }
0x170: {  	v6 =	vshrl.u32 v5, $0x10;
	v5 =	vand.u32 $0xFFFF, v5  }
0x171: {  	[tilespmem:$0x28A0] =	vst v6  }
0x172: {  	[tilespmem:$0x29A0] =	vst v5  }
0x173: {  	v5 =	vld [tilespmem:s30+$0x1B0];
	_ =	sdelay $0x4  }
0x174: {  	v6 =	vshrl.u32 v5, $0x10;
	v5 =	vand.u32 $0xFFFF, v5  }
0x175: {  	[tilespmem:$0x28B0] =	vst v6  }
0x176: {  	[tilespmem:$0x29B0] =	vst v5  }
0x177: {  	v5 =	vld [tilespmem:s30+$0x1C0];
	_ =	sdelay $0x4  }
0x178: {  	v6 =	vshrl.u32 v5, $0x10;
	v5 =	vand.u32 $0xFFFF, v5  }
0x179: {  	[tilespmem:$0x28C0] =	vst v6  }
0x17a: {  	[tilespmem:$0x29C0] =	vst v5  }
0x17b: {  	v5 =	vld [tilespmem:s30+$0x1D0];
	_ =	sdelay $0x4  }
0x17c: {  	v6 =	vshrl.u32 v5, $0x10;
	v5 =	vand.u32 $0xFFFF, v5  }
0x17d: {  	[tilespmem:$0x28D0] =	vst v6  }
0x17e: {  	[tilespmem:$0x29D0] =	vst v5  }
0x17f: {  	v5 =	vld [tilespmem:s30+$0x1E0];
	_ =	sdelay $0x1  }
.Ltmp1:
0x180: {  	(pc) =	sbr.rel @p0 .LBB2_4-.Ltmp1, $3  }
0x181: {  	_ =	sdelay $0x1  }
0x182: {  	v6 =	vshrl.u32 v5, $0x10;
	v5 =	vand.u32 $0xFFFF, v5  }
0x183: {  	[tilespmem:$0x28E0] =	vst v6  }
0x184: {  	[tilespmem:$0x29E0] =	vst v5  }
0x185: {  	v5 =	vld [tilespmem:s30+$0x1F0];
	_ =	sdelay $0x4  }
0x186: {  	v6 =	vshrl.u32 v5, $0x10  }
0x187: {  	v5 =	vand.u32 $0xFFFF, v5;
	[tilespmem:$0x28F0] =	vst v6  }
0x188: {  	[tilespmem:$0x29F0] =	vst v5  }
0x189: {  	[tilespmem:s19], [sflag:$0x1] =	stream.indirect.gather [hbm4b:s6+s13], $0x80, s18, s13, $0xb8;
	[tilespmem:$0x1EB80] =	vst v63  }
0x18a: {  	_ =	swait.ge [sflag:s26], $0x4000  }
0x18b: {  	[sflag:s26] =	ssyncset.done $0x0  }
0x18c: {  	[sflag:s26] =	ssyncadd.s32 $0xFFFFC000  }
0x18d: {  	[spmem:s3] =	stream.indirect.scatter.add.f32 [tilespmem:s16], [sflag:$0x5], $0x80, s28, s13, $0xb8;
	[tilespmem:$0x1EB80] =	vst v63  }
0x18e: {  	_ =	swait.ge [sflag:s15], $0x4000  }
0x18f: {  	[sflag:s15] =	ssyncset.done $0x0  }
0x190: {  	[sflag:s15] =	ssyncadd.s32 $0xFFFFC000  }
0x191: {  	_ =	swait.ge [sflag:s17], $0x4000  }
0x192: {  	[sflag:s17] =	ssyncset.done $0x0  }
0x193: {  	[sflag:s17] =	ssyncadd.s32 $0xFFFFC000  }
0x194: {  	[spmem:s3] =	stream.indirect.scatter.add.f32 [tilespmem:s19], [sflag:$0x5], $0x80, s25, s13, $0xb8;
	[tilespmem:$0x1EB80] =	vst v63  }
0x195: {  	_ =	swait.ge [sflag:s15], $0x4000  }
0x196: {  	s29 =	sadd.s32 $0x1, s29;
	[sflag:s15] =	ssyncset.done $0x0  }
0x197: {  	p0 =	sne.s32 s29, s11;
	[sflag:s15] =	ssyncadd.s32 $0xFFFFC000  }
.Ltmp2:
0x198: {  	[bflag:$0x0] =	sbarrier.arrive $0xFFFF;
	(pc) =	sbr.rel @p0 .LBB2_1-.Ltmp2, $4  }
0x199: {  	[hbm:s10], [sflag:s8] =	dma.local [spmem:s14], $0x2800  }
0x19a: {  	_ =	swait.ge [sflag:s15], $0x2800  }
0x19b: {  	[sflag:s15] =	ssyncset.done $0x0  }
0x19c: {  	[sflag:s15] =	ssyncadd.s32 $0xFFFFD800  }
0x19d: {  	_ =	sfence.sel $0x180000  }
0x19e: {  	[bflag:$0x0] =	sbarrier.arrive $0xFFFF  }
0x19f: {  	_ =	strace $0x90000047  }
0x1a0: {  	[bflag:$0x2] =	sbarrier.arrive $0xFFFF  }
0x1a1: {  	p0 =	sne.s32 s4, $0x0;
	s0 =	rddreg [dreg:$0x4]  }
0x1a2: {  	s0 =	sadd.s32 @!p0 $0x100000, s0  }
0x1a3: {  	[sflag:s0] =	ssyncadd.tile.s32 @!p0 $0x1;
	_ =	shalt  }
.Lfunc_end2:
_tile_overlayer_lowered:
.L_overlay_start_2:
0x1a4: {  	(tag) =	ssettag $0x2  }
0x1a5: {  	s0 =	rddreg [dreg:$0x0];
	s2 =	stileid.u32  }
0x1a6: {  	s1 =	rddreg [dreg:$0x1];
	p0 =	sne.s32 s2, $0x0  }
0x1a7: {  	s3 =	rddreg [dreg:$0x2];
	[bflag:$0x3] =	sbarrier.arrive $0xFFFF;
	s2 =	simm.s32 @!p0 $0x1C05  }
0x1a8: {  	[timem:s3], [sflag:s2] =	dma.local @!p0 [hbm:s0], s1  }
0x1a9: {  	s0 =	simm.s32 @!p0 $0x5  }
0x1aa: {  	_ =	swait.ge @!p0 [sflag:s0], s1  }
0x1ab: {  	s1 =	ssub.s32 @!p0 $0x0, s1;
	[sflag:s0] =	ssyncset.done @!p0 $0x0  }
0x1ac: {  	[sflag:s0] =	ssyncadd.s32 @!p0 s1  }
0x1ad: {  	[bflag:$0x3] =	sbarrier.arrive $0xFFFF  }
0x1ae: {  	_ =	shalt  }

// kernel: kernel.9.cloned.1.call-start
scs
__scs_entry_jumppad:
0x0: {  	(pc) =	sbr.rel $0x88, $3  }
0x1: {  	(tag) =	ssettag $0x0;
	lr =	simm.s32 $0x1  }
0x2: {  	[smem:$0x3F98] =	sst lr;
	_ =	strace $0xD0000000  }
0x3: {  	_ = 	snop  }
0x4: {  	_ = 	snop  }
0x5: {  	_ = 	snop  }
0x6: {  	_ = 	snop  }
0x7: {  	_ = 	snop  }
__scs_overlays_trampoline_lowered:
0x8: {  	[smem:$0x3FA7] =	sst s0  }
0x9: {  	[smem:$0x3FA8] =	sst s1  }
0xa: {  	[smem:$0x3FA9] =	sst s2  }
0xb: {  	[smem:$0x3FAA] =	sst s3  }
0xc: {  	[smem:$0x3FAB] =	sst s4  }
0xd: {  	[smem:$0x3FAC] =	sst s5  }
0xe: {  	[smem:$0x3FAD] =	sst s6  }
0xf: {  	[smem:$0x3FAE] =	sst s7  }
0x10: {  	[smem:$0x3FAF] =	sst s8  }
0x11: {  	[smem:$0x3FB0] =	sst s9;
	s0 =	simm.s32 @!p0 $0x0  }
0x12: {  	s1 =	sld [smem:$0x3F96];
	s0 =	simm.s32 @p0 $0x1  }
0x13: {  	[smem:$0x3FB1] =	sst s0;
	s0 =	simm.s32 @!p1 $0x0  }
0x14: {  	s2 =	sld [smem:$0x3F95];
	s0 =	simm.s32 @p1 $0x1  }
0x15: {  	[smem:$0x3FB2] =	sst s0;
	s0 =	simm.s32 @!p2 $0x0  }
0x16: {  	s3 =	sld [smem:$0x3FDB];
	s0 =	simm.s32 @p2 $0x1  }
0x17: {  	s4 =	simm.s32 $0x1BF5;
	[smem:$0x3FB4] =	sst s0  }
0x18: {  	s0 =	sld [smem:$0x3F97];
	_ =	swait.ge [sflag:s4], $0x0  }
0x19: {  	s7 =	sld [smem:$0x3F98]  }
0x1a: {  	s8 =	sadd.s32 $0xFFFFE003, lr  }
0x1b: {  	s9 =	sadd.s32 $0xFFFFFEF7, lr;
	s5 =	simm.s32 $0xFFFFFFFF;
	p2 =	slt.u32 s8, $0xFFFFF086  }
0x1c: {  	p1 =	slt.u32 s9, $0xF7A;
	s5 =	simm.s32 @!p2 $0x0  }
0x1d: {  	s5 =	simm.s32 @p1 $0x1;
	p0 =	seq.s32 s7, s2  }
0x1e: {  	s7 =	smul.u32 @!p0 $0xF7A, s2;
	p2 =	seq.s32 @!p0 s5, $0x0  }
0x1f: {  	s9 =	smul.u32 $0xF7A, s1;
	s8 =	simm.s32 @!p0 $0x1BF5;
	p2 =	por !p2, p0  }
0x20: {  	[sflag:s8] =	ssyncset.s32 @!p0 $0xFFFFF086;
	s6 =	sadd.s32 @!p0 s3, s7;
	s7 =	simm.s32 @!p0 $0x108  }
0x21: {  	s3 =	sadd.s32 s3, s9;
	s6 =	sadd.s32 @!p0 $0x88, s6;
	s7 =	simm.s32 @p2 $0x1082  }
0x22: {  	[simem:s7], [sflag:s8] =	dma.local @!p0 [hbm:s6], $0xF7A  }
0x23: {  	s9 =	sor.u32 $0xD0000000, s2;
	s6 =	simm.s32 $0x108;
	_ =	swait.ge @!p0 [sflag:s8], $0x0  }
0x24: {  	s3 =	sadd.s32 $0x88, s3;
	s6 =	simm.s32 @!p1 $0x1082;
	[sflag:s4] =	ssyncset.s32 $0xFFFFF086  }
0x25: {  	[simem:s6], [sflag:s4] =	dma.local [hbm:s3], $0xF7A  }
0x26: {  	[smem:$0x3F98] =	sst s1;
	(tag) =	ssettag s2;
	_ =	strace s9  }
0x27: {  	s1 =	sld [smem:$0x3FA8]  }
0x28: {  	s2 =	sld [smem:$0x3FA9]  }
0x29: {  	s4 =	sld [smem:$0x3FAB]  }
0x2a: {  	p0 =	seq.s32 s5, $0x0;
	s5 =	sld [smem:$0x3FAC]  }
0x2b: {  	s6 =	sld [smem:$0x3FAD]  }
0x2c: {  	s7 =	sld [smem:$0x3FAE]  }
0x2d: {  	s3 =	simm.s32 $0x108;
	s8 =	sld [smem:$0x3FAF]  }
0x2e: {  	s3 =	simm.s32 @!p0 $0x1082;
	s9 =	sld [smem:$0x3FB0]  }
0x2f: {  	lr =	sadd.s32 s0, s3;
	s0 =	sld [smem:$0x3FA7]  }
0x30: {  	s3 =	sld [smem:$0x3FAA]  }
0x31: {  	[smem:$0x3FB3] =	sst s10  }
0x32: {  	s10 =	sld [smem:$0x3FB1];
	_ =	sdelay $0x3  }
0x33: {  	p0 =	seq.s32 s10, $0x1;
	s10 =	sld [smem:$0x3FB3];
	_ =	sdelay $0x3  }
0x34: {  	[smem:$0x3FB3] =	sst s10  }
0x35: {  	s10 =	sld [smem:$0x3FB2];
	_ =	sdelay $0x3  }
0x36: {  	p1 =	seq.s32 s10, $0x1;
	s10 =	sld [smem:$0x3FB3];
	_ =	sdelay $0x3  }
0x37: {  	[smem:$0x3FB3] =	sst s10  }
0x38: {  	s10 =	sld [smem:$0x3FB4]  }
0x39: {  	_ = 	snop;
	(pc) =	sbr.ind lr, $3  }
0x3a: {  	_ = 	snop  }
0x3b: {  	_ = 	snop  }
0x3c: {  	p2 =	seq.s32 s10, $0x1;
	s10 =	sld [smem:$0x3FB3]  }
0x3d: {  	_ =	shalt  }
0x3e: {  	_ =	shalt  }
0x3f: {  	_ =	shalt  }
0x40: {  	_ =	shalt  }
0x41: {  	_ =	shalt  }
0x42: {  	_ =	shalt  }
0x43: {  	_ =	shalt  }
0x44: {  	_ =	shalt  }
0x45: {  	_ =	shalt  }
0x46: {  	_ =	shalt  }
0x47: {  	_ =	shalt  }
0x48: {  	_ =	shalt  }
0x49: {  	_ =	shalt  }
0x4a: {  	_ =	shalt  }
0x4b: {  	_ =	shalt  }
0x4c: {  	_ =	shalt  }
0x4d: {  	_ =	shalt  }
0x4e: {  	_ =	shalt  }
0x4f: {  	_ =	shalt  }
0x50: {  	_ =	shalt  }
0x51: {  	_ =	shalt  }
0x52: {  	_ =	shalt  }
0x53: {  	_ =	shalt  }
0x54: {  	_ =	shalt  }
0x55: {  	_ =	shalt  }
0x56: {  	_ =	shalt  }
0x57: {  	_ =	shalt  }
0x58: {  	_ =	shalt  }
0x59: {  	_ =	shalt  }
0x5a: {  	_ =	shalt  }
0x5b: {  	_ =	shalt  }
0x5c: {  	_ =	shalt  }
0x5d: {  	_ =	shalt  }
0x5e: {  	_ =	shalt  }
0x5f: {  	_ =	shalt  }
0x60: {  	_ =	shalt  }
0x61: {  	_ =	shalt  }
0x62: {  	_ =	shalt  }
0x63: {  	_ =	shalt  }
0x64: {  	_ =	shalt  }
0x65: {  	_ =	shalt  }
0x66: {  	_ =	shalt  }
0x67: {  	_ =	shalt  }
0x68: {  	_ =	shalt  }
0x69: {  	_ =	shalt  }
0x6a: {  	_ =	shalt  }
0x6b: {  	_ =	shalt  }
0x6c: {  	_ =	shalt  }
0x6d: {  	_ =	shalt  }
0x6e: {  	_ =	shalt  }
0x6f: {  	_ =	shalt  }
0x70: {  	_ =	shalt  }
0x71: {  	_ =	shalt  }
0x72: {  	_ =	shalt  }
0x73: {  	_ =	shalt  }
0x74: {  	_ =	shalt  }
0x75: {  	_ =	shalt  }
0x76: {  	_ =	shalt  }
0x77: {  	_ =	shalt  }
0x78: {  	_ =	shalt  }
0x79: {  	_ =	shalt  }
0x7a: {  	_ =	shalt  }
0x7b: {  	_ =	shalt  }
0x7c: {  	_ =	shalt  }
0x7d: {  	_ =	shalt  }
0x7e: {  	_ =	shalt  }
0x7f: {  	_ =	shalt  }
0x80: {  	_ =	shalt  }
0x81: {  	_ =	shalt  }
0x82: {  	_ =	shalt  }
0x83: {  	_ =	shalt  }
0x84: {  	_ =	shalt  }
0x85: {  	_ =	shalt  }
0x86: {  	_ =	shalt  }
0x87: {  	_ =	shalt  }
.Lfunc_end0:
.L_simem_size_0:
called_computation.1_lowered:
.L_overlay_start_0:
0x88: {  	s2 =	sld [smem:$0x3FD9]  }
0x89: {  	s3 =	sld [smem:$0x3FFE];
	_ =	sdelay $0x1  }
0x8a: {  	s1 =	srdreg.scid  }
0x8b: {  	s0 =	sand.u32 $0x1, s1  }
0x8c: {  	s14 =	sshll.u32 s0, $0xA;
	s2 =	sadd.s32 s3, s2  }
0x8d: {  	s2 =	sadd.s32 s2, s14  }
0x8e: {  	[smem:$0x3FBF] =	sst s2  }
0x8f: {  	_ = 	snop  }
0x90: {  	s2 =	sld [smem:$0x3FD0];
	_ =	sdelay $0x2  }
0x91: {  	s15 =	simm.s32 $0xA;
	s4 =	simm.s32 $0x10  }
0x92: {  	[smem:s4], [sflag:s15] =	dma.local [hbm:s2], $0x1  }
0x93: {  	_ =	swait.eq [sflag:s15], $0x1  }
0x94: {  	[sflag:s15] =	ssyncset.done $0x0  }
0x95: {  	s16 =	sld [smem:$0x10];
	[sflag:s15] =	ssyncadd.s32 $0xFFFFFFFF  }
0x96: {  	s17 =	sld [smem:$0x11];
	(tm) =	ssettm $0x1  }
0x97: {  	s18 =	sld [smem:$0x3FFB];
	_ =	sdelay $0x3  }
0x98: {  	_ =	strace s18  }
0x99: {  	s4 =	sld [smem:$0x3FFC];
	_ =	sdelay $0x3  }
0x9a: {  	_ =	strace s4  }
0x9b: {  	s4 =	sld [smem:$0x3FFD];
	_ =	sdelay $0x3  }
0x9c: {  	_ =	strace s4  }
0x9d: {  	_ =	strace $0x8FFFFFFF  }
0x9e: {  	s19 =	sld [smem:$0x3FDB];
	_ =	sdelay $0x1  }
0x9f: {  	s5 =	simm.s32 $_scs_section_size  }
0xa0: {  	s6 =	simm.s32 $_size__tile_overlayer_lowered;
	s7 =	simm.s32 $_tile_overlayer_lowered  }
0xa1: {  	s22 =	simm.s32 $0x1BFF;
	s21 =	sshll.u32 s7, $0x1;
	s4 =	sadd.s32 s5, s19  }
0xa2: {  	s8 =	simm.s32 $0x0;
	s20 =	sshll.u32 s6, $0x1;
	s6 =	sadd.s32 s21, s4  }
0xa3: {  	[timem:s8], [sflag:s22] =	dma.local [hbm:s6], s20  }
0xa4: {  	_ =	swait.ge [sflag:s22], s20  }
0xa5: {  	s5 =	ssub.s32 $0x0, s20;
	[sflag:s22] =	ssyncset.done $0x0  }
0xa6: {  	[sflag:s22] =	ssyncadd.s32 s5;
	_ =	sdelay $0x1  }
0xa7: {  	s23 =	simm.s32 $0x1B8B  }
0xa8: {  	_ =	swait.ge [sflag:s23], $0x1  }
0xa9: {  	[sflag:s23] =	ssyncset.done $0x0  }
0xaa: {  	s25 =	simm.s32 $0x1B8E;
	s24 =	sld [smem:$0x3FFE];
	[sflag:s23] =	ssyncadd.s32 $0xFFFFFFFF  }
0xab: {  	s26 =	simm.s32 $execute0_lowered;
	[smem:$0x3FD2] =	sst s25  }
0xac: {  	s6 =	sshll.u32 s26, $0x1;
	_ =	strace $0x80000049;
	[dreg:$0x1] =	wrdreg $0xFFFFFFFF  }
0xad: {  	s28 =	simm.s32 $_size_execute0_lowered;
	s4 =	sadd.s32 s4, s6;
	[dreg:$0x0] =	wrdreg $0x0  }
0xae: {  	s6 =	sshll.u32 s28, $0x1;
	[dreg:$0x2] =	wrdreg s4  }
0xaf: {  	[dreg:$0x3] =	wrdreg s6  }
0xb0: {  	[dreg:$0x4] =	wrdreg $0xC0  }
0xb1: {  	_ =	task [dreg:s8], $0x5FFFF  }
0xb2: {  	[dreg:$0x1] =	wrdreg $0xFFFFFFFF  }
0xb3: {  	[dreg:$0x0] =	wrdreg $0x60  }
0xb4: {  	[dreg:$0x2] =	wrdreg s24  }
0xb5: {  	[dreg:$0x3] =	wrdreg s16  }
0xb6: {  	[dreg:$0x4] =	wrdreg s17  }
0xb7: {  	[dreg:$0x5] =	wrdreg $0xAB800  }
0xb8: {  	[dreg:$0x6] =	wrdreg $0x9  }
0xb9: {  	_ =	task.clear_ibuf [dreg:s8], $0x7FFFF;
	_ =	strace $0x90000049  }
0xba: {  	s29 =	simm.s32 $0x9;
	_ =	strace $0x8000004B  }
0xbb: {  	_ =	swait.ge [sflag:s29], $0x1  }
0xbc: {  	[sflag:s29] =	ssyncadd.s32 $0xFFFFFFFF  }
0xbd: {  	_ =	strace $0x9000004B  }
0xbe: {  	_ =	sfence  }
0xbf: {  	s30 =	sld [smem:$0x0];
	_ =	sdelay $0x2  }
0xc0: {  	s31 =	sshll.u32 s1, $0xD;
	s1 =	sshrl.u32 s1, $0x2  }
0xc1: {  	s3 =	sand.u32 $0x4000, s31;
	s1 =	sadd.s32 s1, s30  }
0xc2: {  	s0 =	sor.u32 s3, s0;
	s1 =	sshll.u32 s1, $0x11  }
0xc3: {  	s0 =	sor.u32 s1, s0  }
0xc4: {  	s0 =	sadd.s32 $0x8F2B, s0  }
0xc5: {  	[sflag:s0] =	ssyncadd.remote.s32 $0x1  }
0xc6: {  	_ =	sfence.sel $0xFFFF  }
0xc7: {  	[dreg:$0x0] =	wrdreg $0xFFFFFFFF;
	(pc) =	sbr.abs _section_cstart, $3  }
0xc8: {  	[dreg:$0x1] =	wrdreg $0xFFFFFFFF  }
0xc9: {  	_ =	task.clear_ibuf [dreg:s8], $0x2FFFF;
	_ =	strace $0x9FFFFFFF  }
0xca: {  	(tm) =	ssettm $0x7FFFFFFF  }
0xcb: {  	_ =	shalt  }
tec
execute0_lowered:
.L_overlay_start_1:
0x0: {  	(tag) =	ssettag $0x1  }
0x1: {  	s7 =	rddreg [dreg:$0x0]  }
0x2: {  	s1 =	rddreg [dreg:$0x1]  }
0x3: {  	s2 =	rddreg [dreg:$0x2]  }
0x4: {  	s3 =	rddreg [dreg:$0x3]  }
0x5: {  	s4 =	srdreg.scid;
	s0 =	rddreg [dreg:$0x4]  }
0x6: {  	s5 =	simm.s32 $0x0;
	s13 =	simm.s32 $0x5;
	s14 =	simm.s32 $0x1  }
0x7: {  	s15 =	simm.s32 $0x2880;
	s16 =	simm.s32 $0x2B80;
	s17 =	simm.s32 $0x2900  }
0x8: {  	s18 =	simm.s32 $0x6B80;
	s19 =	simm.s32 $0x2980;
	s20 =	simm.s32 $0x2  }
0x9: {  	s23 =	simm.s32 $0x4;
	s8 =	sand.u32 $0x1, s4;
	s4 =	stileid.u32  }
0xa: {  	[smem:$0x7FF] =	sst s5;
	s6 =	sadd.s32 $0x2200, s7;
	s9 =	smul.u32 $0x140000, s8  }
0xb: {  	s10 =	smul.u32 $0x14000, s4;
	_ =	strace $0x8000004A;
	s11 =	sshll.u32 s4, $0x1  }
0xc: {  	s25 =	ssub.s32 $0x2, s8;
	s30 =	smul.u32 $0x50000, s4;
	s31 =	sshll.u32 s4, $0x6  }
0xd: {  	s8 =	sor.u32 s8, s11;
	s26 =	sshrl.u32 s25, $0x1;
	s9 =	sadd.s32 s10, s9  }
0xe: {  	s11 =	simm.s32 $0x80;
	s21 =	smul.u32 $0x50, s8;
	s9 =	sshrl.u32 s9, $0x3  }
0xf: {  	s29 =	ssub.s32 s25, s26;
	s10 =	simm.s32 $0x50;
	s28 =	sadd.s32 s9, s7  }
0x10: {  	s22 =	sadd.s32 $0x10, s21;
	s24 =	sadd.s32 $0x20, s21;
	s25 =	sadd.s32 $0x30, s21  }
0x11: {  	v4 =	vlaneseq.u32;
	s26 =	sadd.s32 $0x40, s21;
	s7 =	sshrl.u32 s30, $0x2;
	s9 =	smax.u32 s29, $0x1  }
0x12: {  	v0 =	vor.u32 s21, v4;
	s21 =	simm.s32 $0x3;
	s12 =	sadd.s32 s7, s3;
	s7 =	sor.u32 $0x1C05, s31  }
0x13: {  	s8 =	sadd.s32 $0x29400, s28;
	v1 =	vor.u32 s22, v4;
	s22 =	simm.s32 $0x2A00;
	v2 =	vor.u32 s24, v4;
	s24 =	simm.s32 $0x2A80  }
0x14: {  	v3 =	vor.u32 s25, v4;
	v4 =	vor.u32 s26, v4;
	s25 =	simm.s32 $0x2B00;
	s26 =	simm.s32 $0x0;
	s12 =	sshrl.u32 s12, $0x3  }
.LBB2_1:
0x15: {  	[tilespmem:$0x0] =	vst v0  }
0x16: {  	[tilespmem:$0x10] =	vst v1  }
0x17: {  	[tilespmem:$0x20] =	vst v2  }
0x18: {  	[tilespmem:$0x30] =	vst v3  }
0x19: {  	[tilespmem:$0x40] =	vst v4  }
0x1a: {  	[tilespmem:s11], [sflag:$0x1] =	stream.indirect.gather [hbm4b:s1+s10], $0x80, s5, s10, $0xb8;
	[tilespmem:$0x1EB80] =	vst v63  }
0x1b: {  	[spmem:s12], [sflag:s7] =	dma.local [hbm:s2], $0x2800  }
0x1c: {  	_ =	swait.ge [sflag:s13], $0x2800  }
0x1d: {  	[sflag:s13] =	ssyncset.done $0x0  }
0x1e: {  	[sflag:s13] =	ssyncadd.s32 $0xFFFFD800  }
0x1f: {  	_ =	swait.ge [sflag:s14], $0x2800  }
0x20: {  	[sflag:s14] =	ssyncset.done $0x0  }
0x21: {  	[sflag:s14] =	ssyncadd.s32 $0xFFFFD800  }
0x22: {  	[bflag:$0x0] =	sbarrier.arrive $0xFFFF  }
0x23: {  	v5 =	vld [tilespmem:$0x80];
	_ =	sdelay $0x1  }
0x24: {  	v6 =	vld [tilespmem:$0x90];
	_ =	sdelay $0x1  }
0x25: {  	v7 =	vld [tilespmem:$0xA0]  }
0x26: {  	v8 =	vshrl.u32 v5, $0x10  }
0x27: {  	v59 =	vld [tilespmem:$0xB0];
	v5 =	vand.u32 $0xFFFF, v5;
	[tilespmem:$0x2880] =	vst v8  }
0x28: {  	[tilespmem:$0x2980] =	vst v5;
	v5 =	vshrl.u32 v6, $0x10  }
0x29: {  	[tilespmem:$0x2890] =	vst v5;
	v5 =	vand.u32 $0xFFFF, v6;
	v6 =	vld [tilespmem:$0xC0]  }
0x2a: {  	[tilespmem:$0x2990] =	vst v5;
	v5 =	vshrl.u32 v7, $0x10  }
0x2b: {  	[tilespmem:$0x28A0] =	vst v5;
	v5 =	vand.u32 $0xFFFF, v7;
	v7 =	vld [tilespmem:$0xD0]  }
0x2c: {  	[tilespmem:$0x29A0] =	vst v5;
	v5 =	vshrl.u32 v59, $0x10  }
0x2d: {  	v60 =	vld [tilespmem:$0xE0];
	[tilespmem:$0x28B0] =	vst v5;
	v5 =	vand.u32 $0xFFFF, v59  }
0x2e: {  	[tilespmem:$0x29B0] =	vst v5;
	v5 =	vshrl.u32 v6, $0x10  }
0x2f: {  	[tilespmem:$0x28C0] =	vst v5;
	v5 =	vand.u32 $0xFFFF, v6;
	v6 =	vld [tilespmem:$0xF0]  }
0x30: {  	[tilespmem:$0x29C0] =	vst v5;
	v5 =	vshrl.u32 v7, $0x10  }
0x31: {  	[tilespmem:$0x28D0] =	vst v5;
	v5 =	vand.u32 $0xFFFF, v7  }
0x32: {  	[tilespmem:$0x29D0] =	vst v5;
	v5 =	vshrl.u32 v60, $0x10  }
0x33: {  	[tilespmem:$0x28E0] =	vst v5;
	v5 =	vand.u32 $0xFFFF, v60  }
0x34: {  	[tilespmem:$0x29E0] =	vst v5;
	v5 =	vshrl.u32 v6, $0x10  }
0x35: {  	[tilespmem:$0x28F0] =	vst v5;
	v5 =	vand.u32 $0xFFFF, v6  }
0x36: {  	[tilespmem:$0x29F0] =	vst v5  }
0x37: {  	[tilespmem:s16], [sflag:$0x1] =	stream.indirect.gather [hbm4b:s6+s11], $0x80, s15, s11, $0xb8;
	[tilespmem:$0x1EB80] =	vst v63  }
0x38: {  	v5 =	vld [tilespmem:$0x100];
	_ =	sdelay $0x1  }
0x39: {  	v6 =	vld [tilespmem:$0x110];
	_ =	sdelay $0x1  }
0x3a: {  	v7 =	vld [tilespmem:$0x120]  }
0x3b: {  	v61 =	vshrl.u32 v5, $0x10  }
0x3c: {  	v62 =	vld [tilespmem:$0x130];
	v5 =	vand.u32 $0xFFFF, v5;
	[tilespmem:$0x2900] =	vst v61  }
0x3d: {  	[tilespmem:$0x2A00] =	vst v5;
	v5 =	vshrl.u32 v6, $0x10  }
0x3e: {  	[tilespmem:$0x2910] =	vst v5;
	v5 =	vand.u32 $0xFFFF, v6;
	v6 =	vld [tilespmem:$0x140]  }
0x3f: {  	[tilespmem:$0x2A10] =	vst v5;
	v5 =	vshrl.u32 v7, $0x10  }
0x40: {  	[tilespmem:$0x2920] =	vst v5;
	v5 =	vand.u32 $0xFFFF, v7;
	v7 =	vld [tilespmem:$0x150]  }
0x41: {  	[tilespmem:$0x2A20] =	vst v5;
	v5 =	vshrl.u32 v62, $0x10  }
0x42: {  	v63 =	vld [tilespmem:$0x160];
	[tilespmem:$0x2930] =	vst v5;
	v5 =	vand.u32 $0xFFFF, v62  }
0x43: {  	[tilespmem:$0x2A30] =	vst v5;
	v5 =	vshrl.u32 v6, $0x10  }
0x44: {  	[tilespmem:$0x2940] =	vst v5;
	v5 =	vand.u32 $0xFFFF, v6;
	v6 =	vld [tilespmem:$0x170]  }
0x45: {  	[tilespmem:$0x2A40] =	vst v5;
	v5 =	vshrl.u32 v7, $0x10  }
0x46: {  	[tilespmem:$0x2950] =	vst v5;
	v5 =	vand.u32 $0xFFFF, v7  }
0x47: {  	[tilespmem:$0x2A50] =	vst v5;
	v5 =	vshrl.u32 v63, $0x10  }
0x48: {  	[tilespmem:$0x2960] =	vst v5;
	v5 =	vand.u32 $0xFFFF, v63  }
0x49: {  	[tilespmem:$0x2A60] =	vst v5;
	v5 =	vshrl.u32 v6, $0x10  }
0x4a: {  	[tilespmem:$0x2970] =	vst v5;
	v5 =	vand.u32 $0xFFFF, v6  }
0x4b: {  	[tilespmem:$0x2A70] =	vst v5  }
0x4c: {  	[tilespmem:s18], [sflag:$0x3] =	stream.indirect.gather [hbm4b:s6+s11], $0x80, s17, s11, $0xb8;
	[tilespmem:$0x1EB80] =	vst v63  }
0x4d: {  	_ =	swait.ge [sflag:s14], $0x4000  }
0x4e: {  	[sflag:s14] =	ssyncset.done $0x0  }
0x4f: {  	s28 =	simm.s32 $0x0;
	[sflag:s14] =	ssyncadd.s32 $0xFFFFC000  }
0x50: {  	[spmem:s3] =	stream.indirect.scatter.add.f32 [tilespmem:s16], [sflag:$0x2], $0x80, s19, s11, $0xb8;
	[tilespmem:$0x1EB80] =	vst v63  }
0x51: {  	v5 =	vld [tilespmem:s28+$0x180];
	_ =	sdelay $0x4  }
0x52: {  	v6 =	vshrl.u32 v5, $0x10  }
0x53: {  	v5 =	vand.u32 $0xFFFF, v5;
	[tilespmem:$0x2880] =	vst v6  }
0x54: {  	[tilespmem:$0x2A80] =	vst v5  }
0x55: {  	v5 =	vld [tilespmem:s28+$0x190];
	_ =	sdelay $0x4  }
0x56: {  	v6 =	vshrl.u32 v5, $0x10  }
0x57: {  	v5 =	vand.u32 $0xFFFF, v5;
	[tilespmem:$0x2890] =	vst v6  }
0x58: {  	[tilespmem:$0x2A90] =	vst v5  }
0x59: {  	v5 =	vld [tilespmem:s28+$0x1A0];
	_ =	sdelay $0x4  }
0x5a: {  	v6 =	vshrl.u32 v5, $0x10  }
0x5b: {  	v5 =	vand.u32 $0xFFFF, v5;
	[tilespmem:$0x28A0] =	vst v6  }
0x5c: {  	[tilespmem:$0x2AA0] =	vst v5  }
0x5d: {  	v5 =	vld [tilespmem:s28+$0x1B0];
	_ =	sdelay $0x4  }
0x5e: {  	v6 =	vshrl.u32 v5, $0x10  }
0x5f: {  	v5 =	vand.u32 $0xFFFF, v5;
	[tilespmem:$0x28B0] =	vst v6  }
0x60: {  	[tilespmem:$0x2AB0] =	vst v5  }
0x61: {  	v5 =	vld [tilespmem:s28+$0x1C0];
	_ =	sdelay $0x4  }
0x62: {  	v6 =	vshrl.u32 v5, $0x10  }
0x63: {  	v5 =	vand.u32 $0xFFFF, v5;
	[tilespmem:$0x28C0] =	vst v6  }
0x64: {  	[tilespmem:$0x2AC0] =	vst v5  }
0x65: {  	v5 =	vld [tilespmem:s28+$0x1D0];
	_ =	sdelay $0x4  }
0x66: {  	v6 =	vshrl.u32 v5, $0x10  }
0x67: {  	v5 =	vand.u32 $0xFFFF, v5;
	[tilespmem:$0x28D0] =	vst v6  }
0x68: {  	[tilespmem:$0x2AD0] =	vst v5  }
0x69: {  	v5 =	vld [tilespmem:s28+$0x1E0];
	_ =	sdelay $0x4  }
0x6a: {  	v6 =	vshrl.u32 v5, $0x10  }
0x6b: {  	v5 =	vand.u32 $0xFFFF, v5;
	[tilespmem:$0x28E0] =	vst v6  }
0x6c: {  	[tilespmem:$0x2AE0] =	vst v5  }
0x6d: {  	v5 =	vld [tilespmem:s28+$0x1F0];
	_ =	sdelay $0x4  }
0x6e: {  	v6 =	vshrl.u32 v5, $0x10  }
0x6f: {  	v5 =	vand.u32 $0xFFFF, v5;
	[tilespmem:$0x28F0] =	vst v6  }
0x70: {  	[tilespmem:$0x2AF0] =	vst v5  }
0x71: {  	_ =	swait.ge [sflag:s20], $0x4000  }
0x72: {  	[sflag:s20] =	ssyncset.done $0x0  }
0x73: {  	[sflag:s20] =	ssyncadd.s32 $0xFFFFC000  }
0x74: {  	[tilespmem:s16], [sflag:$0x1] =	stream.indirect.gather [hbm4b:s6+s11], $0x80, s15, s11, $0xb8;
	[tilespmem:$0x1EB80] =	vst v63  }
0x75: {  	_ =	swait.ge [sflag:s21], $0x4000  }
0x76: {  	[sflag:s21] =	ssyncset.done $0x0  }
0x77: {  	[sflag:s21] =	ssyncadd.s32 $0xFFFFC000  }
0x78: {  	[spmem:s3] =	stream.indirect.scatter.add.f32 [tilespmem:s18], [sflag:$0x4], $0x80, s22, s11, $0xb8;
	[tilespmem:$0x1EB80] =	vst v63  }
0x79: {  	v5 =	vld [tilespmem:s28+$0x200];
	_ =	sdelay $0x4  }
0x7a: {  	v6 =	vshrl.u32 v5, $0x10  }
0x7b: {  	v5 =	vand.u32 $0xFFFF, v5;
	[tilespmem:$0x2900] =	vst v6  }
0x7c: {  	[tilespmem:$0x2B00] =	vst v5  }
0x7d: {  	v5 =	vld [tilespmem:s28+$0x210];
	_ =	sdelay $0x4  }
0x7e: {  	v6 =	vshrl.u32 v5, $0x10  }
0x7f: {  	v5 =	vand.u32 $0xFFFF, v5;
	[tilespmem:$0x2910] =	vst v6  }
0x80: {  	[tilespmem:$0x2B10] =	vst v5  }
0x81: {  	v5 =	vld [tilespmem:s28+$0x220];
	_ =	sdelay $0x4  }
0x82: {  	v6 =	vshrl.u32 v5, $0x10  }
0x83: {  	v5 =	vand.u32 $0xFFFF, v5;
	[tilespmem:$0x2920] =	vst v6  }
0x84: {  	[tilespmem:$0x2B20] =	vst v5  }
0x85: {  	v5 =	vld [tilespmem:s28+$0x230];
	_ =	sdelay $0x4  }
0x86: {  	v6 =	vshrl.u32 v5, $0x10  }
0x87: {  	v5 =	vand.u32 $0xFFFF, v5;
	[tilespmem:$0x2930] =	vst v6  }
0x88: {  	[tilespmem:$0x2B30] =	vst v5  }
0x89: {  	v5 =	vld [tilespmem:s28+$0x240];
	_ =	sdelay $0x4  }
0x8a: {  	v6 =	vshrl.u32 v5, $0x10  }
0x8b: {  	v5 =	vand.u32 $0xFFFF, v5;
	[tilespmem:$0x2940] =	vst v6  }
0x8c: {  	[tilespmem:$0x2B40] =	vst v5  }
0x8d: {  	v5 =	vld [tilespmem:s28+$0x250];
	_ =	sdelay $0x4  }
0x8e: {  	v6 =	vshrl.u32 v5, $0x10  }
0x8f: {  	v5 =	vand.u32 $0xFFFF, v5;
	[tilespmem:$0x2950] =	vst v6  }
0x90: {  	[tilespmem:$0x2B50] =	vst v5  }
0x91: {  	v5 =	vld [tilespmem:s28+$0x260];
	_ =	sdelay $0x4  }
0x92: {  	v6 =	vshrl.u32 v5, $0x10  }
0x93: {  	v5 =	vand.u32 $0xFFFF, v5;
	[tilespmem:$0x2960] =	vst v6  }
0x94: {  	[tilespmem:$0x2B60] =	vst v5  }
0x95: {  	v5 =	vld [tilespmem:s28+$0x270];
	_ =	sdelay $0x4  }
0x96: {  	v6 =	vshrl.u32 v5, $0x10  }
0x97: {  	v5 =	vand.u32 $0xFFFF, v5;
	[tilespmem:$0x2970] =	vst v6  }
0x98: {  	[tilespmem:$0x2B70] =	vst v5  }
0x99: {  	_ =	swait.ge [sflag:s23], $0x4000  }
0x9a: {  	[sflag:s23] =	ssyncset.done $0x0  }
0x9b: {  	[sflag:s23] =	ssyncadd.s32 $0xFFFFC000  }
0x9c: {  	[tilespmem:s18], [sflag:$0x3] =	stream.indirect.gather [hbm4b:s6+s11], $0x80, s17, s11, $0xb8;
	[tilespmem:$0x1EB80] =	vst v63  }
0x9d: {  	_ =	swait.ge [sflag:s14], $0x4000  }
0x9e: {  	[sflag:s14] =	ssyncset.done $0x0  }
0x9f: {  	[sflag:s14] =	ssyncadd.s32 $0xFFFFC000  }
0xa0: {  	[spmem:s3] =	stream.indirect.scatter.add.f32 [tilespmem:s16], [sflag:$0x2], $0x80, s24, s11, $0xb8;
	[tilespmem:$0x1EB80] =	vst v63  }
0xa1: {  	v5 =	vld [tilespmem:s28+$0x280];
	_ =	sdelay $0x4  }
0xa2: {  	v6 =	vshrl.u32 v5, $0x10  }
0xa3: {  	v5 =	vand.u32 $0xFFFF, v5;
	[tilespmem:$0x2880] =	vst v6  }
0xa4: {  	[tilespmem:$0x2980] =	vst v5  }
0xa5: {  	v5 =	vld [tilespmem:s28+$0x290];
	_ =	sdelay $0x4  }
0xa6: {  	v6 =	vshrl.u32 v5, $0x10  }
0xa7: {  	v5 =	vand.u32 $0xFFFF, v5;
	[tilespmem:$0x2890] =	vst v6  }
0xa8: {  	[tilespmem:$0x2990] =	vst v5  }
0xa9: {  	v5 =	vld [tilespmem:s28+$0x2A0];
	_ =	sdelay $0x4  }
0xaa: {  	v6 =	vshrl.u32 v5, $0x10  }
0xab: {  	v5 =	vand.u32 $0xFFFF, v5;
	[tilespmem:$0x28A0] =	vst v6  }
0xac: {  	[tilespmem:$0x29A0] =	vst v5  }
0xad: {  	v5 =	vld [tilespmem:s28+$0x2B0];
	_ =	sdelay $0x4  }
0xae: {  	v6 =	vshrl.u32 v5, $0x10  }
0xaf: {  	v5 =	vand.u32 $0xFFFF, v5;
	[tilespmem:$0x28B0] =	vst v6  }
0xb0: {  	[tilespmem:$0x29B0] =	vst v5  }
0xb1: {  	v5 =	vld [tilespmem:s28+$0x2C0];
	_ =	sdelay $0x4  }
0xb2: {  	v6 =	vshrl.u32 v5, $0x10  }
0xb3: {  	v5 =	vand.u32 $0xFFFF, v5;
	[tilespmem:$0x28C0] =	vst v6  }
0xb4: {  	[tilespmem:$0x29C0] =	vst v5  }
0xb5: {  	v5 =	vld [tilespmem:s28+$0x2D0];
	_ =	sdelay $0x4  }
0xb6: {  	v6 =	vshrl.u32 v5, $0x10  }
0xb7: {  	v5 =	vand.u32 $0xFFFF, v5;
	[tilespmem:$0x28D0] =	vst v6  }
0xb8: {  	[tilespmem:$0x29D0] =	vst v5  }
0xb9: {  	v5 =	vld [tilespmem:s28+$0x2E0];
	_ =	sdelay $0x4  }
0xba: {  	v6 =	vshrl.u32 v5, $0x10  }
0xbb: {  	v5 =	vand.u32 $0xFFFF, v5;
	[tilespmem:$0x28E0] =	vst v6  }
0xbc: {  	[tilespmem:$0x29E0] =	vst v5  }
0xbd: {  	v5 =	vld [tilespmem:s28+$0x2F0];
	_ =	sdelay $0x4  }
0xbe: {  	v6 =	vshrl.u32 v5, $0x10  }
0xbf: {  	v5 =	vand.u32 $0xFFFF, v5;
	[tilespmem:$0x28F0] =	vst v6  }
0xc0: {  	[tilespmem:$0x29F0] =	vst v5  }
0xc1: {  	_ =	swait.ge [sflag:s20], $0x4000  }
0xc2: {  	[sflag:s20] =	ssyncset.done $0x0  }
0xc3: {  	[sflag:s20] =	ssyncadd.s32 $0xFFFFC000  }
0xc4: {  	[tilespmem:s16], [sflag:$0x1] =	stream.indirect.gather [hbm4b:s6+s11], $0x80, s15, s11, $0xb8;
	[tilespmem:$0x1EB80] =	vst v63  }
0xc5: {  	_ =	swait.ge [sflag:s21], $0x4000  }
0xc6: {  	[sflag:s21] =	ssyncset.done $0x0  }
0xc7: {  	[sflag:s21] =	ssyncadd.s32 $0xFFFFC000  }
0xc8: {  	[spmem:s3] =	stream.indirect.scatter.add.f32 [tilespmem:s18], [sflag:$0x4], $0x80, s25, s11, $0xb8;
	[tilespmem:$0x1EB80] =	vst v63  }
0xc9: {  	v5 =	vld [tilespmem:s28+$0x300];
	_ =	sdelay $0x4  }
0xca: {  	v6 =	vshrl.u32 v5, $0x10  }
0xcb: {  	v5 =	vand.u32 $0xFFFF, v5;
	[tilespmem:$0x2900] =	vst v6  }
0xcc: {  	[tilespmem:$0x2A00] =	vst v5  }
0xcd: {  	v5 =	vld [tilespmem:s28+$0x310];
	_ =	sdelay $0x4  }
0xce: {  	v6 =	vshrl.u32 v5, $0x10  }
0xcf: {  	v5 =	vand.u32 $0xFFFF, v5;
	[tilespmem:$0x2910] =	vst v6  }
0xd0: {  	[tilespmem:$0x2A10] =	vst v5  }
0xd1: {  	v5 =	vld [tilespmem:s28+$0x320];
	_ =	sdelay $0x4  }
0xd2: {  	v6 =	vshrl.u32 v5, $0x10  }
0xd3: {  	v5 =	vand.u32 $0xFFFF, v5;
	[tilespmem:$0x2920] =	vst v6  }
0xd4: {  	[tilespmem:$0x2A20] =	vst v5  }
0xd5: {  	v5 =	vld [tilespmem:s28+$0x330];
	_ =	sdelay $0x4  }
0xd6: {  	v6 =	vshrl.u32 v5, $0x10  }
0xd7: {  	v5 =	vand.u32 $0xFFFF, v5;
	[tilespmem:$0x2930] =	vst v6  }
0xd8: {  	[tilespmem:$0x2A30] =	vst v5  }
0xd9: {  	s29 =	simm.s32 $0x800;
	v5 =	vld [tilespmem:s28+$0x340]  }
.LBB2_2:
0xda: {  	_ =	sdelay $0x1  }
0xdb: {  	p0 =	sne.s32 s29, $0x9000;
	s30 =	smov.u32 s29;
	s29 =	sadd.s32 $0x800, s29  }
0xdc: {  	_ = 	snop  }
0xdd: {  	v6 =	vshrl.u32 v5, $0x10;
	v5 =	vand.u32 $0xFFFF, v5  }
0xde: {  	[tilespmem:$0x2940] =	vst v6  }
0xdf: {  	[tilespmem:$0x2A40] =	vst v5  }
0xe0: {  	v5 =	vld [tilespmem:s28+$0x350];
	_ =	sdelay $0x4  }
0xe1: {  	v6 =	vshrl.u32 v5, $0x10;
	v5 =	vand.u32 $0xFFFF, v5  }
0xe2: {  	[tilespmem:$0x2950] =	vst v6  }
0xe3: {  	[tilespmem:$0x2A50] =	vst v5  }
0xe4: {  	v5 =	vld [tilespmem:s28+$0x360];
	_ =	sdelay $0x4  }
0xe5: {  	v6 =	vshrl.u32 v5, $0x10;
	v5 =	vand.u32 $0xFFFF, v5  }
0xe6: {  	[tilespmem:$0x2960] =	vst v6  }
0xe7: {  	[tilespmem:$0x2A60] =	vst v5  }
0xe8: {  	v5 =	vld [tilespmem:s28+$0x370];
	_ =	sdelay $0x4  }
0xe9: {  	v6 =	vshrl.u32 v5, $0x10;
	v5 =	vand.u32 $0xFFFF, v5  }
0xea: {  	[tilespmem:$0x2970] =	vst v6  }
0xeb: {  	[tilespmem:$0x2A70] =	vst v5  }
0xec: {  	_ =	swait.ge [sflag:s23], $0x4000  }
0xed: {  	[sflag:s23] =	ssyncset.done $0x0  }
0xee: {  	[sflag:s23] =	ssyncadd.s32 $0xFFFFC000  }
0xef: {  	[tilespmem:s18], [sflag:$0x3] =	stream.indirect.gather [hbm4b:s6+s11], $0x80, s17, s11, $0xb8;
	[tilespmem:$0x1EB80] =	vst v63  }
0xf0: {  	_ =	swait.ge [sflag:s14], $0x4000  }
0xf1: {  	[sflag:s14] =	ssyncset.done $0x0  }
0xf2: {  	s28 =	sshra.s32 s30, $0x2;
	[sflag:s14] =	ssyncadd.s32 $0xFFFFC000  }
0xf3: {  	[spmem:s3] =	stream.indirect.scatter.add.f32 [tilespmem:s16], [sflag:$0x2], $0x80, s19, s11, $0xb8;
	[tilespmem:$0x1EB80] =	vst v63  }
0xf4: {  	v5 =	vld [tilespmem:s28+$0x180];
	_ =	sdelay $0x4  }
0xf5: {  	v6 =	vshrl.u32 v5, $0x10;
	v5 =	vand.u32 $0xFFFF, v5  }
0xf6: {  	[tilespmem:$0x2880] =	vst v6  }
0xf7: {  	[tilespmem:$0x2A80] =	vst v5  }
0xf8: {  	v5 =	vld [tilespmem:s28+$0x190];
	_ =	sdelay $0x4  }
0xf9: {  	v6 =	vshrl.u32 v5, $0x10;
	v5 =	vand.u32 $0xFFFF, v5  }
0xfa: {  	[tilespmem:$0x2890] =	vst v6  }
0xfb: {  	[tilespmem:$0x2A90] =	vst v5  }
0xfc: {  	v5 =	vld [tilespmem:s28+$0x1A0];
	_ =	sdelay $0x4  }
0xfd: {  	v6 =	vshrl.u32 v5, $0x10;
	v5 =	vand.u32 $0xFFFF, v5  }
0xfe: {  	[tilespmem:$0x28A0] =	vst v6  }
0xff: {  	[tilespmem:$0x2AA0] =	vst v5  }
0x100: {  	v5 =	vld [tilespmem:s28+$0x1B0];
	_ =	sdelay $0x4  }
0x101: {  	v6 =	vshrl.u32 v5, $0x10;
	v5 =	vand.u32 $0xFFFF, v5  }
0x102: {  	[tilespmem:$0x28B0] =	vst v6  }
0x103: {  	[tilespmem:$0x2AB0] =	vst v5  }
0x104: {  	v5 =	vld [tilespmem:s28+$0x1C0];
	_ =	sdelay $0x4  }
0x105: {  	v6 =	vshrl.u32 v5, $0x10;
	v5 =	vand.u32 $0xFFFF, v5  }
0x106: {  	[tilespmem:$0x28C0] =	vst v6  }
0x107: {  	[tilespmem:$0x2AC0] =	vst v5  }
0x108: {  	v5 =	vld [tilespmem:s28+$0x1D0];
	_ =	sdelay $0x4  }
0x109: {  	v6 =	vshrl.u32 v5, $0x10;
	v5 =	vand.u32 $0xFFFF, v5  }
0x10a: {  	[tilespmem:$0x28D0] =	vst v6  }
0x10b: {  	[tilespmem:$0x2AD0] =	vst v5  }
0x10c: {  	v5 =	vld [tilespmem:s28+$0x1E0];
	_ =	sdelay $0x4  }
0x10d: {  	v6 =	vshrl.u32 v5, $0x10;
	v5 =	vand.u32 $0xFFFF, v5  }
0x10e: {  	[tilespmem:$0x28E0] =	vst v6  }
0x10f: {  	[tilespmem:$0x2AE0] =	vst v5  }
0x110: {  	v5 =	vld [tilespmem:s28+$0x1F0];
	_ =	sdelay $0x4  }
0x111: {  	v6 =	vshrl.u32 v5, $0x10;
	v5 =	vand.u32 $0xFFFF, v5  }
0x112: {  	[tilespmem:$0x28F0] =	vst v6  }
0x113: {  	[tilespmem:$0x2AF0] =	vst v5  }
0x114: {  	_ =	swait.ge [sflag:s20], $0x4000  }
0x115: {  	[sflag:s20] =	ssyncset.done $0x0  }
0x116: {  	[sflag:s20] =	ssyncadd.s32 $0xFFFFC000  }
0x117: {  	[tilespmem:s16], [sflag:$0x1] =	stream.indirect.gather [hbm4b:s6+s11], $0x80, s15, s11, $0xb8;
	[tilespmem:$0x1EB80] =	vst v63  }
0x118: {  	_ =	swait.ge [sflag:s21], $0x4000  }
0x119: {  	[sflag:s21] =	ssyncset.done $0x0  }
0x11a: {  	[sflag:s21] =	ssyncadd.s32 $0xFFFFC000  }
0x11b: {  	[spmem:s3] =	stream.indirect.scatter.add.f32 [tilespmem:s18], [sflag:$0x4], $0x80, s22, s11, $0xb8;
	[tilespmem:$0x1EB80] =	vst v63  }
0x11c: {  	v5 =	vld [tilespmem:s28+$0x200];
	_ =	sdelay $0x4  }
0x11d: {  	v6 =	vshrl.u32 v5, $0x10;
	v5 =	vand.u32 $0xFFFF, v5  }
0x11e: {  	[tilespmem:$0x2900] =	vst v6  }
0x11f: {  	[tilespmem:$0x2B00] =	vst v5  }
0x120: {  	v5 =	vld [tilespmem:s28+$0x210];
	_ =	sdelay $0x4  }
0x121: {  	v6 =	vshrl.u32 v5, $0x10;
	v5 =	vand.u32 $0xFFFF, v5  }
0x122: {  	[tilespmem:$0x2910] =	vst v6  }
0x123: {  	[tilespmem:$0x2B10] =	vst v5  }
0x124: {  	v5 =	vld [tilespmem:s28+$0x220];
	_ =	sdelay $0x4  }
0x125: {  	v6 =	vshrl.u32 v5, $0x10;
	v5 =	vand.u32 $0xFFFF, v5  }
0x126: {  	[tilespmem:$0x2920] =	vst v6  }
0x127: {  	[tilespmem:$0x2B20] =	vst v5  }
0x128: {  	v5 =	vld [tilespmem:s28+$0x230];
	_ =	sdelay $0x4  }
0x129: {  	v6 =	vshrl.u32 v5, $0x10;
	v5 =	vand.u32 $0xFFFF, v5  }
0x12a: {  	[tilespmem:$0x2930] =	vst v6  }
0x12b: {  	[tilespmem:$0x2B30] =	vst v5  }
0x12c: {  	v5 =	vld [tilespmem:s28+$0x240];
	_ =	sdelay $0x4  }
0x12d: {  	v6 =	vshrl.u32 v5, $0x10;
	v5 =	vand.u32 $0xFFFF, v5  }
0x12e: {  	[tilespmem:$0x2940] =	vst v6  }
0x12f: {  	[tilespmem:$0x2B40] =	vst v5  }
0x130: {  	v5 =	vld [tilespmem:s28+$0x250];
	_ =	sdelay $0x4  }
0x131: {  	v6 =	vshrl.u32 v5, $0x10;
	v5 =	vand.u32 $0xFFFF, v5  }
0x132: {  	[tilespmem:$0x2950] =	vst v6  }
0x133: {  	[tilespmem:$0x2B50] =	vst v5  }
0x134: {  	v5 =	vld [tilespmem:s28+$0x260];
	_ =	sdelay $0x4  }
0x135: {  	v6 =	vshrl.u32 v5, $0x10;
	v5 =	vand.u32 $0xFFFF, v5  }
0x136: {  	[tilespmem:$0x2960] =	vst v6  }
0x137: {  	[tilespmem:$0x2B60] =	vst v5  }
0x138: {  	v5 =	vld [tilespmem:s28+$0x270];
	_ =	sdelay $0x4  }
0x139: {  	v6 =	vshrl.u32 v5, $0x10;
	v5 =	vand.u32 $0xFFFF, v5  }
0x13a: {  	[tilespmem:$0x2970] =	vst v6  }
0x13b: {  	[tilespmem:$0x2B70] =	vst v5  }
0x13c: {  	_ =	swait.ge [sflag:s23], $0x4000  }
0x13d: {  	[sflag:s23] =	ssyncset.done $0x0  }
0x13e: {  	[sflag:s23] =	ssyncadd.s32 $0xFFFFC000  }
0x13f: {  	[tilespmem:s18], [sflag:$0x3] =	stream.indirect.gather [hbm4b:s6+s11], $0x80, s17, s11, $0xb8;
	[tilespmem:$0x1EB80] =	vst v63  }
0x140: {  	_ =	swait.ge [sflag:s14], $0x4000  }
0x141: {  	[sflag:s14] =	ssyncset.done $0x0  }
0x142: {  	[sflag:s14] =	ssyncadd.s32 $0xFFFFC000  }
0x143: {  	[spmem:s3] =	stream.indirect.scatter.add.f32 [tilespmem:s16], [sflag:$0x2], $0x80, s24, s11, $0xb8;
	[tilespmem:$0x1EB80] =	vst v63  }
0x144: {  	v5 =	vld [tilespmem:s28+$0x280];
	_ =	sdelay $0x4  }
0x145: {  	v6 =	vshrl.u32 v5, $0x10;
	v5 =	vand.u32 $0xFFFF, v5  }
0x146: {  	[tilespmem:$0x2880] =	vst v6  }
0x147: {  	[tilespmem:$0x2980] =	vst v5  }
0x148: {  	v5 =	vld [tilespmem:s28+$0x290];
	_ =	sdelay $0x4  }
0x149: {  	v6 =	vshrl.u32 v5, $0x10;
	v5 =	vand.u32 $0xFFFF, v5  }
0x14a: {  	[tilespmem:$0x2890] =	vst v6  }
0x14b: {  	[tilespmem:$0x2990] =	vst v5  }
0x14c: {  	v5 =	vld [tilespmem:s28+$0x2A0];
	_ =	sdelay $0x4  }
0x14d: {  	v6 =	vshrl.u32 v5, $0x10;
	v5 =	vand.u32 $0xFFFF, v5  }
0x14e: {  	[tilespmem:$0x28A0] =	vst v6  }
0x14f: {  	[tilespmem:$0x29A0] =	vst v5  }
0x150: {  	v5 =	vld [tilespmem:s28+$0x2B0];
	_ =	sdelay $0x4  }
0x151: {  	v6 =	vshrl.u32 v5, $0x10;
	v5 =	vand.u32 $0xFFFF, v5  }
0x152: {  	[tilespmem:$0x28B0] =	vst v6  }
0x153: {  	[tilespmem:$0x29B0] =	vst v5  }
0x154: {  	v5 =	vld [tilespmem:s28+$0x2C0];
	_ =	sdelay $0x4  }
0x155: {  	v6 =	vshrl.u32 v5, $0x10;
	v5 =	vand.u32 $0xFFFF, v5  }
0x156: {  	[tilespmem:$0x28C0] =	vst v6  }
0x157: {  	[tilespmem:$0x29C0] =	vst v5  }
0x158: {  	v5 =	vld [tilespmem:s28+$0x2D0];
	_ =	sdelay $0x4  }
0x159: {  	v6 =	vshrl.u32 v5, $0x10;
	v5 =	vand.u32 $0xFFFF, v5  }
0x15a: {  	[tilespmem:$0x28D0] =	vst v6  }
0x15b: {  	[tilespmem:$0x29D0] =	vst v5  }
0x15c: {  	v5 =	vld [tilespmem:s28+$0x2E0];
	_ =	sdelay $0x4  }
0x15d: {  	v6 =	vshrl.u32 v5, $0x10;
	v5 =	vand.u32 $0xFFFF, v5  }
0x15e: {  	[tilespmem:$0x28E0] =	vst v6  }
0x15f: {  	[tilespmem:$0x29E0] =	vst v5  }
0x160: {  	v5 =	vld [tilespmem:s28+$0x2F0];
	_ =	sdelay $0x4  }
0x161: {  	v6 =	vshrl.u32 v5, $0x10;
	v5 =	vand.u32 $0xFFFF, v5  }
0x162: {  	[tilespmem:$0x28F0] =	vst v6  }
0x163: {  	[tilespmem:$0x29F0] =	vst v5  }
0x164: {  	_ =	swait.ge [sflag:s20], $0x4000  }
0x165: {  	[sflag:s20] =	ssyncset.done $0x0  }
0x166: {  	[sflag:s20] =	ssyncadd.s32 $0xFFFFC000  }
0x167: {  	[tilespmem:s16], [sflag:$0x1] =	stream.indirect.gather [hbm4b:s6+s11], $0x80, s15, s11, $0xb8;
	[tilespmem:$0x1EB80] =	vst v63  }
0x168: {  	_ =	swait.ge [sflag:s21], $0x4000  }
0x169: {  	[sflag:s21] =	ssyncset.done $0x0  }
0x16a: {  	[sflag:s21] =	ssyncadd.s32 $0xFFFFC000  }
0x16b: {  	[spmem:s3] =	stream.indirect.scatter.add.f32 [tilespmem:s18], [sflag:$0x4], $0x80, s25, s11, $0xb8;
	[tilespmem:$0x1EB80] =	vst v63  }
0x16c: {  	v5 =	vld [tilespmem:s28+$0x300];
	_ =	sdelay $0x4  }
0x16d: {  	v6 =	vshrl.u32 v5, $0x10;
	v5 =	vand.u32 $0xFFFF, v5  }
0x16e: {  	[tilespmem:$0x2900] =	vst v6  }
0x16f: {  	[tilespmem:$0x2A00] =	vst v5  }
0x170: {  	v5 =	vld [tilespmem:s28+$0x310];
	_ =	sdelay $0x4  }
0x171: {  	v6 =	vshrl.u32 v5, $0x10;
	v5 =	vand.u32 $0xFFFF, v5  }
0x172: {  	[tilespmem:$0x2910] =	vst v6  }
0x173: {  	[tilespmem:$0x2A10] =	vst v5  }
0x174: {  	v5 =	vld [tilespmem:s28+$0x320];
	_ =	sdelay $0x4  }
0x175: {  	v6 =	vshrl.u32 v5, $0x10;
	v5 =	vand.u32 $0xFFFF, v5  }
0x176: {  	[tilespmem:$0x2920] =	vst v6  }
0x177: {  	[tilespmem:$0x2A20] =	vst v5  }
0x178: {  	v5 =	vld [tilespmem:s28+$0x330];
	_ =	sdelay $0x3  }
.Ltmp0:
0x179: {  	(pc) =	sbr.rel @p0 .LBB2_2-.Ltmp0, $4  }
0x17a: {  	v6 =	vshrl.u32 v5, $0x10;
	v5 =	vand.u32 $0xFFFF, v5  }
0x17b: {  	[tilespmem:$0x2930] =	vst v6  }
0x17c: {  	[tilespmem:$0x2A30] =	vst v5  }
0x17d: {  	v5 =	vld [tilespmem:s28+$0x340]  }
0x17e: {  	_ =	sdelay $0x3  }
0x17f: {  	v6 =	vshrl.u32 v5, $0x10  }
0x180: {  	v5 =	vand.u32 $0xFFFF, v5;
	[tilespmem:$0x2940] =	vst v6  }
0x181: {  	[tilespmem:$0x2A40] =	vst v5  }
0x182: {  	v5 =	vld [tilespmem:s28+$0x350];
	_ =	sdelay $0x4  }
0x183: {  	v6 =	vshrl.u32 v5, $0x10  }
0x184: {  	v5 =	vand.u32 $0xFFFF, v5;
	[tilespmem:$0x2950] =	vst v6  }
0x185: {  	[tilespmem:$0x2A50] =	vst v5  }
0x186: {  	v5 =	vld [tilespmem:s28+$0x360];
	_ =	sdelay $0x4  }
0x187: {  	v6 =	vshrl.u32 v5, $0x10  }
0x188: {  	v5 =	vand.u32 $0xFFFF, v5;
	[tilespmem:$0x2960] =	vst v6  }
0x189: {  	[tilespmem:$0x2A60] =	vst v5  }
0x18a: {  	v5 =	vld [tilespmem:s28+$0x370];
	_ =	sdelay $0x4  }
0x18b: {  	v6 =	vshrl.u32 v5, $0x10  }
0x18c: {  	v5 =	vand.u32 $0xFFFF, v5;
	[tilespmem:$0x2970] =	vst v6  }
0x18d: {  	[tilespmem:$0x2A70] =	vst v5  }
0x18e: {  	_ =	swait.ge [sflag:s23], $0x4000  }
0x18f: {  	[sflag:s23] =	ssyncset.done $0x0  }
0x190: {  	[sflag:s23] =	ssyncadd.s32 $0xFFFFC000  }
0x191: {  	[tilespmem:s18], [sflag:$0x3] =	stream.indirect.gather [hbm4b:s6+s11], $0x80, s17, s11, $0xb8;
	[tilespmem:$0x1EB80] =	vst v63  }
0x192: {  	_ =	swait.ge [sflag:s14], $0x4000  }
0x193: {  	[sflag:s14] =	ssyncset.done $0x0  }
0x194: {  	[sflag:s14] =	ssyncadd.s32 $0xFFFFC000  }
0x195: {  	[spmem:s3] =	stream.indirect.scatter.add.f32 [tilespmem:s16], [sflag:$0x2], $0x80, s19, s11, $0xb8;
	[tilespmem:$0x1EB80] =	vst v63  }
0x196: {  	v5 =	vld [tilespmem:$0x2780];
	_ =	sdelay $0x1  }
0x197: {  	v6 =	vld [tilespmem:$0x2790];
	_ =	sdelay $0x1  }
0x198: {  	v7 =	vld [tilespmem:$0x27A0]  }
0x199: {  	v8 =	vshrl.u32 v5, $0x10  }
0x19a: {  	v62 =	vld [tilespmem:$0x27B0];
	v5 =	vand.u32 $0xFFFF, v5;
	[tilespmem:$0x2880] =	vst v8  }
0x19b: {  	[tilespmem:$0x2A80] =	vst v5;
	v5 =	vshrl.u32 v6, $0x10  }
0x19c: {  	[tilespmem:$0x2890] =	vst v5;
	v5 =	vand.u32 $0xFFFF, v6;
	v6 =	vld [tilespmem:$0x27C0]  }
0x19d: {  	[tilespmem:$0x2A90] =	vst v5;
	v5 =	vshrl.u32 v7, $0x10  }
0x19e: {  	[tilespmem:$0x28A0] =	vst v5;
	v5 =	vand.u32 $0xFFFF, v7;
	v7 =	vld [tilespmem:$0x27D0]  }
0x19f: {  	[tilespmem:$0x2AA0] =	vst v5;
	v5 =	vshrl.u32 v62, $0x10  }
0x1a0: {  	v63 =	vld [tilespmem:$0x27E0];
	[tilespmem:$0x28B0] =	vst v5;
	v5 =	vand.u32 $0xFFFF, v62  }
0x1a1: {  	[tilespmem:$0x2AB0] =	vst v5;
	v5 =	vshrl.u32 v6, $0x10  }
0x1a2: {  	[tilespmem:$0x28C0] =	vst v5;
	v5 =	vand.u32 $0xFFFF, v6;
	v6 =	vld [tilespmem:$0x27F0]  }
0x1a3: {  	[tilespmem:$0x2AC0] =	vst v5;
	v5 =	vshrl.u32 v7, $0x10  }
0x1a4: {  	[tilespmem:$0x28D0] =	vst v5;
	v5 =	vand.u32 $0xFFFF, v7  }
0x1a5: {  	[tilespmem:$0x2AD0] =	vst v5;
	v5 =	vshrl.u32 v63, $0x10  }
0x1a6: {  	[tilespmem:$0x28E0] =	vst v5;
	v5 =	vand.u32 $0xFFFF, v63  }
0x1a7: {  	[tilespmem:$0x2AE0] =	vst v5;
	v5 =	vshrl.u32 v6, $0x10  }
0x1a8: {  	[tilespmem:$0x28F0] =	vst v5;
	v5 =	vand.u32 $0xFFFF, v6  }
0x1a9: {  	[tilespmem:$0x2AF0] =	vst v5  }
0x1aa: {  	_ =	swait.ge [sflag:s20], $0x4000  }
0x1ab: {  	[sflag:s20] =	ssyncset.done $0x0  }
0x1ac: {  	[sflag:s20] =	ssyncadd.s32 $0xFFFFC000  }
0x1ad: {  	[tilespmem:s16], [sflag:$0x1] =	stream.indirect.gather [hbm4b:s6+s11], $0x80, s15, s11, $0xb8;
	[tilespmem:$0x1EB80] =	vst v63  }
0x1ae: {  	_ =	swait.ge [sflag:s21], $0x4000  }
0x1af: {  	[sflag:s21] =	ssyncset.done $0x0  }
0x1b0: {  	[sflag:s21] =	ssyncadd.s32 $0xFFFFC000  }
0x1b1: {  	[spmem:s3] =	stream.indirect.scatter.add.f32 [tilespmem:s18], [sflag:$0x5], $0x80, s22, s11, $0xb8;
	[tilespmem:$0x1EB80] =	vst v63  }
0x1b2: {  	_ =	swait.ge [sflag:s13], $0x4000  }
0x1b3: {  	[sflag:s13] =	ssyncset.done $0x0  }
0x1b4: {  	[sflag:s13] =	ssyncadd.s32 $0xFFFFC000  }
0x1b5: {  	_ =	swait.ge [sflag:s14], $0x4000  }
0x1b6: {  	[sflag:s14] =	ssyncset.done $0x0  }
0x1b7: {  	[sflag:s14] =	ssyncadd.s32 $0xFFFFC000  }
0x1b8: {  	[spmem:s3] =	stream.indirect.scatter.add.f32 [tilespmem:s16], [sflag:$0x5], $0x80, s24, s11, $0xb8;
	[tilespmem:$0x1EB80] =	vst v63  }
0x1b9: {  	_ =	swait.ge [sflag:s13], $0x4000  }
0x1ba: {  	s26 =	sadd.s32 $0x1, s26;
	[sflag:s13] =	ssyncset.done $0x0  }
0x1bb: {  	p0 =	sne.s32 s26, s9;
	[sflag:s13] =	ssyncadd.s32 $0xFFFFC000  }
.Ltmp1:
0x1bc: {  	[bflag:$0x0] =	sbarrier.arrive $0xFFFF;
	(pc) =	sbr.rel @p0 .LBB2_1-.Ltmp1, $4  }
0x1bd: {  	[hbm:s8], [sflag:s7] =	dma.local [spmem:s12], $0x2800  }
0x1be: {  	_ =	swait.ge [sflag:s13], $0x2800  }
0x1bf: {  	[sflag:s13] =	ssyncset.done $0x0  }
0x1c0: {  	[sflag:s13] =	ssyncadd.s32 $0xFFFFD800  }
0x1c1: {  	_ =	sfence.sel $0x180000  }
0x1c2: {  	[bflag:$0x0] =	sbarrier.arrive $0xFFFF  }
0x1c3: {  	p0 =	sne.s32 s4, $0x0;
	_ =	strace $0x9000004A  }
0x1c4: {  	s0 =	sadd.s32 @!p0 $0x100000, s0;
	[bflag:$0x2] =	sbarrier.arrive $0xFFFF  }
0x1c5: {  	[sflag:s0] =	ssyncadd.tile.s32 @!p0 $0x1;
	_ =	shalt  }
.Lfunc_end2:
_tile_overlayer_lowered:
.L_overlay_start_2:
0x1c6: {  	(tag) =	ssettag $0x2  }
0x1c7: {  	s0 =	rddreg [dreg:$0x0];
	s2 =	stileid.u32  }
0x1c8: {  	s1 =	rddreg [dreg:$0x1];
	p0 =	sne.s32 s2, $0x0  }
0x1c9: {  	s3 =	rddreg [dreg:$0x2];
	[bflag:$0x3] =	sbarrier.arrive $0xFFFF;
	s2 =	simm.s32 @!p0 $0x1C05  }
0x1ca: {  	[timem:s3], [sflag:s2] =	dma.local @!p0 [hbm:s0], s1  }
0x1cb: {  	s0 =	simm.s32 @!p0 $0x5  }
0x1cc: {  	_ =	swait.ge @!p0 [sflag:s0], s1  }
0x1cd: {  	s1 =	ssub.s32 @!p0 $0x0, s1;
	[sflag:s0] =	ssyncset.done @!p0 $0x0  }
0x1ce: {  	[sflag:s0] =	ssyncadd.s32 @!p0 s1  }
0x1cf: {  	[bflag:$0x3] =	sbarrier.arrive $0xFFFF  }
0x1d0: {  	_ =	shalt  }

</sc_bundles>
